<compile_context>
chip_gen: v7x
topology: tpu7x:2x2x1
jax: 0.10.2.dev20260603
libtpu: 0.0.44.dev20260713+nightly
codegen_flags: <defaults>
</compile_context>

<pallas_src>
import dataclasses
import functools

import jax
import jax.numpy as jnp
from jax import lax
from jax.experimental import pallas as pl
from jax.experimental.pallas import tpu as pltpu
from jax.experimental.pallas import tpu_sc as plsc

N = 10000
E = 160000
C = 256
H = 128
NT = 16
EPT = E // NT
CHUNK = 80
NCH = EPT // CHUNK
RPT = 624
RTAIL = N - NT * RPT
GROUPS = H // 16

BN = 1000
NB = N // BN



def _mm1_body(x_ref, w_ref, b_ref, o_ref):
    o_ref[...] = (
        jnp.dot(x_ref[...], w_ref[...], preferred_element_type=jnp.float32)
        + b_ref[0]
    )


def _mm1(x, w, b):
    b2 = b.reshape(2, 1, H)
    return pl.pallas_call(
        _mm1_body,
        grid=(NB, 2),
        in_specs=[
            pl.BlockSpec((BN, C), lambda i, c: (i, 0)),
            pl.BlockSpec((C, H), lambda i, c: (0, c)),
            pl.BlockSpec((1, 1, H), lambda i, c: (c, 0, 0)),
        ],
        out_specs=pl.BlockSpec((BN, H), lambda i, c: (c * NB + i, 0)),
        out_shape=jax.ShapeDtypeStruct((2 * N, H), jnp.float32),
    )(x, w, b2)


def _mm2_body(a0_ref, a1_ref, w_ref, b_ref, o_ref):
    x0 = jnp.maximum(a0_ref[...], 0.0)
    x1 = jnp.maximum(a1_ref[...], 0.0)
    o_ref[...] = (
        jnp.dot(x0, w_ref[:H, :], preferred_element_type=jnp.float32)
        + jnp.dot(x1, w_ref[H:, :], preferred_element_type=jnp.float32)
        + b_ref[0]
    )


def _mm2(agg, w, b):
    b2 = b.reshape(2, 1, H)
    return pl.pallas_call(
        _mm2_body,
        grid=(NB, 2),
        in_specs=[
            pl.BlockSpec((BN, H), lambda i, c: (i, 0)),
            pl.BlockSpec((BN, H), lambda i, c: (NB + i, 0)),
            pl.BlockSpec((C, H), lambda i, c: (0, c)),
            pl.BlockSpec((1, 1, H), lambda i, c: (c, 0, 0)),
        ],
        out_specs=pl.BlockSpec((BN, H), lambda i, c: (c * NB + i, 0)),
        out_shape=jax.ShapeDtypeStruct((2 * N, H), jnp.float32),
    )(agg, agg, w, b2)


def _epilogue_body(in_ref, a0_ref, a1_ref, o_ref):
    o_ref[:, :H] = (in_ref[:, :H] + jnp.maximum(a0_ref[...], 0.0)) * 0.5
    o_ref[:, H:] = (in_ref[:, H:] + jnp.maximum(a1_ref[...], 0.0)) * 0.5


def _epilogue(inp, agg):
    return pl.pallas_call(
        _epilogue_body,
        grid=(NB,),
        in_specs=[
            pl.BlockSpec((BN, C), lambda i: (i, 0)),
            pl.BlockSpec((BN, H), lambda i: (i, 0)),
            pl.BlockSpec((BN, H), lambda i: (NB + i, 0)),
        ],
        out_specs=pl.BlockSpec((BN, C), lambda i: (i, 0)),
        out_shape=jax.ShapeDtypeStruct((N, C), jnp.float32),
    )(inp, agg, agg)



NBUF = 3
NE = 2 * NBUF


def _sc_agg_kernel(src_hbm, dst_hbm, w_hbm, h_hbm, out_hbm,
                   se, de, we, rbuf, acc, esem, gsem, asem):
    c = lax.axis_index("c")
    s = lax.axis_index("s")

    def e_copies(j):
        q = lax.rem(j, NE)
        return (
            pltpu.make_async_copy(src_hbm.at[c, s, j], se.at[q], esem.at[q]),
            pltpu.make_async_copy(dst_hbm.at[s, j], de.at[q], esem.at[q]),
            pltpu.make_async_copy(w_hbm.at[s, j], we.at[q], esem.at[q]),
        )

    def e_start(j):
        for cp in e_copies(j):
            cp.start()

    def e_wait(j):
        for cp in e_copies(j):
            cp.wait()

    def g_desc(j):
        p = lax.rem(j, NBUF)
        q = lax.rem(j, NE)
        return pltpu.make_async_copy(h_hbm.at[se.at[q]], rbuf.at[p],
                                     gsem.at[p])

    def a_desc(j):
        p = lax.rem(j, NBUF)
        q = lax.rem(j, NE)
        return pltpu.make_async_copy(rbuf.at[p], acc.at[de.at[q]],
                                     asem.at[p])

    zero = jnp.zeros((16,), jnp.float32)

    @pl.loop(0, CHUNK)
    def _zero_buf(r):
        for g in range(GROUPS):
            rbuf[0, r, pl.ds(g * 16, 16)] = zero

    base = s * RPT
    for k in range(RPT // CHUNK):
        pltpu.sync_copy(rbuf.at[0], acc.at[pl.ds(base + k * CHUNK, CHUNK)])
    rem = RPT % CHUNK
    if rem:
        pltpu.sync_copy(rbuf.at[0].at[pl.ds(0, rem)],
                        acc.at[pl.ds(base + (RPT // CHUNK) * CHUNK, rem)])

    @pl.when(s == NT - 1)
    def _zero_tail():
        pltpu.sync_copy(rbuf.at[0].at[pl.ds(0, RTAIL)],
                        acc.at[pl.ds(NT * RPT, RTAIL)])

    plsc.subcore_barrier()

    for k in range(NBUF):
        e_start(jnp.int32(k))
    e_wait(jnp.int32(0))
    g_desc(jnp.int32(0)).start()

    @pl.loop(0, NCH)
    def _window(j):
        p = lax.rem(j, NBUF)
        q = lax.rem(j, NE)
        jn = j + 1

        @pl.when(jn < NCH)
        def _issue_next_gather():
            e_wait(jn)

            @pl.when(jn >= NBUF)
            def _():
                a_desc(jn - NBUF).wait()

            g_desc(jn).start()

        @pl.when(j + NBUF < NCH)
        def _prefetch_edges():
            e_start(j + NBUF)

        g_desc(j).wait()

        qsplat = jnp.full((16,), q, jnp.int32)

        @plsc.parallel_loop(0, CHUNK, 1, unroll=8)
        def _edge(r):
            wspl = plsc.load_gather(
                we, [qsplat, jnp.full((16,), r, jnp.int32)])
            for g in range(GROUPS):
                sl = pl.ds(g * 16, 16)
                rbuf[p, r, sl] = rbuf[p, r, sl] * wspl

        a_desc(j).start(add=True)

    for k in range(NBUF):
        a_desc(jnp.int32(NCH - NBUF + k)).wait()

    plsc.subcore_barrier()

    pltpu.sync_copy(acc.at[pl.ds(base, RPT)],
                    out_hbm.at[pl.ds(c * N + base, RPT)])

    @pl.when(s == NT - 1)
    def _write_tail():
        pltpu.sync_copy(acc.at[pl.ds(NT * RPT, RTAIL)],
                        out_hbm.at[pl.ds(c * N + NT * RPT, RTAIL)])


def _sc_compiler_params():
    cp = pltpu.CompilerParams()
    if "needs_layout_passes" in pltpu.CompilerParams.__dataclass_fields__:
        cp = dataclasses.replace(cp, needs_layout_passes=False)
    return cp


def _sc_agg(src_c, dst_t, w_t, h):
    mesh = plsc.VectorSubcoreMesh(core_axis_name="c", subcore_axis_name="s")
    kern = functools.partial(
        pl.kernel,
        mesh=mesh,
        compiler_params=_sc_compiler_params(),
        out_type=jax.ShapeDtypeStruct((2 * N, H), jnp.float32),
        scratch_types=[
            pltpu.VMEM((NE, CHUNK), jnp.int32),
            pltpu.VMEM((NE, CHUNK), jnp.int32),
            pltpu.VMEM((NE, CHUNK), jnp.float32),
            pltpu.VMEM((NBUF, CHUNK, H), jnp.float32),
            pltpu.VMEM_SHARED((N, H), jnp.float32),
            pltpu.SemaphoreType.DMA((NE,)),
            pltpu.SemaphoreType.DMA((NBUF,)),
            pltpu.SemaphoreType.DMA((NBUF,)),
        ],
    )(_sc_agg_kernel)
    return kern(src_c, dst_t, w_t, h)



@jax.jit
def _run(input, edge, symm_update, W1, b1, W2, b2):
    src = edge[0]
    dst = edge[1]
    src_c = jnp.stack([src, src + N]).reshape(2, NT, NCH, CHUNK)
    dst_t = dst.reshape(NT, NCH, CHUNK)
    w_t = symm_update.reshape(NT, NCH, CHUNK)

    h1 = _mm1(input, W1, b1)
    agg1 = _sc_agg(src_c, dst_t, w_t, h1)
    h2 = _mm2(agg1, W2, b2)
    agg2 = _sc_agg(src_c, dst_t, w_t, h2)
    return _epilogue(input, agg2)


def kernel(input, edge, symm_update, W1, b1, W2, b2):
    return _run(input, edge, symm_update, W1, b1, W2, b2)

# --- scband reference (transcript-rebuilt; emitter-appended) ---
"""Pipeline reference for scband-gbottleneck-19799799234724 (READ-ONLY COPY).

The authoritative reference and input builder live on the scoring server;
editing this copy changes nothing except your own understanding.
"""

import jax, jax.numpy as jnp
import numpy as np

N, E, C = 10000, 160000, 256

def setup_inputs(seed: int = 0) -> dict:
    key = jax.random.key(seed)
    ks = jax.random.split(key, 8)
    inp = {}
    inp["input"] = jax.random.normal(ks[0], (N, C), dtype=jnp.float32)
    inp["edge"] = jax.random.randint(ks[1], (2, E), 0, N, dtype=jnp.int32)
    inp["symm_update"] = jax.random.uniform(ks[2], (E,), dtype=jnp.float32)
    inp["W1"] = jax.random.normal(ks[3], (C, C), dtype=jnp.float32) * (1.0 / np.sqrt(C))
    inp["b1"] = jnp.zeros((C,), dtype=jnp.float32)
    inp["W2"] = jax.random.normal(ks[4], (C, C), dtype=jnp.float32) * (1.0 / np.sqrt(C))
    inp["b2"] = jnp.zeros((C,), dtype=jnp.float32)
    return inp

def reference(input, edge, symm_update, W1, b1, W2, b2):
    # GSNConv: linear transform, then symmetric-normalized neighbor aggregation
    # (edge weights symm_update hold the precomputed D^-1/2 A D^-1/2 values).
    src = edge[0]
    dst = edge[1]

    def gsn_conv(x, W, b):
        h = x @ W + b
        msg = symm_update[:, None] * jnp.take(h, src, axis=0)
        return jnp.zeros_like(h).at[dst].add(msg)

    x = jax.nn.relu(gsn_conv(input, W1, b1))
    x = jax.nn.relu(gsn_conv(x, W2, b2))
    return (input + x) * 0.5

if __name__ == "__main__":
    import jax
    _d = setup_inputs()
    print(jax.jit(kernel)(*tuple(_d.values())))

</pallas_src>

<mosaic_0001>
#map = affine_map<(d0, d1) -> (0, 0, 0, 0)>
#map1 = affine_map<(d0, d1) -> (0, 0, 0)>
#map2 = affine_map<(d0, d1) -> (0, 0)>
module attributes {stable_mosaic.version = 14 : i64} {
  func.func @_sc_agg_kernel(%arg0: i32, %arg1: i32, %arg2: memref<2x16x125x80xi32, #tpu.memory_space<hbm>>, %arg3: memref<16x125x80xi32, #tpu.memory_space<hbm>>, %arg4: memref<16x125x80xf32, #tpu.memory_space<hbm>>, %arg5: memref<20000x128xf32, #tpu.memory_space<hbm>>, %arg6: memref<20000x128xf32, #tpu.memory_space<hbm>>, %arg7: memref<6x80xi32, #tpu.memory_space<vmem>>, %arg8: memref<6x80xi32, #tpu.memory_space<vmem>>, %arg9: memref<6x80xf32, #tpu.memory_space<vmem>>, %arg10: memref<3x80x128xf32, #tpu.memory_space<vmem>>, %arg11: memref<10000x128xf32, #tpu.memory_space<vmem_shared>>, %arg12: memref<6x!tpu.dma_semaphore, #tpu.memory_space<semaphore_mem>>, %arg13: memref<3x!tpu.dma_semaphore, #tpu.memory_space<semaphore_mem>>, %arg14: memref<3x!tpu.dma_semaphore, #tpu.memory_space<semaphore_mem>>) attributes {dimension_semantics = [#tpu.dimension_semantics<core_parallel>, #tpu.dimension_semantics<subcore_parallel>], iteration_bounds = array<i64: 2, 16>, scalar_prefetch = 0 : i64, scratch_operands = 8 : i64, tpu.core_type = #tpu.core_type<sc_vector_subcore>, window_params = [{transform_indices = #map}, {transform_indices = #map1}, {transform_indices = #map1}, {transform_indices = #map2}, {transform_indices = #map2}]} {
    %broadcast_in_dim3A = arith.constant 0.000000e+00 : f32
    %broadcast_in_dim3A_0 = vector.broadcast %broadcast_in_dim3A : f32 to vector<16xf32>
    %scan3A = arith.constant 0 : i32
    %scan3A_1 = arith.constant 80 : i32
    %scan3A_2 = arith.addi %scan3A, %scan3A_1 : i32
    %scan3A_3 = arith.constant 1 : i32
    scf.for %scan3A_305 = %scan3A to %scan3A_2 step %scan3A_3  : i32 {
      %mul3A_306 = arith.constant 1 : i32
      %mul3A_307 = arith.muli %scan3A_305, %mul3A_306 : i32
      %add3A_308 = arith.constant 0 : i32
      %add3A_309 = arith.addi %add3A_308, %mul3A_307 : i32
      %swap3A = arith.constant 0 : i32
      %swap3A_310 = arith.index_cast %swap3A : i32 to index
      %swap3A_311 = arith.index_cast %add3A_309 : i32 to index
      %swap3A_312 = arith.constant 0 : index
      %swap3A_313 = tpu.vector_load %arg10[%swap3A_310, %swap3A_311, %swap3A_312] {strides = array<i32>} : memref<3x80x128xf32, #tpu.memory_space<vmem>>, vector<16xf32>,
      tpu.vector_store %arg10[%swap3A_310, %swap3A_311, %swap3A_312], %broadcast_in_dim3A_0 {strides = array<i32>} : memref<3x80x128xf32, #tpu.memory_space<vmem>>, vector<16xf32>,
      %swap3A_314 = arith.constant 0 : i32
      %swap3A_315 = arith.index_cast %swap3A_314 : i32 to index
      %swap3A_316 = arith.index_cast %add3A_309 : i32 to index
      %swap3A_317 = arith.constant 16 : index
      %swap3A_318 = tpu.vector_load %arg10[%swap3A_315, %swap3A_316, %swap3A_317] {strides = array<i32>} : memref<3x80x128xf32, #tpu.memory_space<vmem>>, vector<16xf32>,
      tpu.vector_store %arg10[%swap3A_315, %swap3A_316, %swap3A_317], %broadcast_in_dim3A_0 {strides = array<i32>} : memref<3x80x128xf32, #tpu.memory_space<vmem>>, vector<16xf32>,
      %swap3A_319 = arith.constant 0 : i32
      %swap3A_320 = arith.index_cast %swap3A_319 : i32 to index
      %swap3A_321 = arith.index_cast %add3A_309 : i32 to index
      %swap3A_322 = arith.constant 32 : index
      %swap3A_323 = tpu.vector_load %arg10[%swap3A_320, %swap3A_321, %swap3A_322] {strides = array<i32>} : memref<3x80x128xf32, #tpu.memory_space<vmem>>, vector<16xf32>,
      tpu.vector_store %arg10[%swap3A_320, %swap3A_321, %swap3A_322], %broadcast_in_dim3A_0 {strides = array<i32>} : memref<3x80x128xf32, #tpu.memory_space<vmem>>, vector<16xf32>,
      %swap3A_324 = arith.constant 0 : i32
      %swap3A_325 = arith.index_cast %swap3A_324 : i32 to index
      %swap3A_326 = arith.index_cast %add3A_309 : i32 to index
      %swap3A_327 = arith.constant 48 : index
      %swap3A_328 = tpu.vector_load %arg10[%swap3A_325, %swap3A_326, %swap3A_327] {strides = array<i32>} : memref<3x80x128xf32, #tpu.memory_space<vmem>>, vector<16xf32>,
      tpu.vector_store %arg10[%swap3A_325, %swap3A_326, %swap3A_327], %broadcast_in_dim3A_0 {strides = array<i32>} : memref<3x80x128xf32, #tpu.memory_space<vmem>>, vector<16xf32>,
      %swap3A_329 = arith.constant 0 : i32
      %swap3A_330 = arith.index_cast %swap3A_329 : i32 to index
      %swap3A_331 = arith.index_cast %add3A_309 : i32 to index
      %swap3A_332 = arith.constant 64 : index
      %swap3A_333 = tpu.vector_load %arg10[%swap3A_330, %swap3A_331, %swap3A_332] {strides = array<i32>} : memref<3x80x128xf32, #tpu.memory_space<vmem>>, vector<16xf32>,
      tpu.vector_store %arg10[%swap3A_330, %swap3A_331, %swap3A_332], %broadcast_in_dim3A_0 {strides = array<i32>} : memref<3x80x128xf32, #tpu.memory_space<vmem>>, vector<16xf32>,
      %swap3A_334 = arith.constant 0 : i32
      %swap3A_335 = arith.index_cast %swap3A_334 : i32 to index
      %swap3A_336 = arith.index_cast %add3A_309 : i32 to index
      %swap3A_337 = arith.constant 80 : index
      %swap3A_338 = tpu.vector_load %arg10[%swap3A_335, %swap3A_336, %swap3A_337] {strides = array<i32>} : memref<3x80x128xf32, #tpu.memory_space<vmem>>, vector<16xf32>,
      tpu.vector_store %arg10[%swap3A_335, %swap3A_336, %swap3A_337], %broadcast_in_dim3A_0 {strides = array<i32>} : memref<3x80x128xf32, #tpu.memory_space<vmem>>, vector<16xf32>,
      %swap3A_339 = arith.constant 0 : i32
      %swap3A_340 = arith.index_cast %swap3A_339 : i32 to index
      %swap3A_341 = arith.index_cast %add3A_309 : i32 to index
      %swap3A_342 = arith.constant 96 : index
      %swap3A_343 = tpu.vector_load %arg10[%swap3A_340, %swap3A_341, %swap3A_342] {strides = array<i32>} : memref<3x80x128xf32, #tpu.memory_space<vmem>>, vector<16xf32>,
      tpu.vector_store %arg10[%swap3A_340, %swap3A_341, %swap3A_342], %broadcast_in_dim3A_0 {strides = array<i32>} : memref<3x80x128xf32, #tpu.memory_space<vmem>>, vector<16xf32>,
      %swap3A_344 = arith.constant 0 : i32
      %swap3A_345 = arith.index_cast %swap3A_344 : i32 to index
      %swap3A_346 = arith.index_cast %add3A_309 : i32 to index
      %swap3A_347 = arith.constant 112 : index
      %swap3A_348 = tpu.vector_load %arg10[%swap3A_345, %swap3A_346, %swap3A_347] {strides = array<i32>} : memref<3x80x128xf32, #tpu.memory_space<vmem>>, vector<16xf32>,
      tpu.vector_store %arg10[%swap3A_345, %swap3A_346, %swap3A_347], %broadcast_in_dim3A_0 {strides = array<i32>} : memref<3x80x128xf32, #tpu.memory_space<vmem>>, vector<16xf32>,
    }
    %scan3A_4 = arith.constant 80 : i32
    %mul3A = arith.constant 624 : i32
    %mul3A_5 = arith.muli %arg1, %mul3A : i32
    %add3A = arith.constant 0 : i32
    %add3A_6 = arith.addi %mul3A_5, %add3A : i32
    %run_scoped3A = arith.constant 0 : i32
    "tpu.region"() ({
      %run_scoped3A_305 = tpu.sem_alloc : memref<!tpu.dma_semaphore, #tpu.memory_space<semaphore_mem>>
      %dma_start3A_306 = arith.constant 0 : i32
      %dma_start3A_307 = arith.constant 0 : i32
      %dma_start3A_308 = tpu.memref_slice %arg10[%run_scoped3A, %dma_start3A_306, %dma_start3A_307] : memref<3x80x128xf32, #tpu.memory_space<vmem>> -> memref<1x80x128xf32, #tpu.memory_space<vmem>>
      %dma_start3A_309 = tpu.memref_squeeze %dma_start3A_308 : memref<1x80x128xf32, #tpu.memory_space<vmem>> -> memref<80x128xf32, #tpu.memory_space<vmem>>
      %dma_start3A_310 = arith.constant 0 : i32
      %dma_start3A_311 = tpu.memref_slice %arg11[%add3A_6, %dma_start3A_310] : memref<10000x128xf32, #tpu.memory_space<vmem_shared>> -> memref<80x128xf32, #tpu.memory_space<vmem_shared>>
      %dma_start3A_312 = arith.constant 0 : i32
      %dma_start3A_313 = tpu.memref_slice %arg11[%add3A_6, %dma_start3A_312] : memref<10000x128xf32, #tpu.memory_space<vmem_shared>> -> memref<80x128xf32, #tpu.memory_space<vmem_shared>>
      %dma_start3A_314 = arith.constant 0 : i32
      %dma_start3A_315 = arith.constant 0 : i32
      %dma_start3A_316 = tpu.memref_slice %arg10[%run_scoped3A, %dma_start3A_314, %dma_start3A_315] : memref<3x80x128xf32, #tpu.memory_space<vmem>> -> memref<1x80x128xf32, #tpu.memory_space<vmem>>
      %dma_start3A_317 = tpu.memref_squeeze %dma_start3A_316 : memref<1x80x128xf32, #tpu.memory_space<vmem>> -> memref<80x128xf32, #tpu.memory_space<vmem>>
      tpu.enqueue_dma source(%dma_start3A_317 : memref<80x128xf32, #tpu.memory_space<vmem>>) target(%dma_start3A_313 : memref<80x128xf32, #tpu.memory_space<vmem_shared>>) target_semaphore(%run_scoped3A_305 : memref<!tpu.dma_semaphore, #tpu.memory_space<semaphore_mem>>)
      %dma_wait3A_318 = arith.constant 0 : i32
      %dma_wait3A_319 = arith.constant 0 : i32
      %dma_wait3A_320 = tpu.memref_slice %arg10[%run_scoped3A, %dma_wait3A_318, %dma_wait3A_319] : memref<3x80x128xf32, #tpu.memory_space<vmem>> -> memref<1x80x128xf32, #tpu.memory_space<vmem>>
      %dma_wait3A_321 = tpu.memref_squeeze %dma_wait3A_320 : memref<1x80x128xf32, #tpu.memory_space<vmem>> -> memref<80x128xf32, #tpu.memory_space<vmem>>
      %dma_wait3A_322 = arith.constant 0 : i32
      %dma_wait3A_323 = tpu.memref_slice %arg11[%add3A_6, %dma_wait3A_322] : memref<10000x128xf32, #tpu.memory_space<vmem_shared>> -> memref<80x128xf32, #tpu.memory_space<vmem_shared>>
      %dma_wait3A_324 = arith.constant 0 : i32
      %dma_wait3A_325 = tpu.memref_slice %arg11[%add3A_6, %dma_wait3A_324] : memref<10000x128xf32, #tpu.memory_space<vmem_shared>> -> memref<80x128xf32, #tpu.memory_space<vmem_shared>>
      %dma_wait3A_326 = arith.constant 0 : i32
      %dma_wait3A_327 = arith.constant 0 : i32
      %dma_wait3A_328 = tpu.memref_slice %arg10[%run_scoped3A, %dma_wait3A_326, %dma_wait3A_327] : memref<3x80x128xf32, #tpu.memory_space<vmem>> -> memref<1x80x128xf32, #tpu.memory_space<vmem>>
      %dma_wait3A_329 = tpu.memref_squeeze %dma_wait3A_328 : memref<1x80x128xf32, #tpu.memory_space<vmem>> -> memref<80x128xf32, #tpu.memory_space<vmem>>
      tpu.wait_dma2 semaphore(%run_scoped3A_305 : memref<!tpu.dma_semaphore, #tpu.memory_space<semaphore_mem>>) src(%dma_wait3A_329 : memref<80x128xf32, #tpu.memory_space<vmem>>) dst(%dma_wait3A_325 : memref<80x128xf32, #tpu.memory_space<vmem_shared>>)
      tpu.yield
    }) : () -> ()
    %add3A_7 = arith.constant 80 : i32
    %add3A_8 = arith.addi %mul3A_5, %add3A_7 : i32
    %run_scoped3A_9 = arith.constant 0 : i32
    "tpu.region"() ({
      %run_scoped3A_305 = tpu.sem_alloc : memref<!tpu.dma_semaphore, #tpu.memory_space<semaphore_mem>>
      %dma_start3A_306 = arith.constant 0 : i32
      %dma_start3A_307 = arith.constant 0 : i32
      %dma_start3A_308 = tpu.memref_slice %arg10[%run_scoped3A_9, %dma_start3A_306, %dma_start3A_307] : memref<3x80x128xf32, #tpu.memory_space<vmem>> -> memref<1x80x128xf32, #tpu.memory_space<vmem>>
      %dma_start3A_309 = tpu.memref_squeeze %dma_start3A_308 : memref<1x80x128xf32, #tpu.memory_space<vmem>> -> memref<80x128xf32, #tpu.memory_space<vmem>>
      %dma_start3A_310 = arith.constant 0 : i32
      %dma_start3A_311 = tpu.memref_slice %arg11[%add3A_8, %dma_start3A_310] : memref<10000x128xf32, #tpu.memory_space<vmem_shared>> -> memref<80x128xf32, #tpu.memory_space<vmem_shared>>
      %dma_start3A_312 = arith.constant 0 : i32
      %dma_start3A_313 = tpu.memref_slice %arg11[%add3A_8, %dma_start3A_312] : memref<10000x128xf32, #tpu.memory_space<vmem_shared>> -> memref<80x128xf32, #tpu.memory_space<vmem_shared>>
      %dma_start3A_314 = arith.constant 0 : i32
      %dma_start3A_315 = arith.constant 0 : i32
      %dma_start3A_316 = tpu.memref_slice %arg10[%run_scoped3A_9, %dma_start3A_314, %dma_start3A_315] : memref<3x80x128xf32, #tpu.memory_space<vmem>> -> memref<1x80x128xf32, #tpu.memory_space<vmem>>
      %dma_start3A_317 = tpu.memref_squeeze %dma_start3A_316 : memref<1x80x128xf32, #tpu.memory_space<vmem>> -> memref<80x128xf32, #tpu.memory_space<vmem>>
      tpu.enqueue_dma source(%dma_start3A_317 : memref<80x128xf32, #tpu.memory_space<vmem>>) target(%dma_start3A_313 : memref<80x128xf32, #tpu.memory_space<vmem_shared>>) target_semaphore(%run_scoped3A_305 : memref<!tpu.dma_semaphore, #tpu.memory_space<semaphore_mem>>)
      %dma_wait3A_318 = arith.constant 0 : i32
      %dma_wait3A_319 = arith.constant 0 : i32
      %dma_wait3A_320 = tpu.memref_slice %arg10[%run_scoped3A_9, %dma_wait3A_318, %dma_wait3A_319] : memref<3x80x128xf32, #tpu.memory_space<vmem>> -> memref<1x80x128xf32, #tpu.memory_space<vmem>>
      %dma_wait3A_321 = tpu.memref_squeeze %dma_wait3A_320 : memref<1x80x128xf32, #tpu.memory_space<vmem>> -> memref<80x128xf32, #tpu.memory_space<vmem>>
      %dma_wait3A_322 = arith.constant 0 : i32
      %dma_wait3A_323 = tpu.memref_slice %arg11[%add3A_8, %dma_wait3A_322] : memref<10000x128xf32, #tpu.memory_space<vmem_shared>> -> memref<80x128xf32, #tpu.memory_space<vmem_shared>>
      %dma_wait3A_324 = arith.constant 0 : i32
      %dma_wait3A_325 = tpu.memref_slice %arg11[%add3A_8, %dma_wait3A_324] : memref<10000x128xf32, #tpu.memory_space<vmem_shared>> -> memref<80x128xf32, #tpu.memory_space<vmem_shared>>
      %dma_wait3A_326 = arith.constant 0 : i32
      %dma_wait3A_327 = arith.constant 0 : i32
      %dma_wait3A_328 = tpu.memref_slice %arg10[%run_scoped3A_9, %dma_wait3A_326, %dma_wait3A_327] : memref<3x80x128xf32, #tpu.memory_space<vmem>> -> memref<1x80x128xf32, #tpu.memory_space<vmem>>
      %dma_wait3A_329 = tpu.memref_squeeze %dma_wait3A_328 : memref<1x80x128xf32, #tpu.memory_space<vmem>> -> memref<80x128xf32, #tpu.memory_space<vmem>>
      tpu.wait_dma2 semaphore(%run_scoped3A_305 : memref<!tpu.dma_semaphore, #tpu.memory_space<semaphore_mem>>) src(%dma_wait3A_329 : memref<80x128xf32, #tpu.memory_space<vmem>>) dst(%dma_wait3A_325 : memref<80x128xf32, #tpu.memory_space<vmem_shared>>)
      tpu.yield
    }) : () -> ()
    %add3A_10 = arith.constant 160 : i32
    %add3A_11 = arith.addi %mul3A_5, %add3A_10 : i32
    %run_scoped3A_12 = arith.constant 0 : i32
    "tpu.region"() ({
      %run_scoped3A_305 = tpu.sem_alloc : memref<!tpu.dma_semaphore, #tpu.memory_space<semaphore_mem>>
      %dma_start3A_306 = arith.constant 0 : i32
      %dma_start3A_307 = arith.constant 0 : i32
      %dma_start3A_308 = tpu.memref_slice %arg10[%run_scoped3A_12, %dma_start3A_306, %dma_start3A_307] : memref<3x80x128xf32, #tpu.memory_space<vmem>> -> memref<1x80x128xf32, #tpu.memory_space<vmem>>
      %dma_start3A_309 = tpu.memref_squeeze %dma_start3A_308 : memref<1x80x128xf32, #tpu.memory_space<vmem>> -> memref<80x128xf32, #tpu.memory_space<vmem>>
      %dma_start3A_310 = arith.constant 0 : i32
      %dma_start3A_311 = tpu.memref_slice %arg11[%add3A_11, %dma_start3A_310] : memref<10000x128xf32, #tpu.memory_space<vmem_shared>> -> memref<80x128xf32, #tpu.memory_space<vmem_shared>>
      %dma_start3A_312 = arith.constant 0 : i32
      %dma_start3A_313 = tpu.memref_slice %arg11[%add3A_11, %dma_start3A_312] : memref<10000x128xf32, #tpu.memory_space<vmem_shared>> -> memref<80x128xf32, #tpu.memory_space<vmem_shared>>
      %dma_start3A_314 = arith.constant 0 : i32
      %dma_start3A_315 = arith.constant 0 : i32
      %dma_start3A_316 = tpu.memref_slice %arg10[%run_scoped3A_12, %dma_start3A_314, %dma_start3A_315] : memref<3x80x128xf32, #tpu.memory_space<vmem>> -> memref<1x80x128xf32, #tpu.memory_space<vmem>>
      %dma_start3A_317 = tpu.memref_squeeze %dma_start3A_316 : memref<1x80x128xf32, #tpu.memory_space<vmem>> -> memref<80x128xf32, #tpu.memory_space<vmem>>
      tpu.enqueue_dma source(%dma_start3A_317 : memref<80x128xf32, #tpu.memory_space<vmem>>) target(%dma_start3A_313 : memref<80x128xf32, #tpu.memory_space<vmem_shared>>) target_semaphore(%run_scoped3A_305 : memref<!tpu.dma_semaphore, #tpu.memory_space<semaphore_mem>>)
      %dma_wait3A_318 = arith.constant 0 : i32
      %dma_wait3A_319 = arith.constant 0 : i32
      %dma_wait3A_320 = tpu.memref_slice %arg10[%run_scoped3A_12, %dma_wait3A_318, %dma_wait3A_319] : memref<3x80x128xf32, #tpu.memory_space<vmem>> -> memref<1x80x128xf32, #tpu.memory_space<vmem>>
      %dma_wait3A_321 = tpu.memref_squeeze %dma_wait3A_320 : memref<1x80x128xf32, #tpu.memory_space<vmem>> -> memref<80x128xf32, #tpu.memory_space<vmem>>
      %dma_wait3A_322 = arith.constant 0 : i32
      %dma_wait3A_323 = tpu.memref_slice %arg11[%add3A_11, %dma_wait3A_322] : memref<10000x128xf32, #tpu.memory_space<vmem_shared>> -> memref<80x128xf32, #tpu.memory_space<vmem_shared>>
      %dma_wait3A_324 = arith.constant 0 : i32
      %dma_wait3A_325 = tpu.memref_slice %arg11[%add3A_11, %dma_wait3A_324] : memref<10000x128xf32, #tpu.memory_space<vmem_shared>> -> memref<80x128xf32, #tpu.memory_space<vmem_shared>>
      %dma_wait3A_326 = arith.constant 0 : i32
      %dma_wait3A_327 = arith.constant 0 : i32
      %dma_wait3A_328 = tpu.memref_slice %arg10[%run_scoped3A_12, %dma_wait3A_326, %dma_wait3A_327] : memref<3x80x128xf32, #tpu.memory_space<vmem>> -> memref<1x80x128xf32, #tpu.memory_space<vmem>>
      %dma_wait3A_329 = tpu.memref_squeeze %dma_wait3A_328 : memref<1x80x128xf32, #tpu.memory_space<vmem>> -> memref<80x128xf32, #tpu.memory_space<vmem>>
      tpu.wait_dma2 semaphore(%run_scoped3A_305 : memref<!tpu.dma_semaphore, #tpu.memory_space<semaphore_mem>>) src(%dma_wait3A_329 : memref<80x128xf32, #tpu.memory_space<vmem>>) dst(%dma_wait3A_325 : memref<80x128xf32, #tpu.memory_space<vmem_shared>>)
      tpu.yield
    }) : () -> ()
    %add3A_13 = arith.constant 240 : i32
    %add3A_14 = arith.addi %mul3A_5, %add3A_13 : i32
    %run_scoped3A_15 = arith.constant 0 : i32
    "tpu.region"() ({
      %run_scoped3A_305 = tpu.sem_alloc : memref<!tpu.dma_semaphore, #tpu.memory_space<semaphore_mem>>
      %dma_start3A_306 = arith.constant 0 : i32
      %dma_start3A_307 = arith.constant 0 : i32
      %dma_start3A_308 = tpu.memref_slice %arg10[%run_scoped3A_15, %dma_start3A_306, %dma_start3A_307] : memref<3x80x128xf32, #tpu.memory_space<vmem>> -> memref<1x80x128xf32, #tpu.memory_space<vmem>>
      %dma_start3A_309 = tpu.memref_squeeze %dma_start3A_308 : memref<1x80x128xf32, #tpu.memory_space<vmem>> -> memref<80x128xf32, #tpu.memory_space<vmem>>
      %dma_start3A_310 = arith.constant 0 : i32
      %dma_start3A_311 = tpu.memref_slice %arg11[%add3A_14, %dma_start3A_310] : memref<10000x128xf32, #tpu.memory_space<vmem_shared>> -> memref<80x128xf32, #tpu.memory_space<vmem_shared>>
      %dma_start3A_312 = arith.constant 0 : i32
      %dma_start3A_313 = tpu.memref_slice %arg11[%add3A_14, %dma_start3A_312] : memref<10000x128xf32, #tpu.memory_space<vmem_shared>> -> memref<80x128xf32, #tpu.memory_space<vmem_shared>>
      %dma_start3A_314 = arith.constant 0 : i32
      %dma_start3A_315 = arith.constant 0 : i32
      %dma_start3A_316 = tpu.memref_slice %arg10[%run_scoped3A_15, %dma_start3A_314, %dma_start3A_315] : memref<3x80x128xf32, #tpu.memory_space<vmem>> -> memref<1x80x128xf32, #tpu.memory_space<vmem>>
      %dma_start3A_317 = tpu.memref_squeeze %dma_start3A_316 : memref<1x80x128xf32, #tpu.memory_space<vmem>> -> memref<80x128xf32, #tpu.memory_space<vmem>>
      tpu.enqueue_dma source(%dma_start3A_317 : memref<80x128xf32, #tpu.memory_space<vmem>>) target(%dma_start3A_313 : memref<80x128xf32, #tpu.memory_space<vmem_shared>>) target_semaphore(%run_scoped3A_305 : memref<!tpu.dma_semaphore, #tpu.memory_space<semaphore_mem>>)
      %dma_wait3A_318 = arith.constant 0 : i32
      %dma_wait3A_319 = arith.constant 0 : i32
      %dma_wait3A_320 = tpu.memref_slice %arg10[%run_scoped3A_15, %dma_wait3A_318, %dma_wait3A_319] : memref<3x80x128xf32, #tpu.memory_space<vmem>> -> memref<1x80x128xf32, #tpu.memory_space<vmem>>
      %dma_wait3A_321 = tpu.memref_squeeze %dma_wait3A_320 : memref<1x80x128xf32, #tpu.memory_space<vmem>> -> memref<80x128xf32, #tpu.memory_space<vmem>>
      %dma_wait3A_322 = arith.constant 0 : i32
      %dma_wait3A_323 = tpu.memref_slice %arg11[%add3A_14, %dma_wait3A_322] : memref<10000x128xf32, #tpu.memory_space<vmem_shared>> -> memref<80x128xf32, #tpu.memory_space<vmem_shared>>
      %dma_wait3A_324 = arith.constant 0 : i32
      %dma_wait3A_325 = tpu.memref_slice %arg11[%add3A_14, %dma_wait3A_324] : memref<10000x128xf32, #tpu.memory_space<vmem_shared>> -> memref<80x128xf32, #tpu.memory_space<vmem_shared>>
      %dma_wait3A_326 = arith.constant 0 : i32
      %dma_wait3A_327 = arith.constant 0 : i32
      %dma_wait3A_328 = tpu.memref_slice %arg10[%run_scoped3A_15, %dma_wait3A_326, %dma_wait3A_327] : memref<3x80x128xf32, #tpu.memory_space<vmem>> -> memref<1x80x128xf32, #tpu.memory_space<vmem>>
      %dma_wait3A_329 = tpu.memref_squeeze %dma_wait3A_328 : memref<1x80x128xf32, #tpu.memory_space<vmem>> -> memref<80x128xf32, #tpu.memory_space<vmem>>
      tpu.wait_dma2 semaphore(%run_scoped3A_305 : memref<!tpu.dma_semaphore, #tpu.memory_space<semaphore_mem>>) src(%dma_wait3A_329 : memref<80x128xf32, #tpu.memory_space<vmem>>) dst(%dma_wait3A_325 : memref<80x128xf32, #tpu.memory_space<vmem_shared>>)
      tpu.yield
    }) : () -> ()
    %add3A_16 = arith.constant 320 : i32
    %add3A_17 = arith.addi %mul3A_5, %add3A_16 : i32
    %run_scoped3A_18 = arith.constant 0 : i32
    "tpu.region"() ({
      %run_scoped3A_305 = tpu.sem_alloc : memref<!tpu.dma_semaphore, #tpu.memory_space<semaphore_mem>>
      %dma_start3A_306 = arith.constant 0 : i32
      %dma_start3A_307 = arith.constant 0 : i32
      %dma_start3A_308 = tpu.memref_slice %arg10[%run_scoped3A_18, %dma_start3A_306, %dma_start3A_307] : memref<3x80x128xf32, #tpu.memory_space<vmem>> -> memref<1x80x128xf32, #tpu.memory_space<vmem>>
      %dma_start3A_309 = tpu.memref_squeeze %dma_start3A_308 : memref<1x80x128xf32, #tpu.memory_space<vmem>> -> memref<80x128xf32, #tpu.memory_space<vmem>>
      %dma_start3A_310 = arith.constant 0 : i32
      %dma_start3A_311 = tpu.memref_slice %arg11[%add3A_17, %dma_start3A_310] : memref<10000x128xf32, #tpu.memory_space<vmem_shared>> -> memref<80x128xf32, #tpu.memory_space<vmem_shared>>
      %dma_start3A_312 = arith.constant 0 : i32
      %dma_start3A_313 = tpu.memref_slice %arg11[%add3A_17, %dma_start3A_312] : memref<10000x128xf32, #tpu.memory_space<vmem_shared>> -> memref<80x128xf32, #tpu.memory_space<vmem_shared>>
      %dma_start3A_314 = arith.constant 0 : i32
      %dma_start3A_315 = arith.constant 0 : i32
      %dma_start3A_316 = tpu.memref_slice %arg10[%run_scoped3A_18, %dma_start3A_314, %dma_start3A_315] : memref<3x80x128xf32, #tpu.memory_space<vmem>> -> memref<1x80x128xf32, #tpu.memory_space<vmem>>
      %dma_start3A_317 = tpu.memref_squeeze %dma_start3A_316 : memref<1x80x128xf32, #tpu.memory_space<vmem>> -> memref<80x128xf32, #tpu.memory_space<vmem>>
      tpu.enqueue_dma source(%dma_start3A_317 : memref<80x128xf32, #tpu.memory_space<vmem>>) target(%dma_start3A_313 : memref<80x128xf32, #tpu.memory_space<vmem_shared>>) target_semaphore(%run_scoped3A_305 : memref<!tpu.dma_semaphore, #tpu.memory_space<semaphore_mem>>)
      %dma_wait3A_318 = arith.constant 0 : i32
      %dma_wait3A_319 = arith.constant 0 : i32
      %dma_wait3A_320 = tpu.memref_slice %arg10[%run_scoped3A_18, %dma_wait3A_318, %dma_wait3A_319] : memref<3x80x128xf32, #tpu.memory_space<vmem>> -> memref<1x80x128xf32, #tpu.memory_space<vmem>>
      %dma_wait3A_321 = tpu.memref_squeeze %dma_wait3A_320 : memref<1x80x128xf32, #tpu.memory_space<vmem>> -> memref<80x128xf32, #tpu.memory_space<vmem>>
      %dma_wait3A_322 = arith.constant 0 : i32
      %dma_wait3A_323 = tpu.memref_slice %arg11[%add3A_17, %dma_wait3A_322] : memref<10000x128xf32, #tpu.memory_space<vmem_shared>> -> memref<80x128xf32, #tpu.memory_space<vmem_shared>>
      %dma_wait3A_324 = arith.constant 0 : i32
      %dma_wait3A_325 = tpu.memref_slice %arg11[%add3A_17, %dma_wait3A_324] : memref<10000x128xf32, #tpu.memory_space<vmem_shared>> -> memref<80x128xf32, #tpu.memory_space<vmem_shared>>
      %dma_wait3A_326 = arith.constant 0 : i32
      %dma_wait3A_327 = arith.constant 0 : i32
      %dma_wait3A_328 = tpu.memref_slice %arg10[%run_scoped3A_18, %dma_wait3A_326, %dma_wait3A_327] : memref<3x80x128xf32, #tpu.memory_space<vmem>> -> memref<1x80x128xf32, #tpu.memory_space<vmem>>
      %dma_wait3A_329 = tpu.memref_squeeze %dma_wait3A_328 : memref<1x80x128xf32, #tpu.memory_space<vmem>> -> memref<80x128xf32, #tpu.memory_space<vmem>>
      tpu.wait_dma2 semaphore(%run_scoped3A_305 : memref<!tpu.dma_semaphore, #tpu.memory_space<semaphore_mem>>) src(%dma_wait3A_329 : memref<80x128xf32, #tpu.memory_space<vmem>>) dst(%dma_wait3A_325 : memref<80x128xf32, #tpu.memory_space<vmem_shared>>)
      tpu.yield
    }) : () -> ()
    %add3A_19 = arith.constant 400 : i32
    %add3A_20 = arith.addi %mul3A_5, %add3A_19 : i32
    %run_scoped3A_21 = arith.constant 0 : i32
    "tpu.region"() ({
      %run_scoped3A_305 = tpu.sem_alloc : memref<!tpu.dma_semaphore, #tpu.memory_space<semaphore_mem>>
      %dma_start3A_306 = arith.constant 0 : i32
      %dma_start3A_307 = arith.constant 0 : i32
      %dma_start3A_308 = tpu.memref_slice %arg10[%run_scoped3A_21, %dma_start3A_306, %dma_start3A_307] : memref<3x80x128xf32, #tpu.memory_space<vmem>> -> memref<1x80x128xf32, #tpu.memory_space<vmem>>
      %dma_start3A_309 = tpu.memref_squeeze %dma_start3A_308 : memref<1x80x128xf32, #tpu.memory_space<vmem>> -> memref<80x128xf32, #tpu.memory_space<vmem>>
      %dma_start3A_310 = arith.constant 0 : i32
      %dma_start3A_311 = tpu.memref_slice %arg11[%add3A_20, %dma_start3A_310] : memref<10000x128xf32, #tpu.memory_space<vmem_shared>> -> memref<80x128xf32, #tpu.memory_space<vmem_shared>>
      %dma_start3A_312 = arith.constant 0 : i32
      %dma_start3A_313 = tpu.memref_slice %arg11[%add3A_20, %dma_start3A_312] : memref<10000x128xf32, #tpu.memory_space<vmem_shared>> -> memref<80x128xf32, #tpu.memory_space<vmem_shared>>
      %dma_start3A_314 = arith.constant 0 : i32
      %dma_start3A_315 = arith.constant 0 : i32
      %dma_start3A_316 = tpu.memref_slice %arg10[%run_scoped3A_21, %dma_start3A_314, %dma_start3A_315] : memref<3x80x128xf32, #tpu.memory_space<vmem>> -> memref<1x80x128xf32, #tpu.memory_space<vmem>>
      %dma_start3A_317 = tpu.memref_squeeze %dma_start3A_316 : memref<1x80x128xf32, #tpu.memory_space<vmem>> -> memref<80x128xf32, #tpu.memory_space<vmem>>
      tpu.enqueue_dma source(%dma_start3A_317 : memref<80x128xf32, #tpu.memory_space<vmem>>) target(%dma_start3A_313 : memref<80x128xf32, #tpu.memory_space<vmem_shared>>) target_semaphore(%run_scoped3A_305 : memref<!tpu.dma_semaphore, #tpu.memory_space<semaphore_mem>>)
      %dma_wait3A_318 = arith.constant 0 : i32
      %dma_wait3A_319 = arith.constant 0 : i32
      %dma_wait3A_320 = tpu.memref_slice %arg10[%run_scoped3A_21, %dma_wait3A_318, %dma_wait3A_319] : memref<3x80x128xf32, #tpu.memory_space<vmem>> -> memref<1x80x128xf32, #tpu.memory_space<vmem>>
      %dma_wait3A_321 = tpu.memref_squeeze %dma_wait3A_320 : memref<1x80x128xf32, #tpu.memory_space<vmem>> -> memref<80x128xf32, #tpu.memory_space<vmem>>
      %dma_wait3A_322 = arith.constant 0 : i32
      %dma_wait3A_323 = tpu.memref_slice %arg11[%add3A_20, %dma_wait3A_322] : memref<10000x128xf32, #tpu.memory_space<vmem_shared>> -> memref<80x128xf32, #tpu.memory_space<vmem_shared>>
      %dma_wait3A_324 = arith.constant 0 : i32
      %dma_wait3A_325 = tpu.memref_slice %arg11[%add3A_20, %dma_wait3A_324] : memref<10000x128xf32, #tpu.memory_space<vmem_shared>> -> memref<80x128xf32, #tpu.memory_space<vmem_shared>>
      %dma_wait3A_326 = arith.constant 0 : i32
      %dma_wait3A_327 = arith.constant 0 : i32
      %dma_wait3A_328 = tpu.memref_slice %arg10[%run_scoped3A_21, %dma_wait3A_326, %dma_wait3A_327] : memref<3x80x128xf32, #tpu.memory_space<vmem>> -> memref<1x80x128xf32, #tpu.memory_space<vmem>>
      %dma_wait3A_329 = tpu.memref_squeeze %dma_wait3A_328 : memref<1x80x128xf32, #tpu.memory_space<vmem>> -> memref<80x128xf32, #tpu.memory_space<vmem>>
      tpu.wait_dma2 semaphore(%run_scoped3A_305 : memref<!tpu.dma_semaphore, #tpu.memory_space<semaphore_mem>>) src(%dma_wait3A_329 : memref<80x128xf32, #tpu.memory_space<vmem>>) dst(%dma_wait3A_325 : memref<80x128xf32, #tpu.memory_space<vmem_shared>>)
      tpu.yield
    }) : () -> ()
    %add3A_22 = arith.constant 480 : i32
    %add3A_23 = arith.addi %mul3A_5, %add3A_22 : i32
    %run_scoped3A_24 = arith.constant 0 : i32
    "tpu.region"() ({
      %run_scoped3A_305 = tpu.sem_alloc : memref<!tpu.dma_semaphore, #tpu.memory_space<semaphore_mem>>
      %dma_start3A_306 = arith.constant 0 : i32
      %dma_start3A_307 = arith.constant 0 : i32
      %dma_start3A_308 = tpu.memref_slice %arg10[%run_scoped3A_24, %dma_start3A_306, %dma_start3A_307] : memref<3x80x128xf32, #tpu.memory_space<vmem>> -> memref<1x80x128xf32, #tpu.memory_space<vmem>>
      %dma_start3A_309 = tpu.memref_squeeze %dma_start3A_308 : memref<1x80x128xf32, #tpu.memory_space<vmem>> -> memref<80x128xf32, #tpu.memory_space<vmem>>
      %dma_start3A_310 = arith.constant 0 : i32
      %dma_start3A_311 = tpu.memref_slice %arg11[%add3A_23, %dma_start3A_310] : memref<10000x128xf32, #tpu.memory_space<vmem_shared>> -> memref<80x128xf32, #tpu.memory_space<vmem_shared>>
      %dma_start3A_312 = arith.constant 0 : i32
      %dma_start3A_313 = tpu.memref_slice %arg11[%add3A_23, %dma_start3A_312] : memref<10000x128xf32, #tpu.memory_space<vmem_shared>> -> memref<80x128xf32, #tpu.memory_space<vmem_shared>>
      %dma_start3A_314 = arith.constant 0 : i32
      %dma_start3A_315 = arith.constant 0 : i32
      %dma_start3A_316 = tpu.memref_slice %arg10[%run_scoped3A_24, %dma_start3A_314, %dma_start3A_315] : memref<3x80x128xf32, #tpu.memory_space<vmem>> -> memref<1x80x128xf32, #tpu.memory_space<vmem>>
      %dma_start3A_317 = tpu.memref_squeeze %dma_start3A_316 : memref<1x80x128xf32, #tpu.memory_space<vmem>> -> memref<80x128xf32, #tpu.memory_space<vmem>>
      tpu.enqueue_dma source(%dma_start3A_317 : memref<80x128xf32, #tpu.memory_space<vmem>>) target(%dma_start3A_313 : memref<80x128xf32, #tpu.memory_space<vmem_shared>>) target_semaphore(%run_scoped3A_305 : memref<!tpu.dma_semaphore, #tpu.memory_space<semaphore_mem>>)
      %dma_wait3A_318 = arith.constant 0 : i32
      %dma_wait3A_319 = arith.constant 0 : i32
      %dma_wait3A_320 = tpu.memref_slice %arg10[%run_scoped3A_24, %dma_wait3A_318, %dma_wait3A_319] : memref<3x80x128xf32, #tpu.memory_space<vmem>> -> memref<1x80x128xf32, #tpu.memory_space<vmem>>
      %dma_wait3A_321 = tpu.memref_squeeze %dma_wait3A_320 : memref<1x80x128xf32, #tpu.memory_space<vmem>> -> memref<80x128xf32, #tpu.memory_space<vmem>>
      %dma_wait3A_322 = arith.constant 0 : i32
      %dma_wait3A_323 = tpu.memref_slice %arg11[%add3A_23, %dma_wait3A_322] : memref<10000x128xf32, #tpu.memory_space<vmem_shared>> -> memref<80x128xf32, #tpu.memory_space<vmem_shared>>
      %dma_wait3A_324 = arith.constant 0 : i32
      %dma_wait3A_325 = tpu.memref_slice %arg11[%add3A_23, %dma_wait3A_324] : memref<10000x128xf32, #tpu.memory_space<vmem_shared>> -> memref<80x128xf32, #tpu.memory_space<vmem_shared>>
      %dma_wait3A_326 = arith.constant 0 : i32
      %dma_wait3A_327 = arith.constant 0 : i32
      %dma_wait3A_328 = tpu.memref_slice %arg10[%run_scoped3A_24, %dma_wait3A_326, %dma_wait3A_327] : memref<3x80x128xf32, #tpu.memory_space<vmem>> -> memref<1x80x128xf32, #tpu.memory_space<vmem>>
      %dma_wait3A_329 = tpu.memref_squeeze %dma_wait3A_328 : memref<1x80x128xf32, #tpu.memory_space<vmem>> -> memref<80x128xf32, #tpu.memory_space<vmem>>
      tpu.wait_dma2 semaphore(%run_scoped3A_305 : memref<!tpu.dma_semaphore, #tpu.memory_space<semaphore_mem>>) src(%dma_wait3A_329 : memref<80x128xf32, #tpu.memory_space<vmem>>) dst(%dma_wait3A_325 : memref<80x128xf32, #tpu.memory_space<vmem_shared>>)
      tpu.yield
    }) : () -> ()
    %add3A_25 = arith.constant 560 : i32
    %add3A_26 = arith.addi %mul3A_5, %add3A_25 : i32
    %run_scoped3A_27 = arith.constant 0 : i32
    "tpu.region"() ({
      %run_scoped3A_305 = tpu.sem_alloc : memref<!tpu.dma_semaphore, #tpu.memory_space<semaphore_mem>>
      %dma_start3A_306 = arith.constant 0 : i32
      %dma_start3A_307 = arith.constant 0 : i32
      %dma_start3A_308 = tpu.memref_slice %arg10[%run_scoped3A_27, %dma_start3A_306, %dma_start3A_307] : memref<3x80x128xf32, #tpu.memory_space<vmem>> -> memref<1x80x128xf32, #tpu.memory_space<vmem>>
      %dma_start3A_309 = tpu.memref_squeeze %dma_start3A_308 : memref<1x80x128xf32, #tpu.memory_space<vmem>> -> memref<80x128xf32, #tpu.memory_space<vmem>>
      %dma_start3A_310 = arith.constant 0 : i32
      %dma_start3A_311 = arith.constant 0 : i32
      %dma_start3A_312 = tpu.memref_slice %dma_start3A_309[%dma_start3A_310, %dma_start3A_311] : memref<80x128xf32, #tpu.memory_space<vmem>> -> memref<64x128xf32, #tpu.memory_space<vmem>>
      %dma_start3A_313 = arith.constant 0 : i32
      %dma_start3A_314 = tpu.memref_slice %arg11[%add3A_26, %dma_start3A_313] : memref<10000x128xf32, #tpu.memory_space<vmem_shared>> -> memref<64x128xf32, #tpu.memory_space<vmem_shared>>
      %dma_start3A_315 = arith.constant 0 : i32
      %dma_start3A_316 = tpu.memref_slice %arg11[%add3A_26, %dma_start3A_315] : memref<10000x128xf32, #tpu.memory_space<vmem_shared>> -> memref<64x128xf32, #tpu.memory_space<vmem_shared>>
      %dma_start3A_317 = arith.constant 0 : i32
      %dma_start3A_318 = arith.constant 0 : i32
      %dma_start3A_319 = tpu.memref_slice %arg10[%run_scoped3A_27, %dma_start3A_317, %dma_start3A_318] : memref<3x80x128xf32, #tpu.memory_space<vmem>> -> memref<1x80x128xf32, #tpu.memory_space<vmem>>
      %dma_start3A_320 = tpu.memref_squeeze %dma_start3A_319 : memref<1x80x128xf32, #tpu.memory_space<vmem>> -> memref<80x128xf32, #tpu.memory_space<vmem>>
      %dma_start3A_321 = arith.constant 0 : i32
      %dma_start3A_322 = arith.constant 0 : i32
      %dma_start3A_323 = tpu.memref_slice %dma_start3A_320[%dma_start3A_321, %dma_start3A_322] : memref<80x128xf32, #tpu.memory_space<vmem>> -> memref<64x128xf32, #tpu.memory_space<vmem>>
      tpu.enqueue_dma source(%dma_start3A_323 : memref<64x128xf32, #tpu.memory_space<vmem>>) target(%dma_start3A_316 : memref<64x128xf32, #tpu.memory_space<vmem_shared>>) target_semaphore(%run_scoped3A_305 : memref<!tpu.dma_semaphore, #tpu.memory_space<semaphore_mem>>)
      %dma_wait3A_324 = arith.constant 0 : i32
      %dma_wait3A_325 = arith.constant 0 : i32
      %dma_wait3A_326 = tpu.memref_slice %arg10[%run_scoped3A_27, %dma_wait3A_324, %dma_wait3A_325] : memref<3x80x128xf32, #tpu.memory_space<vmem>> -> memref<1x80x128xf32, #tpu.memory_space<vmem>>
      %dma_wait3A_327 = tpu.memref_squeeze %dma_wait3A_326 : memref<1x80x128xf32, #tpu.memory_space<vmem>> -> memref<80x128xf32, #tpu.memory_space<vmem>>
      %dma_wait3A_328 = arith.constant 0 : i32
      %dma_wait3A_329 = arith.constant 0 : i32
      %dma_wait3A_330 = tpu.memref_slice %dma_wait3A_327[%dma_wait3A_328, %dma_wait3A_329] : memref<80x128xf32, #tpu.memory_space<vmem>> -> memref<64x128xf32, #tpu.memory_space<vmem>>
      %dma_wait3A_331 = arith.constant 0 : i32
      %dma_wait3A_332 = tpu.memref_slice %arg11[%add3A_26, %dma_wait3A_331] : memref<10000x128xf32, #tpu.memory_space<vmem_shared>> -> memref<64x128xf32, #tpu.memory_space<vmem_shared>>
      %dma_wait3A_333 = arith.constant 0 : i32
      %dma_wait3A_334 = tpu.memref_slice %arg11[%add3A_26, %dma_wait3A_333] : memref<10000x128xf32, #tpu.memory_space<vmem_shared>> -> memref<64x128xf32, #tpu.memory_space<vmem_shared>>
      %dma_wait3A_335 = arith.constant 0 : i32
      %dma_wait3A_336 = arith.constant 0 : i32
      %dma_wait3A_337 = tpu.memref_slice %arg10[%run_scoped3A_27, %dma_wait3A_335, %dma_wait3A_336] : memref<3x80x128xf32, #tpu.memory_space<vmem>> -> memref<1x80x128xf32, #tpu.memory_space<vmem>>
      %dma_wait3A_338 = tpu.memref_squeeze %dma_wait3A_337 : memref<1x80x128xf32, #tpu.memory_space<vmem>> -> memref<80x128xf32, #tpu.memory_space<vmem>>
      %dma_wait3A_339 = arith.constant 0 : i32
      %dma_wait3A_340 = arith.constant 0 : i32
      %dma_wait3A_341 = tpu.memref_slice %dma_wait3A_338[%dma_wait3A_339, %dma_wait3A_340] : memref<80x128xf32, #tpu.memory_space<vmem>> -> memref<64x128xf32, #tpu.memory_space<vmem>>
      tpu.wait_dma2 semaphore(%run_scoped3A_305 : memref<!tpu.dma_semaphore, #tpu.memory_space<semaphore_mem>>) src(%dma_wait3A_341 : memref<64x128xf32, #tpu.memory_space<vmem>>) dst(%dma_wait3A_334 : memref<64x128xf32, #tpu.memory_space<vmem_shared>>)
      tpu.yield
    }) : () -> ()
    %eq3A = arith.constant 15 : i32
    %eq3A_28 = arith.cmpi eq, %arg1, %eq3A : i32
    %convert_element_type3A = arith.extui %eq3A_28 : i1 to i32
    %cond3A = arith.constant 0 : i32
    %cond3A_29 = arith.cmpi ne, %convert_element_type3A, %cond3A : i32
    scf.if %cond3A_29 {
      %run_scoped3A_305 = arith.constant 0 : i32
      "tpu.region"() ({
        %run_scoped3A_306 = tpu.sem_alloc : memref<!tpu.dma_semaphore, #tpu.memory_space<semaphore_mem>>
        %dma_start3A_307 = arith.constant 0 : i32
        %dma_start3A_308 = arith.constant 0 : i32
        %dma_start3A_309 = tpu.memref_slice %arg10[%run_scoped3A_305, %dma_start3A_307, %dma_start3A_308] : memref<3x80x128xf32, #tpu.memory_space<vmem>> -> memref<1x80x128xf32, #tpu.memory_space<vmem>>
        %dma_start3A_310 = tpu.memref_squeeze %dma_start3A_309 : memref<1x80x128xf32, #tpu.memory_space<vmem>> -> memref<80x128xf32, #tpu.memory_space<vmem>>
        %dma_start3A_311 = arith.constant 0 : i32
        %dma_start3A_312 = arith.constant 0 : i32
        %dma_start3A_313 = tpu.memref_slice %dma_start3A_310[%dma_start3A_311, %dma_start3A_312] : memref<80x128xf32, #tpu.memory_space<vmem>> -> memref<16x128xf32, #tpu.memory_space<vmem>>
        %dma_start3A_314 = arith.constant 9984 : i32
        %dma_start3A_315 = arith.constant 0 : i32
        %dma_start3A_316 = tpu.memref_slice %arg11[%dma_start3A_314, %dma_start3A_315] : memref<10000x128xf32, #tpu.memory_space<vmem_shared>> -> memref<16x128xf32, #tpu.memory_space<vmem_shared>>
        %dma_start3A_317 = arith.constant 9984 : i32
        %dma_start3A_318 = arith.constant 0 : i32
        %dma_start3A_319 = tpu.memref_slice %arg11[%dma_start3A_317, %dma_start3A_318] : memref<10000x128xf32, #tpu.memory_space<vmem_shared>> -> memref<16x128xf32, #tpu.memory_space<vmem_shared>>
        %dma_start3A_320 = arith.constant 0 : i32
        %dma_start3A_321 = arith.constant 0 : i32
        %dma_start3A_322 = tpu.memref_slice %arg10[%run_scoped3A_305, %dma_start3A_320, %dma_start3A_321] : memref<3x80x128xf32, #tpu.memory_space<vmem>> -> memref<1x80x128xf32, #tpu.memory_space<vmem>>
        %dma_start3A_323 = tpu.memref_squeeze %dma_start3A_322 : memref<1x80x128xf32, #tpu.memory_space<vmem>> -> memref<80x128xf32, #tpu.memory_space<vmem>>
        %dma_start3A_324 = arith.constant 0 : i32
        %dma_start3A_325 = arith.constant 0 : i32
        %dma_start3A_326 = tpu.memref_slice %dma_start3A_323[%dma_start3A_324, %dma_start3A_325] : memref<80x128xf32, #tpu.memory_space<vmem>> -> memref<16x128xf32, #tpu.memory_space<vmem>>
        tpu.enqueue_dma source(%dma_start3A_326 : memref<16x128xf32, #tpu.memory_space<vmem>>) target(%dma_start3A_319 : memref<16x128xf32, #tpu.memory_space<vmem_shared>>) target_semaphore(%run_scoped3A_306 : memref<!tpu.dma_semaphore, #tpu.memory_space<semaphore_mem>>)
        %dma_wait3A_327 = arith.constant 0 : i32
        %dma_wait3A_328 = arith.constant 0 : i32
        %dma_wait3A_329 = tpu.memref_slice %arg10[%run_scoped3A_305, %dma_wait3A_327, %dma_wait3A_328] : memref<3x80x128xf32, #tpu.memory_space<vmem>> -> memref<1x80x128xf32, #tpu.memory_space<vmem>>
        %dma_wait3A_330 = tpu.memref_squeeze %dma_wait3A_329 : memref<1x80x128xf32, #tpu.memory_space<vmem>> -> memref<80x128xf32, #tpu.memory_space<vmem>>
        %dma_wait3A_331 = arith.constant 0 : i32
        %dma_wait3A_332 = arith.constant 0 : i32
        %dma_wait3A_333 = tpu.memref_slice %dma_wait3A_330[%dma_wait3A_331, %dma_wait3A_332] : memref<80x128xf32, #tpu.memory_space<vmem>> -> memref<16x128xf32, #tpu.memory_space<vmem>>
        %dma_wait3A_334 = arith.constant 9984 : i32
        %dma_wait3A_335 = arith.constant 0 : i32
        %dma_wait3A_336 = tpu.memref_slice %arg11[%dma_wait3A_334, %dma_wait3A_335] : memref<10000x128xf32, #tpu.memory_space<vmem_shared>> -> memref<16x128xf32, #tpu.memory_space<vmem_shared>>
        %dma_wait3A_337 = arith.constant 9984 : i32
        %dma_wait3A_338 = arith.constant 0 : i32
        %dma_wait3A_339 = tpu.memref_slice %arg11[%dma_wait3A_337, %dma_wait3A_338] : memref<10000x128xf32, #tpu.memory_space<vmem_shared>> -> memref<16x128xf32, #tpu.memory_space<vmem_shared>>
        %dma_wait3A_340 = arith.constant 0 : i32
        %dma_wait3A_341 = arith.constant 0 : i32
        %dma_wait3A_342 = tpu.memref_slice %arg10[%run_scoped3A_305, %dma_wait3A_340, %dma_wait3A_341] : memref<3x80x128xf32, #tpu.memory_space<vmem>> -> memref<1x80x128xf32, #tpu.memory_space<vmem>>
        %dma_wait3A_343 = tpu.memref_squeeze %dma_wait3A_342 : memref<1x80x128xf32, #tpu.memory_space<vmem>> -> memref<80x128xf32, #tpu.memory_space<vmem>>
        %dma_wait3A_344 = arith.constant 0 : i32
        %dma_wait3A_345 = arith.constant 0 : i32
        %dma_wait3A_346 = tpu.memref_slice %dma_wait3A_343[%dma_wait3A_344, %dma_wait3A_345] : memref<80x128xf32, #tpu.memory_space<vmem>> -> memref<16x128xf32, #tpu.memory_space<vmem>>
        tpu.wait_dma2 semaphore(%run_scoped3A_306 : memref<!tpu.dma_semaphore, #tpu.memory_space<semaphore_mem>>) src(%dma_wait3A_346 : memref<16x128xf32, #tpu.memory_space<vmem>>) dst(%dma_wait3A_339 : memref<16x128xf32, #tpu.memory_space<vmem_shared>>)
        tpu.yield
      }) : () -> ()
    } else {
    }
    %barrier3A = arith.constant 0 : index
    tpu.barrier barrier_id(%barrier3A)
    %rem3A = arith.constant 0 : i32
    %rem3A_30 = arith.constant 6 : i32
    %rem3A_31 = arith.remsi %rem3A, %rem3A_30 : i32
    %dma_start3A = arith.constant 0 : i32
    %dma_start3A_32 = arith.constant 0 : i32
    %dma_start3A_33 = tpu.memref_slice %arg7[%rem3A_31, %dma_start3A_32] : memref<6x80xi32, #tpu.memory_space<vmem>> -> memref<1x80xi32, #tpu.memory_space<vmem>>
    %dma_start3A_34 = tpu.memref_squeeze %dma_start3A_33 : memref<1x80xi32, #tpu.memory_space<vmem>> -> memref<80xi32, #tpu.memory_space<vmem>>
    %dma_start3A_35 = arith.constant 0 : i32
    %dma_start3A_36 = tpu.memref_slice %arg2[%arg0, %arg1, %dma_start3A, %dma_start3A_35] : memref<2x16x125x80xi32, #tpu.memory_space<hbm>> -> memref<1x1x1x80xi32, #tpu.memory_space<hbm>>
    %dma_start3A_37 = tpu.memref_squeeze %dma_start3A_36 : memref<1x1x1x80xi32, #tpu.memory_space<hbm>> -> memref<80xi32, #tpu.memory_space<hbm>>
    %dma_start3A_38 = tpu.memref_slice %arg12[%rem3A_31] : memref<6x!tpu.dma_semaphore, #tpu.memory_space<semaphore_mem>> -> memref<1x!tpu.dma_semaphore, #tpu.memory_space<semaphore_mem>>
    %dma_start3A_39 = tpu.memref_squeeze %dma_start3A_38 : memref<1x!tpu.dma_semaphore, #tpu.memory_space<semaphore_mem>> -> memref<!tpu.dma_semaphore, #tpu.memory_space<semaphore_mem>>
    %dma_start3A_40 = arith.constant 0 : i32
    %dma_start3A_41 = tpu.memref_slice %arg7[%rem3A_31, %dma_start3A_40] : memref<6x80xi32, #tpu.memory_space<vmem>> -> memref<1x80xi32, #tpu.memory_space<vmem>>
    %dma_start3A_42 = tpu.memref_squeeze %dma_start3A_41 : memref<1x80xi32, #tpu.memory_space<vmem>> -> memref<80xi32, #tpu.memory_space<vmem>>
    %dma_start3A_43 = arith.constant 0 : i32
    %dma_start3A_44 = tpu.memref_slice %arg2[%arg0, %arg1, %dma_start3A, %dma_start3A_43] : memref<2x16x125x80xi32, #tpu.memory_space<hbm>> -> memref<1x1x1x80xi32, #tpu.memory_space<hbm>>
    %dma_start3A_45 = tpu.memref_squeeze %dma_start3A_44 : memref<1x1x1x80xi32, #tpu.memory_space<hbm>> -> memref<80xi32, #tpu.memory_space<hbm>>
    tpu.enqueue_dma source(%dma_start3A_45 : memref<80xi32, #tpu.memory_space<hbm>>) target(%dma_start3A_42 : memref<80xi32, #tpu.memory_space<vmem>>) target_semaphore(%dma_start3A_39 : memref<!tpu.dma_semaphore, #tpu.memory_space<semaphore_mem>>)
    %dma_start3A_46 = arith.constant 0 : i32
    %dma_start3A_47 = arith.constant 0 : i32
    %dma_start3A_48 = tpu.memref_slice %arg8[%rem3A_31, %dma_start3A_47] : memref<6x80xi32, #tpu.memory_space<vmem>> -> memref<1x80xi32, #tpu.memory_space<vmem>>
    %dma_start3A_49 = tpu.memref_squeeze %dma_start3A_48 : memref<1x80xi32, #tpu.memory_space<vmem>> -> memref<80xi32, #tpu.memory_space<vmem>>
    %dma_start3A_50 = arith.constant 0 : i32
    %dma_start3A_51 = tpu.memref_slice %arg3[%arg1, %dma_start3A_46, %dma_start3A_50] : memref<16x125x80xi32, #tpu.memory_space<hbm>> -> memref<1x1x80xi32, #tpu.memory_space<hbm>>
    %dma_start3A_52 = tpu.memref_squeeze %dma_start3A_51 : memref<1x1x80xi32, #tpu.memory_space<hbm>> -> memref<80xi32, #tpu.memory_space<hbm>>
    %dma_start3A_53 = tpu.memref_slice %arg12[%rem3A_31] : memref<6x!tpu.dma_semaphore, #tpu.memory_space<semaphore_mem>> -> memref<1x!tpu.dma_semaphore, #tpu.memory_space<semaphore_mem>>
    %dma_start3A_54 = tpu.memref_squeeze %dma_start3A_53 : memref<1x!tpu.dma_semaphore, #tpu.memory_space<semaphore_mem>> -> memref<!tpu.dma_semaphore, #tpu.memory_space<semaphore_mem>>
    %dma_start3A_55 = arith.constant 0 : i32
    %dma_start3A_56 = tpu.memref_slice %arg8[%rem3A_31, %dma_start3A_55] : memref<6x80xi32, #tpu.memory_space<vmem>> -> memref<1x80xi32, #tpu.memory_space<vmem>>
    %dma_start3A_57 = tpu.memref_squeeze %dma_start3A_56 : memref<1x80xi32, #tpu.memory_space<vmem>> -> memref<80xi32, #tpu.memory_space<vmem>>
    %dma_start3A_58 = arith.constant 0 : i32
    %dma_start3A_59 = tpu.memref_slice %arg3[%arg1, %dma_start3A_46, %dma_start3A_58] : memref<16x125x80xi32, #tpu.memory_space<hbm>> -> memref<1x1x80xi32, #tpu.memory_space<hbm>>
    %dma_start3A_60 = tpu.memref_squeeze %dma_start3A_59 : memref<1x1x80xi32, #tpu.memory_space<hbm>> -> memref<80xi32, #tpu.memory_space<hbm>>
    tpu.enqueue_dma source(%dma_start3A_60 : memref<80xi32, #tpu.memory_space<hbm>>) target(%dma_start3A_57 : memref<80xi32, #tpu.memory_space<vmem>>) target_semaphore(%dma_start3A_54 : memref<!tpu.dma_semaphore, #tpu.memory_space<semaphore_mem>>)
    %dma_start3A_61 = arith.constant 0 : i32
    %dma_start3A_62 = arith.constant 0 : i32
    %dma_start3A_63 = tpu.memref_slice %arg9[%rem3A_31, %dma_start3A_62] : memref<6x80xf32, #tpu.memory_space<vmem>> -> memref<1x80xf32, #tpu.memory_space<vmem>>
    %dma_start3A_64 = tpu.memref_squeeze %dma_start3A_63 : memref<1x80xf32, #tpu.memory_space<vmem>> -> memref<80xf32, #tpu.memory_space<vmem>>
    %dma_start3A_65 = arith.constant 0 : i32
    %dma_start3A_66 = tpu.memref_slice %arg4[%arg1, %dma_start3A_61, %dma_start3A_65] : memref<16x125x80xf32, #tpu.memory_space<hbm>> -> memref<1x1x80xf32, #tpu.memory_space<hbm>>
    %dma_start3A_67 = tpu.memref_squeeze %dma_start3A_66 : memref<1x1x80xf32, #tpu.memory_space<hbm>> -> memref<80xf32, #tpu.memory_space<hbm>>
    %dma_start3A_68 = tpu.memref_slice %arg12[%rem3A_31] : memref<6x!tpu.dma_semaphore, #tpu.memory_space<semaphore_mem>> -> memref<1x!tpu.dma_semaphore, #tpu.memory_space<semaphore_mem>>
    %dma_start3A_69 = tpu.memref_squeeze %dma_start3A_68 : memref<1x!tpu.dma_semaphore, #tpu.memory_space<semaphore_mem>> -> memref<!tpu.dma_semaphore, #tpu.memory_space<semaphore_mem>>
    %dma_start3A_70 = arith.constant 0 : i32
    %dma_start3A_71 = tpu.memref_slice %arg9[%rem3A_31, %dma_start3A_70] : memref<6x80xf32, #tpu.memory_space<vmem>> -> memref<1x80xf32, #tpu.memory_space<vmem>>
    %dma_start3A_72 = tpu.memref_squeeze %dma_start3A_71 : memref<1x80xf32, #tpu.memory_space<vmem>> -> memref<80xf32, #tpu.memory_space<vmem>>
    %dma_start3A_73 = arith.constant 0 : i32
    %dma_start3A_74 = tpu.memref_slice %arg4[%arg1, %dma_start3A_61, %dma_start3A_73] : memref<16x125x80xf32, #tpu.memory_space<hbm>> -> memref<1x1x80xf32, #tpu.memory_space<hbm>>
    %dma_start3A_75 = tpu.memref_squeeze %dma_start3A_74 : memref<1x1x80xf32, #tpu.memory_space<hbm>> -> memref<80xf32, #tpu.memory_space<hbm>>
    tpu.enqueue_dma source(%dma_start3A_75 : memref<80xf32, #tpu.memory_space<hbm>>) target(%dma_start3A_72 : memref<80xf32, #tpu.memory_space<vmem>>) target_semaphore(%dma_start3A_69 : memref<!tpu.dma_semaphore, #tpu.memory_space<semaphore_mem>>)
    %rem3A_76 = arith.constant 1 : i32
    %rem3A_77 = arith.constant 6 : i32
    %rem3A_78 = arith.remsi %rem3A_76, %rem3A_77 : i32
    %dma_start3A_79 = arith.constant 1 : i32
    %dma_start3A_80 = arith.constant 0 : i32
    %dma_start3A_81 = tpu.memref_slice %arg7[%rem3A_78, %dma_start3A_80] : memref<6x80xi32, #tpu.memory_space<vmem>> -> memref<1x80xi32, #tpu.memory_space<vmem>>
    %dma_start3A_82 = tpu.memref_squeeze %dma_start3A_81 : memref<1x80xi32, #tpu.memory_space<vmem>> -> memref<80xi32, #tpu.memory_space<vmem>>
    %dma_start3A_83 = arith.constant 0 : i32
    %dma_start3A_84 = tpu.memref_slice %arg2[%arg0, %arg1, %dma_start3A_79, %dma_start3A_83] : memref<2x16x125x80xi32, #tpu.memory_space<hbm>> -> memref<1x1x1x80xi32, #tpu.memory_space<hbm>>
    %dma_start3A_85 = tpu.memref_squeeze %dma_start3A_84 : memref<1x1x1x80xi32, #tpu.memory_space<hbm>> -> memref<80xi32, #tpu.memory_space<hbm>>
    %dma_start3A_86 = tpu.memref_slice %arg12[%rem3A_78] : memref<6x!tpu.dma_semaphore, #tpu.memory_space<semaphore_mem>> -> memref<1x!tpu.dma_semaphore, #tpu.memory_space<semaphore_mem>>
    %dma_start3A_87 = tpu.memref_squeeze %dma_start3A_86 : memref<1x!tpu.dma_semaphore, #tpu.memory_space<semaphore_mem>> -> memref<!tpu.dma_semaphore, #tpu.memory_space<semaphore_mem>>
    %dma_start3A_88 = arith.constant 0 : i32
    %dma_start3A_89 = tpu.memref_slice %arg7[%rem3A_78, %dma_start3A_88] : memref<6x80xi32, #tpu.memory_space<vmem>> -> memref<1x80xi32, #tpu.memory_space<vmem>>
    %dma_start3A_90 = tpu.memref_squeeze %dma_start3A_89 : memref<1x80xi32, #tpu.memory_space<vmem>> -> memref<80xi32, #tpu.memory_space<vmem>>
    %dma_start3A_91 = arith.constant 0 : i32
    %dma_start3A_92 = tpu.memref_slice %arg2[%arg0, %arg1, %dma_start3A_79, %dma_start3A_91] : memref<2x16x125x80xi32, #tpu.memory_space<hbm>> -> memref<1x1x1x80xi32, #tpu.memory_space<hbm>>
    %dma_start3A_93 = tpu.memref_squeeze %dma_start3A_92 : memref<1x1x1x80xi32, #tpu.memory_space<hbm>> -> memref<80xi32, #tpu.memory_space<hbm>>
    tpu.enqueue_dma source(%dma_start3A_93 : memref<80xi32, #tpu.memory_space<hbm>>) target(%dma_start3A_90 : memref<80xi32, #tpu.memory_space<vmem>>) target_semaphore(%dma_start3A_87 : memref<!tpu.dma_semaphore, #tpu.memory_space<semaphore_mem>>)
    %dma_start3A_94 = arith.constant 1 : i32
    %dma_start3A_95 = arith.constant 0 : i32
    %dma_start3A_96 = tpu.memref_slice %arg8[%rem3A_78, %dma_start3A_95] : memref<6x80xi32, #tpu.memory_space<vmem>> -> memref<1x80xi32, #tpu.memory_space<vmem>>
    %dma_start3A_97 = tpu.memref_squeeze %dma_start3A_96 : memref<1x80xi32, #tpu.memory_space<vmem>> -> memref<80xi32, #tpu.memory_space<vmem>>
    %dma_start3A_98 = arith.constant 0 : i32
    %dma_start3A_99 = tpu.memref_slice %arg3[%arg1, %dma_start3A_94, %dma_start3A_98] : memref<16x125x80xi32, #tpu.memory_space<hbm>> -> memref<1x1x80xi32, #tpu.memory_space<hbm>>
    %dma_start3A_100 = tpu.memref_squeeze %dma_start3A_99 : memref<1x1x80xi32, #tpu.memory_space<hbm>> -> memref<80xi32, #tpu.memory_space<hbm>>
    %dma_start3A_101 = tpu.memref_slice %arg12[%rem3A_78] : memref<6x!tpu.dma_semaphore, #tpu.memory_space<semaphore_mem>> -> memref<1x!tpu.dma_semaphore, #tpu.memory_space<semaphore_mem>>
    %dma_start3A_102 = tpu.memref_squeeze %dma_start3A_101 : memref<1x!tpu.dma_semaphore, #tpu.memory_space<semaphore_mem>> -> memref<!tpu.dma_semaphore, #tpu.memory_space<semaphore_mem>>
    %dma_start3A_103 = arith.constant 0 : i32
    %dma_start3A_104 = tpu.memref_slice %arg8[%rem3A_78, %dma_start3A_103] : memref<6x80xi32, #tpu.memory_space<vmem>> -> memref<1x80xi32, #tpu.memory_space<vmem>>
    %dma_start3A_105 = tpu.memref_squeeze %dma_start3A_104 : memref<1x80xi32, #tpu.memory_space<vmem>> -> memref<80xi32, #tpu.memory_space<vmem>>
    %dma_start3A_106 = arith.constant 0 : i32
    %dma_start3A_107 = tpu.memref_slice %arg3[%arg1, %dma_start3A_94, %dma_start3A_106] : memref<16x125x80xi32, #tpu.memory_space<hbm>> -> memref<1x1x80xi32, #tpu.memory_space<hbm>>
    %dma_start3A_108 = tpu.memref_squeeze %dma_start3A_107 : memref<1x1x80xi32, #tpu.memory_space<hbm>> -> memref<80xi32, #tpu.memory_space<hbm>>
    tpu.enqueue_dma source(%dma_start3A_108 : memref<80xi32, #tpu.memory_space<hbm>>) target(%dma_start3A_105 : memref<80xi32, #tpu.memory_space<vmem>>) target_semaphore(%dma_start3A_102 : memref<!tpu.dma_semaphore, #tpu.memory_space<semaphore_mem>>)
    %dma_start3A_109 = arith.constant 1 : i32
    %dma_start3A_110 = arith.constant 0 : i32
    %dma_start3A_111 = tpu.memref_slice %arg9[%rem3A_78, %dma_start3A_110] : memref<6x80xf32, #tpu.memory_space<vmem>> -> memref<1x80xf32, #tpu.memory_space<vmem>>
    %dma_start3A_112 = tpu.memref_squeeze %dma_start3A_111 : memref<1x80xf32, #tpu.memory_space<vmem>> -> memref<80xf32, #tpu.memory_space<vmem>>
    %dma_start3A_113 = arith.constant 0 : i32
    %dma_start3A_114 = tpu.memref_slice %arg4[%arg1, %dma_start3A_109, %dma_start3A_113] : memref<16x125x80xf32, #tpu.memory_space<hbm>> -> memref<1x1x80xf32, #tpu.memory_space<hbm>>
    %dma_start3A_115 = tpu.memref_squeeze %dma_start3A_114 : memref<1x1x80xf32, #tpu.memory_space<hbm>> -> memref<80xf32, #tpu.memory_space<hbm>>
    %dma_start3A_116 = tpu.memref_slice %arg12[%rem3A_78] : memref<6x!tpu.dma_semaphore, #tpu.memory_space<semaphore_mem>> -> memref<1x!tpu.dma_semaphore, #tpu.memory_space<semaphore_mem>>
    %dma_start3A_117 = tpu.memref_squeeze %dma_start3A_116 : memref<1x!tpu.dma_semaphore, #tpu.memory_space<semaphore_mem>> -> memref<!tpu.dma_semaphore, #tpu.memory_space<semaphore_mem>>
    %dma_start3A_118 = arith.constant 0 : i32
    %dma_start3A_119 = tpu.memref_slice %arg9[%rem3A_78, %dma_start3A_118] : memref<6x80xf32, #tpu.memory_space<vmem>> -> memref<1x80xf32, #tpu.memory_space<vmem>>
    %dma_start3A_120 = tpu.memref_squeeze %dma_start3A_119 : memref<1x80xf32, #tpu.memory_space<vmem>> -> memref<80xf32, #tpu.memory_space<vmem>>
    %dma_start3A_121 = arith.constant 0 : i32
    %dma_start3A_122 = tpu.memref_slice %arg4[%arg1, %dma_start3A_109, %dma_start3A_121] : memref<16x125x80xf32, #tpu.memory_space<hbm>> -> memref<1x1x80xf32, #tpu.memory_space<hbm>>
    %dma_start3A_123 = tpu.memref_squeeze %dma_start3A_122 : memref<1x1x80xf32, #tpu.memory_space<hbm>> -> memref<80xf32, #tpu.memory_space<hbm>>
    tpu.enqueue_dma source(%dma_start3A_123 : memref<80xf32, #tpu.memory_space<hbm>>) target(%dma_start3A_120 : memref<80xf32, #tpu.memory_space<vmem>>) target_semaphore(%dma_start3A_117 : memref<!tpu.dma_semaphore, #tpu.memory_space<semaphore_mem>>)
    %rem3A_124 = arith.constant 2 : i32
    %rem3A_125 = arith.constant 6 : i32
    %rem3A_126 = arith.remsi %rem3A_124, %rem3A_125 : i32
    %dma_start3A_127 = arith.constant 2 : i32
    %dma_start3A_128 = arith.constant 0 : i32
    %dma_start3A_129 = tpu.memref_slice %arg7[%rem3A_126, %dma_start3A_128] : memref<6x80xi32, #tpu.memory_space<vmem>> -> memref<1x80xi32, #tpu.memory_space<vmem>>
    %dma_start3A_130 = tpu.memref_squeeze %dma_start3A_129 : memref<1x80xi32, #tpu.memory_space<vmem>> -> memref<80xi32, #tpu.memory_space<vmem>>
    %dma_start3A_131 = arith.constant 0 : i32
    %dma_start3A_132 = tpu.memref_slice %arg2[%arg0, %arg1, %dma_start3A_127, %dma_start3A_131] : memref<2x16x125x80xi32, #tpu.memory_space<hbm>> -> memref<1x1x1x80xi32, #tpu.memory_space<hbm>>
    %dma_start3A_133 = tpu.memref_squeeze %dma_start3A_132 : memref<1x1x1x80xi32, #tpu.memory_space<hbm>> -> memref<80xi32, #tpu.memory_space<hbm>>
    %dma_start3A_134 = tpu.memref_slice %arg12[%rem3A_126] : memref<6x!tpu.dma_semaphore, #tpu.memory_space<semaphore_mem>> -> memref<1x!tpu.dma_semaphore, #tpu.memory_space<semaphore_mem>>
    %dma_start3A_135 = tpu.memref_squeeze %dma_start3A_134 : memref<1x!tpu.dma_semaphore, #tpu.memory_space<semaphore_mem>> -> memref<!tpu.dma_semaphore, #tpu.memory_space<semaphore_mem>>
    %dma_start3A_136 = arith.constant 0 : i32
    %dma_start3A_137 = tpu.memref_slice %arg7[%rem3A_126, %dma_start3A_136] : memref<6x80xi32, #tpu.memory_space<vmem>> -> memref<1x80xi32, #tpu.memory_space<vmem>>
    %dma_start3A_138 = tpu.memref_squeeze %dma_start3A_137 : memref<1x80xi32, #tpu.memory_space<vmem>> -> memref<80xi32, #tpu.memory_space<vmem>>
    %dma_start3A_139 = arith.constant 0 : i32
    %dma_start3A_140 = tpu.memref_slice %arg2[%arg0, %arg1, %dma_start3A_127, %dma_start3A_139] : memref<2x16x125x80xi32, #tpu.memory_space<hbm>> -> memref<1x1x1x80xi32, #tpu.memory_space<hbm>>
    %dma_start3A_141 = tpu.memref_squeeze %dma_start3A_140 : memref<1x1x1x80xi32, #tpu.memory_space<hbm>> -> memref<80xi32, #tpu.memory_space<hbm>>
    tpu.enqueue_dma source(%dma_start3A_141 : memref<80xi32, #tpu.memory_space<hbm>>) target(%dma_start3A_138 : memref<80xi32, #tpu.memory_space<vmem>>) target_semaphore(%dma_start3A_135 : memref<!tpu.dma_semaphore, #tpu.memory_space<semaphore_mem>>)
    %dma_start3A_142 = arith.constant 2 : i32
    %dma_start3A_143 = arith.constant 0 : i32
    %dma_start3A_144 = tpu.memref_slice %arg8[%rem3A_126, %dma_start3A_143] : memref<6x80xi32, #tpu.memory_space<vmem>> -> memref<1x80xi32, #tpu.memory_space<vmem>>
    %dma_start3A_145 = tpu.memref_squeeze %dma_start3A_144 : memref<1x80xi32, #tpu.memory_space<vmem>> -> memref<80xi32, #tpu.memory_space<vmem>>
    %dma_start3A_146 = arith.constant 0 : i32
    %dma_start3A_147 = tpu.memref_slice %arg3[%arg1, %dma_start3A_142, %dma_start3A_146] : memref<16x125x80xi32, #tpu.memory_space<hbm>> -> memref<1x1x80xi32, #tpu.memory_space<hbm>>
    %dma_start3A_148 = tpu.memref_squeeze %dma_start3A_147 : memref<1x1x80xi32, #tpu.memory_space<hbm>> -> memref<80xi32, #tpu.memory_space<hbm>>
    %dma_start3A_149 = tpu.memref_slice %arg12[%rem3A_126] : memref<6x!tpu.dma_semaphore, #tpu.memory_space<semaphore_mem>> -> memref<1x!tpu.dma_semaphore, #tpu.memory_space<semaphore_mem>>
    %dma_start3A_150 = tpu.memref_squeeze %dma_start3A_149 : memref<1x!tpu.dma_semaphore, #tpu.memory_space<semaphore_mem>> -> memref<!tpu.dma_semaphore, #tpu.memory_space<semaphore_mem>>
    %dma_start3A_151 = arith.constant 0 : i32
    %dma_start3A_152 = tpu.memref_slice %arg8[%rem3A_126, %dma_start3A_151] : memref<6x80xi32, #tpu.memory_space<vmem>> -> memref<1x80xi32, #tpu.memory_space<vmem>>
    %dma_start3A_153 = tpu.memref_squeeze %dma_start3A_152 : memref<1x80xi32, #tpu.memory_space<vmem>> -> memref<80xi32, #tpu.memory_space<vmem>>
    %dma_start3A_154 = arith.constant 0 : i32
    %dma_start3A_155 = tpu.memref_slice %arg3[%arg1, %dma_start3A_142, %dma_start3A_154] : memref<16x125x80xi32, #tpu.memory_space<hbm>> -> memref<1x1x80xi32, #tpu.memory_space<hbm>>
    %dma_start3A_156 = tpu.memref_squeeze %dma_start3A_155 : memref<1x1x80xi32, #tpu.memory_space<hbm>> -> memref<80xi32, #tpu.memory_space<hbm>>
    tpu.enqueue_dma source(%dma_start3A_156 : memref<80xi32, #tpu.memory_space<hbm>>) target(%dma_start3A_153 : memref<80xi32, #tpu.memory_space<vmem>>) target_semaphore(%dma_start3A_150 : memref<!tpu.dma_semaphore, #tpu.memory_space<semaphore_mem>>)
    %dma_start3A_157 = arith.constant 2 : i32
    %dma_start3A_158 = arith.constant 0 : i32
    %dma_start3A_159 = tpu.memref_slice %arg9[%rem3A_126, %dma_start3A_158] : memref<6x80xf32, #tpu.memory_space<vmem>> -> memref<1x80xf32, #tpu.memory_space<vmem>>
    %dma_start3A_160 = tpu.memref_squeeze %dma_start3A_159 : memref<1x80xf32, #tpu.memory_space<vmem>> -> memref<80xf32, #tpu.memory_space<vmem>>
    %dma_start3A_161 = arith.constant 0 : i32
    %dma_start3A_162 = tpu.memref_slice %arg4[%arg1, %dma_start3A_157, %dma_start3A_161] : memref<16x125x80xf32, #tpu.memory_space<hbm>> -> memref<1x1x80xf32, #tpu.memory_space<hbm>>
    %dma_start3A_163 = tpu.memref_squeeze %dma_start3A_162 : memref<1x1x80xf32, #tpu.memory_space<hbm>> -> memref<80xf32, #tpu.memory_space<hbm>>
    %dma_start3A_164 = tpu.memref_slice %arg12[%rem3A_126] : memref<6x!tpu.dma_semaphore, #tpu.memory_space<semaphore_mem>> -> memref<1x!tpu.dma_semaphore, #tpu.memory_space<semaphore_mem>>
    %dma_start3A_165 = tpu.memref_squeeze %dma_start3A_164 : memref<1x!tpu.dma_semaphore, #tpu.memory_space<semaphore_mem>> -> memref<!tpu.dma_semaphore, #tpu.memory_space<semaphore_mem>>
    %dma_start3A_166 = arith.constant 0 : i32
    %dma_start3A_167 = tpu.memref_slice %arg9[%rem3A_126, %dma_start3A_166] : memref<6x80xf32, #tpu.memory_space<vmem>> -> memref<1x80xf32, #tpu.memory_space<vmem>>
    %dma_start3A_168 = tpu.memref_squeeze %dma_start3A_167 : memref<1x80xf32, #tpu.memory_space<vmem>> -> memref<80xf32, #tpu.memory_space<vmem>>
    %dma_start3A_169 = arith.constant 0 : i32
    %dma_start3A_170 = tpu.memref_slice %arg4[%arg1, %dma_start3A_157, %dma_start3A_169] : memref<16x125x80xf32, #tpu.memory_space<hbm>> -> memref<1x1x80xf32, #tpu.memory_space<hbm>>
    %dma_start3A_171 = tpu.memref_squeeze %dma_start3A_170 : memref<1x1x80xf32, #tpu.memory_space<hbm>> -> memref<80xf32, #tpu.memory_space<hbm>>
    tpu.enqueue_dma source(%dma_start3A_171 : memref<80xf32, #tpu.memory_space<hbm>>) target(%dma_start3A_168 : memref<80xf32, #tpu.memory_space<vmem>>) target_semaphore(%dma_start3A_165 : memref<!tpu.dma_semaphore, #tpu.memory_space<semaphore_mem>>)
    %rem3A_172 = arith.constant 0 : i32
    %rem3A_173 = arith.constant 6 : i32
    %rem3A_174 = arith.remsi %rem3A_172, %rem3A_173 : i32
    %dma_wait3A = arith.constant 0 : i32
    %dma_wait3A_175 = arith.constant 0 : i32
    %dma_wait3A_176 = tpu.memref_slice %arg7[%rem3A_174, %dma_wait3A_175] : memref<6x80xi32, #tpu.memory_space<vmem>> -> memref<1x80xi32, #tpu.memory_space<vmem>>
    %dma_wait3A_177 = tpu.memref_squeeze %dma_wait3A_176 : memref<1x80xi32, #tpu.memory_space<vmem>> -> memref<80xi32, #tpu.memory_space<vmem>>
    %dma_wait3A_178 = arith.constant 0 : i32
    %dma_wait3A_179 = tpu.memref_slice %arg2[%arg0, %arg1, %dma_wait3A, %dma_wait3A_178] : memref<2x16x125x80xi32, #tpu.memory_space<hbm>> -> memref<1x1x1x80xi32, #tpu.memory_space<hbm>>
    %dma_wait3A_180 = tpu.memref_squeeze %dma_wait3A_179 : memref<1x1x1x80xi32, #tpu.memory_space<hbm>> -> memref<80xi32, #tpu.memory_space<hbm>>
    %dma_wait3A_181 = tpu.memref_slice %arg12[%rem3A_174] : memref<6x!tpu.dma_semaphore, #tpu.memory_space<semaphore_mem>> -> memref<1x!tpu.dma_semaphore, #tpu.memory_space<semaphore_mem>>
    %dma_wait3A_182 = tpu.memref_squeeze %dma_wait3A_181 : memref<1x!tpu.dma_semaphore, #tpu.memory_space<semaphore_mem>> -> memref<!tpu.dma_semaphore, #tpu.memory_space<semaphore_mem>>
    %dma_wait3A_183 = arith.constant 0 : i32
    %dma_wait3A_184 = tpu.memref_slice %arg7[%rem3A_174, %dma_wait3A_183] : memref<6x80xi32, #tpu.memory_space<vmem>> -> memref<1x80xi32, #tpu.memory_space<vmem>>
    %dma_wait3A_185 = tpu.memref_squeeze %dma_wait3A_184 : memref<1x80xi32, #tpu.memory_space<vmem>> -> memref<80xi32, #tpu.memory_space<vmem>>
    %dma_wait3A_186 = arith.constant 0 : i32
    %dma_wait3A_187 = tpu.memref_slice %arg2[%arg0, %arg1, %dma_wait3A, %dma_wait3A_186] : memref<2x16x125x80xi32, #tpu.memory_space<hbm>> -> memref<1x1x1x80xi32, #tpu.memory_space<hbm>>
    %dma_wait3A_188 = tpu.memref_squeeze %dma_wait3A_187 : memref<1x1x1x80xi32, #tpu.memory_space<hbm>> -> memref<80xi32, #tpu.memory_space<hbm>>
    tpu.wait_dma2 semaphore(%dma_wait3A_182 : memref<!tpu.dma_semaphore, #tpu.memory_space<semaphore_mem>>) src(%dma_wait3A_188 : memref<80xi32, #tpu.memory_space<hbm>>) dst(%dma_wait3A_185 : memref<80xi32, #tpu.memory_space<vmem>>)
    %dma_wait3A_189 = arith.constant 0 : i32
    %dma_wait3A_190 = arith.constant 0 : i32
    %dma_wait3A_191 = tpu.memref_slice %arg8[%rem3A_174, %dma_wait3A_190] : memref<6x80xi32, #tpu.memory_space<vmem>> -> memref<1x80xi32, #tpu.memory_space<vmem>>
    %dma_wait3A_192 = tpu.memref_squeeze %dma_wait3A_191 : memref<1x80xi32, #tpu.memory_space<vmem>> -> memref<80xi32, #tpu.memory_space<vmem>>
    %dma_wait3A_193 = arith.constant 0 : i32
    %dma_wait3A_194 = tpu.memref_slice %arg3[%arg1, %dma_wait3A_189, %dma_wait3A_193] : memref<16x125x80xi32, #tpu.memory_space<hbm>> -> memref<1x1x80xi32, #tpu.memory_space<hbm>>
    %dma_wait3A_195 = tpu.memref_squeeze %dma_wait3A_194 : memref<1x1x80xi32, #tpu.memory_space<hbm>> -> memref<80xi32, #tpu.memory_space<hbm>>
    %dma_wait3A_196 = tpu.memref_slice %arg12[%rem3A_174] : memref<6x!tpu.dma_semaphore, #tpu.memory_space<semaphore_mem>> -> memref<1x!tpu.dma_semaphore, #tpu.memory_space<semaphore_mem>>
    %dma_wait3A_197 = tpu.memref_squeeze %dma_wait3A_196 : memref<1x!tpu.dma_semaphore, #tpu.memory_space<semaphore_mem>> -> memref<!tpu.dma_semaphore, #tpu.memory_space<semaphore_mem>>
    %dma_wait3A_198 = arith.constant 0 : i32
    %dma_wait3A_199 = tpu.memref_slice %arg8[%rem3A_174, %dma_wait3A_198] : memref<6x80xi32, #tpu.memory_space<vmem>> -> memref<1x80xi32, #tpu.memory_space<vmem>>
    %dma_wait3A_200 = tpu.memref_squeeze %dma_wait3A_199 : memref<1x80xi32, #tpu.memory_space<vmem>> -> memref<80xi32, #tpu.memory_space<vmem>>
    %dma_wait3A_201 = arith.constant 0 : i32
    %dma_wait3A_202 = tpu.memref_slice %arg3[%arg1, %dma_wait3A_189, %dma_wait3A_201] : memref<16x125x80xi32, #tpu.memory_space<hbm>> -> memref<1x1x80xi32, #tpu.memory_space<hbm>>
    %dma_wait3A_203 = tpu.memref_squeeze %dma_wait3A_202 : memref<1x1x80xi32, #tpu.memory_space<hbm>> -> memref<80xi32, #tpu.memory_space<hbm>>
    tpu.wait_dma2 semaphore(%dma_wait3A_197 : memref<!tpu.dma_semaphore, #tpu.memory_space<semaphore_mem>>) src(%dma_wait3A_203 : memref<80xi32, #tpu.memory_space<hbm>>) dst(%dma_wait3A_200 : memref<80xi32, #tpu.memory_space<vmem>>)
    %dma_wait3A_204 = arith.constant 0 : i32
    %dma_wait3A_205 = arith.constant 0 : i32
    %dma_wait3A_206 = tpu.memref_slice %arg9[%rem3A_174, %dma_wait3A_205] : memref<6x80xf32, #tpu.memory_space<vmem>> -> memref<1x80xf32, #tpu.memory_space<vmem>>
    %dma_wait3A_207 = tpu.memref_squeeze %dma_wait3A_206 : memref<1x80xf32, #tpu.memory_space<vmem>> -> memref<80xf32, #tpu.memory_space<vmem>>
    %dma_wait3A_208 = arith.constant 0 : i32
    %dma_wait3A_209 = tpu.memref_slice %arg4[%arg1, %dma_wait3A_204, %dma_wait3A_208] : memref<16x125x80xf32, #tpu.memory_space<hbm>> -> memref<1x1x80xf32, #tpu.memory_space<hbm>>
    %dma_wait3A_210 = tpu.memref_squeeze %dma_wait3A_209 : memref<1x1x80xf32, #tpu.memory_space<hbm>> -> memref<80xf32, #tpu.memory_space<hbm>>
    %dma_wait3A_211 = tpu.memref_slice %arg12[%rem3A_174] : memref<6x!tpu.dma_semaphore, #tpu.memory_space<semaphore_mem>> -> memref<1x!tpu.dma_semaphore, #tpu.memory_space<semaphore_mem>>
    %dma_wait3A_212 = tpu.memref_squeeze %dma_wait3A_211 : memref<1x!tpu.dma_semaphore, #tpu.memory_space<semaphore_mem>> -> memref<!tpu.dma_semaphore, #tpu.memory_space<semaphore_mem>>
    %dma_wait3A_213 = arith.constant 0 : i32
    %dma_wait3A_214 = tpu.memref_slice %arg9[%rem3A_174, %dma_wait3A_213] : memref<6x80xf32, #tpu.memory_space<vmem>> -> memref<1x80xf32, #tpu.memory_space<vmem>>
    %dma_wait3A_215 = tpu.memref_squeeze %dma_wait3A_214 : memref<1x80xf32, #tpu.memory_space<vmem>> -> memref<80xf32, #tpu.memory_space<vmem>>
    %dma_wait3A_216 = arith.constant 0 : i32
    %dma_wait3A_217 = tpu.memref_slice %arg4[%arg1, %dma_wait3A_204, %dma_wait3A_216] : memref<16x125x80xf32, #tpu.memory_space<hbm>> -> memref<1x1x80xf32, #tpu.memory_space<hbm>>
    %dma_wait3A_218 = tpu.memref_squeeze %dma_wait3A_217 : memref<1x1x80xf32, #tpu.memory_space<hbm>> -> memref<80xf32, #tpu.memory_space<hbm>>
    tpu.wait_dma2 semaphore(%dma_wait3A_212 : memref<!tpu.dma_semaphore, #tpu.memory_space<semaphore_mem>>) src(%dma_wait3A_218 : memref<80xf32, #tpu.memory_space<hbm>>) dst(%dma_wait3A_215 : memref<80xf32, #tpu.memory_space<vmem>>)
    %rem3A_219 = arith.constant 0 : i32
    %rem3A_220 = arith.constant 3 : i32
    %rem3A_221 = arith.remsi %rem3A_219, %rem3A_220 : i32
    %rem3A_222 = arith.constant 0 : i32
    %rem3A_223 = arith.constant 6 : i32
    %rem3A_224 = arith.remsi %rem3A_222, %rem3A_223 : i32
    %dma_start3A_225 = arith.constant 0 : i32
    %dma_start3A_226 = arith.constant 0 : i32
    %dma_start3A_227 = tpu.memref_slice %arg10[%rem3A_221, %dma_start3A_225, %dma_start3A_226] : memref<3x80x128xf32, #tpu.memory_space<vmem>> -> memref<1x80x128xf32, #tpu.memory_space<vmem>>
    %dma_start3A_228 = tpu.memref_squeeze %dma_start3A_227 : memref<1x80x128xf32, #tpu.memory_space<vmem>> -> memref<80x128xf32, #tpu.memory_space<vmem>>
    %dma_start3A_229 = arith.constant 0 : i32
    %dma_start3A_230 = tpu.memref_slice %arg7[%rem3A_224, %dma_start3A_229] : memref<6x80xi32, #tpu.memory_space<vmem>> -> memref<1x80xi32, #tpu.memory_space<vmem>>
    %dma_start3A_231 = tpu.memref_squeeze %dma_start3A_230 : memref<1x80xi32, #tpu.memory_space<vmem>> -> memref<80xi32, #tpu.memory_space<vmem>>
    %dma_start3A_232 = arith.constant 0 : i32
    %dma_start3A_233 = arith.constant 0 : i32
    %dma_start3A_234 = tpu.memref_slice %arg5[%dma_start3A_232, %dma_start3A_233] : memref<20000x128xf32, #tpu.memory_space<hbm>> -> memref<20000x128xf32, #tpu.memory_space<hbm>>
    %dma_start3A_235 = tpu.memref_slice %arg13[%rem3A_221] : memref<3x!tpu.dma_semaphore, #tpu.memory_space<semaphore_mem>> -> memref<1x!tpu.dma_semaphore, #tpu.memory_space<semaphore_mem>>
    %dma_start3A_236 = tpu.memref_squeeze %dma_start3A_235 : memref<1x!tpu.dma_semaphore, #tpu.memory_space<semaphore_mem>> -> memref<!tpu.dma_semaphore, #tpu.memory_space<semaphore_mem>>
    tpu.enqueue_indirect_dma source(%dma_start3A_234 : memref<20000x128xf32, #tpu.memory_space<hbm>>) target(%dma_start3A_228 : memref<80x128xf32, #tpu.memory_space<vmem>>) offsets(%dma_start3A_231 : memref<80xi32, #tpu.memory_space<vmem>>) semaphore(%dma_start3A_236 : memref<!tpu.dma_semaphore, #tpu.memory_space<semaphore_mem>>)
    %scan3A_237 = arith.constant 0 : i32
    %scan3A_238 = arith.constant 125 : i32
    %scan3A_239 = arith.addi %scan3A_237, %scan3A_238 : i32
    %scan3A_240 = arith.constant 1 : i32
    scf.for %scan3A_305 = %scan3A_237 to %scan3A_239 step %scan3A_240  : i32 {
      %mul3A_306 = arith.constant 1 : i32
      %mul3A_307 = arith.muli %scan3A_305, %mul3A_306 : i32
      %add3A_308 = arith.constant 0 : i32
      %add3A_309 = arith.addi %add3A_308, %mul3A_307 : i32
      %rem3A_310 = arith.constant 3 : i32
      %rem3A_311 = arith.remsi %add3A_309, %rem3A_310 : i32
      %rem3A_312 = arith.constant 6 : i32
      %rem3A_313 = arith.remsi %add3A_309, %rem3A_312 : i32
      %add3A_314 = arith.constant 1 : i32
      %add3A_315 = arith.addi %add3A_309, %add3A_314 : i32
      %lt3A = arith.constant 125 : i32
      %lt3A_316 = arith.cmpi slt, %add3A_315, %lt3A : i32
      %convert_element_type3A_317 = arith.extui %lt3A_316 : i1 to i32
      %cond3A_318 = arith.constant 0 : i32
      %cond3A_319 = arith.cmpi ne, %convert_element_type3A_317, %cond3A_318 : i32
      scf.if %cond3A_319 {
        %rem3A_362 = arith.constant 6 : i32
        %rem3A_363 = arith.remsi %add3A_315, %rem3A_362 : i32
        %dma_wait3A_364 = arith.constant 0 : i32
        %dma_wait3A_365 = tpu.memref_slice %arg7[%rem3A_363, %dma_wait3A_364] : memref<6x80xi32, #tpu.memory_space<vmem>> -> memref<1x80xi32, #tpu.memory_space<vmem>>
        %dma_wait3A_366 = tpu.memref_squeeze %dma_wait3A_365 : memref<1x80xi32, #tpu.memory_space<vmem>> -> memref<80xi32, #tpu.memory_space<vmem>>
        %dma_wait3A_367 = arith.constant 0 : i32
        %dma_wait3A_368 = tpu.memref_slice %arg2[%arg0, %arg1, %add3A_315, %dma_wait3A_367] : memref<2x16x125x80xi32, #tpu.memory_space<hbm>> -> memref<1x1x1x80xi32, #tpu.memory_space<hbm>>
        %dma_wait3A_369 = tpu.memref_squeeze %dma_wait3A_368 : memref<1x1x1x80xi32, #tpu.memory_space<hbm>> -> memref<80xi32, #tpu.memory_space<hbm>>
        %dma_wait3A_370 = tpu.memref_slice %arg12[%rem3A_363] : memref<6x!tpu.dma_semaphore, #tpu.memory_space<semaphore_mem>> -> memref<1x!tpu.dma_semaphore, #tpu.memory_space<semaphore_mem>>
        %dma_wait3A_371 = tpu.memref_squeeze %dma_wait3A_370 : memref<1x!tpu.dma_semaphore, #tpu.memory_space<semaphore_mem>> -> memref<!tpu.dma_semaphore, #tpu.memory_space<semaphore_mem>>
        %dma_wait3A_372 = arith.constant 0 : i32
        %dma_wait3A_373 = tpu.memref_slice %arg7[%rem3A_363, %dma_wait3A_372] : memref<6x80xi32, #tpu.memory_space<vmem>> -> memref<1x80xi32, #tpu.memory_space<vmem>>
        %dma_wait3A_374 = tpu.memref_squeeze %dma_wait3A_373 : memref<1x80xi32, #tpu.memory_space<vmem>> -> memref<80xi32, #tpu.memory_space<vmem>>
        %dma_wait3A_375 = arith.constant 0 : i32
        %dma_wait3A_376 = tpu.memref_slice %arg2[%arg0, %arg1, %add3A_315, %dma_wait3A_375] : memref<2x16x125x80xi32, #tpu.memory_space<hbm>> -> memref<1x1x1x80xi32, #tpu.memory_space<hbm>>
        %dma_wait3A_377 = tpu.memref_squeeze %dma_wait3A_376 : memref<1x1x1x80xi32, #tpu.memory_space<hbm>> -> memref<80xi32, #tpu.memory_space<hbm>>
        tpu.wait_dma2 semaphore(%dma_wait3A_371 : memref<!tpu.dma_semaphore, #tpu.memory_space<semaphore_mem>>) src(%dma_wait3A_377 : memref<80xi32, #tpu.memory_space<hbm>>) dst(%dma_wait3A_374 : memref<80xi32, #tpu.memory_space<vmem>>)
        %dma_wait3A_378 = arith.constant 0 : i32
        %dma_wait3A_379 = tpu.memref_slice %arg8[%rem3A_363, %dma_wait3A_378] : memref<6x80xi32, #tpu.memory_space<vmem>> -> memref<1x80xi32, #tpu.memory_space<vmem>>
        %dma_wait3A_380 = tpu.memref_squeeze %dma_wait3A_379 : memref<1x80xi32, #tpu.memory_space<vmem>> -> memref<80xi32, #tpu.memory_space<vmem>>
        %dma_wait3A_381 = arith.constant 0 : i32
        %dma_wait3A_382 = tpu.memref_slice %arg3[%arg1, %add3A_315, %dma_wait3A_381] : memref<16x125x80xi32, #tpu.memory_space<hbm>> -> memref<1x1x80xi32, #tpu.memory_space<hbm>>
        %dma_wait3A_383 = tpu.memref_squeeze %dma_wait3A_382 : memref<1x1x80xi32, #tpu.memory_space<hbm>> -> memref<80xi32, #tpu.memory_space<hbm>>
        %dma_wait3A_384 = tpu.memref_slice %arg12[%rem3A_363] : memref<6x!tpu.dma_semaphore, #tpu.memory_space<semaphore_mem>> -> memref<1x!tpu.dma_semaphore, #tpu.memory_space<semaphore_mem>>
        %dma_wait3A_385 = tpu.memref_squeeze %dma_wait3A_384 : memref<1x!tpu.dma_semaphore, #tpu.memory_space<semaphore_mem>> -> memref<!tpu.dma_semaphore, #tpu.memory_space<semaphore_mem>>
        %dma_wait3A_386 = arith.constant 0 : i32
        %dma_wait3A_387 = tpu.memref_slice %arg8[%rem3A_363, %dma_wait3A_386] : memref<6x80xi32, #tpu.memory_space<vmem>> -> memref<1x80xi32, #tpu.memory_space<vmem>>
        %dma_wait3A_388 = tpu.memref_squeeze %dma_wait3A_387 : memref<1x80xi32, #tpu.memory_space<vmem>> -> memref<80xi32, #tpu.memory_space<vmem>>
        %dma_wait3A_389 = arith.constant 0 : i32
        %dma_wait3A_390 = tpu.memref_slice %arg3[%arg1, %add3A_315, %dma_wait3A_389] : memref<16x125x80xi32, #tpu.memory_space<hbm>> -> memref<1x1x80xi32, #tpu.memory_space<hbm>>
        %dma_wait3A_391 = tpu.memref_squeeze %dma_wait3A_390 : memref<1x1x80xi32, #tpu.memory_space<hbm>> -> memref<80xi32, #tpu.memory_space<hbm>>
        tpu.wait_dma2 semaphore(%dma_wait3A_385 : memref<!tpu.dma_semaphore, #tpu.memory_space<semaphore_mem>>) src(%dma_wait3A_391 : memref<80xi32, #tpu.memory_space<hbm>>) dst(%dma_wait3A_388 : memref<80xi32, #tpu.memory_space<vmem>>)
        %dma_wait3A_392 = arith.constant 0 : i32
        %dma_wait3A_393 = tpu.memref_slice %arg9[%rem3A_363, %dma_wait3A_392] : memref<6x80xf32, #tpu.memory_space<vmem>> -> memref<1x80xf32, #tpu.memory_space<vmem>>
        %dma_wait3A_394 = tpu.memref_squeeze %dma_wait3A_393 : memref<1x80xf32, #tpu.memory_space<vmem>> -> memref<80xf32, #tpu.memory_space<vmem>>
        %dma_wait3A_395 = arith.constant 0 : i32
        %dma_wait3A_396 = tpu.memref_slice %arg4[%arg1, %add3A_315, %dma_wait3A_395] : memref<16x125x80xf32, #tpu.memory_space<hbm>> -> memref<1x1x80xf32, #tpu.memory_space<hbm>>
        %dma_wait3A_397 = tpu.memref_squeeze %dma_wait3A_396 : memref<1x1x80xf32, #tpu.memory_space<hbm>> -> memref<80xf32, #tpu.memory_space<hbm>>
        %dma_wait3A_398 = tpu.memref_slice %arg12[%rem3A_363] : memref<6x!tpu.dma_semaphore, #tpu.memory_space<semaphore_mem>> -> memref<1x!tpu.dma_semaphore, #tpu.memory_space<semaphore_mem>>
        %dma_wait3A_399 = tpu.memref_squeeze %dma_wait3A_398 : memref<1x!tpu.dma_semaphore, #tpu.memory_space<semaphore_mem>> -> memref<!tpu.dma_semaphore, #tpu.memory_space<semaphore_mem>>
        %dma_wait3A_400 = arith.constant 0 : i32
        %dma_wait3A_401 = tpu.memref_slice %arg9[%rem3A_363, %dma_wait3A_400] : memref<6x80xf32, #tpu.memory_space<vmem>> -> memref<1x80xf32, #tpu.memory_space<vmem>>
        %dma_wait3A_402 = tpu.memref_squeeze %dma_wait3A_401 : memref<1x80xf32, #tpu.memory_space<vmem>> -> memref<80xf32, #tpu.memory_space<vmem>>
        %dma_wait3A_403 = arith.constant 0 : i32
        %dma_wait3A_404 = tpu.memref_slice %arg4[%arg1, %add3A_315, %dma_wait3A_403] : memref<16x125x80xf32, #tpu.memory_space<hbm>> -> memref<1x1x80xf32, #tpu.memory_space<hbm>>
        %dma_wait3A_405 = tpu.memref_squeeze %dma_wait3A_404 : memref<1x1x80xf32, #tpu.memory_space<hbm>> -> memref<80xf32, #tpu.memory_space<hbm>>
        tpu.wait_dma2 semaphore(%dma_wait3A_399 : memref<!tpu.dma_semaphore, #tpu.memory_space<semaphore_mem>>) src(%dma_wait3A_405 : memref<80xf32, #tpu.memory_space<hbm>>) dst(%dma_wait3A_402 : memref<80xf32, #tpu.memory_space<vmem>>)
        %ge3A = arith.constant 3 : i32
        %ge3A_406 = arith.cmpi sge, %add3A_315, %ge3A : i32
        %convert_element_type3A_407 = arith.extui %ge3A_406 : i1 to i32
        %cond3A_408 = arith.constant 0 : i32
        %cond3A_409 = arith.cmpi ne, %convert_element_type3A_407, %cond3A_408 : i32
        scf.if %cond3A_409 {
          %sub3A = arith.constant 3 : i32
          %sub3A_426 = arith.subi %add3A_315, %sub3A : i32
          %rem3A_427 = arith.constant 3 : i32
          %rem3A_428 = arith.remsi %sub3A_426, %rem3A_427 : i32
          %rem3A_429 = arith.constant 6 : i32
          %rem3A_430 = arith.remsi %sub3A_426, %rem3A_429 : i32
          %dma_wait3A_431 = arith.constant 0 : i32
          %dma_wait3A_432 = arith.constant 0 : i32
          %dma_wait3A_433 = tpu.memref_slice %arg10[%rem3A_428, %dma_wait3A_431, %dma_wait3A_432] : memref<3x80x128xf32, #tpu.memory_space<vmem>> -> memref<1x80x128xf32, #tpu.memory_space<vmem>>
          %dma_wait3A_434 = tpu.memref_squeeze %dma_wait3A_433 : memref<1x80x128xf32, #tpu.memory_space<vmem>> -> memref<80x128xf32, #tpu.memory_space<vmem>>
          %dma_wait3A_435 = arith.constant 0 : i32
          %dma_wait3A_436 = tpu.memref_slice %arg8[%rem3A_430, %dma_wait3A_435] : memref<6x80xi32, #tpu.memory_space<vmem>> -> memref<1x80xi32, #tpu.memory_space<vmem>>
          %dma_wait3A_437 = tpu.memref_squeeze %dma_wait3A_436 : memref<1x80xi32, #tpu.memory_space<vmem>> -> memref<80xi32, #tpu.memory_space<vmem>>
          %dma_wait3A_438 = arith.constant 0 : i32
          %dma_wait3A_439 = arith.constant 0 : i32
          %dma_wait3A_440 = tpu.memref_slice %arg11[%dma_wait3A_438, %dma_wait3A_439] : memref<10000x128xf32, #tpu.memory_space<vmem_shared>> -> memref<10000x128xf32, #tpu.memory_space<vmem_shared>>
          %dma_wait3A_441 = tpu.memref_slice %arg14[%rem3A_428] : memref<3x!tpu.dma_semaphore, #tpu.memory_space<semaphore_mem>> -> memref<1x!tpu.dma_semaphore, #tpu.memory_space<semaphore_mem>>
          %dma_wait3A_442 = tpu.memref_squeeze %dma_wait3A_441 : memref<1x!tpu.dma_semaphore, #tpu.memory_space<semaphore_mem>> -> memref<!tpu.dma_semaphore, #tpu.memory_space<semaphore_mem>>
          tpu.wait_indirect_dma semaphore(%dma_wait3A_442 : memref<!tpu.dma_semaphore, #tpu.memory_space<semaphore_mem>>) src(%dma_wait3A_434 : memref<80x128xf32, #tpu.memory_space<vmem>>) dst(%dma_wait3A_440 : memref<10000x128xf32, #tpu.memory_space<vmem_shared>>)
        } else {
        }
        %rem3A_410 = arith.constant 3 : i32
        %rem3A_411 = arith.remsi %add3A_315, %rem3A_410 : i32
        %rem3A_412 = arith.constant 6 : i32
        %rem3A_413 = arith.remsi %add3A_315, %rem3A_412 : i32
        %dma_start3A_414 = arith.constant 0 : i32
        %dma_start3A_415 = arith.constant 0 : i32
        %dma_start3A_416 = tpu.memref_slice %arg10[%rem3A_411, %dma_start3A_414, %dma_start3A_415] : memref<3x80x128xf32, #tpu.memory_space<vmem>> -> memref<1x80x128xf32, #tpu.memory_space<vmem>>
        %dma_start3A_417 = tpu.memref_squeeze %dma_start3A_416 : memref<1x80x128xf32, #tpu.memory_space<vmem>> -> memref<80x128xf32, #tpu.memory_space<vmem>>
        %dma_start3A_418 = arith.constant 0 : i32
        %dma_start3A_419 = tpu.memref_slice %arg7[%rem3A_413, %dma_start3A_418] : memref<6x80xi32, #tpu.memory_space<vmem>> -> memref<1x80xi32, #tpu.memory_space<vmem>>
        %dma_start3A_420 = tpu.memref_squeeze %dma_start3A_419 : memref<1x80xi32, #tpu.memory_space<vmem>> -> memref<80xi32, #tpu.memory_space<vmem>>
        %dma_start3A_421 = arith.constant 0 : i32
        %dma_start3A_422 = arith.constant 0 : i32
        %dma_start3A_423 = tpu.memref_slice %arg5[%dma_start3A_421, %dma_start3A_422] : memref<20000x128xf32, #tpu.memory_space<hbm>> -> memref<20000x128xf32, #tpu.memory_space<hbm>>
        %dma_start3A_424 = tpu.memref_slice %arg13[%rem3A_411] : memref<3x!tpu.dma_semaphore, #tpu.memory_space<semaphore_mem>> -> memref<1x!tpu.dma_semaphore, #tpu.memory_space<semaphore_mem>>
        %dma_start3A_425 = tpu.memref_squeeze %dma_start3A_424 : memref<1x!tpu.dma_semaphore, #tpu.memory_space<semaphore_mem>> -> memref<!tpu.dma_semaphore, #tpu.memory_space<semaphore_mem>>
        tpu.enqueue_indirect_dma source(%dma_start3A_423 : memref<20000x128xf32, #tpu.memory_space<hbm>>) target(%dma_start3A_417 : memref<80x128xf32, #tpu.memory_space<vmem>>) offsets(%dma_start3A_420 : memref<80xi32, #tpu.memory_space<vmem>>) semaphore(%dma_start3A_425 : memref<!tpu.dma_semaphore, #tpu.memory_space<semaphore_mem>>)
      } else {
      }
      %add3A_320 = arith.constant 3 : i32
      %add3A_321 = arith.addi %add3A_309, %add3A_320 : i32
      %lt3A_322 = arith.constant 125 : i32
      %lt3A_323 = arith.cmpi slt, %add3A_321, %lt3A_322 : i32
      %convert_element_type3A_324 = arith.extui %lt3A_323 : i1 to i32
      %cond3A_325 = arith.constant 0 : i32
      %cond3A_326 = arith.cmpi ne, %convert_element_type3A_324, %cond3A_325 : i32
      scf.if %cond3A_326 {
        %add3A_362 = arith.constant 3 : i32
        %add3A_363 = arith.addi %add3A_309, %add3A_362 : i32
        %rem3A_364 = arith.constant 6 : i32
        %rem3A_365 = arith.remsi %add3A_363, %rem3A_364 : i32
        %dma_start3A_366 = arith.constant 0 : i32
        %dma_start3A_367 = tpu.memref_slice %arg7[%rem3A_365, %dma_start3A_366] : memref<6x80xi32, #tpu.memory_space<vmem>> -> memref<1x80xi32, #tpu.memory_space<vmem>>
        %dma_start3A_368 = tpu.memref_squeeze %dma_start3A_367 : memref<1x80xi32, #tpu.memory_space<vmem>> -> memref<80xi32, #tpu.memory_space<vmem>>
        %dma_start3A_369 = arith.constant 0 : i32
        %dma_start3A_370 = tpu.memref_slice %arg2[%arg0, %arg1, %add3A_363, %dma_start3A_369] : memref<2x16x125x80xi32, #tpu.memory_space<hbm>> -> memref<1x1x1x80xi32, #tpu.memory_space<hbm>>
        %dma_start3A_371 = tpu.memref_squeeze %dma_start3A_370 : memref<1x1x1x80xi32, #tpu.memory_space<hbm>> -> memref<80xi32, #tpu.memory_space<hbm>>
        %dma_start3A_372 = tpu.memref_slice %arg12[%rem3A_365] : memref<6x!tpu.dma_semaphore, #tpu.memory_space<semaphore_mem>> -> memref<1x!tpu.dma_semaphore, #tpu.memory_space<semaphore_mem>>
        %dma_start3A_373 = tpu.memref_squeeze %dma_start3A_372 : memref<1x!tpu.dma_semaphore, #tpu.memory_space<semaphore_mem>> -> memref<!tpu.dma_semaphore, #tpu.memory_space<semaphore_mem>>
        %dma_start3A_374 = arith.constant 0 : i32
        %dma_start3A_375 = tpu.memref_slice %arg7[%rem3A_365, %dma_start3A_374] : memref<6x80xi32, #tpu.memory_space<vmem>> -> memref<1x80xi32, #tpu.memory_space<vmem>>
        %dma_start3A_376 = tpu.memref_squeeze %dma_start3A_375 : memref<1x80xi32, #tpu.memory_space<vmem>> -> memref<80xi32, #tpu.memory_space<vmem>>
        %dma_start3A_377 = arith.constant 0 : i32
        %dma_start3A_378 = tpu.memref_slice %arg2[%arg0, %arg1, %add3A_363, %dma_start3A_377] : memref<2x16x125x80xi32, #tpu.memory_space<hbm>> -> memref<1x1x1x80xi32, #tpu.memory_space<hbm>>
        %dma_start3A_379 = tpu.memref_squeeze %dma_start3A_378 : memref<1x1x1x80xi32, #tpu.memory_space<hbm>> -> memref<80xi32, #tpu.memory_space<hbm>>
        tpu.enqueue_dma source(%dma_start3A_379 : memref<80xi32, #tpu.memory_space<hbm>>) target(%dma_start3A_376 : memref<80xi32, #tpu.memory_space<vmem>>) target_semaphore(%dma_start3A_373 : memref<!tpu.dma_semaphore, #tpu.memory_space<semaphore_mem>>)
        %dma_start3A_380 = arith.constant 0 : i32
        %dma_start3A_381 = tpu.memref_slice %arg8[%rem3A_365, %dma_start3A_380] : memref<6x80xi32, #tpu.memory_space<vmem>> -> memref<1x80xi32, #tpu.memory_space<vmem>>
        %dma_start3A_382 = tpu.memref_squeeze %dma_start3A_381 : memref<1x80xi32, #tpu.memory_space<vmem>> -> memref<80xi32, #tpu.memory_space<vmem>>
        %dma_start3A_383 = arith.constant 0 : i32
        %dma_start3A_384 = tpu.memref_slice %arg3[%arg1, %add3A_363, %dma_start3A_383] : memref<16x125x80xi32, #tpu.memory_space<hbm>> -> memref<1x1x80xi32, #tpu.memory_space<hbm>>
        %dma_start3A_385 = tpu.memref_squeeze %dma_start3A_384 : memref<1x1x80xi32, #tpu.memory_space<hbm>> -> memref<80xi32, #tpu.memory_space<hbm>>
        %dma_start3A_386 = tpu.memref_slice %arg12[%rem3A_365] : memref<6x!tpu.dma_semaphore, #tpu.memory_space<semaphore_mem>> -> memref<1x!tpu.dma_semaphore, #tpu.memory_space<semaphore_mem>>
        %dma_start3A_387 = tpu.memref_squeeze %dma_start3A_386 : memref<1x!tpu.dma_semaphore, #tpu.memory_space<semaphore_mem>> -> memref<!tpu.dma_semaphore, #tpu.memory_space<semaphore_mem>>
        %dma_start3A_388 = arith.constant 0 : i32
        %dma_start3A_389 = tpu.memref_slice %arg8[%rem3A_365, %dma_start3A_388] : memref<6x80xi32, #tpu.memory_space<vmem>> -> memref<1x80xi32, #tpu.memory_space<vmem>>
        %dma_start3A_390 = tpu.memref_squeeze %dma_start3A_389 : memref<1x80xi32, #tpu.memory_space<vmem>> -> memref<80xi32, #tpu.memory_space<vmem>>
        %dma_start3A_391 = arith.constant 0 : i32
        %dma_start3A_392 = tpu.memref_slice %arg3[%arg1, %add3A_363, %dma_start3A_391] : memref<16x125x80xi32, #tpu.memory_space<hbm>> -> memref<1x1x80xi32, #tpu.memory_space<hbm>>
        %dma_start3A_393 = tpu.memref_squeeze %dma_start3A_392 : memref<1x1x80xi32, #tpu.memory_space<hbm>> -> memref<80xi32, #tpu.memory_space<hbm>>
        tpu.enqueue_dma source(%dma_start3A_393 : memref<80xi32, #tpu.memory_space<hbm>>) target(%dma_start3A_390 : memref<80xi32, #tpu.memory_space<vmem>>) target_semaphore(%dma_start3A_387 : memref<!tpu.dma_semaphore, #tpu.memory_space<semaphore_mem>>)
        %dma_start3A_394 = arith.constant 0 : i32
        %dma_start3A_395 = tpu.memref_slice %arg9[%rem3A_365, %dma_start3A_394] : memref<6x80xf32, #tpu.memory_space<vmem>> -> memref<1x80xf32, #tpu.memory_space<vmem>>
        %dma_start3A_396 = tpu.memref_squeeze %dma_start3A_395 : memref<1x80xf32, #tpu.memory_space<vmem>> -> memref<80xf32, #tpu.memory_space<vmem>>
        %dma_start3A_397 = arith.constant 0 : i32
        %dma_start3A_398 = tpu.memref_slice %arg4[%arg1, %add3A_363, %dma_start3A_397] : memref<16x125x80xf32, #tpu.memory_space<hbm>> -> memref<1x1x80xf32, #tpu.memory_space<hbm>>
        %dma_start3A_399 = tpu.memref_squeeze %dma_start3A_398 : memref<1x1x80xf32, #tpu.memory_space<hbm>> -> memref<80xf32, #tpu.memory_space<hbm>>
        %dma_start3A_400 = tpu.memref_slice %arg12[%rem3A_365] : memref<6x!tpu.dma_semaphore, #tpu.memory_space<semaphore_mem>> -> memref<1x!tpu.dma_semaphore, #tpu.memory_space<semaphore_mem>>
        %dma_start3A_401 = tpu.memref_squeeze %dma_start3A_400 : memref<1x!tpu.dma_semaphore, #tpu.memory_space<semaphore_mem>> -> memref<!tpu.dma_semaphore, #tpu.memory_space<semaphore_mem>>
        %dma_start3A_402 = arith.constant 0 : i32
        %dma_start3A_403 = tpu.memref_slice %arg9[%rem3A_365, %dma_start3A_402] : memref<6x80xf32, #tpu.memory_space<vmem>> -> memref<1x80xf32, #tpu.memory_space<vmem>>
        %dma_start3A_404 = tpu.memref_squeeze %dma_start3A_403 : memref<1x80xf32, #tpu.memory_space<vmem>> -> memref<80xf32, #tpu.memory_space<vmem>>
        %dma_start3A_405 = arith.constant 0 : i32
        %dma_start3A_406 = tpu.memref_slice %arg4[%arg1, %add3A_363, %dma_start3A_405] : memref<16x125x80xf32, #tpu.memory_space<hbm>> -> memref<1x1x80xf32, #tpu.memory_space<hbm>>
        %dma_start3A_407 = tpu.memref_squeeze %dma_start3A_406 : memref<1x1x80xf32, #tpu.memory_space<hbm>> -> memref<80xf32, #tpu.memory_space<hbm>>
        tpu.enqueue_dma source(%dma_start3A_407 : memref<80xf32, #tpu.memory_space<hbm>>) target(%dma_start3A_404 : memref<80xf32, #tpu.memory_space<vmem>>) target_semaphore(%dma_start3A_401 : memref<!tpu.dma_semaphore, #tpu.memory_space<semaphore_mem>>)
      } else {
      }
      %rem3A_327 = arith.constant 3 : i32
      %rem3A_328 = arith.remsi %add3A_309, %rem3A_327 : i32
      %rem3A_329 = arith.constant 6 : i32
      %rem3A_330 = arith.remsi %add3A_309, %rem3A_329 : i32
      %dma_wait3A_331 = arith.constant 0 : i32
      %dma_wait3A_332 = arith.constant 0 : i32
      %dma_wait3A_333 = tpu.memref_slice %arg10[%rem3A_328, %dma_wait3A_331, %dma_wait3A_332] : memref<3x80x128xf32, #tpu.memory_space<vmem>> -> memref<1x80x128xf32, #tpu.memory_space<vmem>>
      %dma_wait3A_334 = tpu.memref_squeeze %dma_wait3A_333 : memref<1x80x128xf32, #tpu.memory_space<vmem>> -> memref<80x128xf32, #tpu.memory_space<vmem>>
      %dma_wait3A_335 = arith.constant 0 : i32
      %dma_wait3A_336 = tpu.memref_slice %arg7[%rem3A_330, %dma_wait3A_335] : memref<6x80xi32, #tpu.memory_space<vmem>> -> memref<1x80xi32, #tpu.memory_space<vmem>>
      %dma_wait3A_337 = tpu.memref_squeeze %dma_wait3A_336 : memref<1x80xi32, #tpu.memory_space<vmem>> -> memref<80xi32, #tpu.memory_space<vmem>>
      %dma_wait3A_338 = arith.constant 0 : i32
      %dma_wait3A_339 = arith.constant 0 : i32
      %dma_wait3A_340 = tpu.memref_slice %arg5[%dma_wait3A_338, %dma_wait3A_339] : memref<20000x128xf32, #tpu.memory_space<hbm>> -> memref<20000x128xf32, #tpu.memory_space<hbm>>
      %dma_wait3A_341 = tpu.memref_slice %arg13[%rem3A_328] : memref<3x!tpu.dma_semaphore, #tpu.memory_space<semaphore_mem>> -> memref<1x!tpu.dma_semaphore, #tpu.memory_space<semaphore_mem>>
      %dma_wait3A_342 = tpu.memref_squeeze %dma_wait3A_341 : memref<1x!tpu.dma_semaphore, #tpu.memory_space<semaphore_mem>> -> memref<!tpu.dma_semaphore, #tpu.memory_space<semaphore_mem>>
      tpu.wait_indirect_dma semaphore(%dma_wait3A_342 : memref<!tpu.dma_semaphore, #tpu.memory_space<semaphore_mem>>) src(%dma_wait3A_340 : memref<20000x128xf32, #tpu.memory_space<hbm>>) dst(%dma_wait3A_334 : memref<80x128xf32, #tpu.memory_space<vmem>>)
      %broadcast_in_dim3A_343 = vector.broadcast %rem3A_313 : i32 to vector<16xi32>
      %parallel_loop3A = arith.constant 0 : i32
      %parallel_loop3A_344 = arith.constant 80 : i32
      %parallel_loop3A_345 = arith.constant 1 : i32
      scf.for %parallel_loop3A_362 = %parallel_loop3A to %parallel_loop3A_344 step %parallel_loop3A_345  : i32 {
        %parallel_loop3A_363 = vector.broadcast %parallel_loop3A_362 : i32 to vector<16xi32>
        %parallel_loop3A_364 = tpu.vector_load_idx %arg9[%broadcast_in_dim3A_343, %parallel_loop3A_363] : memref<6x80xf32, #tpu.memory_space<vmem>>[vector<16xi32>, vector<16xi32>], vector<16xf32>,
        %parallel_loop3A_365 = arith.index_cast %rem3A_311 : i32 to index
        %parallel_loop3A_366 = arith.index_cast %parallel_loop3A_362 : i32 to index
        %parallel_loop3A_367 = arith.constant 0 : index
        %parallel_loop3A_368 = tpu.vector_load %arg10[%parallel_loop3A_365, %parallel_loop3A_366, %parallel_loop3A_367] {strides = array<i32>} : memref<3x80x128xf32, #tpu.memory_space<vmem>>, vector<16xf32>,
        %parallel_loop3A_369 = arith.mulf %parallel_loop3A_368, %parallel_loop3A_364 : vector<16xf32>
        %parallel_loop3A_370 = arith.index_cast %rem3A_311 : i32 to index
        %parallel_loop3A_371 = arith.index_cast %parallel_loop3A_362 : i32 to index
        %parallel_loop3A_372 = arith.constant 0 : index
        %parallel_loop3A_373 = tpu.vector_load %arg10[%parallel_loop3A_370, %parallel_loop3A_371, %parallel_loop3A_372] {strides = array<i32>} : memref<3x80x128xf32, #tpu.memory_space<vmem>>, vector<16xf32>,
        tpu.vector_store %arg10[%parallel_loop3A_370, %parallel_loop3A_371, %parallel_loop3A_372], %parallel_loop3A_369 {strides = array<i32>} : memref<3x80x128xf32, #tpu.memory_space<vmem>>, vector<16xf32>,
        %parallel_loop3A_374 = arith.index_cast %rem3A_311 : i32 to index
        %parallel_loop3A_375 = arith.index_cast %parallel_loop3A_362 : i32 to index
        %parallel_loop3A_376 = arith.constant 16 : index
        %parallel_loop3A_377 = tpu.vector_load %arg10[%parallel_loop3A_374, %parallel_loop3A_375, %parallel_loop3A_376] {strides = array<i32>} : memref<3x80x128xf32, #tpu.memory_space<vmem>>, vector<16xf32>,
        %parallel_loop3A_378 = arith.mulf %parallel_loop3A_377, %parallel_loop3A_364 : vector<16xf32>
        %parallel_loop3A_379 = arith.index_cast %rem3A_311 : i32 to index
        %parallel_loop3A_380 = arith.index_cast %parallel_loop3A_362 : i32 to index
        %parallel_loop3A_381 = arith.constant 16 : index
        %parallel_loop3A_382 = tpu.vector_load %arg10[%parallel_loop3A_379, %parallel_loop3A_380, %parallel_loop3A_381] {strides = array<i32>} : memref<3x80x128xf32, #tpu.memory_space<vmem>>, vector<16xf32>,
        tpu.vector_store %arg10[%parallel_loop3A_379, %parallel_loop3A_380, %parallel_loop3A_381], %parallel_loop3A_378 {strides = array<i32>} : memref<3x80x128xf32, #tpu.memory_space<vmem>>, vector<16xf32>,
        %parallel_loop3A_383 = arith.index_cast %rem3A_311 : i32 to index
        %parallel_loop3A_384 = arith.index_cast %parallel_loop3A_362 : i32 to index
        %parallel_loop3A_385 = arith.constant 32 : index
        %parallel_loop3A_386 = tpu.vector_load %arg10[%parallel_loop3A_383, %parallel_loop3A_384, %parallel_loop3A_385] {strides = array<i32>} : memref<3x80x128xf32, #tpu.memory_space<vmem>>, vector<16xf32>,
        %parallel_loop3A_387 = arith.mulf %parallel_loop3A_386, %parallel_loop3A_364 : vector<16xf32>
        %parallel_loop3A_388 = arith.index_cast %rem3A_311 : i32 to index
        %parallel_loop3A_389 = arith.index_cast %parallel_loop3A_362 : i32 to index
        %parallel_loop3A_390 = arith.constant 32 : index
        %parallel_loop3A_391 = tpu.vector_load %arg10[%parallel_loop3A_388, %parallel_loop3A_389, %parallel_loop3A_390] {strides = array<i32>} : memref<3x80x128xf32, #tpu.memory_space<vmem>>, vector<16xf32>,
        tpu.vector_store %arg10[%parallel_loop3A_388, %parallel_loop3A_389, %parallel_loop3A_390], %parallel_loop3A_387 {strides = array<i32>} : memref<3x80x128xf32, #tpu.memory_space<vmem>>, vector<16xf32>,
        %parallel_loop3A_392 = arith.index_cast %rem3A_311 : i32 to index
        %parallel_loop3A_393 = arith.index_cast %parallel_loop3A_362 : i32 to index
        %parallel_loop3A_394 = arith.constant 48 : index
        %parallel_loop3A_395 = tpu.vector_load %arg10[%parallel_loop3A_392, %parallel_loop3A_393, %parallel_loop3A_394] {strides = array<i32>} : memref<3x80x128xf32, #tpu.memory_space<vmem>>, vector<16xf32>,
        %parallel_loop3A_396 = arith.mulf %parallel_loop3A_395, %parallel_loop3A_364 : vector<16xf32>
        %parallel_loop3A_397 = arith.index_cast %rem3A_311 : i32 to index
        %parallel_loop3A_398 = arith.index_cast %parallel_loop3A_362 : i32 to index
        %parallel_loop3A_399 = arith.constant 48 : index
        %parallel_loop3A_400 = tpu.vector_load %arg10[%parallel_loop3A_397, %parallel_loop3A_398, %parallel_loop3A_399] {strides = array<i32>} : memref<3x80x128xf32, #tpu.memory_space<vmem>>, vector<16xf32>,
        tpu.vector_store %arg10[%parallel_loop3A_397, %parallel_loop3A_398, %parallel_loop3A_399], %parallel_loop3A_396 {strides = array<i32>} : memref<3x80x128xf32, #tpu.memory_space<vmem>>, vector<16xf32>,
        %parallel_loop3A_401 = arith.index_cast %rem3A_311 : i32 to index
        %parallel_loop3A_402 = arith.index_cast %parallel_loop3A_362 : i32 to index
        %parallel_loop3A_403 = arith.constant 64 : index
        %parallel_loop3A_404 = tpu.vector_load %arg10[%parallel_loop3A_401, %parallel_loop3A_402, %parallel_loop3A_403] {strides = array<i32>} : memref<3x80x128xf32, #tpu.memory_space<vmem>>, vector<16xf32>,
        %parallel_loop3A_405 = arith.mulf %parallel_loop3A_404, %parallel_loop3A_364 : vector<16xf32>
        %parallel_loop3A_406 = arith.index_cast %rem3A_311 : i32 to index
        %parallel_loop3A_407 = arith.index_cast %parallel_loop3A_362 : i32 to index
        %parallel_loop3A_408 = arith.constant 64 : index
        %parallel_loop3A_409 = tpu.vector_load %arg10[%parallel_loop3A_406, %parallel_loop3A_407, %parallel_loop3A_408] {strides = array<i32>} : memref<3x80x128xf32, #tpu.memory_space<vmem>>, vector<16xf32>,
        tpu.vector_store %arg10[%parallel_loop3A_406, %parallel_loop3A_407, %parallel_loop3A_408], %parallel_loop3A_405 {strides = array<i32>} : memref<3x80x128xf32, #tpu.memory_space<vmem>>, vector<16xf32>,
        %parallel_loop3A_410 = arith.index_cast %rem3A_311 : i32 to index
        %parallel_loop3A_411 = arith.index_cast %parallel_loop3A_362 : i32 to index
        %parallel_loop3A_412 = arith.constant 80 : index
        %parallel_loop3A_413 = tpu.vector_load %arg10[%parallel_loop3A_410, %parallel_loop3A_411, %parallel_loop3A_412] {strides = array<i32>} : memref<3x80x128xf32, #tpu.memory_space<vmem>>, vector<16xf32>,
        %parallel_loop3A_414 = arith.mulf %parallel_loop3A_413, %parallel_loop3A_364 : vector<16xf32>
        %parallel_loop3A_415 = arith.index_cast %rem3A_311 : i32 to index
        %parallel_loop3A_416 = arith.index_cast %parallel_loop3A_362 : i32 to index
        %parallel_loop3A_417 = arith.constant 80 : index
        %parallel_loop3A_418 = tpu.vector_load %arg10[%parallel_loop3A_415, %parallel_loop3A_416, %parallel_loop3A_417] {strides = array<i32>} : memref<3x80x128xf32, #tpu.memory_space<vmem>>, vector<16xf32>,
        tpu.vector_store %arg10[%parallel_loop3A_415, %parallel_loop3A_416, %parallel_loop3A_417], %parallel_loop3A_414 {strides = array<i32>} : memref<3x80x128xf32, #tpu.memory_space<vmem>>, vector<16xf32>,
        %parallel_loop3A_419 = arith.index_cast %rem3A_311 : i32 to index
        %parallel_loop3A_420 = arith.index_cast %parallel_loop3A_362 : i32 to index
        %parallel_loop3A_421 = arith.constant 96 : index
        %parallel_loop3A_422 = tpu.vector_load %arg10[%parallel_loop3A_419, %parallel_loop3A_420, %parallel_loop3A_421] {strides = array<i32>} : memref<3x80x128xf32, #tpu.memory_space<vmem>>, vector<16xf32>,
        %parallel_loop3A_423 = arith.mulf %parallel_loop3A_422, %parallel_loop3A_364 : vector<16xf32>
        %parallel_loop3A_424 = arith.index_cast %rem3A_311 : i32 to index
        %parallel_loop3A_425 = arith.index_cast %parallel_loop3A_362 : i32 to index
        %parallel_loop3A_426 = arith.constant 96 : index
        %parallel_loop3A_427 = tpu.vector_load %arg10[%parallel_loop3A_424, %parallel_loop3A_425, %parallel_loop3A_426] {strides = array<i32>} : memref<3x80x128xf32, #tpu.memory_space<vmem>>, vector<16xf32>,
        tpu.vector_store %arg10[%parallel_loop3A_424, %parallel_loop3A_425, %parallel_loop3A_426], %parallel_loop3A_423 {strides = array<i32>} : memref<3x80x128xf32, #tpu.memory_space<vmem>>, vector<16xf32>,
        %parallel_loop3A_428 = arith.index_cast %rem3A_311 : i32 to index
        %parallel_loop3A_429 = arith.index_cast %parallel_loop3A_362 : i32 to index
        %parallel_loop3A_430 = arith.constant 112 : index
        %parallel_loop3A_431 = tpu.vector_load %arg10[%parallel_loop3A_428, %parallel_loop3A_429, %parallel_loop3A_430] {strides = array<i32>} : memref<3x80x128xf32, #tpu.memory_space<vmem>>, vector<16xf32>,
        %parallel_loop3A_432 = arith.mulf %parallel_loop3A_431, %parallel_loop3A_364 : vector<16xf32>
        %parallel_loop3A_433 = arith.index_cast %rem3A_311 : i32 to index
        %parallel_loop3A_434 = arith.index_cast %parallel_loop3A_362 : i32 to index
        %parallel_loop3A_435 = arith.constant 112 : index
        %parallel_loop3A_436 = tpu.vector_load %arg10[%parallel_loop3A_433, %parallel_loop3A_434, %parallel_loop3A_435] {strides = array<i32>} : memref<3x80x128xf32, #tpu.memory_space<vmem>>, vector<16xf32>,
        tpu.vector_store %arg10[%parallel_loop3A_433, %parallel_loop3A_434, %parallel_loop3A_435], %parallel_loop3A_432 {strides = array<i32>} : memref<3x80x128xf32, #tpu.memory_space<vmem>>, vector<16xf32>,
      } {sc.loop_unroll_factor = 8 : i64, sc.parallel_access}
      %rem3A_346 = arith.constant 3 : i32
      %rem3A_347 = arith.remsi %add3A_309, %rem3A_346 : i32
      %rem3A_348 = arith.constant 6 : i32
      %rem3A_349 = arith.remsi %add3A_309, %rem3A_348 : i32
      %dma_start3A_350 = arith.constant 0 : i32
      %dma_start3A_351 = arith.constant 0 : i32
      %dma_start3A_352 = tpu.memref_slice %arg10[%rem3A_347, %dma_start3A_350, %dma_start3A_351] : memref<3x80x128xf32, #tpu.memory_space<vmem>> -> memref<1x80x128xf32, #tpu.memory_space<vmem>>
      %dma_start3A_353 = tpu.memref_squeeze %dma_start3A_352 : memref<1x80x128xf32, #tpu.memory_space<vmem>> -> memref<80x128xf32, #tpu.memory_space<vmem>>
      %dma_start3A_354 = arith.constant 0 : i32
      %dma_start3A_355 = tpu.memref_slice %arg8[%rem3A_349, %dma_start3A_354] : memref<6x80xi32, #tpu.memory_space<vmem>> -> memref<1x80xi32, #tpu.memory_space<vmem>>
      %dma_start3A_356 = tpu.memref_squeeze %dma_start3A_355 : memref<1x80xi32, #tpu.memory_space<vmem>> -> memref<80xi32, #tpu.memory_space<vmem>>
      %dma_start3A_357 = arith.constant 0 : i32
      %dma_start3A_358 = arith.constant 0 : i32
      %dma_start3A_359 = tpu.memref_slice %arg11[%dma_start3A_357, %dma_start3A_358] : memref<10000x128xf32, #tpu.memory_space<vmem_shared>> -> memref<10000x128xf32, #tpu.memory_space<vmem_shared>>
      %dma_start3A_360 = tpu.memref_slice %arg14[%rem3A_347] : memref<3x!tpu.dma_semaphore, #tpu.memory_space<semaphore_mem>> -> memref<1x!tpu.dma_semaphore, #tpu.memory_space<semaphore_mem>>
      %dma_start3A_361 = tpu.memref_squeeze %dma_start3A_360 : memref<1x!tpu.dma_semaphore, #tpu.memory_space<semaphore_mem>> -> memref<!tpu.dma_semaphore, #tpu.memory_space<semaphore_mem>>
      tpu.enqueue_indirect_dma source(%dma_start3A_353 : memref<80x128xf32, #tpu.memory_space<vmem>>) target(%dma_start3A_359 : memref<10000x128xf32, #tpu.memory_space<vmem_shared>>) offsets(%dma_start3A_356 : memref<80xi32, #tpu.memory_space<vmem>>) semaphore(%dma_start3A_361 : memref<!tpu.dma_semaphore, #tpu.memory_space<semaphore_mem>>) {add = true}
    }
    %scan3A_241 = arith.constant 125 : i32
    %rem3A_242 = arith.constant 122 : i32
    %rem3A_243 = arith.constant 3 : i32
    %rem3A_244 = arith.remsi %rem3A_242, %rem3A_243 : i32
    %rem3A_245 = arith.constant 122 : i32
    %rem3A_246 = arith.constant 6 : i32
    %rem3A_247 = arith.remsi %rem3A_245, %rem3A_246 : i32
    %dma_wait3A_248 = arith.constant 0 : i32
    %dma_wait3A_249 = arith.constant 0 : i32
    %dma_wait3A_250 = tpu.memref_slice %arg10[%rem3A_244, %dma_wait3A_248, %dma_wait3A_249] : memref<3x80x128xf32, #tpu.memory_space<vmem>> -> memref<1x80x128xf32, #tpu.memory_space<vmem>>
    %dma_wait3A_251 = tpu.memref_squeeze %dma_wait3A_250 : memref<1x80x128xf32, #tpu.memory_space<vmem>> -> memref<80x128xf32, #tpu.memory_space<vmem>>
    %dma_wait3A_252 = arith.constant 0 : i32
    %dma_wait3A_253 = tpu.memref_slice %arg8[%rem3A_247, %dma_wait3A_252] : memref<6x80xi32, #tpu.memory_space<vmem>> -> memref<1x80xi32, #tpu.memory_space<vmem>>
    %dma_wait3A_254 = tpu.memref_squeeze %dma_wait3A_253 : memref<1x80xi32, #tpu.memory_space<vmem>> -> memref<80xi32, #tpu.memory_space<vmem>>
    %dma_wait3A_255 = arith.constant 0 : i32
    %dma_wait3A_256 = arith.constant 0 : i32
    %dma_wait3A_257 = tpu.memref_slice %arg11[%dma_wait3A_255, %dma_wait3A_256] : memref<10000x128xf32, #tpu.memory_space<vmem_shared>> -> memref<10000x128xf32, #tpu.memory_space<vmem_shared>>
    %dma_wait3A_258 = tpu.memref_slice %arg14[%rem3A_244] : memref<3x!tpu.dma_semaphore, #tpu.memory_space<semaphore_mem>> -> memref<1x!tpu.dma_semaphore, #tpu.memory_space<semaphore_mem>>
    %dma_wait3A_259 = tpu.memref_squeeze %dma_wait3A_258 : memref<1x!tpu.dma_semaphore, #tpu.memory_space<semaphore_mem>> -> memref<!tpu.dma_semaphore, #tpu.memory_space<semaphore_mem>>
    tpu.wait_indirect_dma semaphore(%dma_wait3A_259 : memref<!tpu.dma_semaphore, #tpu.memory_space<semaphore_mem>>) src(%dma_wait3A_251 : memref<80x128xf32, #tpu.memory_space<vmem>>) dst(%dma_wait3A_257 : memref<10000x128xf32, #tpu.memory_space<vmem_shared>>)
    %rem3A_260 = arith.constant 123 : i32
    %rem3A_261 = arith.constant 3 : i32
    %rem3A_262 = arith.remsi %rem3A_260, %rem3A_261 : i32
    %rem3A_263 = arith.constant 123 : i32
    %rem3A_264 = arith.constant 6 : i32
    %rem3A_265 = arith.remsi %rem3A_263, %rem3A_264 : i32
    %dma_wait3A_266 = arith.constant 0 : i32
    %dma_wait3A_267 = arith.constant 0 : i32
    %dma_wait3A_268 = tpu.memref_slice %arg10[%rem3A_262, %dma_wait3A_266, %dma_wait3A_267] : memref<3x80x128xf32, #tpu.memory_space<vmem>> -> memref<1x80x128xf32, #tpu.memory_space<vmem>>
    %dma_wait3A_269 = tpu.memref_squeeze %dma_wait3A_268 : memref<1x80x128xf32, #tpu.memory_space<vmem>> -> memref<80x128xf32, #tpu.memory_space<vmem>>
    %dma_wait3A_270 = arith.constant 0 : i32
    %dma_wait3A_271 = tpu.memref_slice %arg8[%rem3A_265, %dma_wait3A_270] : memref<6x80xi32, #tpu.memory_space<vmem>> -> memref<1x80xi32, #tpu.memory_space<vmem>>
    %dma_wait3A_272 = tpu.memref_squeeze %dma_wait3A_271 : memref<1x80xi32, #tpu.memory_space<vmem>> -> memref<80xi32, #tpu.memory_space<vmem>>
    %dma_wait3A_273 = arith.constant 0 : i32
    %dma_wait3A_274 = arith.constant 0 : i32
    %dma_wait3A_275 = tpu.memref_slice %arg11[%dma_wait3A_273, %dma_wait3A_274] : memref<10000x128xf32, #tpu.memory_space<vmem_shared>> -> memref<10000x128xf32, #tpu.memory_space<vmem_shared>>
    %dma_wait3A_276 = tpu.memref_slice %arg14[%rem3A_262] : memref<3x!tpu.dma_semaphore, #tpu.memory_space<semaphore_mem>> -> memref<1x!tpu.dma_semaphore, #tpu.memory_space<semaphore_mem>>
    %dma_wait3A_277 = tpu.memref_squeeze %dma_wait3A_276 : memref<1x!tpu.dma_semaphore, #tpu.memory_space<semaphore_mem>> -> memref<!tpu.dma_semaphore, #tpu.memory_space<semaphore_mem>>
    tpu.wait_indirect_dma semaphore(%dma_wait3A_277 : memref<!tpu.dma_semaphore, #tpu.memory_space<semaphore_mem>>) src(%dma_wait3A_269 : memref<80x128xf32, #tpu.memory_space<vmem>>) dst(%dma_wait3A_275 : memref<10000x128xf32, #tpu.memory_space<vmem_shared>>)
    %rem3A_278 = arith.constant 124 : i32
    %rem3A_279 = arith.constant 3 : i32
    %rem3A_280 = arith.remsi %rem3A_278, %rem3A_279 : i32
    %rem3A_281 = arith.constant 124 : i32
    %rem3A_282 = arith.constant 6 : i32
    %rem3A_283 = arith.remsi %rem3A_281, %rem3A_282 : i32
    %dma_wait3A_284 = arith.constant 0 : i32
    %dma_wait3A_285 = arith.constant 0 : i32
    %dma_wait3A_286 = tpu.memref_slice %arg10[%rem3A_280, %dma_wait3A_284, %dma_wait3A_285] : memref<3x80x128xf32, #tpu.memory_space<vmem>> -> memref<1x80x128xf32, #tpu.memory_space<vmem>>
    %dma_wait3A_287 = tpu.memref_squeeze %dma_wait3A_286 : memref<1x80x128xf32, #tpu.memory_space<vmem>> -> memref<80x128xf32, #tpu.memory_space<vmem>>
    %dma_wait3A_288 = arith.constant 0 : i32
    %dma_wait3A_289 = tpu.memref_slice %arg8[%rem3A_283, %dma_wait3A_288] : memref<6x80xi32, #tpu.memory_space<vmem>> -> memref<1x80xi32, #tpu.memory_space<vmem>>
    %dma_wait3A_290 = tpu.memref_squeeze %dma_wait3A_289 : memref<1x80xi32, #tpu.memory_space<vmem>> -> memref<80xi32, #tpu.memory_space<vmem>>
    %dma_wait3A_291 = arith.constant 0 : i32
    %dma_wait3A_292 = arith.constant 0 : i32
    %dma_wait3A_293 = tpu.memref_slice %arg11[%dma_wait3A_291, %dma_wait3A_292] : memref<10000x128xf32, #tpu.memory_space<vmem_shared>> -> memref<10000x128xf32, #tpu.memory_space<vmem_shared>>
    %dma_wait3A_294 = tpu.memref_slice %arg14[%rem3A_280] : memref<3x!tpu.dma_semaphore, #tpu.memory_space<semaphore_mem>> -> memref<1x!tpu.dma_semaphore, #tpu.memory_space<semaphore_mem>>
    %dma_wait3A_295 = tpu.memref_squeeze %dma_wait3A_294 : memref<1x!tpu.dma_semaphore, #tpu.memory_space<semaphore_mem>> -> memref<!tpu.dma_semaphore, #tpu.memory_space<semaphore_mem>>
    tpu.wait_indirect_dma semaphore(%dma_wait3A_295 : memref<!tpu.dma_semaphore, #tpu.memory_space<semaphore_mem>>) src(%dma_wait3A_287 : memref<80x128xf32, #tpu.memory_space<vmem>>) dst(%dma_wait3A_293 : memref<10000x128xf32, #tpu.memory_space<vmem_shared>>)
    %barrier3A_296 = arith.constant 0 : index
    tpu.barrier barrier_id(%barrier3A_296)
    %mul3A_297 = arith.constant 10000 : i32
    %mul3A_298 = arith.muli %arg0, %mul3A_297 : i32
    %add3A_299 = arith.addi %mul3A_298, %mul3A_5 : i32
    "tpu.region"() ({
      %run_scoped3A_305 = tpu.sem_alloc : memref<!tpu.dma_semaphore, #tpu.memory_space<semaphore_mem>>
      %dma_start3A_306 = arith.constant 0 : i32
      %dma_start3A_307 = tpu.memref_slice %arg6[%add3A_299, %dma_start3A_306] : memref<20000x128xf32, #tpu.memory_space<hbm>> -> memref<624x128xf32, #tpu.memory_space<hbm>>
      %dma_start3A_308 = arith.constant 0 : i32
      %dma_start3A_309 = tpu.memref_slice %arg11[%mul3A_5, %dma_start3A_308] : memref<10000x128xf32, #tpu.memory_space<vmem_shared>> -> memref<624x128xf32, #tpu.memory_space<vmem_shared>>
      tpu.enqueue_dma source(%dma_start3A_309 : memref<624x128xf32, #tpu.memory_space<vmem_shared>>) target(%dma_start3A_307 : memref<624x128xf32, #tpu.memory_space<hbm>>) target_semaphore(%run_scoped3A_305 : memref<!tpu.dma_semaphore, #tpu.memory_space<semaphore_mem>>)
      %dma_wait3A_310 = arith.constant 0 : i32
      %dma_wait3A_311 = tpu.memref_slice %arg6[%add3A_299, %dma_wait3A_310] : memref<20000x128xf32, #tpu.memory_space<hbm>> -> memref<624x128xf32, #tpu.memory_space<hbm>>
      %dma_wait3A_312 = arith.constant 0 : i32
      %dma_wait3A_313 = tpu.memref_slice %arg11[%mul3A_5, %dma_wait3A_312] : memref<10000x128xf32, #tpu.memory_space<vmem_shared>> -> memref<624x128xf32, #tpu.memory_space<vmem_shared>>
      tpu.wait_dma2 semaphore(%run_scoped3A_305 : memref<!tpu.dma_semaphore, #tpu.memory_space<semaphore_mem>>) src(%dma_wait3A_313 : memref<624x128xf32, #tpu.memory_space<vmem_shared>>) dst(%dma_wait3A_311 : memref<624x128xf32, #tpu.memory_space<hbm>>)
      tpu.yield
    }) : () -> ()
    %eq3A_300 = arith.constant 15 : i32
    %eq3A_301 = arith.cmpi eq, %arg1, %eq3A_300 : i32
    %convert_element_type3A_302 = arith.extui %eq3A_301 : i1 to i32
    %cond3A_303 = arith.constant 0 : i32
    %cond3A_304 = arith.cmpi ne, %convert_element_type3A_302, %cond3A_303 : i32
    scf.if %cond3A_304 {
      %mul3A_305 = arith.constant 10000 : i32
      %mul3A_306 = arith.muli %arg0, %mul3A_305 : i32
      %add3A_307 = arith.constant 9984 : i32
      %add3A_308 = arith.addi %mul3A_306, %add3A_307 : i32
      "tpu.region"() ({
        %run_scoped3A_309 = tpu.sem_alloc : memref<!tpu.dma_semaphore, #tpu.memory_space<semaphore_mem>>
        %dma_start3A_310 = arith.constant 0 : i32
        %dma_start3A_311 = tpu.memref_slice %arg6[%add3A_308, %dma_start3A_310] : memref<20000x128xf32, #tpu.memory_space<hbm>> -> memref<16x128xf32, #tpu.memory_space<hbm>>
        %dma_start3A_312 = arith.constant 9984 : i32
        %dma_start3A_313 = arith.constant 0 : i32
        %dma_start3A_314 = tpu.memref_slice %arg11[%dma_start3A_312, %dma_start3A_313] : memref<10000x128xf32, #tpu.memory_space<vmem_shared>> -> memref<16x128xf32, #tpu.memory_space<vmem_shared>>
        tpu.enqueue_dma source(%dma_start3A_314 : memref<16x128xf32, #tpu.memory_space<vmem_shared>>) target(%dma_start3A_311 : memref<16x128xf32, #tpu.memory_space<hbm>>) target_semaphore(%run_scoped3A_309 : memref<!tpu.dma_semaphore, #tpu.memory_space<semaphore_mem>>)
        %dma_wait3A_315 = arith.constant 0 : i32
        %dma_wait3A_316 = tpu.memref_slice %arg6[%add3A_308, %dma_wait3A_315] : memref<20000x128xf32, #tpu.memory_space<hbm>> -> memref<16x128xf32, #tpu.memory_space<hbm>>
        %dma_wait3A_317 = arith.constant 9984 : i32
        %dma_wait3A_318 = arith.constant 0 : i32
        %dma_wait3A_319 = tpu.memref_slice %arg11[%dma_wait3A_317, %dma_wait3A_318] : memref<10000x128xf32, #tpu.memory_space<vmem_shared>> -> memref<16x128xf32, #tpu.memory_space<vmem_shared>>
        tpu.wait_dma2 semaphore(%run_scoped3A_309 : memref<!tpu.dma_semaphore, #tpu.memory_space<semaphore_mem>>) src(%dma_wait3A_319 : memref<16x128xf32, #tpu.memory_space<vmem_shared>>) dst(%dma_wait3A_316 : memref<16x128xf32, #tpu.memory_space<hbm>>)
        tpu.yield
      }) : () -> ()
    } else {
    }
    return
  }
}

#map = affine_map<(d0, d1) -> (0, 0, 0, 0)>
#map1 = affine_map<(d0, d1) -> (0, 0, 0)>
#map2 = affine_map<(d0, d1) -> (0, 0)>
module attributes {stable_mosaic.version = 14 : i64} {
  func.func @_sc_agg_kernel(%arg0: i32, %arg1: i32, %arg2: memref<2x16x125x80xi32, #tpu.memory_space<hbm>>, %arg3: memref<16x125x80xi32, #tpu.memory_space<hbm>>, %arg4: memref<16x125x80xf32, #tpu.memory_space<hbm>>, %arg5: memref<20000x128xf32, #tpu.memory_space<hbm>>, %arg6: memref<20000x128xf32, #tpu.memory_space<hbm>>, %arg7: memref<6x80xi32, #tpu.memory_space<vmem>>, %arg8: memref<6x80xi32, #tpu.memory_space<vmem>>, %arg9: memref<6x80xf32, #tpu.memory_space<vmem>>, %arg10: memref<3x80x128xf32, #tpu.memory_space<vmem>>, %arg11: memref<10000x128xf32, #tpu.memory_space<vmem_shared>>, %arg12: memref<6x!tpu.dma_semaphore, #tpu.memory_space<semaphore_mem>>, %arg13: memref<3x!tpu.dma_semaphore, #tpu.memory_space<semaphore_mem>>, %arg14: memref<3x!tpu.dma_semaphore, #tpu.memory_space<semaphore_mem>>) attributes {dimension_semantics = [#tpu.dimension_semantics<core_parallel>, #tpu.dimension_semantics<subcore_parallel>], iteration_bounds = array<i64: 2, 16>, scalar_prefetch = 0 : i64, scratch_operands = 8 : i64, tpu.core_type = #tpu.core_type<sc_vector_subcore>, window_params = [{transform_indices = #map}, {transform_indices = #map1}, {transform_indices = #map1}, {transform_indices = #map2}, {transform_indices = #map2}]} {
    %broadcast_in_dim3A = arith.constant 0.000000e+00 : f32
    %broadcast_in_dim3A_0 = vector.broadcast %broadcast_in_dim3A : f32 to vector<16xf32>
    %scan3A = arith.constant 0 : i32
    %scan3A_1 = arith.constant 80 : i32
    %scan3A_2 = arith.addi %scan3A, %scan3A_1 : i32
    %scan3A_3 = arith.constant 1 : i32
    scf.for %scan3A_305 = %scan3A to %scan3A_2 step %scan3A_3  : i32 {
      %mul3A_306 = arith.constant 1 : i32
      %mul3A_307 = arith.muli %scan3A_305, %mul3A_306 : i32
      %add3A_308 = arith.constant 0 : i32
      %add3A_309 = arith.addi %add3A_308, %mul3A_307 : i32
      %swap3A = arith.constant 0 : i32
      %swap3A_310 = arith.index_cast %swap3A : i32 to index
      %swap3A_311 = arith.index_cast %add3A_309 : i32 to index
      %swap3A_312 = arith.constant 0 : index
      %swap3A_313 = tpu.vector_load %arg10[%swap3A_310, %swap3A_311, %swap3A_312] {strides = array<i32>} : memref<3x80x128xf32, #tpu.memory_space<vmem>>, vector<16xf32>,
      tpu.vector_store %arg10[%swap3A_310, %swap3A_311, %swap3A_312], %broadcast_in_dim3A_0 {strides = array<i32>} : memref<3x80x128xf32, #tpu.memory_space<vmem>>, vector<16xf32>,
      %swap3A_314 = arith.constant 0 : i32
      %swap3A_315 = arith.index_cast %swap3A_314 : i32 to index
      %swap3A_316 = arith.index_cast %add3A_309 : i32 to index
      %swap3A_317 = arith.constant 16 : index
      %swap3A_318 = tpu.vector_load %arg10[%swap3A_315, %swap3A_316, %swap3A_317] {strides = array<i32>} : memref<3x80x128xf32, #tpu.memory_space<vmem>>, vector<16xf32>,
      tpu.vector_store %arg10[%swap3A_315, %swap3A_316, %swap3A_317], %broadcast_in_dim3A_0 {strides = array<i32>} : memref<3x80x128xf32, #tpu.memory_space<vmem>>, vector<16xf32>,
      %swap3A_319 = arith.constant 0 : i32
      %swap3A_320 = arith.index_cast %swap3A_319 : i32 to index
      %swap3A_321 = arith.index_cast %add3A_309 : i32 to index
      %swap3A_322 = arith.constant 32 : index
      %swap3A_323 = tpu.vector_load %arg10[%swap3A_320, %swap3A_321, %swap3A_322] {strides = array<i32>} : memref<3x80x128xf32, #tpu.memory_space<vmem>>, vector<16xf32>,
      tpu.vector_store %arg10[%swap3A_320, %swap3A_321, %swap3A_322], %broadcast_in_dim3A_0 {strides = array<i32>} : memref<3x80x128xf32, #tpu.memory_space<vmem>>, vector<16xf32>,
      %swap3A_324 = arith.constant 0 : i32
      %swap3A_325 = arith.index_cast %swap3A_324 : i32 to index
      %swap3A_326 = arith.index_cast %add3A_309 : i32 to index
      %swap3A_327 = arith.constant 48 : index
      %swap3A_328 = tpu.vector_load %arg10[%swap3A_325, %swap3A_326, %swap3A_327] {strides = array<i32>} : memref<3x80x128xf32, #tpu.memory_space<vmem>>, vector<16xf32>,
      tpu.vector_store %arg10[%swap3A_325, %swap3A_326, %swap3A_327], %broadcast_in_dim3A_0 {strides = array<i32>} : memref<3x80x128xf32, #tpu.memory_space<vmem>>, vector<16xf32>,
      %swap3A_329 = arith.constant 0 : i32
      %swap3A_330 = arith.index_cast %swap3A_329 : i32 to index
      %swap3A_331 = arith.index_cast %add3A_309 : i32 to index
      %swap3A_332 = arith.constant 64 : index
      %swap3A_333 = tpu.vector_load %arg10[%swap3A_330, %swap3A_331, %swap3A_332] {strides = array<i32>} : memref<3x80x128xf32, #tpu.memory_space<vmem>>, vector<16xf32>,
      tpu.vector_store %arg10[%swap3A_330, %swap3A_331, %swap3A_332], %broadcast_in_dim3A_0 {strides = array<i32>} : memref<3x80x128xf32, #tpu.memory_space<vmem>>, vector<16xf32>,
      %swap3A_334 = arith.constant 0 : i32
      %swap3A_335 = arith.index_cast %swap3A_334 : i32 to index
      %swap3A_336 = arith.index_cast %add3A_309 : i32 to index
      %swap3A_337 = arith.constant 80 : index
      %swap3A_338 = tpu.vector_load %arg10[%swap3A_335, %swap3A_336, %swap3A_337] {strides = array<i32>} : memref<3x80x128xf32, #tpu.memory_space<vmem>>, vector<16xf32>,
      tpu.vector_store %arg10[%swap3A_335, %swap3A_336, %swap3A_337], %broadcast_in_dim3A_0 {strides = array<i32>} : memref<3x80x128xf32, #tpu.memory_space<vmem>>, vector<16xf32>,
      %swap3A_339 = arith.constant 0 : i32
      %swap3A_340 = arith.index_cast %swap3A_339 : i32 to index
      %swap3A_341 = arith.index_cast %add3A_309 : i32 to index
      %swap3A_342 = arith.constant 96 : index
      %swap3A_343 = tpu.vector_load %arg10[%swap3A_340, %swap3A_341, %swap3A_342] {strides = array<i32>} : memref<3x80x128xf32, #tpu.memory_space<vmem>>, vector<16xf32>,
      tpu.vector_store %arg10[%swap3A_340, %swap3A_341, %swap3A_342], %broadcast_in_dim3A_0 {strides = array<i32>} : memref<3x80x128xf32, #tpu.memory_space<vmem>>, vector<16xf32>,
      %swap3A_344 = arith.constant 0 : i32
      %swap3A_345 = arith.index_cast %swap3A_344 : i32 to index
      %swap3A_346 = arith.index_cast %add3A_309 : i32 to index
      %swap3A_347 = arith.constant 112 : index
      %swap3A_348 = tpu.vector_load %arg10[%swap3A_345, %swap3A_346, %swap3A_347] {strides = array<i32>} : memref<3x80x128xf32, #tpu.memory_space<vmem>>, vector<16xf32>,
      tpu.vector_store %arg10[%swap3A_345, %swap3A_346, %swap3A_347], %broadcast_in_dim3A_0 {strides = array<i32>} : memref<3x80x128xf32, #tpu.memory_space<vmem>>, vector<16xf32>,
    }
    %scan3A_4 = arith.constant 80 : i32
    %mul3A = arith.constant 624 : i32
    %mul3A_5 = arith.muli %arg1, %mul3A : i32
    %add3A = arith.constant 0 : i32
    %add3A_6 = arith.addi %mul3A_5, %add3A : i32
    %run_scoped3A = arith.constant 0 : i32
    "tpu.region"() ({
      %run_scoped3A_305 = tpu.sem_alloc : memref<!tpu.dma_semaphore, #tpu.memory_space<semaphore_mem>>
      %dma_start3A_306 = arith.constant 0 : i32
      %dma_start3A_307 = arith.constant 0 : i32
      %dma_start3A_308 = tpu.memref_slice %arg10[%run_scoped3A, %dma_start3A_306, %dma_start3A_307] : memref<3x80x128xf32, #tpu.memory_space<vmem>> -> memref<1x80x128xf32, #tpu.memory_space<vmem>>
      %dma_start3A_309 = tpu.memref_squeeze %dma_start3A_308 : memref<1x80x128xf32, #tpu.memory_space<vmem>> -> memref<80x128xf32, #tpu.memory_space<vmem>>
      %dma_start3A_310 = arith.constant 0 : i32
      %dma_start3A_311 = tpu.memref_slice %arg11[%add3A_6, %dma_start3A_310] : memref<10000x128xf32, #tpu.memory_space<vmem_shared>> -> memref<80x128xf32, #tpu.memory_space<vmem_shared>>
      %dma_start3A_312 = arith.constant 0 : i32
      %dma_start3A_313 = tpu.memref_slice %arg11[%add3A_6, %dma_start3A_312] : memref<10000x128xf32, #tpu.memory_space<vmem_shared>> -> memref<80x128xf32, #tpu.memory_space<vmem_shared>>
      %dma_start3A_314 = arith.constant 0 : i32
      %dma_start3A_315 = arith.constant 0 : i32
      %dma_start3A_316 = tpu.memref_slice %arg10[%run_scoped3A, %dma_start3A_314, %dma_start3A_315] : memref<3x80x128xf32, #tpu.memory_space<vmem>> -> memref<1x80x128xf32, #tpu.memory_space<vmem>>
      %dma_start3A_317 = tpu.memref_squeeze %dma_start3A_316 : memref<1x80x128xf32, #tpu.memory_space<vmem>> -> memref<80x128xf32, #tpu.memory_space<vmem>>
      tpu.enqueue_dma source(%dma_start3A_317 : memref<80x128xf32, #tpu.memory_space<vmem>>) target(%dma_start3A_313 : memref<80x128xf32, #tpu.memory_space<vmem_shared>>) target_semaphore(%run_scoped3A_305 : memref<!tpu.dma_semaphore, #tpu.memory_space<semaphore_mem>>)
      %dma_wait3A_318 = arith.constant 0 : i32
      %dma_wait3A_319 = arith.constant 0 : i32
      %dma_wait3A_320 = tpu.memref_slice %arg10[%run_scoped3A, %dma_wait3A_318, %dma_wait3A_319] : memref<3x80x128xf32, #tpu.memory_space<vmem>> -> memref<1x80x128xf32, #tpu.memory_space<vmem>>
      %dma_wait3A_321 = tpu.memref_squeeze %dma_wait3A_320 : memref<1x80x128xf32, #tpu.memory_space<vmem>> -> memref<80x128xf32, #tpu.memory_space<vmem>>
      %dma_wait3A_322 = arith.constant 0 : i32
      %dma_wait3A_323 = tpu.memref_slice %arg11[%add3A_6, %dma_wait3A_322] : memref<10000x128xf32, #tpu.memory_space<vmem_shared>> -> memref<80x128xf32, #tpu.memory_space<vmem_shared>>
      %dma_wait3A_324 = arith.constant 0 : i32
      %dma_wait3A_325 = tpu.memref_slice %arg11[%add3A_6, %dma_wait3A_324] : memref<10000x128xf32, #tpu.memory_space<vmem_shared>> -> memref<80x128xf32, #tpu.memory_space<vmem_shared>>
      %dma_wait3A_326 = arith.constant 0 : i32
      %dma_wait3A_327 = arith.constant 0 : i32
      %dma_wait3A_328 = tpu.memref_slice %arg10[%run_scoped3A, %dma_wait3A_326, %dma_wait3A_327] : memref<3x80x128xf32, #tpu.memory_space<vmem>> -> memref<1x80x128xf32, #tpu.memory_space<vmem>>
      %dma_wait3A_329 = tpu.memref_squeeze %dma_wait3A_328 : memref<1x80x128xf32, #tpu.memory_space<vmem>> -> memref<80x128xf32, #tpu.memory_space<vmem>>
      tpu.wait_dma2 semaphore(%run_scoped3A_305 : memref<!tpu.dma_semaphore, #tpu.memory_space<semaphore_mem>>) src(%dma_wait3A_329 : memref<80x128xf32, #tpu.memory_space<vmem>>) dst(%dma_wait3A_325 : memref<80x128xf32, #tpu.memory_space<vmem_shared>>)
      tpu.yield
    }) : () -> ()
    %add3A_7 = arith.constant 80 : i32
    %add3A_8 = arith.addi %mul3A_5, %add3A_7 : i32
    %run_scoped3A_9 = arith.constant 0 : i32
    "tpu.region"() ({
      %run_scoped3A_305 = tpu.sem_alloc : memref<!tpu.dma_semaphore, #tpu.memory_space<semaphore_mem>>
      %dma_start3A_306 = arith.constant 0 : i32
      %dma_start3A_307 = arith.constant 0 : i32
      %dma_start3A_308 = tpu.memref_slice %arg10[%run_scoped3A_9, %dma_start3A_306, %dma_start3A_307] : memref<3x80x128xf32, #tpu.memory_space<vmem>> -> memref<1x80x128xf32, #tpu.memory_space<vmem>>
      %dma_start3A_309 = tpu.memref_squeeze %dma_start3A_308 : memref<1x80x128xf32, #tpu.memory_space<vmem>> -> memref<80x128xf32, #tpu.memory_space<vmem>>
      %dma_start3A_310 = arith.constant 0 : i32
      %dma_start3A_311 = tpu.memref_slice %arg11[%add3A_8, %dma_start3A_310] : memref<10000x128xf32, #tpu.memory_space<vmem_shared>> -> memref<80x128xf32, #tpu.memory_space<vmem_shared>>
      %dma_start3A_312 = arith.constant 0 : i32
      %dma_start3A_313 = tpu.memref_slice %arg11[%add3A_8, %dma_start3A_312] : memref<10000x128xf32, #tpu.memory_space<vmem_shared>> -> memref<80x128xf32, #tpu.memory_space<vmem_shared>>
      %dma_start3A_314 = arith.constant 0 : i32
      %dma_start3A_315 = arith.constant 0 : i32
      %dma_start3A_316 = tpu.memref_slice %arg10[%run_scoped3A_9, %dma_start3A_314, %dma_start3A_315] : memref<3x80x128xf32, #tpu.memory_space<vmem>> -> memref<1x80x128xf32, #tpu.memory_space<vmem>>
      %dma_start3A_317 = tpu.memref_squeeze %dma_start3A_316 : memref<1x80x128xf32, #tpu.memory_space<vmem>> -> memref<80x128xf32, #tpu.memory_space<vmem>>
      tpu.enqueue_dma source(%dma_start3A_317 : memref<80x128xf32, #tpu.memory_space<vmem>>) target(%dma_start3A_313 : memref<80x128xf32, #tpu.memory_space<vmem_shared>>) target_semaphore(%run_scoped3A_305 : memref<!tpu.dma_semaphore, #tpu.memory_space<semaphore_mem>>)
      %dma_wait3A_318 = arith.constant 0 : i32
      %dma_wait3A_319 = arith.constant 0 : i32
      %dma_wait3A_320 = tpu.memref_slice %arg10[%run_scoped3A_9, %dma_wait3A_318, %dma_wait3A_319] : memref<3x80x128xf32, #tpu.memory_space<vmem>> -> memref<1x80x128xf32, #tpu.memory_space<vmem>>
      %dma_wait3A_321 = tpu.memref_squeeze %dma_wait3A_320 : memref<1x80x128xf32, #tpu.memory_space<vmem>> -> memref<80x128xf32, #tpu.memory_space<vmem>>
      %dma_wait3A_322 = arith.constant 0 : i32
      %dma_wait3A_323 = tpu.memref_slice %arg11[%add3A_8, %dma_wait3A_322] : memref<10000x128xf32, #tpu.memory_space<vmem_shared>> -> memref<80x128xf32, #tpu.memory_space<vmem_shared>>
      %dma_wait3A_324 = arith.constant 0 : i32
      %dma_wait3A_325 = tpu.memref_slice %arg11[%add3A_8, %dma_wait3A_324] : memref<10000x128xf32, #tpu.memory_space<vmem_shared>> -> memref<80x128xf32, #tpu.memory_space<vmem_shared>>
      %dma_wait3A_326 = arith.constant 0 : i32
      %dma_wait3A_327 = arith.constant 0 : i32
      %dma_wait3A_328 = tpu.memref_slice %arg10[%run_scoped3A_9, %dma_wait3A_326, %dma_wait3A_327] : memref<3x80x128xf32, #tpu.memory_space<vmem>> -> memref<1x80x128xf32, #tpu.memory_space<vmem>>
      %dma_wait3A_329 = tpu.memref_squeeze %dma_wait3A_328 : memref<1x80x128xf32, #tpu.memory_space<vmem>> -> memref<80x128xf32, #tpu.memory_space<vmem>>
      tpu.wait_dma2 semaphore(%run_scoped3A_305 : memref<!tpu.dma_semaphore, #tpu.memory_space<semaphore_mem>>) src(%dma_wait3A_329 : memref<80x128xf32, #tpu.memory_space<vmem>>) dst(%dma_wait3A_325 : memref<80x128xf32, #tpu.memory_space<vmem_shared>>)
      tpu.yield
    }) : () -> ()
    %add3A_10 = arith.constant 160 : i32
    %add3A_11 = arith.addi %mul3A_5, %add3A_10 : i32
    %run_scoped3A_12 = arith.constant 0 : i32
    "tpu.region"() ({
      %run_scoped3A_305 = tpu.sem_alloc : memref<!tpu.dma_semaphore, #tpu.memory_space<semaphore_mem>>
      %dma_start3A_306 = arith.constant 0 : i32
      %dma_start3A_307 = arith.constant 0 : i32
      %dma_start3A_308 = tpu.memref_slice %arg10[%run_scoped3A_12, %dma_start3A_306, %dma_start3A_307] : memref<3x80x128xf32, #tpu.memory_space<vmem>> -> memref<1x80x128xf32, #tpu.memory_space<vmem>>
      %dma_start3A_309 = tpu.memref_squeeze %dma_start3A_308 : memref<1x80x128xf32, #tpu.memory_space<vmem>> -> memref<80x128xf32, #tpu.memory_space<vmem>>
      %dma_start3A_310 = arith.constant 0 : i32
      %dma_start3A_311 = tpu.memref_slice %arg11[%add3A_11, %dma_start3A_310] : memref<10000x128xf32, #tpu.memory_space<vmem_shared>> -> memref<80x128xf32, #tpu.memory_space<vmem_shared>>
      %dma_start3A_312 = arith.constant 0 : i32
      %dma_start3A_313 = tpu.memref_slice %arg11[%add3A_11, %dma_start3A_312] : memref<10000x128xf32, #tpu.memory_space<vmem_shared>> -> memref<80x128xf32, #tpu.memory_space<vmem_shared>>
      %dma_start3A_314 = arith.constant 0 : i32
      %dma_start3A_315 = arith.constant 0 : i32
      %dma_start3A_316 = tpu.memref_slice %arg10[%run_scoped3A_12, %dma_start3A_314, %dma_start3A_315] : memref<3x80x128xf32, #tpu.memory_space<vmem>> -> memref<1x80x128xf32, #tpu.memory_space<vmem>>
      %dma_start3A_317 = tpu.memref_squeeze %dma_start3A_316 : memref<1x80x128xf32, #tpu.memory_space<vmem>> -> memref<80x128xf32, #tpu.memory_space<vmem>>
      tpu.enqueue_dma source(%dma_start3A_317 : memref<80x128xf32, #tpu.memory_space<vmem>>) target(%dma_start3A_313 : memref<80x128xf32, #tpu.memory_space<vmem_shared>>) target_semaphore(%run_scoped3A_305 : memref<!tpu.dma_semaphore, #tpu.memory_space<semaphore_mem>>)
      %dma_wait3A_318 = arith.constant 0 : i32
      %dma_wait3A_319 = arith.constant 0 : i32
      %dma_wait3A_320 = tpu.memref_slice %arg10[%run_scoped3A_12, %dma_wait3A_318, %dma_wait3A_319] : memref<3x80x128xf32, #tpu.memory_space<vmem>> -> memref<1x80x128xf32, #tpu.memory_space<vmem>>
      %dma_wait3A_321 = tpu.memref_squeeze %dma_wait3A_320 : memref<1x80x128xf32, #tpu.memory_space<vmem>> -> memref<80x128xf32, #tpu.memory_space<vmem>>
      %dma_wait3A_322 = arith.constant 0 : i32
      %dma_wait3A_323 = tpu.memref_slice %arg11[%add3A_11, %dma_wait3A_322] : memref<10000x128xf32, #tpu.memory_space<vmem_shared>> -> memref<80x128xf32, #tpu.memory_space<vmem_shared>>
      %dma_wait3A_324 = arith.constant 0 : i32
      %dma_wait3A_325 = tpu.memref_slice %arg11[%add3A_11, %dma_wait3A_324] : memref<10000x128xf32, #tpu.memory_space<vmem_shared>> -> memref<80x128xf32, #tpu.memory_space<vmem_shared>>
      %dma_wait3A_326 = arith.constant 0 : i32
      %dma_wait3A_327 = arith.constant 0 : i32
      %dma_wait3A_328 = tpu.memref_slice %arg10[%run_scoped3A_12, %dma_wait3A_326, %dma_wait3A_327] : memref<3x80x128xf32, #tpu.memory_space<vmem>> -> memref<1x80x128xf32, #tpu.memory_space<vmem>>
      %dma_wait3A_329 = tpu.memref_squeeze %dma_wait3A_328 : memref<1x80x128xf32, #tpu.memory_space<vmem>> -> memref<80x128xf32, #tpu.memory_space<vmem>>
      tpu.wait_dma2 semaphore(%run_scoped3A_305 : memref<!tpu.dma_semaphore, #tpu.memory_space<semaphore_mem>>) src(%dma_wait3A_329 : memref<80x128xf32, #tpu.memory_space<vmem>>) dst(%dma_wait3A_325 : memref<80x128xf32, #tpu.memory_space<vmem_shared>>)
      tpu.yield
    }) : () -> ()
    %add3A_13 = arith.constant 240 : i32
    %add3A_14 = arith.addi %mul3A_5, %add3A_13 : i32
    %run_scoped3A_15 = arith.constant 0 : i32
    "tpu.region"() ({
      %run_scoped3A_305 = tpu.sem_alloc : memref<!tpu.dma_semaphore, #tpu.memory_space<semaphore_mem>>
      %dma_start3A_306 = arith.constant 0 : i32
      %dma_start3A_307 = arith.constant 0 : i32
      %dma_start3A_308 = tpu.memref_slice %arg10[%run_scoped3A_15, %dma_start3A_306, %dma_start3A_307] : memref<3x80x128xf32, #tpu.memory_space<vmem>> -> memref<1x80x128xf32, #tpu.memory_space<vmem>>
      %dma_start3A_309 = tpu.memref_squeeze %dma_start3A_308 : memref<1x80x128xf32, #tpu.memory_space<vmem>> -> memref<80x128xf32, #tpu.memory_space<vmem>>
      %dma_start3A_310 = arith.constant 0 : i32
      %dma_start3A_311 = tpu.memref_slice %arg11[%add3A_14, %dma_start3A_310] : memref<10000x128xf32, #tpu.memory_space<vmem_shared>> -> memref<80x128xf32, #tpu.memory_space<vmem_shared>>
      %dma_start3A_312 = arith.constant 0 : i32
      %dma_start3A_313 = tpu.memref_slice %arg11[%add3A_14, %dma_start3A_312] : memref<10000x128xf32, #tpu.memory_space<vmem_shared>> -> memref<80x128xf32, #tpu.memory_space<vmem_shared>>
      %dma_start3A_314 = arith.constant 0 : i32
      %dma_start3A_315 = arith.constant 0 : i32
      %dma_start3A_316 = tpu.memref_slice %arg10[%run_scoped3A_15, %dma_start3A_314, %dma_start3A_315] : memref<3x80x128xf32, #tpu.memory_space<vmem>> -> memref<1x80x128xf32, #tpu.memory_space<vmem>>
      %dma_start3A_317 = tpu.memref_squeeze %dma_start3A_316 : memref<1x80x128xf32, #tpu.memory_space<vmem>> -> memref<80x128xf32, #tpu.memory_space<vmem>>
      tpu.enqueue_dma source(%dma_start3A_317 : memref<80x128xf32, #tpu.memory_space<vmem>>) target(%dma_start3A_313 : memref<80x128xf32, #tpu.memory_space<vmem_shared>>) target_semaphore(%run_scoped3A_305 : memref<!tpu.dma_semaphore, #tpu.memory_space<semaphore_mem>>)
      %dma_wait3A_318 = arith.constant 0 : i32
      %dma_wait3A_319 = arith.constant 0 : i32
      %dma_wait3A_320 = tpu.memref_slice %arg10[%run_scoped3A_15, %dma_wait3A_318, %dma_wait3A_319] : memref<3x80x128xf32, #tpu.memory_space<vmem>> -> memref<1x80x128xf32, #tpu.memory_space<vmem>>
      %dma_wait3A_321 = tpu.memref_squeeze %dma_wait3A_320 : memref<1x80x128xf32, #tpu.memory_space<vmem>> -> memref<80x128xf32, #tpu.memory_space<vmem>>
      %dma_wait3A_322 = arith.constant 0 : i32
      %dma_wait3A_323 = tpu.memref_slice %arg11[%add3A_14, %dma_wait3A_322] : memref<10000x128xf32, #tpu.memory_space<vmem_shared>> -> memref<80x128xf32, #tpu.memory_space<vmem_shared>>
      %dma_wait3A_324 = arith.constant 0 : i32
      %dma_wait3A_325 = tpu.memref_slice %arg11[%add3A_14, %dma_wait3A_324] : memref<10000x128xf32, #tpu.memory_space<vmem_shared>> -> memref<80x128xf32, #tpu.memory_space<vmem_shared>>
      %dma_wait3A_326 = arith.constant 0 : i32
      %dma_wait3A_327 = arith.constant 0 : i32
      %dma_wait3A_328 = tpu.memref_slice %arg10[%run_scoped3A_15, %dma_wait3A_326, %dma_wait3A_327] : memref<3x80x128xf32, #tpu.memory_space<vmem>> -> memref<1x80x128xf32, #tpu.memory_space<vmem>>
      %dma_wait3A_329 = tpu.memref_squeeze %dma_wait3A_328 : memref<1x80x128xf32, #tpu.memory_space<vmem>> -> memref<80x128xf32, #tpu.memory_space<vmem>>
      tpu.wait_dma2 semaphore(%run_scoped3A_305 : memref<!tpu.dma_semaphore, #tpu.memory_space<semaphore_mem>>) src(%dma_wait3A_329 : memref<80x128xf32, #tpu.memory_space<vmem>>) dst(%dma_wait3A_325 : memref<80x128xf32, #tpu.memory_space<vmem_shared>>)
      tpu.yield
    }) : () -> ()
    %add3A_16 = arith.constant 320 : i32
    %add3A_17 = arith.addi %mul3A_5, %add3A_16 : i32
    %run_scoped3A_18 = arith.constant 0 : i32
    "tpu.region"() ({
      %run_scoped3A_305 = tpu.sem_alloc : memref<!tpu.dma_semaphore, #tpu.memory_space<semaphore_mem>>
      %dma_start3A_306 = arith.constant 0 : i32
      %dma_start3A_307 = arith.constant 0 : i32
      %dma_start3A_308 = tpu.memref_slice %arg10[%run_scoped3A_18, %dma_start3A_306, %dma_start3A_307] : memref<3x80x128xf32, #tpu.memory_space<vmem>> -> memref<1x80x128xf32, #tpu.memory_space<vmem>>
      %dma_start3A_309 = tpu.memref_squeeze %dma_start3A_308 : memref<1x80x128xf32, #tpu.memory_space<vmem>> -> memref<80x128xf32, #tpu.memory_space<vmem>>
      %dma_start3A_310 = arith.constant 0 : i32
      %dma_start3A_311 = tpu.memref_slice %arg11[%add3A_17, %dma_start3A_310] : memref<10000x128xf32, #tpu.memory_space<vmem_shared>> -> memref<80x128xf32, #tpu.memory_space<vmem_shared>>
      %dma_start3A_312 = arith.constant 0 : i32
      %dma_start3A_313 = tpu.memref_slice %arg11[%add3A_17, %dma_start3A_312] : memref<10000x128xf32, #tpu.memory_space<vmem_shared>> -> memref<80x128xf32, #tpu.memory_space<vmem_shared>>
      %dma_start3A_314 = arith.constant 0 : i32
      %dma_start3A_315 = arith.constant 0 : i32
      %dma_start3A_316 = tpu.memref_slice %arg10[%run_scoped3A_18, %dma_start3A_314, %dma_start3A_315] : memref<3x80x128xf32, #tpu.memory_space<vmem>> -> memref<1x80x128xf32, #tpu.memory_space<vmem>>
      %dma_start3A_317 = tpu.memref_squeeze %dma_start3A_316 : memref<1x80x128xf32, #tpu.memory_space<vmem>> -> memref<80x128xf32, #tpu.memory_space<vmem>>
      tpu.enqueue_dma source(%dma_start3A_317 : memref<80x128xf32, #tpu.memory_space<vmem>>) target(%dma_start3A_313 : memref<80x128xf32, #tpu.memory_space<vmem_shared>>) target_semaphore(%run_scoped3A_305 : memref<!tpu.dma_semaphore, #tpu.memory_space<semaphore_mem>>)
      %dma_wait3A_318 = arith.constant 0 : i32
      %dma_wait3A_319 = arith.constant 0 : i32
      %dma_wait3A_320 = tpu.memref_slice %arg10[%run_scoped3A_18, %dma_wait3A_318, %dma_wait3A_319] : memref<3x80x128xf32, #tpu.memory_space<vmem>> -> memref<1x80x128xf32, #tpu.memory_space<vmem>>
      %dma_wait3A_321 = tpu.memref_squeeze %dma_wait3A_320 : memref<1x80x128xf32, #tpu.memory_space<vmem>> -> memref<80x128xf32, #tpu.memory_space<vmem>>
      %dma_wait3A_322 = arith.constant 0 : i32
      %dma_wait3A_323 = tpu.memref_slice %arg11[%add3A_17, %dma_wait3A_322] : memref<10000x128xf32, #tpu.memory_space<vmem_shared>> -> memref<80x128xf32, #tpu.memory_space<vmem_shared>>
      %dma_wait3A_324 = arith.constant 0 : i32
      %dma_wait3A_325 = tpu.memref_slice %arg11[%add3A_17, %dma_wait3A_324] : memref<10000x128xf32, #tpu.memory_space<vmem_shared>> -> memref<80x128xf32, #tpu.memory_space<vmem_shared>>
      %dma_wait3A_326 = arith.constant 0 : i32
      %dma_wait3A_327 = arith.constant 0 : i32
      %dma_wait3A_328 = tpu.memref_slice %arg10[%run_scoped3A_18, %dma_wait3A_326, %dma_wait3A_327] : memref<3x80x128xf32, #tpu.memory_space<vmem>> -> memref<1x80x128xf32, #tpu.memory_space<vmem>>
      %dma_wait3A_329 = tpu.memref_squeeze %dma_wait3A_328 : memref<1x80x128xf32, #tpu.memory_space<vmem>> -> memref<80x128xf32, #tpu.memory_space<vmem>>
      tpu.wait_dma2 semaphore(%run_scoped3A_305 : memref<!tpu.dma_semaphore, #tpu.memory_space<semaphore_mem>>) src(%dma_wait3A_329 : memref<80x128xf32, #tpu.memory_space<vmem>>) dst(%dma_wait3A_325 : memref<80x128xf32, #tpu.memory_space<vmem_shared>>)
      tpu.yield
    }) : () -> ()
    %add3A_19 = arith.constant 400 : i32
    %add3A_20 = arith.addi %mul3A_5, %add3A_19 : i32
    %run_scoped3A_21 = arith.constant 0 : i32
    "tpu.region"() ({
      %run_scoped3A_305 = tpu.sem_alloc : memref<!tpu.dma_semaphore, #tpu.memory_space<semaphore_mem>>
      %dma_start3A_306 = arith.constant 0 : i32
      %dma_start3A_307 = arith.constant 0 : i32
      %dma_start3A_308 = tpu.memref_slice %arg10[%run_scoped3A_21, %dma_start3A_306, %dma_start3A_307] : memref<3x80x128xf32, #tpu.memory_space<vmem>> -> memref<1x80x128xf32, #tpu.memory_space<vmem>>
      %dma_start3A_309 = tpu.memref_squeeze %dma_start3A_308 : memref<1x80x128xf32, #tpu.memory_space<vmem>> -> memref<80x128xf32, #tpu.memory_space<vmem>>
      %dma_start3A_310 = arith.constant 0 : i32
      %dma_start3A_311 = tpu.memref_slice %arg11[%add3A_20, %dma_start3A_310] : memref<10000x128xf32, #tpu.memory_space<vmem_shared>> -> memref<80x128xf32, #tpu.memory_space<vmem_shared>>
      %dma_start3A_312 = arith.constant 0 : i32
      %dma_start3A_313 = tpu.memref_slice %arg11[%add3A_20, %dma_start3A_312] : memref<10000x128xf32, #tpu.memory_space<vmem_shared>> -> memref<80x128xf32, #tpu.memory_space<vmem_shared>>
      %dma_start3A_314 = arith.constant 0 : i32
      %dma_start3A_315 = arith.constant 0 : i32
      %dma_start3A_316 = tpu.memref_slice %arg10[%run_scoped3A_21, %dma_start3A_314, %dma_start3A_315] : memref<3x80x128xf32, #tpu.memory_space<vmem>> -> memref<1x80x128xf32, #tpu.memory_space<vmem>>
      %dma_start3A_317 = tpu.memref_squeeze %dma_start3A_316 : memref<1x80x128xf32, #tpu.memory_space<vmem>> -> memref<80x128xf32, #tpu.memory_space<vmem>>
      tpu.enqueue_dma source(%dma_start3A_317 : memref<80x128xf32, #tpu.memory_space<vmem>>) target(%dma_start3A_313 : memref<80x128xf32, #tpu.memory_space<vmem_shared>>) target_semaphore(%run_scoped3A_305 : memref<!tpu.dma_semaphore, #tpu.memory_space<semaphore_mem>>)
      %dma_wait3A_318 = arith.constant 0 : i32
      %dma_wait3A_319 = arith.constant 0 : i32
      %dma_wait3A_320 = tpu.memref_slice %arg10[%run_scoped3A_21, %dma_wait3A_318, %dma_wait3A_319] : memref<3x80x128xf32, #tpu.memory_space<vmem>> -> memref<1x80x128xf32, #tpu.memory_space<vmem>>
      %dma_wait3A_321 = tpu.memref_squeeze %dma_wait3A_320 : memref<1x80x128xf32, #tpu.memory_space<vmem>> -> memref<80x128xf32, #tpu.memory_space<vmem>>
      %dma_wait3A_322 = arith.constant 0 : i32
      %dma_wait3A_323 = tpu.memref_slice %arg11[%add3A_20, %dma_wait3A_322] : memref<10000x128xf32, #tpu.memory_space<vmem_shared>> -> memref<80x128xf32, #tpu.memory_space<vmem_shared>>
      %dma_wait3A_324 = arith.constant 0 : i32
      %dma_wait3A_325 = tpu.memref_slice %arg11[%add3A_20, %dma_wait3A_324] : memref<10000x128xf32, #tpu.memory_space<vmem_shared>> -> memref<80x128xf32, #tpu.memory_space<vmem_shared>>
      %dma_wait3A_326 = arith.constant 0 : i32
      %dma_wait3A_327 = arith.constant 0 : i32
      %dma_wait3A_328 = tpu.memref_slice %arg10[%run_scoped3A_21, %dma_wait3A_326, %dma_wait3A_327] : memref<3x80x128xf32, #tpu.memory_space<vmem>> -> memref<1x80x128xf32, #tpu.memory_space<vmem>>
      %dma_wait3A_329 = tpu.memref_squeeze %dma_wait3A_328 : memref<1x80x128xf32, #tpu.memory_space<vmem>> -> memref<80x128xf32, #tpu.memory_space<vmem>>
      tpu.wait_dma2 semaphore(%run_scoped3A_305 : memref<!tpu.dma_semaphore, #tpu.memory_space<semaphore_mem>>) src(%dma_wait3A_329 : memref<80x128xf32, #tpu.memory_space<vmem>>) dst(%dma_wait3A_325 : memref<80x128xf32, #tpu.memory_space<vmem_shared>>)
      tpu.yield
    }) : () -> ()
    %add3A_22 = arith.constant 480 : i32
    %add3A_23 = arith.addi %mul3A_5, %add3A_22 : i32
    %run_scoped3A_24 = arith.constant 0 : i32
    "tpu.region"() ({
      %run_scoped3A_305 = tpu.sem_alloc : memref<!tpu.dma_semaphore, #tpu.memory_space<semaphore_mem>>
      %dma_start3A_306 = arith.constant 0 : i32
      %dma_start3A_307 = arith.constant 0 : i32
      %dma_start3A_308 = tpu.memref_slice %arg10[%run_scoped3A_24, %dma_start3A_306, %dma_start3A_307] : memref<3x80x128xf32, #tpu.memory_space<vmem>> -> memref<1x80x128xf32, #tpu.memory_space<vmem>>
      %dma_start3A_309 = tpu.memref_squeeze %dma_start3A_308 : memref<1x80x128xf32, #tpu.memory_space<vmem>> -> memref<80x128xf32, #tpu.memory_space<vmem>>
      %dma_start3A_310 = arith.constant 0 : i32
      %dma_start3A_311 = tpu.memref_slice %arg11[%add3A_23, %dma_start3A_310] : memref<10000x128xf32, #tpu.memory_space<vmem_shared>> -> memref<80x128xf32, #tpu.memory_space<vmem_shared>>
      %dma_start3A_312 = arith.constant 0 : i32
      %dma_start3A_313 = tpu.memref_slice %arg11[%add3A_23, %dma_start3A_312] : memref<10000x128xf32, #tpu.memory_space<vmem_shared>> -> memref<80x128xf32, #tpu.memory_space<vmem_shared>>
      %dma_start3A_314 = arith.constant 0 : i32
      %dma_start3A_315 = arith.constant 0 : i32
      %dma_start3A_316 = tpu.memref_slice %arg10[%run_scoped3A_24, %dma_start3A_314, %dma_start3A_315] : memref<3x80x128xf32, #tpu.memory_space<vmem>> -> memref<1x80x128xf32, #tpu.memory_space<vmem>>
      %dma_start3A_317 = tpu.memref_squeeze %dma_start3A_316 : memref<1x80x128xf32, #tpu.memory_space<vmem>> -> memref<80x128xf32, #tpu.memory_space<vmem>>
      tpu.enqueue_dma source(%dma_start3A_317 : memref<80x128xf32, #tpu.memory_space<vmem>>) target(%dma_start3A_313 : memref<80x128xf32, #tpu.memory_space<vmem_shared>>) target_semaphore(%run_scoped3A_305 : memref<!tpu.dma_semaphore, #tpu.memory_space<semaphore_mem>>)
      %dma_wait3A_318 = arith.constant 0 : i32
      %dma_wait3A_319 = arith.constant 0 : i32
      %dma_wait3A_320 = tpu.memref_slice %arg10[%run_scoped3A_24, %dma_wait3A_318, %dma_wait3A_319] : memref<3x80x128xf32, #tpu.memory_space<vmem>> -> memref<1x80x128xf32, #tpu.memory_space<vmem>>
      %dma_wait3A_321 = tpu.memref_squeeze %dma_wait3A_320 : memref<1x80x128xf32, #tpu.memory_space<vmem>> -> memref<80x128xf32, #tpu.memory_space<vmem>>
      %dma_wait3A_322 = arith.constant 0 : i32
      %dma_wait3A_323 = tpu.memref_slice %arg11[%add3A_23, %dma_wait3A_322] : memref<10000x128xf32, #tpu.memory_space<vmem_shared>> -> memref<80x128xf32, #tpu.memory_space<vmem_shared>>
      %dma_wait3A_324 = arith.constant 0 : i32
      %dma_wait3A_325 = tpu.memref_slice %arg11[%add3A_23, %dma_wait3A_324] : memref<10000x128xf32, #tpu.memory_space<vmem_shared>> -> memref<80x128xf32, #tpu.memory_space<vmem_shared>>
      %dma_wait3A_326 = arith.constant 0 : i32
      %dma_wait3A_327 = arith.constant 0 : i32
      %dma_wait3A_328 = tpu.memref_slice %arg10[%run_scoped3A_24, %dma_wait3A_326, %dma_wait3A_327] : memref<3x80x128xf32, #tpu.memory_space<vmem>> -> memref<1x80x128xf32, #tpu.memory_space<vmem>>
      %dma_wait3A_329 = tpu.memref_squeeze %dma_wait3A_328 : memref<1x80x128xf32, #tpu.memory_space<vmem>> -> memref<80x128xf32, #tpu.memory_space<vmem>>
      tpu.wait_dma2 semaphore(%run_scoped3A_305 : memref<!tpu.dma_semaphore, #tpu.memory_space<semaphore_mem>>) src(%dma_wait3A_329 : memref<80x128xf32, #tpu.memory_space<vmem>>) dst(%dma_wait3A_325 : memref<80x128xf32, #tpu.memory_space<vmem_shared>>)
      tpu.yield
    }) : () -> ()
    %add3A_25 = arith.constant 560 : i32
    %add3A_26 = arith.addi %mul3A_5, %add3A_25 : i32
    %run_scoped3A_27 = arith.constant 0 : i32
    "tpu.region"() ({
      %run_scoped3A_305 = tpu.sem_alloc : memref<!tpu.dma_semaphore, #tpu.memory_space<semaphore_mem>>
      %dma_start3A_306 = arith.constant 0 : i32
      %dma_start3A_307 = arith.constant 0 : i32
      %dma_start3A_308 = tpu.memref_slice %arg10[%run_scoped3A_27, %dma_start3A_306, %dma_start3A_307] : memref<3x80x128xf32, #tpu.memory_space<vmem>> -> memref<1x80x128xf32, #tpu.memory_space<vmem>>
      %dma_start3A_309 = tpu.memref_squeeze %dma_start3A_308 : memref<1x80x128xf32, #tpu.memory_space<vmem>> -> memref<80x128xf32, #tpu.memory_space<vmem>>
      %dma_start3A_310 = arith.constant 0 : i32
      %dma_start3A_311 = arith.constant 0 : i32
      %dma_start3A_312 = tpu.memref_slice %dma_start3A_309[%dma_start3A_310, %dma_start3A_311] : memref<80x128xf32, #tpu.memory_space<vmem>> -> memref<64x128xf32, #tpu.memory_space<vmem>>
      %dma_start3A_313 = arith.constant 0 : i32
      %dma_start3A_314 = tpu.memref_slice %arg11[%add3A_26, %dma_start3A_313] : memref<10000x128xf32, #tpu.memory_space<vmem_shared>> -> memref<64x128xf32, #tpu.memory_space<vmem_shared>>
      %dma_start3A_315 = arith.constant 0 : i32
      %dma_start3A_316 = tpu.memref_slice %arg11[%add3A_26, %dma_start3A_315] : memref<10000x128xf32, #tpu.memory_space<vmem_shared>> -> memref<64x128xf32, #tpu.memory_space<vmem_shared>>
      %dma_start3A_317 = arith.constant 0 : i32
      %dma_start3A_318 = arith.constant 0 : i32
      %dma_start3A_319 = tpu.memref_slice %arg10[%run_scoped3A_27, %dma_start3A_317, %dma_start3A_318] : memref<3x80x128xf32, #tpu.memory_space<vmem>> -> memref<1x80x128xf32, #tpu.memory_space<vmem>>
      %dma_start3A_320 = tpu.memref_squeeze %dma_start3A_319 : memref<1x80x128xf32, #tpu.memory_space<vmem>> -> memref<80x128xf32, #tpu.memory_space<vmem>>
      %dma_start3A_321 = arith.constant 0 : i32
      %dma_start3A_322 = arith.constant 0 : i32
      %dma_start3A_323 = tpu.memref_slice %dma_start3A_320[%dma_start3A_321, %dma_start3A_322] : memref<80x128xf32, #tpu.memory_space<vmem>> -> memref<64x128xf32, #tpu.memory_space<vmem>>
      tpu.enqueue_dma source(%dma_start3A_323 : memref<64x128xf32, #tpu.memory_space<vmem>>) target(%dma_start3A_316 : memref<64x128xf32, #tpu.memory_space<vmem_shared>>) target_semaphore(%run_scoped3A_305 : memref<!tpu.dma_semaphore, #tpu.memory_space<semaphore_mem>>)
      %dma_wait3A_324 = arith.constant 0 : i32
      %dma_wait3A_325 = arith.constant 0 : i32
      %dma_wait3A_326 = tpu.memref_slice %arg10[%run_scoped3A_27, %dma_wait3A_324, %dma_wait3A_325] : memref<3x80x128xf32, #tpu.memory_space<vmem>> -> memref<1x80x128xf32, #tpu.memory_space<vmem>>
      %dma_wait3A_327 = tpu.memref_squeeze %dma_wait3A_326 : memref<1x80x128xf32, #tpu.memory_space<vmem>> -> memref<80x128xf32, #tpu.memory_space<vmem>>
      %dma_wait3A_328 = arith.constant 0 : i32
      %dma_wait3A_329 = arith.constant 0 : i32
      %dma_wait3A_330 = tpu.memref_slice %dma_wait3A_327[%dma_wait3A_328, %dma_wait3A_329] : memref<80x128xf32, #tpu.memory_space<vmem>> -> memref<64x128xf32, #tpu.memory_space<vmem>>
      %dma_wait3A_331 = arith.constant 0 : i32
      %dma_wait3A_332 = tpu.memref_slice %arg11[%add3A_26, %dma_wait3A_331] : memref<10000x128xf32, #tpu.memory_space<vmem_shared>> -> memref<64x128xf32, #tpu.memory_space<vmem_shared>>
      %dma_wait3A_333 = arith.constant 0 : i32
      %dma_wait3A_334 = tpu.memref_slice %arg11[%add3A_26, %dma_wait3A_333] : memref<10000x128xf32, #tpu.memory_space<vmem_shared>> -> memref<64x128xf32, #tpu.memory_space<vmem_shared>>
      %dma_wait3A_335 = arith.constant 0 : i32
      %dma_wait3A_336 = arith.constant 0 : i32
      %dma_wait3A_337 = tpu.memref_slice %arg10[%run_scoped3A_27, %dma_wait3A_335, %dma_wait3A_336] : memref<3x80x128xf32, #tpu.memory_space<vmem>> -> memref<1x80x128xf32, #tpu.memory_space<vmem>>
      %dma_wait3A_338 = tpu.memref_squeeze %dma_wait3A_337 : memref<1x80x128xf32, #tpu.memory_space<vmem>> -> memref<80x128xf32, #tpu.memory_space<vmem>>
      %dma_wait3A_339 = arith.constant 0 : i32
      %dma_wait3A_340 = arith.constant 0 : i32
      %dma_wait3A_341 = tpu.memref_slice %dma_wait3A_338[%dma_wait3A_339, %dma_wait3A_340] : memref<80x128xf32, #tpu.memory_space<vmem>> -> memref<64x128xf32, #tpu.memory_space<vmem>>
      tpu.wait_dma2 semaphore(%run_scoped3A_305 : memref<!tpu.dma_semaphore, #tpu.memory_space<semaphore_mem>>) src(%dma_wait3A_341 : memref<64x128xf32, #tpu.memory_space<vmem>>) dst(%dma_wait3A_334 : memref<64x128xf32, #tpu.memory_space<vmem_shared>>)
      tpu.yield
    }) : () -> ()
    %eq3A = arith.constant 15 : i32
    %eq3A_28 = arith.cmpi eq, %arg1, %eq3A : i32
    %convert_element_type3A = arith.extui %eq3A_28 : i1 to i32
    %cond3A = arith.constant 0 : i32
    %cond3A_29 = arith.cmpi ne, %convert_element_type3A, %cond3A : i32
    scf.if %cond3A_29 {
      %run_scoped3A_305 = arith.constant 0 : i32
      "tpu.region"() ({
        %run_scoped3A_306 = tpu.sem_alloc : memref<!tpu.dma_semaphore, #tpu.memory_space<semaphore_mem>>
        %dma_start3A_307 = arith.constant 0 : i32
        %dma_start3A_308 = arith.constant 0 : i32
        %dma_start3A_309 = tpu.memref_slice %arg10[%run_scoped3A_305, %dma_start3A_307, %dma_start3A_308] : memref<3x80x128xf32, #tpu.memory_space<vmem>> -> memref<1x80x128xf32, #tpu.memory_space<vmem>>
        %dma_start3A_310 = tpu.memref_squeeze %dma_start3A_309 : memref<1x80x128xf32, #tpu.memory_space<vmem>> -> memref<80x128xf32, #tpu.memory_space<vmem>>
        %dma_start3A_311 = arith.constant 0 : i32
        %dma_start3A_312 = arith.constant 0 : i32
        %dma_start3A_313 = tpu.memref_slice %dma_start3A_310[%dma_start3A_311, %dma_start3A_312] : memref<80x128xf32, #tpu.memory_space<vmem>> -> memref<16x128xf32, #tpu.memory_space<vmem>>
        %dma_start3A_314 = arith.constant 9984 : i32
        %dma_start3A_315 = arith.constant 0 : i32
        %dma_start3A_316 = tpu.memref_slice %arg11[%dma_start3A_314, %dma_start3A_315] : memref<10000x128xf32, #tpu.memory_space<vmem_shared>> -> memref<16x128xf32, #tpu.memory_space<vmem_shared>>
        %dma_start3A_317 = arith.constant 9984 : i32
        %dma_start3A_318 = arith.constant 0 : i32
        %dma_start3A_319 = tpu.memref_slice %arg11[%dma_start3A_317, %dma_start3A_318] : memref<10000x128xf32, #tpu.memory_space<vmem_shared>> -> memref<16x128xf32, #tpu.memory_space<vmem_shared>>
        %dma_start3A_320 = arith.constant 0 : i32
        %dma_start3A_321 = arith.constant 0 : i32
        %dma_start3A_322 = tpu.memref_slice %arg10[%run_scoped3A_305, %dma_start3A_320, %dma_start3A_321] : memref<3x80x128xf32, #tpu.memory_space<vmem>> -> memref<1x80x128xf32, #tpu.memory_space<vmem>>
        %dma_start3A_323 = tpu.memref_squeeze %dma_start3A_322 : memref<1x80x128xf32, #tpu.memory_space<vmem>> -> memref<80x128xf32, #tpu.memory_space<vmem>>
        %dma_start3A_324 = arith.constant 0 : i32
        %dma_start3A_325 = arith.constant 0 : i32
        %dma_start3A_326 = tpu.memref_slice %dma_start3A_323[%dma_start3A_324, %dma_start3A_325] : memref<80x128xf32, #tpu.memory_space<vmem>> -> memref<16x128xf32, #tpu.memory_space<vmem>>
        tpu.enqueue_dma source(%dma_start3A_326 : memref<16x128xf32, #tpu.memory_space<vmem>>) target(%dma_start3A_319 : memref<16x128xf32, #tpu.memory_space<vmem_shared>>) target_semaphore(%run_scoped3A_306 : memref<!tpu.dma_semaphore, #tpu.memory_space<semaphore_mem>>)
        %dma_wait3A_327 = arith.constant 0 : i32
        %dma_wait3A_328 = arith.constant 0 : i32
        %dma_wait3A_329 = tpu.memref_slice %arg10[%run_scoped3A_305, %dma_wait3A_327, %dma_wait3A_328] : memref<3x80x128xf32, #tpu.memory_space<vmem>> -> memref<1x80x128xf32, #tpu.memory_space<vmem>>
        %dma_wait3A_330 = tpu.memref_squeeze %dma_wait3A_329 : memref<1x80x128xf32, #tpu.memory_space<vmem>> -> memref<80x128xf32, #tpu.memory_space<vmem>>
        %dma_wait3A_331 = arith.constant 0 : i32
        %dma_wait3A_332 = arith.constant 0 : i32
        %dma_wait3A_333 = tpu.memref_slice %dma_wait3A_330[%dma_wait3A_331, %dma_wait3A_332] : memref<80x128xf32, #tpu.memory_space<vmem>> -> memref<16x128xf32, #tpu.memory_space<vmem>>
        %dma_wait3A_334 = arith.constant 9984 : i32
        %dma_wait3A_335 = arith.constant 0 : i32
        %dma_wait3A_336 = tpu.memref_slice %arg11[%dma_wait3A_334, %dma_wait3A_335] : memref<10000x128xf32, #tpu.memory_space<vmem_shared>> -> memref<16x128xf32, #tpu.memory_space<vmem_shared>>
        %dma_wait3A_337 = arith.constant 9984 : i32
        %dma_wait3A_338 = arith.constant 0 : i32
        %dma_wait3A_339 = tpu.memref_slice %arg11[%dma_wait3A_337, %dma_wait3A_338] : memref<10000x128xf32, #tpu.memory_space<vmem_shared>> -> memref<16x128xf32, #tpu.memory_space<vmem_shared>>
        %dma_wait3A_340 = arith.constant 0 : i32
        %dma_wait3A_341 = arith.constant 0 : i32
        %dma_wait3A_342 = tpu.memref_slice %arg10[%run_scoped3A_305, %dma_wait3A_340, %dma_wait3A_341] : memref<3x80x128xf32, #tpu.memory_space<vmem>> -> memref<1x80x128xf32, #tpu.memory_space<vmem>>
        %dma_wait3A_343 = tpu.memref_squeeze %dma_wait3A_342 : memref<1x80x128xf32, #tpu.memory_space<vmem>> -> memref<80x128xf32, #tpu.memory_space<vmem>>
        %dma_wait3A_344 = arith.constant 0 : i32
        %dma_wait3A_345 = arith.constant 0 : i32
        %dma_wait3A_346 = tpu.memref_slice %dma_wait3A_343[%dma_wait3A_344, %dma_wait3A_345] : memref<80x128xf32, #tpu.memory_space<vmem>> -> memref<16x128xf32, #tpu.memory_space<vmem>>
        tpu.wait_dma2 semaphore(%run_scoped3A_306 : memref<!tpu.dma_semaphore, #tpu.memory_space<semaphore_mem>>) src(%dma_wait3A_346 : memref<16x128xf32, #tpu.memory_space<vmem>>) dst(%dma_wait3A_339 : memref<16x128xf32, #tpu.memory_space<vmem_shared>>)
        tpu.yield
      }) : () -> ()
    } else {
    }
    %barrier3A = arith.constant 0 : index
    tpu.barrier barrier_id(%barrier3A)
    %rem3A = arith.constant 0 : i32
    %rem3A_30 = arith.constant 6 : i32
    %rem3A_31 = arith.remsi %rem3A, %rem3A_30 : i32
    %dma_start3A = arith.constant 0 : i32
    %dma_start3A_32 = arith.constant 0 : i32
    %dma_start3A_33 = tpu.memref_slice %arg7[%rem3A_31, %dma_start3A_32] : memref<6x80xi32, #tpu.memory_space<vmem>> -> memref<1x80xi32, #tpu.memory_space<vmem>>
    %dma_start3A_34 = tpu.memref_squeeze %dma_start3A_33 : memref<1x80xi32, #tpu.memory_space<vmem>> -> memref<80xi32, #tpu.memory_space<vmem>>
    %dma_start3A_35 = arith.constant 0 : i32
    %dma_start3A_36 = tpu.memref_slice %arg2[%arg0, %arg1, %dma_start3A, %dma_start3A_35] : memref<2x16x125x80xi32, #tpu.memory_space<hbm>> -> memref<1x1x1x80xi32, #tpu.memory_space<hbm>>
    %dma_start3A_37 = tpu.memref_squeeze %dma_start3A_36 : memref<1x1x1x80xi32, #tpu.memory_space<hbm>> -> memref<80xi32, #tpu.memory_space<hbm>>
    %dma_start3A_38 = tpu.memref_slice %arg12[%rem3A_31] : memref<6x!tpu.dma_semaphore, #tpu.memory_space<semaphore_mem>> -> memref<1x!tpu.dma_semaphore, #tpu.memory_space<semaphore_mem>>
    %dma_start3A_39 = tpu.memref_squeeze %dma_start3A_38 : memref<1x!tpu.dma_semaphore, #tpu.memory_space<semaphore_mem>> -> memref<!tpu.dma_semaphore, #tpu.memory_space<semaphore_mem>>
    %dma_start3A_40 = arith.constant 0 : i32
    %dma_start3A_41 = tpu.memref_slice %arg7[%rem3A_31, %dma_start3A_40] : memref<6x80xi32, #tpu.memory_space<vmem>> -> memref<1x80xi32, #tpu.memory_space<vmem>>
    %dma_start3A_42 = tpu.memref_squeeze %dma_start3A_41 : memref<1x80xi32, #tpu.memory_space<vmem>> -> memref<80xi32, #tpu.memory_space<vmem>>
    %dma_start3A_43 = arith.constant 0 : i32
    %dma_start3A_44 = tpu.memref_slice %arg2[%arg0, %arg1, %dma_start3A, %dma_start3A_43] : memref<2x16x125x80xi32, #tpu.memory_space<hbm>> -> memref<1x1x1x80xi32, #tpu.memory_space<hbm>>
    %dma_start3A_45 = tpu.memref_squeeze %dma_start3A_44 : memref<1x1x1x80xi32, #tpu.memory_space<hbm>> -> memref<80xi32, #tpu.memory_space<hbm>>
    tpu.enqueue_dma source(%dma_start3A_45 : memref<80xi32, #tpu.memory_space<hbm>>) target(%dma_start3A_42 : memref<80xi32, #tpu.memory_space<vmem>>) target_semaphore(%dma_start3A_39 : memref<!tpu.dma_semaphore, #tpu.memory_space<semaphore_mem>>)
    %dma_start3A_46 = arith.constant 0 : i32
    %dma_start3A_47 = arith.constant 0 : i32
    %dma_start3A_48 = tpu.memref_slice %arg8[%rem3A_31, %dma_start3A_47] : memref<6x80xi32, #tpu.memory_space<vmem>> -> memref<1x80xi32, #tpu.memory_space<vmem>>
    %dma_start3A_49 = tpu.memref_squeeze %dma_start3A_48 : memref<1x80xi32, #tpu.memory_space<vmem>> -> memref<80xi32, #tpu.memory_space<vmem>>
    %dma_start3A_50 = arith.constant 0 : i32
    %dma_start3A_51 = tpu.memref_slice %arg3[%arg1, %dma_start3A_46, %dma_start3A_50] : memref<16x125x80xi32, #tpu.memory_space<hbm>> -> memref<1x1x80xi32, #tpu.memory_space<hbm>>
    %dma_start3A_52 = tpu.memref_squeeze %dma_start3A_51 : memref<1x1x80xi32, #tpu.memory_space<hbm>> -> memref<80xi32, #tpu.memory_space<hbm>>
    %dma_start3A_53 = tpu.memref_slice %arg12[%rem3A_31] : memref<6x!tpu.dma_semaphore, #tpu.memory_space<semaphore_mem>> -> memref<1x!tpu.dma_semaphore, #tpu.memory_space<semaphore_mem>>
    %dma_start3A_54 = tpu.memref_squeeze %dma_start3A_53 : memref<1x!tpu.dma_semaphore, #tpu.memory_space<semaphore_mem>> -> memref<!tpu.dma_semaphore, #tpu.memory_space<semaphore_mem>>
    %dma_start3A_55 = arith.constant 0 : i32
    %dma_start3A_56 = tpu.memref_slice %arg8[%rem3A_31, %dma_start3A_55] : memref<6x80xi32, #tpu.memory_space<vmem>> -> memref<1x80xi32, #tpu.memory_space<vmem>>
    %dma_start3A_57 = tpu.memref_squeeze %dma_start3A_56 : memref<1x80xi32, #tpu.memory_space<vmem>> -> memref<80xi32, #tpu.memory_space<vmem>>
    %dma_start3A_58 = arith.constant 0 : i32
    %dma_start3A_59 = tpu.memref_slice %arg3[%arg1, %dma_start3A_46, %dma_start3A_58] : memref<16x125x80xi32, #tpu.memory_space<hbm>> -> memref<1x1x80xi32, #tpu.memory_space<hbm>>
    %dma_start3A_60 = tpu.memref_squeeze %dma_start3A_59 : memref<1x1x80xi32, #tpu.memory_space<hbm>> -> memref<80xi32, #tpu.memory_space<hbm>>
    tpu.enqueue_dma source(%dma_start3A_60 : memref<80xi32, #tpu.memory_space<hbm>>) target(%dma_start3A_57 : memref<80xi32, #tpu.memory_space<vmem>>) target_semaphore(%dma_start3A_54 : memref<!tpu.dma_semaphore, #tpu.memory_space<semaphore_mem>>)
    %dma_start3A_61 = arith.constant 0 : i32
    %dma_start3A_62 = arith.constant 0 : i32
    %dma_start3A_63 = tpu.memref_slice %arg9[%rem3A_31, %dma_start3A_62] : memref<6x80xf32, #tpu.memory_space<vmem>> -> memref<1x80xf32, #tpu.memory_space<vmem>>
    %dma_start3A_64 = tpu.memref_squeeze %dma_start3A_63 : memref<1x80xf32, #tpu.memory_space<vmem>> -> memref<80xf32, #tpu.memory_space<vmem>>
    %dma_start3A_65 = arith.constant 0 : i32
    %dma_start3A_66 = tpu.memref_slice %arg4[%arg1, %dma_start3A_61, %dma_start3A_65] : memref<16x125x80xf32, #tpu.memory_space<hbm>> -> memref<1x1x80xf32, #tpu.memory_space<hbm>>
    %dma_start3A_67 = tpu.memref_squeeze %dma_start3A_66 : memref<1x1x80xf32, #tpu.memory_space<hbm>> -> memref<80xf32, #tpu.memory_space<hbm>>
    %dma_start3A_68 = tpu.memref_slice %arg12[%rem3A_31] : memref<6x!tpu.dma_semaphore, #tpu.memory_space<semaphore_mem>> -> memref<1x!tpu.dma_semaphore, #tpu.memory_space<semaphore_mem>>
    %dma_start3A_69 = tpu.memref_squeeze %dma_start3A_68 : memref<1x!tpu.dma_semaphore, #tpu.memory_space<semaphore_mem>> -> memref<!tpu.dma_semaphore, #tpu.memory_space<semaphore_mem>>
    %dma_start3A_70 = arith.constant 0 : i32
    %dma_start3A_71 = tpu.memref_slice %arg9[%rem3A_31, %dma_start3A_70] : memref<6x80xf32, #tpu.memory_space<vmem>> -> memref<1x80xf32, #tpu.memory_space<vmem>>
    %dma_start3A_72 = tpu.memref_squeeze %dma_start3A_71 : memref<1x80xf32, #tpu.memory_space<vmem>> -> memref<80xf32, #tpu.memory_space<vmem>>
    %dma_start3A_73 = arith.constant 0 : i32
    %dma_start3A_74 = tpu.memref_slice %arg4[%arg1, %dma_start3A_61, %dma_start3A_73] : memref<16x125x80xf32, #tpu.memory_space<hbm>> -> memref<1x1x80xf32, #tpu.memory_space<hbm>>
    %dma_start3A_75 = tpu.memref_squeeze %dma_start3A_74 : memref<1x1x80xf32, #tpu.memory_space<hbm>> -> memref<80xf32, #tpu.memory_space<hbm>>
    tpu.enqueue_dma source(%dma_start3A_75 : memref<80xf32, #tpu.memory_space<hbm>>) target(%dma_start3A_72 : memref<80xf32, #tpu.memory_space<vmem>>) target_semaphore(%dma_start3A_69 : memref<!tpu.dma_semaphore, #tpu.memory_space<semaphore_mem>>)
    %rem3A_76 = arith.constant 1 : i32
    %rem3A_77 = arith.constant 6 : i32
    %rem3A_78 = arith.remsi %rem3A_76, %rem3A_77 : i32
    %dma_start3A_79 = arith.constant 1 : i32
    %dma_start3A_80 = arith.constant 0 : i32
    %dma_start3A_81 = tpu.memref_slice %arg7[%rem3A_78, %dma_start3A_80] : memref<6x80xi32, #tpu.memory_space<vmem>> -> memref<1x80xi32, #tpu.memory_space<vmem>>
    %dma_start3A_82 = tpu.memref_squeeze %dma_start3A_81 : memref<1x80xi32, #tpu.memory_space<vmem>> -> memref<80xi32, #tpu.memory_space<vmem>>
    %dma_start3A_83 = arith.constant 0 : i32
    %dma_start3A_84 = tpu.memref_slice %arg2[%arg0, %arg1, %dma_start3A_79, %dma_start3A_83] : memref<2x16x125x80xi32, #tpu.memory_space<hbm>> -> memref<1x1x1x80xi32, #tpu.memory_space<hbm>>
    %dma_start3A_85 = tpu.memref_squeeze %dma_start3A_84 : memref<1x1x1x80xi32, #tpu.memory_space<hbm>> -> memref<80xi32, #tpu.memory_space<hbm>>
    %dma_start3A_86 = tpu.memref_slice %arg12[%rem3A_78] : memref<6x!tpu.dma_semaphore, #tpu.memory_space<semaphore_mem>> -> memref<1x!tpu.dma_semaphore, #tpu.memory_space<semaphore_mem>>
    %dma_start3A_87 = tpu.memref_squeeze %dma_start3A_86 : memref<1x!tpu.dma_semaphore, #tpu.memory_space<semaphore_mem>> -> memref<!tpu.dma_semaphore, #tpu.memory_space<semaphore_mem>>
    %dma_start3A_88 = arith.constant 0 : i32
    %dma_start3A_89 = tpu.memref_slice %arg7[%rem3A_78, %dma_start3A_88] : memref<6x80xi32, #tpu.memory_space<vmem>> -> memref<1x80xi32, #tpu.memory_space<vmem>>
    %dma_start3A_90 = tpu.memref_squeeze %dma_start3A_89 : memref<1x80xi32, #tpu.memory_space<vmem>> -> memref<80xi32, #tpu.memory_space<vmem>>
    %dma_start3A_91 = arith.constant 0 : i32
    %dma_start3A_92 = tpu.memref_slice %arg2[%arg0, %arg1, %dma_start3A_79, %dma_start3A_91] : memref<2x16x125x80xi32, #tpu.memory_space<hbm>> -> memref<1x1x1x80xi32, #tpu.memory_space<hbm>>
    %dma_start3A_93 = tpu.memref_squeeze %dma_start3A_92 : memref<1x1x1x80xi32, #tpu.memory_space<hbm>> -> memref<80xi32, #tpu.memory_space<hbm>>
    tpu.enqueue_dma source(%dma_start3A_93 : memref<80xi32, #tpu.memory_space<hbm>>) target(%dma_start3A_90 : memref<80xi32, #tpu.memory_space<vmem>>) target_semaphore(%dma_start3A_87 : memref<!tpu.dma_semaphore, #tpu.memory_space<semaphore_mem>>)
    %dma_start3A_94 = arith.constant 1 : i32
    %dma_start3A_95 = arith.constant 0 : i32
    %dma_start3A_96 = tpu.memref_slice %arg8[%rem3A_78, %dma_start3A_95] : memref<6x80xi32, #tpu.memory_space<vmem>> -> memref<1x80xi32, #tpu.memory_space<vmem>>
    %dma_start3A_97 = tpu.memref_squeeze %dma_start3A_96 : memref<1x80xi32, #tpu.memory_space<vmem>> -> memref<80xi32, #tpu.memory_space<vmem>>
    %dma_start3A_98 = arith.constant 0 : i32
    %dma_start3A_99 = tpu.memref_slice %arg3[%arg1, %dma_start3A_94, %dma_start3A_98] : memref<16x125x80xi32, #tpu.memory_space<hbm>> -> memref<1x1x80xi32, #tpu.memory_space<hbm>>
    %dma_start3A_100 = tpu.memref_squeeze %dma_start3A_99 : memref<1x1x80xi32, #tpu.memory_space<hbm>> -> memref<80xi32, #tpu.memory_space<hbm>>
    %dma_start3A_101 = tpu.memref_slice %arg12[%rem3A_78] : memref<6x!tpu.dma_semaphore, #tpu.memory_space<semaphore_mem>> -> memref<1x!tpu.dma_semaphore, #tpu.memory_space<semaphore_mem>>
    %dma_start3A_102 = tpu.memref_squeeze %dma_start3A_101 : memref<1x!tpu.dma_semaphore, #tpu.memory_space<semaphore_mem>> -> memref<!tpu.dma_semaphore, #tpu.memory_space<semaphore_mem>>
    %dma_start3A_103 = arith.constant 0 : i32
    %dma_start3A_104 = tpu.memref_slice %arg8[%rem3A_78, %dma_start3A_103] : memref<6x80xi32, #tpu.memory_space<vmem>> -> memref<1x80xi32, #tpu.memory_space<vmem>>
    %dma_start3A_105 = tpu.memref_squeeze %dma_start3A_104 : memref<1x80xi32, #tpu.memory_space<vmem>> -> memref<80xi32, #tpu.memory_space<vmem>>
    %dma_start3A_106 = arith.constant 0 : i32
    %dma_start3A_107 = tpu.memref_slice %arg3[%arg1, %dma_start3A_94, %dma_start3A_106] : memref<16x125x80xi32, #tpu.memory_space<hbm>> -> memref<1x1x80xi32, #tpu.memory_space<hbm>>
    %dma_start3A_108 = tpu.memref_squeeze %dma_start3A_107 : memref<1x1x80xi32, #tpu.memory_space<hbm>> -> memref<80xi32, #tpu.memory_space<hbm>>
    tpu.enqueue_dma source(%dma_start3A_108 : memref<80xi32, #tpu.memory_space<hbm>>) target(%dma_start3A_105 : memref<80xi32, #tpu.memory_space<vmem>>) target_semaphore(%dma_start3A_102 : memref<!tpu.dma_semaphore, #tpu.memory_space<semaphore_mem>>)
    %dma_start3A_109 = arith.constant 1 : i32
    %dma_start3A_110 = arith.constant 0 : i32
    %dma_start3A_111 = tpu.memref_slice %arg9[%rem3A_78, %dma_start3A_110] : memref<6x80xf32, #tpu.memory_space<vmem>> -> memref<1x80xf32, #tpu.memory_space<vmem>>
    %dma_start3A_112 = tpu.memref_squeeze %dma_start3A_111 : memref<1x80xf32, #tpu.memory_space<vmem>> -> memref<80xf32, #tpu.memory_space<vmem>>
    %dma_start3A_113 = arith.constant 0 : i32
    %dma_start3A_114 = tpu.memref_slice %arg4[%arg1, %dma_start3A_109, %dma_start3A_113] : memref<16x125x80xf32, #tpu.memory_space<hbm>> -> memref<1x1x80xf32, #tpu.memory_space<hbm>>
    %dma_start3A_115 = tpu.memref_squeeze %dma_start3A_114 : memref<1x1x80xf32, #tpu.memory_space<hbm>> -> memref<80xf32, #tpu.memory_space<hbm>>
    %dma_start3A_116 = tpu.memref_slice %arg12[%rem3A_78] : memref<6x!tpu.dma_semaphore, #tpu.memory_space<semaphore_mem>> -> memref<1x!tpu.dma_semaphore, #tpu.memory_space<semaphore_mem>>
    %dma_start3A_117 = tpu.memref_squeeze %dma_start3A_116 : memref<1x!tpu.dma_semaphore, #tpu.memory_space<semaphore_mem>> -> memref<!tpu.dma_semaphore, #tpu.memory_space<semaphore_mem>>
    %dma_start3A_118 = arith.constant 0 : i32
    %dma_start3A_119 = tpu.memref_slice %arg9[%rem3A_78, %dma_start3A_118] : memref<6x80xf32, #tpu.memory_space<vmem>> -> memref<1x80xf32, #tpu.memory_space<vmem>>
    %dma_start3A_120 = tpu.memref_squeeze %dma_start3A_119 : memref<1x80xf32, #tpu.memory_space<vmem>> -> memref<80xf32, #tpu.memory_space<vmem>>
    %dma_start3A_121 = arith.constant 0 : i32
    %dma_start3A_122 = tpu.memref_slice %arg4[%arg1, %dma_start3A_109, %dma_start3A_121] : memref<16x125x80xf32, #tpu.memory_space<hbm>> -> memref<1x1x80xf32, #tpu.memory_space<hbm>>
    %dma_start3A_123 = tpu.memref_squeeze %dma_start3A_122 : memref<1x1x80xf32, #tpu.memory_space<hbm>> -> memref<80xf32, #tpu.memory_space<hbm>>
    tpu.enqueue_dma source(%dma_start3A_123 : memref<80xf32, #tpu.memory_space<hbm>>) target(%dma_start3A_120 : memref<80xf32, #tpu.memory_space<vmem>>) target_semaphore(%dma_start3A_117 : memref<!tpu.dma_semaphore, #tpu.memory_space<semaphore_mem>>)
    %rem3A_124 = arith.constant 2 : i32
    %rem3A_125 = arith.constant 6 : i32
    %rem3A_126 = arith.remsi %rem3A_124, %rem3A_125 : i32
    %dma_start3A_127 = arith.constant 2 : i32
    %dma_start3A_128 = arith.constant 0 : i32
    %dma_start3A_129 = tpu.memref_slice %arg7[%rem3A_126, %dma_start3A_128] : memref<6x80xi32, #tpu.memory_space<vmem>> -> memref<1x80xi32, #tpu.memory_space<vmem>>
    %dma_start3A_130 = tpu.memref_squeeze %dma_start3A_129 : memref<1x80xi32, #tpu.memory_space<vmem>> -> memref<80xi32, #tpu.memory_space<vmem>>
    %dma_start3A_131 = arith.constant 0 : i32
    %dma_start3A_132 = tpu.memref_slice %arg2[%arg0, %arg1, %dma_start3A_127, %dma_start3A_131] : memref<2x16x125x80xi32, #tpu.memory_space<hbm>> -> memref<1x1x1x80xi32, #tpu.memory_space<hbm>>
    %dma_start3A_133 = tpu.memref_squeeze %dma_start3A_132 : memref<1x1x1x80xi32, #tpu.memory_space<hbm>> -> memref<80xi32, #tpu.memory_space<hbm>>
    %dma_start3A_134 = tpu.memref_slice %arg12[%rem3A_126] : memref<6x!tpu.dma_semaphore, #tpu.memory_space<semaphore_mem>> -> memref<1x!tpu.dma_semaphore, #tpu.memory_space<semaphore_mem>>
    %dma_start3A_135 = tpu.memref_squeeze %dma_start3A_134 : memref<1x!tpu.dma_semaphore, #tpu.memory_space<semaphore_mem>> -> memref<!tpu.dma_semaphore, #tpu.memory_space<semaphore_mem>>
    %dma_start3A_136 = arith.constant 0 : i32
    %dma_start3A_137 = tpu.memref_slice %arg7[%rem3A_126, %dma_start3A_136] : memref<6x80xi32, #tpu.memory_space<vmem>> -> memref<1x80xi32, #tpu.memory_space<vmem>>
    %dma_start3A_138 = tpu.memref_squeeze %dma_start3A_137 : memref<1x80xi32, #tpu.memory_space<vmem>> -> memref<80xi32, #tpu.memory_space<vmem>>
    %dma_start3A_139 = arith.constant 0 : i32
    %dma_start3A_140 = tpu.memref_slice %arg2[%arg0, %arg1, %dma_start3A_127, %dma_start3A_139] : memref<2x16x125x80xi32, #tpu.memory_space<hbm>> -> memref<1x1x1x80xi32, #tpu.memory_space<hbm>>
    %dma_start3A_141 = tpu.memref_squeeze %dma_start3A_140 : memref<1x1x1x80xi32, #tpu.memory_space<hbm>> -> memref<80xi32, #tpu.memory_space<hbm>>
    tpu.enqueue_dma source(%dma_start3A_141 : memref<80xi32, #tpu.memory_space<hbm>>) target(%dma_start3A_138 : memref<80xi32, #tpu.memory_space<vmem>>) target_semaphore(%dma_start3A_135 : memref<!tpu.dma_semaphore, #tpu.memory_space<semaphore_mem>>)
    %dma_start3A_142 = arith.constant 2 : i32
    %dma_start3A_143 = arith.constant 0 : i32
    %dma_start3A_144 = tpu.memref_slice %arg8[%rem3A_126, %dma_start3A_143] : memref<6x80xi32, #tpu.memory_space<vmem>> -> memref<1x80xi32, #tpu.memory_space<vmem>>
    %dma_start3A_145 = tpu.memref_squeeze %dma_start3A_144 : memref<1x80xi32, #tpu.memory_space<vmem>> -> memref<80xi32, #tpu.memory_space<vmem>>
    %dma_start3A_146 = arith.constant 0 : i32
    %dma_start3A_147 = tpu.memref_slice %arg3[%arg1, %dma_start3A_142, %dma_start3A_146] : memref<16x125x80xi32, #tpu.memory_space<hbm>> -> memref<1x1x80xi32, #tpu.memory_space<hbm>>
    %dma_start3A_148 = tpu.memref_squeeze %dma_start3A_147 : memref<1x1x80xi32, #tpu.memory_space<hbm>> -> memref<80xi32, #tpu.memory_space<hbm>>
    %dma_start3A_149 = tpu.memref_slice %arg12[%rem3A_126] : memref<6x!tpu.dma_semaphore, #tpu.memory_space<semaphore_mem>> -> memref<1x!tpu.dma_semaphore, #tpu.memory_space<semaphore_mem>>
    %dma_start3A_150 = tpu.memref_squeeze %dma_start3A_149 : memref<1x!tpu.dma_semaphore, #tpu.memory_space<semaphore_mem>> -> memref<!tpu.dma_semaphore, #tpu.memory_space<semaphore_mem>>
    %dma_start3A_151 = arith.constant 0 : i32
    %dma_start3A_152 = tpu.memref_slice %arg8[%rem3A_126, %dma_start3A_151] : memref<6x80xi32, #tpu.memory_space<vmem>> -> memref<1x80xi32, #tpu.memory_space<vmem>>
    %dma_start3A_153 = tpu.memref_squeeze %dma_start3A_152 : memref<1x80xi32, #tpu.memory_space<vmem>> -> memref<80xi32, #tpu.memory_space<vmem>>
    %dma_start3A_154 = arith.constant 0 : i32
    %dma_start3A_155 = tpu.memref_slice %arg3[%arg1, %dma_start3A_142, %dma_start3A_154] : memref<16x125x80xi32, #tpu.memory_space<hbm>> -> memref<1x1x80xi32, #tpu.memory_space<hbm>>
    %dma_start3A_156 = tpu.memref_squeeze %dma_start3A_155 : memref<1x1x80xi32, #tpu.memory_space<hbm>> -> memref<80xi32, #tpu.memory_space<hbm>>
    tpu.enqueue_dma source(%dma_start3A_156 : memref<80xi32, #tpu.memory_space<hbm>>) target(%dma_start3A_153 : memref<80xi32, #tpu.memory_space<vmem>>) target_semaphore(%dma_start3A_150 : memref<!tpu.dma_semaphore, #tpu.memory_space<semaphore_mem>>)
    %dma_start3A_157 = arith.constant 2 : i32
    %dma_start3A_158 = arith.constant 0 : i32
    %dma_start3A_159 = tpu.memref_slice %arg9[%rem3A_126, %dma_start3A_158] : memref<6x80xf32, #tpu.memory_space<vmem>> -> memref<1x80xf32, #tpu.memory_space<vmem>>
    %dma_start3A_160 = tpu.memref_squeeze %dma_start3A_159 : memref<1x80xf32, #tpu.memory_space<vmem>> -> memref<80xf32, #tpu.memory_space<vmem>>
    %dma_start3A_161 = arith.constant 0 : i32
    %dma_start3A_162 = tpu.memref_slice %arg4[%arg1, %dma_start3A_157, %dma_start3A_161] : memref<16x125x80xf32, #tpu.memory_space<hbm>> -> memref<1x1x80xf32, #tpu.memory_space<hbm>>
    %dma_start3A_163 = tpu.memref_squeeze %dma_start3A_162 : memref<1x1x80xf32, #tpu.memory_space<hbm>> -> memref<80xf32, #tpu.memory_space<hbm>>
    %dma_start3A_164 = tpu.memref_slice %arg12[%rem3A_126] : memref<6x!tpu.dma_semaphore, #tpu.memory_space<semaphore_mem>> -> memref<1x!tpu.dma_semaphore, #tpu.memory_space<semaphore_mem>>
    %dma_start3A_165 = tpu.memref_squeeze %dma_start3A_164 : memref<1x!tpu.dma_semaphore, #tpu.memory_space<semaphore_mem>> -> memref<!tpu.dma_semaphore, #tpu.memory_space<semaphore_mem>>
    %dma_start3A_166 = arith.constant 0 : i32
    %dma_start3A_167 = tpu.memref_slice %arg9[%rem3A_126, %dma_start3A_166] : memref<6x80xf32, #tpu.memory_space<vmem>> -> memref<1x80xf32, #tpu.memory_space<vmem>>
    %dma_start3A_168 = tpu.memref_squeeze %dma_start3A_167 : memref<1x80xf32, #tpu.memory_space<vmem>> -> memref<80xf32, #tpu.memory_space<vmem>>
    %dma_start3A_169 = arith.constant 0 : i32
    %dma_start3A_170 = tpu.memref_slice %arg4[%arg1, %dma_start3A_157, %dma_start3A_169] : memref<16x125x80xf32, #tpu.memory_space<hbm>> -> memref<1x1x80xf32, #tpu.memory_space<hbm>>
    %dma_start3A_171 = tpu.memref_squeeze %dma_start3A_170 : memref<1x1x80xf32, #tpu.memory_space<hbm>> -> memref<80xf32, #tpu.memory_space<hbm>>
    tpu.enqueue_dma source(%dma_start3A_171 : memref<80xf32, #tpu.memory_space<hbm>>) target(%dma_start3A_168 : memref<80xf32, #tpu.memory_space<vmem>>) target_semaphore(%dma_start3A_165 : memref<!tpu.dma_semaphore, #tpu.memory_space<semaphore_mem>>)
    %rem3A_172 = arith.constant 0 : i32
    %rem3A_173 = arith.constant 6 : i32
    %rem3A_174 = arith.remsi %rem3A_172, %rem3A_173 : i32
    %dma_wait3A = arith.constant 0 : i32
    %dma_wait3A_175 = arith.constant 0 : i32
    %dma_wait3A_176 = tpu.memref_slice %arg7[%rem3A_174, %dma_wait3A_175] : memref<6x80xi32, #tpu.memory_space<vmem>> -> memref<1x80xi32, #tpu.memory_space<vmem>>
    %dma_wait3A_177 = tpu.memref_squeeze %dma_wait3A_176 : memref<1x80xi32, #tpu.memory_space<vmem>> -> memref<80xi32, #tpu.memory_space<vmem>>
    %dma_wait3A_178 = arith.constant 0 : i32
    %dma_wait3A_179 = tpu.memref_slice %arg2[%arg0, %arg1, %dma_wait3A, %dma_wait3A_178] : memref<2x16x125x80xi32, #tpu.memory_space<hbm>> -> memref<1x1x1x80xi32, #tpu.memory_space<hbm>>
    %dma_wait3A_180 = tpu.memref_squeeze %dma_wait3A_179 : memref<1x1x1x80xi32, #tpu.memory_space<hbm>> -> memref<80xi32, #tpu.memory_space<hbm>>
    %dma_wait3A_181 = tpu.memref_slice %arg12[%rem3A_174] : memref<6x!tpu.dma_semaphore, #tpu.memory_space<semaphore_mem>> -> memref<1x!tpu.dma_semaphore, #tpu.memory_space<semaphore_mem>>
    %dma_wait3A_182 = tpu.memref_squeeze %dma_wait3A_181 : memref<1x!tpu.dma_semaphore, #tpu.memory_space<semaphore_mem>> -> memref<!tpu.dma_semaphore, #tpu.memory_space<semaphore_mem>>
    %dma_wait3A_183 = arith.constant 0 : i32
    %dma_wait3A_184 = tpu.memref_slice %arg7[%rem3A_174, %dma_wait3A_183] : memref<6x80xi32, #tpu.memory_space<vmem>> -> memref<1x80xi32, #tpu.memory_space<vmem>>
    %dma_wait3A_185 = tpu.memref_squeeze %dma_wait3A_184 : memref<1x80xi32, #tpu.memory_space<vmem>> -> memref<80xi32, #tpu.memory_space<vmem>>
    %dma_wait3A_186 = arith.constant 0 : i32
    %dma_wait3A_187 = tpu.memref_slice %arg2[%arg0, %arg1, %dma_wait3A, %dma_wait3A_186] : memref<2x16x125x80xi32, #tpu.memory_space<hbm>> -> memref<1x1x1x80xi32, #tpu.memory_space<hbm>>
    %dma_wait3A_188 = tpu.memref_squeeze %dma_wait3A_187 : memref<1x1x1x80xi32, #tpu.memory_space<hbm>> -> memref<80xi32, #tpu.memory_space<hbm>>
    tpu.wait_dma2 semaphore(%dma_wait3A_182 : memref<!tpu.dma_semaphore, #tpu.memory_space<semaphore_mem>>) src(%dma_wait3A_188 : memref<80xi32, #tpu.memory_space<hbm>>) dst(%dma_wait3A_185 : memref<80xi32, #tpu.memory_space<vmem>>)
    %dma_wait3A_189 = arith.constant 0 : i32
    %dma_wait3A_190 = arith.constant 0 : i32
    %dma_wait3A_191 = tpu.memref_slice %arg8[%rem3A_174, %dma_wait3A_190] : memref<6x80xi32, #tpu.memory_space<vmem>> -> memref<1x80xi32, #tpu.memory_space<vmem>>
    %dma_wait3A_192 = tpu.memref_squeeze %dma_wait3A_191 : memref<1x80xi32, #tpu.memory_space<vmem>> -> memref<80xi32, #tpu.memory_space<vmem>>
    %dma_wait3A_193 = arith.constant 0 : i32
    %dma_wait3A_194 = tpu.memref_slice %arg3[%arg1, %dma_wait3A_189, %dma_wait3A_193] : memref<16x125x80xi32, #tpu.memory_space<hbm>> -> memref<1x1x80xi32, #tpu.memory_space<hbm>>
    %dma_wait3A_195 = tpu.memref_squeeze %dma_wait3A_194 : memref<1x1x80xi32, #tpu.memory_space<hbm>> -> memref<80xi32, #tpu.memory_space<hbm>>
    %dma_wait3A_196 = tpu.memref_slice %arg12[%rem3A_174] : memref<6x!tpu.dma_semaphore, #tpu.memory_space<semaphore_mem>> -> memref<1x!tpu.dma_semaphore, #tpu.memory_space<semaphore_mem>>
    %dma_wait3A_197 = tpu.memref_squeeze %dma_wait3A_196 : memref<1x!tpu.dma_semaphore, #tpu.memory_space<semaphore_mem>> -> memref<!tpu.dma_semaphore, #tpu.memory_space<semaphore_mem>>
    %dma_wait3A_198 = arith.constant 0 : i32
    %dma_wait3A_199 = tpu.memref_slice %arg8[%rem3A_174, %dma_wait3A_198] : memref<6x80xi32, #tpu.memory_space<vmem>> -> memref<1x80xi32, #tpu.memory_space<vmem>>
    %dma_wait3A_200 = tpu.memref_squeeze %dma_wait3A_199 : memref<1x80xi32, #tpu.memory_space<vmem>> -> memref<80xi32, #tpu.memory_space<vmem>>
    %dma_wait3A_201 = arith.constant 0 : i32
    %dma_wait3A_202 = tpu.memref_slice %arg3[%arg1, %dma_wait3A_189, %dma_wait3A_201] : memref<16x125x80xi32, #tpu.memory_space<hbm>> -> memref<1x1x80xi32, #tpu.memory_space<hbm>>
    %dma_wait3A_203 = tpu.memref_squeeze %dma_wait3A_202 : memref<1x1x80xi32, #tpu.memory_space<hbm>> -> memref<80xi32, #tpu.memory_space<hbm>>
    tpu.wait_dma2 semaphore(%dma_wait3A_197 : memref<!tpu.dma_semaphore, #tpu.memory_space<semaphore_mem>>) src(%dma_wait3A_203 : memref<80xi32, #tpu.memory_space<hbm>>) dst(%dma_wait3A_200 : memref<80xi32, #tpu.memory_space<vmem>>)
    %dma_wait3A_204 = arith.constant 0 : i32
    %dma_wait3A_205 = arith.constant 0 : i32
    %dma_wait3A_206 = tpu.memref_slice %arg9[%rem3A_174, %dma_wait3A_205] : memref<6x80xf32, #tpu.memory_space<vmem>> -> memref<1x80xf32, #tpu.memory_space<vmem>>
    %dma_wait3A_207 = tpu.memref_squeeze %dma_wait3A_206 : memref<1x80xf32, #tpu.memory_space<vmem>> -> memref<80xf32, #tpu.memory_space<vmem>>
    %dma_wait3A_208 = arith.constant 0 : i32
    %dma_wait3A_209 = tpu.memref_slice %arg4[%arg1, %dma_wait3A_204, %dma_wait3A_208] : memref<16x125x80xf32, #tpu.memory_space<hbm>> -> memref<1x1x80xf32, #tpu.memory_space<hbm>>
    %dma_wait3A_210 = tpu.memref_squeeze %dma_wait3A_209 : memref<1x1x80xf32, #tpu.memory_space<hbm>> -> memref<80xf32, #tpu.memory_space<hbm>>
    %dma_wait3A_211 = tpu.memref_slice %arg12[%rem3A_174] : memref<6x!tpu.dma_semaphore, #tpu.memory_space<semaphore_mem>> -> memref<1x!tpu.dma_semaphore, #tpu.memory_space<semaphore_mem>>
    %dma_wait3A_212 = tpu.memref_squeeze %dma_wait3A_211 : memref<1x!tpu.dma_semaphore, #tpu.memory_space<semaphore_mem>> -> memref<!tpu.dma_semaphore, #tpu.memory_space<semaphore_mem>>
    %dma_wait3A_213 = arith.constant 0 : i32
    %dma_wait3A_214 = tpu.memref_slice %arg9[%rem3A_174, %dma_wait3A_213] : memref<6x80xf32, #tpu.memory_space<vmem>> -> memref<1x80xf32, #tpu.memory_space<vmem>>
    %dma_wait3A_215 = tpu.memref_squeeze %dma_wait3A_214 : memref<1x80xf32, #tpu.memory_space<vmem>> -> memref<80xf32, #tpu.memory_space<vmem>>
    %dma_wait3A_216 = arith.constant 0 : i32
    %dma_wait3A_217 = tpu.memref_slice %arg4[%arg1, %dma_wait3A_204, %dma_wait3A_216] : memref<16x125x80xf32, #tpu.memory_space<hbm>> -> memref<1x1x80xf32, #tpu.memory_space<hbm>>
    %dma_wait3A_218 = tpu.memref_squeeze %dma_wait3A_217 : memref<1x1x80xf32, #tpu.memory_space<hbm>> -> memref<80xf32, #tpu.memory_space<hbm>>
    tpu.wait_dma2 semaphore(%dma_wait3A_212 : memref<!tpu.dma_semaphore, #tpu.memory_space<semaphore_mem>>) src(%dma_wait3A_218 : memref<80xf32, #tpu.memory_space<hbm>>) dst(%dma_wait3A_215 : memref<80xf32, #tpu.memory_space<vmem>>)
    %rem3A_219 = arith.constant 0 : i32
    %rem3A_220 = arith.constant 3 : i32
    %rem3A_221 = arith.remsi %rem3A_219, %rem3A_220 : i32
    %rem3A_222 = arith.constant 0 : i32
    %rem3A_223 = arith.constant 6 : i32
    %rem3A_224 = arith.remsi %rem3A_222, %rem3A_223 : i32
    %dma_start3A_225 = arith.constant 0 : i32
    %dma_start3A_226 = arith.constant 0 : i32
    %dma_start3A_227 = tpu.memref_slice %arg10[%rem3A_221, %dma_start3A_225, %dma_start3A_226] : memref<3x80x128xf32, #tpu.memory_space<vmem>> -> memref<1x80x128xf32, #tpu.memory_space<vmem>>
    %dma_start3A_228 = tpu.memref_squeeze %dma_start3A_227 : memref<1x80x128xf32, #tpu.memory_space<vmem>> -> memref<80x128xf32, #tpu.memory_space<vmem>>
    %dma_start3A_229 = arith.constant 0 : i32
    %dma_start3A_230 = tpu.memref_slice %arg7[%rem3A_224, %dma_start3A_229] : memref<6x80xi32, #tpu.memory_space<vmem>> -> memref<1x80xi32, #tpu.memory_space<vmem>>
    %dma_start3A_231 = tpu.memref_squeeze %dma_start3A_230 : memref<1x80xi32, #tpu.memory_space<vmem>> -> memref<80xi32, #tpu.memory_space<vmem>>
    %dma_start3A_232 = arith.constant 0 : i32
    %dma_start3A_233 = arith.constant 0 : i32
    %dma_start3A_234 = tpu.memref_slice %arg5[%dma_start3A_232, %dma_start3A_233] : memref<20000x128xf32, #tpu.memory_space<hbm>> -> memref<20000x128xf32, #tpu.memory_space<hbm>>
    %dma_start3A_235 = tpu.memref_slice %arg13[%rem3A_221] : memref<3x!tpu.dma_semaphore, #tpu.memory_space<semaphore_mem>> -> memref<1x!tpu.dma_semaphore, #tpu.memory_space<semaphore_mem>>
    %dma_start3A_236 = tpu.memref_squeeze %dma_start3A_235 : memref<1x!tpu.dma_semaphore, #tpu.memory_space<semaphore_mem>> -> memref<!tpu.dma_semaphore, #tpu.memory_space<semaphore_mem>>
    tpu.enqueue_indirect_dma source(%dma_start3A_234 : memref<20000x128xf32, #tpu.memory_space<hbm>>) target(%dma_start3A_228 : memref<80x128xf32, #tpu.memory_space<vmem>>) offsets(%dma_start3A_231 : memref<80xi32, #tpu.memory_space<vmem>>) semaphore(%dma_start3A_236 : memref<!tpu.dma_semaphore, #tpu.memory_space<semaphore_mem>>)
    %scan3A_237 = arith.constant 0 : i32
    %scan3A_238 = arith.constant 125 : i32
    %scan3A_239 = arith.addi %scan3A_237, %scan3A_238 : i32
    %scan3A_240 = arith.constant 1 : i32
    scf.for %scan3A_305 = %scan3A_237 to %scan3A_239 step %scan3A_240  : i32 {
      %mul3A_306 = arith.constant 1 : i32
      %mul3A_307 = arith.muli %scan3A_305, %mul3A_306 : i32
      %add3A_308 = arith.constant 0 : i32
      %add3A_309 = arith.addi %add3A_308, %mul3A_307 : i32
      %rem3A_310 = arith.constant 3 : i32
      %rem3A_311 = arith.remsi %add3A_309, %rem3A_310 : i32
      %rem3A_312 = arith.constant 6 : i32
      %rem3A_313 = arith.remsi %add3A_309, %rem3A_312 : i32
      %add3A_314 = arith.constant 1 : i32
      %add3A_315 = arith.addi %add3A_309, %add3A_314 : i32
      %lt3A = arith.constant 125 : i32
      %lt3A_316 = arith.cmpi slt, %add3A_315, %lt3A : i32
      %convert_element_type3A_317 = arith.extui %lt3A_316 : i1 to i32
      %cond3A_318 = arith.constant 0 : i32
      %cond3A_319 = arith.cmpi ne, %convert_element_type3A_317, %cond3A_318 : i32
      scf.if %cond3A_319 {
        %rem3A_362 = arith.constant 6 : i32
        %rem3A_363 = arith.remsi %add3A_315, %rem3A_362 : i32
        %dma_wait3A_364 = arith.constant 0 : i32
        %dma_wait3A_365 = tpu.memref_slice %arg7[%rem3A_363, %dma_wait3A_364] : memref<6x80xi32, #tpu.memory_space<vmem>> -> memref<1x80xi32, #tpu.memory_space<vmem>>
        %dma_wait3A_366 = tpu.memref_squeeze %dma_wait3A_365 : memref<1x80xi32, #tpu.memory_space<vmem>> -> memref<80xi32, #tpu.memory_space<vmem>>
        %dma_wait3A_367 = arith.constant 0 : i32
        %dma_wait3A_368 = tpu.memref_slice %arg2[%arg0, %arg1, %add3A_315, %dma_wait3A_367] : memref<2x16x125x80xi32, #tpu.memory_space<hbm>> -> memref<1x1x1x80xi32, #tpu.memory_space<hbm>>
        %dma_wait3A_369 = tpu.memref_squeeze %dma_wait3A_368 : memref<1x1x1x80xi32, #tpu.memory_space<hbm>> -> memref<80xi32, #tpu.memory_space<hbm>>
        %dma_wait3A_370 = tpu.memref_slice %arg12[%rem3A_363] : memref<6x!tpu.dma_semaphore, #tpu.memory_space<semaphore_mem>> -> memref<1x!tpu.dma_semaphore, #tpu.memory_space<semaphore_mem>>
        %dma_wait3A_371 = tpu.memref_squeeze %dma_wait3A_370 : memref<1x!tpu.dma_semaphore, #tpu.memory_space<semaphore_mem>> -> memref<!tpu.dma_semaphore, #tpu.memory_space<semaphore_mem>>
        %dma_wait3A_372 = arith.constant 0 : i32
        %dma_wait3A_373 = tpu.memref_slice %arg7[%rem3A_363, %dma_wait3A_372] : memref<6x80xi32, #tpu.memory_space<vmem>> -> memref<1x80xi32, #tpu.memory_space<vmem>>
        %dma_wait3A_374 = tpu.memref_squeeze %dma_wait3A_373 : memref<1x80xi32, #tpu.memory_space<vmem>> -> memref<80xi32, #tpu.memory_space<vmem>>
        %dma_wait3A_375 = arith.constant 0 : i32
        %dma_wait3A_376 = tpu.memref_slice %arg2[%arg0, %arg1, %add3A_315, %dma_wait3A_375] : memref<2x16x125x80xi32, #tpu.memory_space<hbm>> -> memref<1x1x1x80xi32, #tpu.memory_space<hbm>>
        %dma_wait3A_377 = tpu.memref_squeeze %dma_wait3A_376 : memref<1x1x1x80xi32, #tpu.memory_space<hbm>> -> memref<80xi32, #tpu.memory_space<hbm>>
        tpu.wait_dma2 semaphore(%dma_wait3A_371 : memref<!tpu.dma_semaphore, #tpu.memory_space<semaphore_mem>>) src(%dma_wait3A_377 : memref<80xi32, #tpu.memory_space<hbm>>) dst(%dma_wait3A_374 : memref<80xi32, #tpu.memory_space<vmem>>)
        %dma_wait3A_378 = arith.constant 0 : i32
        %dma_wait3A_379 = tpu.memref_slice %arg8[%rem3A_363, %dma_wait3A_378] : memref<6x80xi32, #tpu.memory_space<vmem>> -> memref<1x80xi32, #tpu.memory_space<vmem>>
        %dma_wait3A_380 = tpu.memref_squeeze %dma_wait3A_379 : memref<1x80xi32, #tpu.memory_space<vmem>> -> memref<80xi32, #tpu.memory_space<vmem>>
        %dma_wait3A_381 = arith.constant 0 : i32
        %dma_wait3A_382 = tpu.memref_slice %arg3[%arg1, %add3A_315, %dma_wait3A_381] : memref<16x125x80xi32, #tpu.memory_space<hbm>> -> memref<1x1x80xi32, #tpu.memory_space<hbm>>
        %dma_wait3A_383 = tpu.memref_squeeze %dma_wait3A_382 : memref<1x1x80xi32, #tpu.memory_space<hbm>> -> memref<80xi32, #tpu.memory_space<hbm>>
        %dma_wait3A_384 = tpu.memref_slice %arg12[%rem3A_363] : memref<6x!tpu.dma_semaphore, #tpu.memory_space<semaphore_mem>> -> memref<1x!tpu.dma_semaphore, #tpu.memory_space<semaphore_mem>>
        %dma_wait3A_385 = tpu.memref_squeeze %dma_wait3A_384 : memref<1x!tpu.dma_semaphore, #tpu.memory_space<semaphore_mem>> -> memref<!tpu.dma_semaphore, #tpu.memory_space<semaphore_mem>>
        %dma_wait3A_386 = arith.constant 0 : i32
        %dma_wait3A_387 = tpu.memref_slice %arg8[%rem3A_363, %dma_wait3A_386] : memref<6x80xi32, #tpu.memory_space<vmem>> -> memref<1x80xi32, #tpu.memory_space<vmem>>
        %dma_wait3A_388 = tpu.memref_squeeze %dma_wait3A_387 : memref<1x80xi32, #tpu.memory_space<vmem>> -> memref<80xi32, #tpu.memory_space<vmem>>
        %dma_wait3A_389 = arith.constant 0 : i32
        %dma_wait3A_390 = tpu.memref_slice %arg3[%arg1, %add3A_315, %dma_wait3A_389] : memref<16x125x80xi32, #tpu.memory_space<hbm>> -> memref<1x1x80xi32, #tpu.memory_space<hbm>>
        %dma_wait3A_391 = tpu.memref_squeeze %dma_wait3A_390 : memref<1x1x80xi32, #tpu.memory_space<hbm>> -> memref<80xi32, #tpu.memory_space<hbm>>
        tpu.wait_dma2 semaphore(%dma_wait3A_385 : memref<!tpu.dma_semaphore, #tpu.memory_space<semaphore_mem>>) src(%dma_wait3A_391 : memref<80xi32, #tpu.memory_space<hbm>>) dst(%dma_wait3A_388 : memref<80xi32, #tpu.memory_space<vmem>>)
        %dma_wait3A_392 = arith.constant 0 : i32
        %dma_wait3A_393 = tpu.memref_slice %arg9[%rem3A_363, %dma_wait3A_392] : memref<6x80xf32, #tpu.memory_space<vmem>> -> memref<1x80xf32, #tpu.memory_space<vmem>>
        %dma_wait3A_394 = tpu.memref_squeeze %dma_wait3A_393 : memref<1x80xf32, #tpu.memory_space<vmem>> -> memref<80xf32, #tpu.memory_space<vmem>>
        %dma_wait3A_395 = arith.constant 0 : i32
        %dma_wait3A_396 = tpu.memref_slice %arg4[%arg1, %add3A_315, %dma_wait3A_395] : memref<16x125x80xf32, #tpu.memory_space<hbm>> -> memref<1x1x80xf32, #tpu.memory_space<hbm>>
        %dma_wait3A_397 = tpu.memref_squeeze %dma_wait3A_396 : memref<1x1x80xf32, #tpu.memory_space<hbm>> -> memref<80xf32, #tpu.memory_space<hbm>>
        %dma_wait3A_398 = tpu.memref_slice %arg12[%rem3A_363] : memref<6x!tpu.dma_semaphore, #tpu.memory_space<semaphore_mem>> -> memref<1x!tpu.dma_semaphore, #tpu.memory_space<semaphore_mem>>
        %dma_wait3A_399 = tpu.memref_squeeze %dma_wait3A_398 : memref<1x!tpu.dma_semaphore, #tpu.memory_space<semaphore_mem>> -> memref<!tpu.dma_semaphore, #tpu.memory_space<semaphore_mem>>
        %dma_wait3A_400 = arith.constant 0 : i32
        %dma_wait3A_401 = tpu.memref_slice %arg9[%rem3A_363, %dma_wait3A_400] : memref<6x80xf32, #tpu.memory_space<vmem>> -> memref<1x80xf32, #tpu.memory_space<vmem>>
        %dma_wait3A_402 = tpu.memref_squeeze %dma_wait3A_401 : memref<1x80xf32, #tpu.memory_space<vmem>> -> memref<80xf32, #tpu.memory_space<vmem>>
        %dma_wait3A_403 = arith.constant 0 : i32
        %dma_wait3A_404 = tpu.memref_slice %arg4[%arg1, %add3A_315, %dma_wait3A_403] : memref<16x125x80xf32, #tpu.memory_space<hbm>> -> memref<1x1x80xf32, #tpu.memory_space<hbm>>
        %dma_wait3A_405 = tpu.memref_squeeze %dma_wait3A_404 : memref<1x1x80xf32, #tpu.memory_space<hbm>> -> memref<80xf32, #tpu.memory_space<hbm>>
        tpu.wait_dma2 semaphore(%dma_wait3A_399 : memref<!tpu.dma_semaphore, #tpu.memory_space<semaphore_mem>>) src(%dma_wait3A_405 : memref<80xf32, #tpu.memory_space<hbm>>) dst(%dma_wait3A_402 : memref<80xf32, #tpu.memory_space<vmem>>)
        %ge3A = arith.constant 3 : i32
        %ge3A_406 = arith.cmpi sge, %add3A_315, %ge3A : i32
        %convert_element_type3A_407 = arith.extui %ge3A_406 : i1 to i32
        %cond3A_408 = arith.constant 0 : i32
        %cond3A_409 = arith.cmpi ne, %convert_element_type3A_407, %cond3A_408 : i32
        scf.if %cond3A_409 {
          %sub3A = arith.constant 3 : i32
          %sub3A_426 = arith.subi %add3A_315, %sub3A : i32
          %rem3A_427 = arith.constant 3 : i32
          %rem3A_428 = arith.remsi %sub3A_426, %rem3A_427 : i32
          %rem3A_429 = arith.constant 6 : i32
          %rem3A_430 = arith.remsi %sub3A_426, %rem3A_429 : i32
          %dma_wait3A_431 = arith.constant 0 : i32
          %dma_wait3A_432 = arith.constant 0 : i32
          %dma_wait3A_433 = tpu.memref_slice %arg10[%rem3A_428, %dma_wait3A_431, %dma_wait3A_432] : memref<3x80x128xf32, #tpu.memory_space<vmem>> -> memref<1x80x128xf32, #tpu.memory_space<vmem>>
          %dma_wait3A_434 = tpu.memref_squeeze %dma_wait3A_433 : memref<1x80x128xf32, #tpu.memory_space<vmem>> -> memref<80x128xf32, #tpu.memory_space<vmem>>
          %dma_wait3A_435 = arith.constant 0 : i32
          %dma_wait3A_436 = tpu.memref_slice %arg8[%rem3A_430, %dma_wait3A_435] : memref<6x80xi32, #tpu.memory_space<vmem>> -> memref<1x80xi32, #tpu.memory_space<vmem>>
          %dma_wait3A_437 = tpu.memref_squeeze %dma_wait3A_436 : memref<1x80xi32, #tpu.memory_space<vmem>> -> memref<80xi32, #tpu.memory_space<vmem>>
          %dma_wait3A_438 = arith.constant 0 : i32
          %dma_wait3A_439 = arith.constant 0 : i32
          %dma_wait3A_440 = tpu.memref_slice %arg11[%dma_wait3A_438, %dma_wait3A_439] : memref<10000x128xf32, #tpu.memory_space<vmem_shared>> -> memref<10000x128xf32, #tpu.memory_space<vmem_shared>>
          %dma_wait3A_441 = tpu.memref_slice %arg14[%rem3A_428] : memref<3x!tpu.dma_semaphore, #tpu.memory_space<semaphore_mem>> -> memref<1x!tpu.dma_semaphore, #tpu.memory_space<semaphore_mem>>
          %dma_wait3A_442 = tpu.memref_squeeze %dma_wait3A_441 : memref<1x!tpu.dma_semaphore, #tpu.memory_space<semaphore_mem>> -> memref<!tpu.dma_semaphore, #tpu.memory_space<semaphore_mem>>
          tpu.wait_indirect_dma semaphore(%dma_wait3A_442 : memref<!tpu.dma_semaphore, #tpu.memory_space<semaphore_mem>>) src(%dma_wait3A_434 : memref<80x128xf32, #tpu.memory_space<vmem>>) dst(%dma_wait3A_440 : memref<10000x128xf32, #tpu.memory_space<vmem_shared>>)
        } else {
        }
        %rem3A_410 = arith.constant 3 : i32
        %rem3A_411 = arith.remsi %add3A_315, %rem3A_410 : i32
        %rem3A_412 = arith.constant 6 : i32
        %rem3A_413 = arith.remsi %add3A_315, %rem3A_412 : i32
        %dma_start3A_414 = arith.constant 0 : i32
        %dma_start3A_415 = arith.constant 0 : i32
        %dma_start3A_416 = tpu.memref_slice %arg10[%rem3A_411, %dma_start3A_414, %dma_start3A_415] : memref<3x80x128xf32, #tpu.memory_space<vmem>> -> memref<1x80x128xf32, #tpu.memory_space<vmem>>
        %dma_start3A_417 = tpu.memref_squeeze %dma_start3A_416 : memref<1x80x128xf32, #tpu.memory_space<vmem>> -> memref<80x128xf32, #tpu.memory_space<vmem>>
        %dma_start3A_418 = arith.constant 0 : i32
        %dma_start3A_419 = tpu.memref_slice %arg7[%rem3A_413, %dma_start3A_418] : memref<6x80xi32, #tpu.memory_space<vmem>> -> memref<1x80xi32, #tpu.memory_space<vmem>>
        %dma_start3A_420 = tpu.memref_squeeze %dma_start3A_419 : memref<1x80xi32, #tpu.memory_space<vmem>> -> memref<80xi32, #tpu.memory_space<vmem>>
        %dma_start3A_421 = arith.constant 0 : i32
        %dma_start3A_422 = arith.constant 0 : i32
        %dma_start3A_423 = tpu.memref_slice %arg5[%dma_start3A_421, %dma_start3A_422] : memref<20000x128xf32, #tpu.memory_space<hbm>> -> memref<20000x128xf32, #tpu.memory_space<hbm>>
        %dma_start3A_424 = tpu.memref_slice %arg13[%rem3A_411] : memref<3x!tpu.dma_semaphore, #tpu.memory_space<semaphore_mem>> -> memref<1x!tpu.dma_semaphore, #tpu.memory_space<semaphore_mem>>
        %dma_start3A_425 = tpu.memref_squeeze %dma_start3A_424 : memref<1x!tpu.dma_semaphore, #tpu.memory_space<semaphore_mem>> -> memref<!tpu.dma_semaphore, #tpu.memory_space<semaphore_mem>>
        tpu.enqueue_indirect_dma source(%dma_start3A_423 : memref<20000x128xf32, #tpu.memory_space<hbm>>) target(%dma_start3A_417 : memref<80x128xf32, #tpu.memory_space<vmem>>) offsets(%dma_start3A_420 : memref<80xi32, #tpu.memory_space<vmem>>) semaphore(%dma_start3A_425 : memref<!tpu.dma_semaphore, #tpu.memory_space<semaphore_mem>>)
      } else {
      }
      %add3A_320 = arith.constant 3 : i32
      %add3A_321 = arith.addi %add3A_309, %add3A_320 : i32
      %lt3A_322 = arith.constant 125 : i32
      %lt3A_323 = arith.cmpi slt, %add3A_321, %lt3A_322 : i32
      %convert_element_type3A_324 = arith.extui %lt3A_323 : i1 to i32
      %cond3A_325 = arith.constant 0 : i32
      %cond3A_326 = arith.cmpi ne, %convert_element_type3A_324, %cond3A_325 : i32
      scf.if %cond3A_326 {
        %add3A_362 = arith.constant 3 : i32
        %add3A_363 = arith.addi %add3A_309, %add3A_362 : i32
        %rem3A_364 = arith.constant 6 : i32
        %rem3A_365 = arith.remsi %add3A_363, %rem3A_364 : i32
        %dma_start3A_366 = arith.constant 0 : i32
        %dma_start3A_367 = tpu.memref_slice %arg7[%rem3A_365, %dma_start3A_366] : memref<6x80xi32, #tpu.memory_space<vmem>> -> memref<1x80xi32, #tpu.memory_space<vmem>>
        %dma_start3A_368 = tpu.memref_squeeze %dma_start3A_367 : memref<1x80xi32, #tpu.memory_space<vmem>> -> memref<80xi32, #tpu.memory_space<vmem>>
        %dma_start3A_369 = arith.constant 0 : i32
        %dma_start3A_370 = tpu.memref_slice %arg2[%arg0, %arg1, %add3A_363, %dma_start3A_369] : memref<2x16x125x80xi32, #tpu.memory_space<hbm>> -> memref<1x1x1x80xi32, #tpu.memory_space<hbm>>
        %dma_start3A_371 = tpu.memref_squeeze %dma_start3A_370 : memref<1x1x1x80xi32, #tpu.memory_space<hbm>> -> memref<80xi32, #tpu.memory_space<hbm>>
        %dma_start3A_372 = tpu.memref_slice %arg12[%rem3A_365] : memref<6x!tpu.dma_semaphore, #tpu.memory_space<semaphore_mem>> -> memref<1x!tpu.dma_semaphore, #tpu.memory_space<semaphore_mem>>
        %dma_start3A_373 = tpu.memref_squeeze %dma_start3A_372 : memref<1x!tpu.dma_semaphore, #tpu.memory_space<semaphore_mem>> -> memref<!tpu.dma_semaphore, #tpu.memory_space<semaphore_mem>>
        %dma_start3A_374 = arith.constant 0 : i32
        %dma_start3A_375 = tpu.memref_slice %arg7[%rem3A_365, %dma_start3A_374] : memref<6x80xi32, #tpu.memory_space<vmem>> -> memref<1x80xi32, #tpu.memory_space<vmem>>
        %dma_start3A_376 = tpu.memref_squeeze %dma_start3A_375 : memref<1x80xi32, #tpu.memory_space<vmem>> -> memref<80xi32, #tpu.memory_space<vmem>>
        %dma_start3A_377 = arith.constant 0 : i32
        %dma_start3A_378 = tpu.memref_slice %arg2[%arg0, %arg1, %add3A_363, %dma_start3A_377] : memref<2x16x125x80xi32, #tpu.memory_space<hbm>> -> memref<1x1x1x80xi32, #tpu.memory_space<hbm>>
        %dma_start3A_379 = tpu.memref_squeeze %dma_start3A_378 : memref<1x1x1x80xi32, #tpu.memory_space<hbm>> -> memref<80xi32, #tpu.memory_space<hbm>>
        tpu.enqueue_dma source(%dma_start3A_379 : memref<80xi32, #tpu.memory_space<hbm>>) target(%dma_start3A_376 : memref<80xi32, #tpu.memory_space<vmem>>) target_semaphore(%dma_start3A_373 : memref<!tpu.dma_semaphore, #tpu.memory_space<semaphore_mem>>)
        %dma_start3A_380 = arith.constant 0 : i32
        %dma_start3A_381 = tpu.memref_slice %arg8[%rem3A_365, %dma_start3A_380] : memref<6x80xi32, #tpu.memory_space<vmem>> -> memref<1x80xi32, #tpu.memory_space<vmem>>
        %dma_start3A_382 = tpu.memref_squeeze %dma_start3A_381 : memref<1x80xi32, #tpu.memory_space<vmem>> -> memref<80xi32, #tpu.memory_space<vmem>>
        %dma_start3A_383 = arith.constant 0 : i32
        %dma_start3A_384 = tpu.memref_slice %arg3[%arg1, %add3A_363, %dma_start3A_383] : memref<16x125x80xi32, #tpu.memory_space<hbm>> -> memref<1x1x80xi32, #tpu.memory_space<hbm>>
        %dma_start3A_385 = tpu.memref_squeeze %dma_start3A_384 : memref<1x1x80xi32, #tpu.memory_space<hbm>> -> memref<80xi32, #tpu.memory_space<hbm>>
        %dma_start3A_386 = tpu.memref_slice %arg12[%rem3A_365] : memref<6x!tpu.dma_semaphore, #tpu.memory_space<semaphore_mem>> -> memref<1x!tpu.dma_semaphore, #tpu.memory_space<semaphore_mem>>
        %dma_start3A_387 = tpu.memref_squeeze %dma_start3A_386 : memref<1x!tpu.dma_semaphore, #tpu.memory_space<semaphore_mem>> -> memref<!tpu.dma_semaphore, #tpu.memory_space<semaphore_mem>>
        %dma_start3A_388 = arith.constant 0 : i32
        %dma_start3A_389 = tpu.memref_slice %arg8[%rem3A_365, %dma_start3A_388] : memref<6x80xi32, #tpu.memory_space<vmem>> -> memref<1x80xi32, #tpu.memory_space<vmem>>
        %dma_start3A_390 = tpu.memref_squeeze %dma_start3A_389 : memref<1x80xi32, #tpu.memory_space<vmem>> -> memref<80xi32, #tpu.memory_space<vmem>>
        %dma_start3A_391 = arith.constant 0 : i32
        %dma_start3A_392 = tpu.memref_slice %arg3[%arg1, %add3A_363, %dma_start3A_391] : memref<16x125x80xi32, #tpu.memory_space<hbm>> -> memref<1x1x80xi32, #tpu.memory_space<hbm>>
        %dma_start3A_393 = tpu.memref_squeeze %dma_start3A_392 : memref<1x1x80xi32, #tpu.memory_space<hbm>> -> memref<80xi32, #tpu.memory_space<hbm>>
        tpu.enqueue_dma source(%dma_start3A_393 : memref<80xi32, #tpu.memory_space<hbm>>) target(%dma_start3A_390 : memref<80xi32, #tpu.memory_space<vmem>>) target_semaphore(%dma_start3A_387 : memref<!tpu.dma_semaphore, #tpu.memory_space<semaphore_mem>>)
        %dma_start3A_394 = arith.constant 0 : i32
        %dma_start3A_395 = tpu.memref_slice %arg9[%rem3A_365, %dma_start3A_394] : memref<6x80xf32, #tpu.memory_space<vmem>> -> memref<1x80xf32, #tpu.memory_space<vmem>>
        %dma_start3A_396 = tpu.memref_squeeze %dma_start3A_395 : memref<1x80xf32, #tpu.memory_space<vmem>> -> memref<80xf32, #tpu.memory_space<vmem>>
        %dma_start3A_397 = arith.constant 0 : i32
        %dma_start3A_398 = tpu.memref_slice %arg4[%arg1, %add3A_363, %dma_start3A_397] : memref<16x125x80xf32, #tpu.memory_space<hbm>> -> memref<1x1x80xf32, #tpu.memory_space<hbm>>
        %dma_start3A_399 = tpu.memref_squeeze %dma_start3A_398 : memref<1x1x80xf32, #tpu.memory_space<hbm>> -> memref<80xf32, #tpu.memory_space<hbm>>
        %dma_start3A_400 = tpu.memref_slice %arg12[%rem3A_365] : memref<6x!tpu.dma_semaphore, #tpu.memory_space<semaphore_mem>> -> memref<1x!tpu.dma_semaphore, #tpu.memory_space<semaphore_mem>>
        %dma_start3A_401 = tpu.memref_squeeze %dma_start3A_400 : memref<1x!tpu.dma_semaphore, #tpu.memory_space<semaphore_mem>> -> memref<!tpu.dma_semaphore, #tpu.memory_space<semaphore_mem>>
        %dma_start3A_402 = arith.constant 0 : i32
        %dma_start3A_403 = tpu.memref_slice %arg9[%rem3A_365, %dma_start3A_402] : memref<6x80xf32, #tpu.memory_space<vmem>> -> memref<1x80xf32, #tpu.memory_space<vmem>>
        %dma_start3A_404 = tpu.memref_squeeze %dma_start3A_403 : memref<1x80xf32, #tpu.memory_space<vmem>> -> memref<80xf32, #tpu.memory_space<vmem>>
        %dma_start3A_405 = arith.constant 0 : i32
        %dma_start3A_406 = tpu.memref_slice %arg4[%arg1, %add3A_363, %dma_start3A_405] : memref<16x125x80xf32, #tpu.memory_space<hbm>> -> memref<1x1x80xf32, #tpu.memory_space<hbm>>
        %dma_start3A_407 = tpu.memref_squeeze %dma_start3A_406 : memref<1x1x80xf32, #tpu.memory_space<hbm>> -> memref<80xf32, #tpu.memory_space<hbm>>
        tpu.enqueue_dma source(%dma_start3A_407 : memref<80xf32, #tpu.memory_space<hbm>>) target(%dma_start3A_404 : memref<80xf32, #tpu.memory_space<vmem>>) target_semaphore(%dma_start3A_401 : memref<!tpu.dma_semaphore, #tpu.memory_space<semaphore_mem>>)
      } else {
      }
      %rem3A_327 = arith.constant 3 : i32
      %rem3A_328 = arith.remsi %add3A_309, %rem3A_327 : i32
      %rem3A_329 = arith.constant 6 : i32
      %rem3A_330 = arith.remsi %add3A_309, %rem3A_329 : i32
      %dma_wait3A_331 = arith.constant 0 : i32
      %dma_wait3A_332 = arith.constant 0 : i32
      %dma_wait3A_333 = tpu.memref_slice %arg10[%rem3A_328, %dma_wait3A_331, %dma_wait3A_332] : memref<3x80x128xf32, #tpu.memory_space<vmem>> -> memref<1x80x128xf32, #tpu.memory_space<vmem>>
      %dma_wait3A_334 = tpu.memref_squeeze %dma_wait3A_333 : memref<1x80x128xf32, #tpu.memory_space<vmem>> -> memref<80x128xf32, #tpu.memory_space<vmem>>
      %dma_wait3A_335 = arith.constant 0 : i32
      %dma_wait3A_336 = tpu.memref_slice %arg7[%rem3A_330, %dma_wait3A_335] : memref<6x80xi32, #tpu.memory_space<vmem>> -> memref<1x80xi32, #tpu.memory_space<vmem>>
      %dma_wait3A_337 = tpu.memref_squeeze %dma_wait3A_336 : memref<1x80xi32, #tpu.memory_space<vmem>> -> memref<80xi32, #tpu.memory_space<vmem>>
      %dma_wait3A_338 = arith.constant 0 : i32
      %dma_wait3A_339 = arith.constant 0 : i32
      %dma_wait3A_340 = tpu.memref_slice %arg5[%dma_wait3A_338, %dma_wait3A_339] : memref<20000x128xf32, #tpu.memory_space<hbm>> -> memref<20000x128xf32, #tpu.memory_space<hbm>>
      %dma_wait3A_341 = tpu.memref_slice %arg13[%rem3A_328] : memref<3x!tpu.dma_semaphore, #tpu.memory_space<semaphore_mem>> -> memref<1x!tpu.dma_semaphore, #tpu.memory_space<semaphore_mem>>
      %dma_wait3A_342 = tpu.memref_squeeze %dma_wait3A_341 : memref<1x!tpu.dma_semaphore, #tpu.memory_space<semaphore_mem>> -> memref<!tpu.dma_semaphore, #tpu.memory_space<semaphore_mem>>
      tpu.wait_indirect_dma semaphore(%dma_wait3A_342 : memref<!tpu.dma_semaphore, #tpu.memory_space<semaphore_mem>>) src(%dma_wait3A_340 : memref<20000x128xf32, #tpu.memory_space<hbm>>) dst(%dma_wait3A_334 : memref<80x128xf32, #tpu.memory_space<vmem>>)
      %broadcast_in_dim3A_343 = vector.broadcast %rem3A_313 : i32 to vector<16xi32>
      %parallel_loop3A = arith.constant 0 : i32
      %parallel_loop3A_344 = arith.constant 80 : i32
      %parallel_loop3A_345 = arith.constant 1 : i32
      scf.for %parallel_loop3A_362 = %parallel_loop3A to %parallel_loop3A_344 step %parallel_loop3A_345  : i32 {
        %parallel_loop3A_363 = vector.broadcast %parallel_loop3A_362 : i32 to vector<16xi32>
        %parallel_loop3A_364 = tpu.vector_load_idx %arg9[%broadcast_in_dim3A_343, %parallel_loop3A_363] : memref<6x80xf32, #tpu.memory_space<vmem>>[vector<16xi32>, vector<16xi32>], vector<16xf32>,
        %parallel_loop3A_365 = arith.index_cast %rem3A_311 : i32 to index
        %parallel_loop3A_366 = arith.index_cast %parallel_loop3A_362 : i32 to index
        %parallel_loop3A_367 = arith.constant 0 : index
        %parallel_loop3A_368 = tpu.vector_load %arg10[%parallel_loop3A_365, %parallel_loop3A_366, %parallel_loop3A_367] {strides = array<i32>} : memref<3x80x128xf32, #tpu.memory_space<vmem>>, vector<16xf32>,
        %parallel_loop3A_369 = arith.mulf %parallel_loop3A_368, %parallel_loop3A_364 : vector<16xf32>
        %parallel_loop3A_370 = arith.index_cast %rem3A_311 : i32 to index
        %parallel_loop3A_371 = arith.index_cast %parallel_loop3A_362 : i32 to index
        %parallel_loop3A_372 = arith.constant 0 : index
        %parallel_loop3A_373 = tpu.vector_load %arg10[%parallel_loop3A_370, %parallel_loop3A_371, %parallel_loop3A_372] {strides = array<i32>} : memref<3x80x128xf32, #tpu.memory_space<vmem>>, vector<16xf32>,
        tpu.vector_store %arg10[%parallel_loop3A_370, %parallel_loop3A_371, %parallel_loop3A_372], %parallel_loop3A_369 {strides = array<i32>} : memref<3x80x128xf32, #tpu.memory_space<vmem>>, vector<16xf32>,
        %parallel_loop3A_374 = arith.index_cast %rem3A_311 : i32 to index
        %parallel_loop3A_375 = arith.index_cast %parallel_loop3A_362 : i32 to index
        %parallel_loop3A_376 = arith.constant 16 : index
        %parallel_loop3A_377 = tpu.vector_load %arg10[%parallel_loop3A_374, %parallel_loop3A_375, %parallel_loop3A_376] {strides = array<i32>} : memref<3x80x128xf32, #tpu.memory_space<vmem>>, vector<16xf32>,
        %parallel_loop3A_378 = arith.mulf %parallel_loop3A_377, %parallel_loop3A_364 : vector<16xf32>
        %parallel_loop3A_379 = arith.index_cast %rem3A_311 : i32 to index
        %parallel_loop3A_380 = arith.index_cast %parallel_loop3A_362 : i32 to index
        %parallel_loop3A_381 = arith.constant 16 : index
        %parallel_loop3A_382 = tpu.vector_load %arg10[%parallel_loop3A_379, %parallel_loop3A_380, %parallel_loop3A_381] {strides = array<i32>} : memref<3x80x128xf32, #tpu.memory_space<vmem>>, vector<16xf32>,
        tpu.vector_store %arg10[%parallel_loop3A_379, %parallel_loop3A_380, %parallel_loop3A_381], %parallel_loop3A_378 {strides = array<i32>} : memref<3x80x128xf32, #tpu.memory_space<vmem>>, vector<16xf32>,
        %parallel_loop3A_383 = arith.index_cast %rem3A_311 : i32 to index
        %parallel_loop3A_384 = arith.index_cast %parallel_loop3A_362 : i32 to index
        %parallel_loop3A_385 = arith.constant 32 : index
        %parallel_loop3A_386 = tpu.vector_load %arg10[%parallel_loop3A_383, %parallel_loop3A_384, %parallel_loop3A_385] {strides = array<i32>} : memref<3x80x128xf32, #tpu.memory_space<vmem>>, vector<16xf32>,
        %parallel_loop3A_387 = arith.mulf %parallel_loop3A_386, %parallel_loop3A_364 : vector<16xf32>
        %parallel_loop3A_388 = arith.index_cast %rem3A_311 : i32 to index
        %parallel_loop3A_389 = arith.index_cast %parallel_loop3A_362 : i32 to index
        %parallel_loop3A_390 = arith.constant 32 : index
        %parallel_loop3A_391 = tpu.vector_load %arg10[%parallel_loop3A_388, %parallel_loop3A_389, %parallel_loop3A_390] {strides = array<i32>} : memref<3x80x128xf32, #tpu.memory_space<vmem>>, vector<16xf32>,
        tpu.vector_store %arg10[%parallel_loop3A_388, %parallel_loop3A_389, %parallel_loop3A_390], %parallel_loop3A_387 {strides = array<i32>} : memref<3x80x128xf32, #tpu.memory_space<vmem>>, vector<16xf32>,
        %parallel_loop3A_392 = arith.index_cast %rem3A_311 : i32 to index
        %parallel_loop3A_393 = arith.index_cast %parallel_loop3A_362 : i32 to index
        %parallel_loop3A_394 = arith.constant 48 : index
        %parallel_loop3A_395 = tpu.vector_load %arg10[%parallel_loop3A_392, %parallel_loop3A_393, %parallel_loop3A_394] {strides = array<i32>} : memref<3x80x128xf32, #tpu.memory_space<vmem>>, vector<16xf32>,
        %parallel_loop3A_396 = arith.mulf %parallel_loop3A_395, %parallel_loop3A_364 : vector<16xf32>
        %parallel_loop3A_397 = arith.index_cast %rem3A_311 : i32 to index
        %parallel_loop3A_398 = arith.index_cast %parallel_loop3A_362 : i32 to index
        %parallel_loop3A_399 = arith.constant 48 : index
        %parallel_loop3A_400 = tpu.vector_load %arg10[%parallel_loop3A_397, %parallel_loop3A_398, %parallel_loop3A_399] {strides = array<i32>} : memref<3x80x128xf32, #tpu.memory_space<vmem>>, vector<16xf32>,
        tpu.vector_store %arg10[%parallel_loop3A_397, %parallel_loop3A_398, %parallel_loop3A_399], %parallel_loop3A_396 {strides = array<i32>} : memref<3x80x128xf32, #tpu.memory_space<vmem>>, vector<16xf32>,
        %parallel_loop3A_401 = arith.index_cast %rem3A_311 : i32 to index
        %parallel_loop3A_402 = arith.index_cast %parallel_loop3A_362 : i32 to index
        %parallel_loop3A_403 = arith.constant 64 : index
        %parallel_loop3A_404 = tpu.vector_load %arg10[%parallel_loop3A_401, %parallel_loop3A_402, %parallel_loop3A_403] {strides = array<i32>} : memref<3x80x128xf32, #tpu.memory_space<vmem>>, vector<16xf32>,
        %parallel_loop3A_405 = arith.mulf %parallel_loop3A_404, %parallel_loop3A_364 : vector<16xf32>
        %parallel_loop3A_406 = arith.index_cast %rem3A_311 : i32 to index
        %parallel_loop3A_407 = arith.index_cast %parallel_loop3A_362 : i32 to index
        %parallel_loop3A_408 = arith.constant 64 : index
        %parallel_loop3A_409 = tpu.vector_load %arg10[%parallel_loop3A_406, %parallel_loop3A_407, %parallel_loop3A_408] {strides = array<i32>} : memref<3x80x128xf32, #tpu.memory_space<vmem>>, vector<16xf32>,
        tpu.vector_store %arg10[%parallel_loop3A_406, %parallel_loop3A_407, %parallel_loop3A_408], %parallel_loop3A_405 {strides = array<i32>} : memref<3x80x128xf32, #tpu.memory_space<vmem>>, vector<16xf32>,
        %parallel_loop3A_410 = arith.index_cast %rem3A_311 : i32 to index
        %parallel_loop3A_411 = arith.index_cast %parallel_loop3A_362 : i32 to index
        %parallel_loop3A_412 = arith.constant 80 : index
        %parallel_loop3A_413 = tpu.vector_load %arg10[%parallel_loop3A_410, %parallel_loop3A_411, %parallel_loop3A_412] {strides = array<i32>} : memref<3x80x128xf32, #tpu.memory_space<vmem>>, vector<16xf32>,
        %parallel_loop3A_414 = arith.mulf %parallel_loop3A_413, %parallel_loop3A_364 : vector<16xf32>
        %parallel_loop3A_415 = arith.index_cast %rem3A_311 : i32 to index
        %parallel_loop3A_416 = arith.index_cast %parallel_loop3A_362 : i32 to index
        %parallel_loop3A_417 = arith.constant 80 : index
        %parallel_loop3A_418 = tpu.vector_load %arg10[%parallel_loop3A_415, %parallel_loop3A_416, %parallel_loop3A_417] {strides = array<i32>} : memref<3x80x128xf32, #tpu.memory_space<vmem>>, vector<16xf32>,
        tpu.vector_store %arg10[%parallel_loop3A_415, %parallel_loop3A_416, %parallel_loop3A_417], %parallel_loop3A_414 {strides = array<i32>} : memref<3x80x128xf32, #tpu.memory_space<vmem>>, vector<16xf32>,
        %parallel_loop3A_419 = arith.index_cast %rem3A_311 : i32 to index
        %parallel_loop3A_420 = arith.index_cast %parallel_loop3A_362 : i32 to index
        %parallel_loop3A_421 = arith.constant 96 : index
        %parallel_loop3A_422 = tpu.vector_load %arg10[%parallel_loop3A_419, %parallel_loop3A_420, %parallel_loop3A_421] {strides = array<i32>} : memref<3x80x128xf32, #tpu.memory_space<vmem>>, vector<16xf32>,
        %parallel_loop3A_423 = arith.mulf %parallel_loop3A_422, %parallel_loop3A_364 : vector<16xf32>
        %parallel_loop3A_424 = arith.index_cast %rem3A_311 : i32 to index
        %parallel_loop3A_425 = arith.index_cast %parallel_loop3A_362 : i32 to index
        %parallel_loop3A_426 = arith.constant 96 : index
        %parallel_loop3A_427 = tpu.vector_load %arg10[%parallel_loop3A_424, %parallel_loop3A_425, %parallel_loop3A_426] {strides = array<i32>} : memref<3x80x128xf32, #tpu.memory_space<vmem>>, vector<16xf32>,
        tpu.vector_store %arg10[%parallel_loop3A_424, %parallel_loop3A_425, %parallel_loop3A_426], %parallel_loop3A_423 {strides = array<i32>} : memref<3x80x128xf32, #tpu.memory_space<vmem>>, vector<16xf32>,
        %parallel_loop3A_428 = arith.index_cast %rem3A_311 : i32 to index
        %parallel_loop3A_429 = arith.index_cast %parallel_loop3A_362 : i32 to index
        %parallel_loop3A_430 = arith.constant 112 : index
        %parallel_loop3A_431 = tpu.vector_load %arg10[%parallel_loop3A_428, %parallel_loop3A_429, %parallel_loop3A_430] {strides = array<i32>} : memref<3x80x128xf32, #tpu.memory_space<vmem>>, vector<16xf32>,
        %parallel_loop3A_432 = arith.mulf %parallel_loop3A_431, %parallel_loop3A_364 : vector<16xf32>
        %parallel_loop3A_433 = arith.index_cast %rem3A_311 : i32 to index
        %parallel_loop3A_434 = arith.index_cast %parallel_loop3A_362 : i32 to index
        %parallel_loop3A_435 = arith.constant 112 : index
        %parallel_loop3A_436 = tpu.vector_load %arg10[%parallel_loop3A_433, %parallel_loop3A_434, %parallel_loop3A_435] {strides = array<i32>} : memref<3x80x128xf32, #tpu.memory_space<vmem>>, vector<16xf32>,
        tpu.vector_store %arg10[%parallel_loop3A_433, %parallel_loop3A_434, %parallel_loop3A_435], %parallel_loop3A_432 {strides = array<i32>} : memref<3x80x128xf32, #tpu.memory_space<vmem>>, vector<16xf32>,
      } {sc.loop_unroll_factor = 8 : i64, sc.parallel_access}
      %rem3A_346 = arith.constant 3 : i32
      %rem3A_347 = arith.remsi %add3A_309, %rem3A_346 : i32
      %rem3A_348 = arith.constant 6 : i32
      %rem3A_349 = arith.remsi %add3A_309, %rem3A_348 : i32
      %dma_start3A_350 = arith.constant 0 : i32
      %dma_start3A_351 = arith.constant 0 : i32
      %dma_start3A_352 = tpu.memref_slice %arg10[%rem3A_347, %dma_start3A_350, %dma_start3A_351] : memref<3x80x128xf32, #tpu.memory_space<vmem>> -> memref<1x80x128xf32, #tpu.memory_space<vmem>>
      %dma_start3A_353 = tpu.memref_squeeze %dma_start3A_352 : memref<1x80x128xf32, #tpu.memory_space<vmem>> -> memref<80x128xf32, #tpu.memory_space<vmem>>
      %dma_start3A_354 = arith.constant 0 : i32
      %dma_start3A_355 = tpu.memref_slice %arg8[%rem3A_349, %dma_start3A_354] : memref<6x80xi32, #tpu.memory_space<vmem>> -> memref<1x80xi32, #tpu.memory_space<vmem>>
      %dma_start3A_356 = tpu.memref_squeeze %dma_start3A_355 : memref<1x80xi32, #tpu.memory_space<vmem>> -> memref<80xi32, #tpu.memory_space<vmem>>
      %dma_start3A_357 = arith.constant 0 : i32
      %dma_start3A_358 = arith.constant 0 : i32
      %dma_start3A_359 = tpu.memref_slice %arg11[%dma_start3A_357, %dma_start3A_358] : memref<10000x128xf32, #tpu.memory_space<vmem_shared>> -> memref<10000x128xf32, #tpu.memory_space<vmem_shared>>
      %dma_start3A_360 = tpu.memref_slice %arg14[%rem3A_347] : memref<3x!tpu.dma_semaphore, #tpu.memory_space<semaphore_mem>> -> memref<1x!tpu.dma_semaphore, #tpu.memory_space<semaphore_mem>>
      %dma_start3A_361 = tpu.memref_squeeze %dma_start3A_360 : memref<1x!tpu.dma_semaphore, #tpu.memory_space<semaphore_mem>> -> memref<!tpu.dma_semaphore, #tpu.memory_space<semaphore_mem>>
      tpu.enqueue_indirect_dma source(%dma_start3A_353 : memref<80x128xf32, #tpu.memory_space<vmem>>) target(%dma_start3A_359 : memref<10000x128xf32, #tpu.memory_space<vmem_shared>>) offsets(%dma_start3A_356 : memref<80xi32, #tpu.memory_space<vmem>>) semaphore(%dma_start3A_361 : memref<!tpu.dma_semaphore, #tpu.memory_space<semaphore_mem>>) {add = true}
    }
    %scan3A_241 = arith.constant 125 : i32
    %rem3A_242 = arith.constant 122 : i32
    %rem3A_243 = arith.constant 3 : i32
    %rem3A_244 = arith.remsi %rem3A_242, %rem3A_243 : i32
    %rem3A_245 = arith.constant 122 : i32
    %rem3A_246 = arith.constant 6 : i32
    %rem3A_247 = arith.remsi %rem3A_245, %rem3A_246 : i32
    %dma_wait3A_248 = arith.constant 0 : i32
    %dma_wait3A_249 = arith.constant 0 : i32
    %dma_wait3A_250 = tpu.memref_slice %arg10[%rem3A_244, %dma_wait3A_248, %dma_wait3A_249] : memref<3x80x128xf32, #tpu.memory_space<vmem>> -> memref<1x80x128xf32, #tpu.memory_space<vmem>>
    %dma_wait3A_251 = tpu.memref_squeeze %dma_wait3A_250 : memref<1x80x128xf32, #tpu.memory_space<vmem>> -> memref<80x128xf32, #tpu.memory_space<vmem>>
    %dma_wait3A_252 = arith.constant 0 : i32
    %dma_wait3A_253 = tpu.memref_slice %arg8[%rem3A_247, %dma_wait3A_252] : memref<6x80xi32, #tpu.memory_space<vmem>> -> memref<1x80xi32, #tpu.memory_space<vmem>>
    %dma_wait3A_254 = tpu.memref_squeeze %dma_wait3A_253 : memref<1x80xi32, #tpu.memory_space<vmem>> -> memref<80xi32, #tpu.memory_space<vmem>>
    %dma_wait3A_255 = arith.constant 0 : i32
    %dma_wait3A_256 = arith.constant 0 : i32
    %dma_wait3A_257 = tpu.memref_slice %arg11[%dma_wait3A_255, %dma_wait3A_256] : memref<10000x128xf32, #tpu.memory_space<vmem_shared>> -> memref<10000x128xf32, #tpu.memory_space<vmem_shared>>
    %dma_wait3A_258 = tpu.memref_slice %arg14[%rem3A_244] : memref<3x!tpu.dma_semaphore, #tpu.memory_space<semaphore_mem>> -> memref<1x!tpu.dma_semaphore, #tpu.memory_space<semaphore_mem>>
    %dma_wait3A_259 = tpu.memref_squeeze %dma_wait3A_258 : memref<1x!tpu.dma_semaphore, #tpu.memory_space<semaphore_mem>> -> memref<!tpu.dma_semaphore, #tpu.memory_space<semaphore_mem>>
    tpu.wait_indirect_dma semaphore(%dma_wait3A_259 : memref<!tpu.dma_semaphore, #tpu.memory_space<semaphore_mem>>) src(%dma_wait3A_251 : memref<80x128xf32, #tpu.memory_space<vmem>>) dst(%dma_wait3A_257 : memref<10000x128xf32, #tpu.memory_space<vmem_shared>>)
    %rem3A_260 = arith.constant 123 : i32
    %rem3A_261 = arith.constant 3 : i32
    %rem3A_262 = arith.remsi %rem3A_260, %rem3A_261 : i32
    %rem3A_263 = arith.constant 123 : i32
    %rem3A_264 = arith.constant 6 : i32
    %rem3A_265 = arith.remsi %rem3A_263, %rem3A_264 : i32
    %dma_wait3A_266 = arith.constant 0 : i32
    %dma_wait3A_267 = arith.constant 0 : i32
    %dma_wait3A_268 = tpu.memref_slice %arg10[%rem3A_262, %dma_wait3A_266, %dma_wait3A_267] : memref<3x80x128xf32, #tpu.memory_space<vmem>> -> memref<1x80x128xf32, #tpu.memory_space<vmem>>
    %dma_wait3A_269 = tpu.memref_squeeze %dma_wait3A_268 : memref<1x80x128xf32, #tpu.memory_space<vmem>> -> memref<80x128xf32, #tpu.memory_space<vmem>>
    %dma_wait3A_270 = arith.constant 0 : i32
    %dma_wait3A_271 = tpu.memref_slice %arg8[%rem3A_265, %dma_wait3A_270] : memref<6x80xi32, #tpu.memory_space<vmem>> -> memref<1x80xi32, #tpu.memory_space<vmem>>
    %dma_wait3A_272 = tpu.memref_squeeze %dma_wait3A_271 : memref<1x80xi32, #tpu.memory_space<vmem>> -> memref<80xi32, #tpu.memory_space<vmem>>
    %dma_wait3A_273 = arith.constant 0 : i32
    %dma_wait3A_274 = arith.constant 0 : i32
    %dma_wait3A_275 = tpu.memref_slice %arg11[%dma_wait3A_273, %dma_wait3A_274] : memref<10000x128xf32, #tpu.memory_space<vmem_shared>> -> memref<10000x128xf32, #tpu.memory_space<vmem_shared>>
    %dma_wait3A_276 = tpu.memref_slice %arg14[%rem3A_262] : memref<3x!tpu.dma_semaphore, #tpu.memory_space<semaphore_mem>> -> memref<1x!tpu.dma_semaphore, #tpu.memory_space<semaphore_mem>>
    %dma_wait3A_277 = tpu.memref_squeeze %dma_wait3A_276 : memref<1x!tpu.dma_semaphore, #tpu.memory_space<semaphore_mem>> -> memref<!tpu.dma_semaphore, #tpu.memory_space<semaphore_mem>>
    tpu.wait_indirect_dma semaphore(%dma_wait3A_277 : memref<!tpu.dma_semaphore, #tpu.memory_space<semaphore_mem>>) src(%dma_wait3A_269 : memref<80x128xf32, #tpu.memory_space<vmem>>) dst(%dma_wait3A_275 : memref<10000x128xf32, #tpu.memory_space<vmem_shared>>)
    %rem3A_278 = arith.constant 124 : i32
    %rem3A_279 = arith.constant 3 : i32
    %rem3A_280 = arith.remsi %rem3A_278, %rem3A_279 : i32
    %rem3A_281 = arith.constant 124 : i32
    %rem3A_282 = arith.constant 6 : i32
    %rem3A_283 = arith.remsi %rem3A_281, %rem3A_282 : i32
    %dma_wait3A_284 = arith.constant 0 : i32
    %dma_wait3A_285 = arith.constant 0 : i32
    %dma_wait3A_286 = tpu.memref_slice %arg10[%rem3A_280, %dma_wait3A_284, %dma_wait3A_285] : memref<3x80x128xf32, #tpu.memory_space<vmem>> -> memref<1x80x128xf32, #tpu.memory_space<vmem>>
    %dma_wait3A_287 = tpu.memref_squeeze %dma_wait3A_286 : memref<1x80x128xf32, #tpu.memory_space<vmem>> -> memref<80x128xf32, #tpu.memory_space<vmem>>
    %dma_wait3A_288 = arith.constant 0 : i32
    %dma_wait3A_289 = tpu.memref_slice %arg8[%rem3A_283, %dma_wait3A_288] : memref<6x80xi32, #tpu.memory_space<vmem>> -> memref<1x80xi32, #tpu.memory_space<vmem>>
    %dma_wait3A_290 = tpu.memref_squeeze %dma_wait3A_289 : memref<1x80xi32, #tpu.memory_space<vmem>> -> memref<80xi32, #tpu.memory_space<vmem>>
    %dma_wait3A_291 = arith.constant 0 : i32
    %dma_wait3A_292 = arith.constant 0 : i32
    %dma_wait3A_293 = tpu.memref_slice %arg11[%dma_wait3A_291, %dma_wait3A_292] : memref<10000x128xf32, #tpu.memory_space<vmem_shared>> -> memref<10000x128xf32, #tpu.memory_space<vmem_shared>>
    %dma_wait3A_294 = tpu.memref_slice %arg14[%rem3A_280] : memref<3x!tpu.dma_semaphore, #tpu.memory_space<semaphore_mem>> -> memref<1x!tpu.dma_semaphore, #tpu.memory_space<semaphore_mem>>
    %dma_wait3A_295 = tpu.memref_squeeze %dma_wait3A_294 : memref<1x!tpu.dma_semaphore, #tpu.memory_space<semaphore_mem>> -> memref<!tpu.dma_semaphore, #tpu.memory_space<semaphore_mem>>
    tpu.wait_indirect_dma semaphore(%dma_wait3A_295 : memref<!tpu.dma_semaphore, #tpu.memory_space<semaphore_mem>>) src(%dma_wait3A_287 : memref<80x128xf32, #tpu.memory_space<vmem>>) dst(%dma_wait3A_293 : memref<10000x128xf32, #tpu.memory_space<vmem_shared>>)
    %barrier3A_296 = arith.constant 0 : index
    tpu.barrier barrier_id(%barrier3A_296)
    %mul3A_297 = arith.constant 10000 : i32
    %mul3A_298 = arith.muli %arg0, %mul3A_297 : i32
    %add3A_299 = arith.addi %mul3A_298, %mul3A_5 : i32
    "tpu.region"() ({
      %run_scoped3A_305 = tpu.sem_alloc : memref<!tpu.dma_semaphore, #tpu.memory_space<semaphore_mem>>
      %dma_start3A_306 = arith.constant 0 : i32
      %dma_start3A_307 = tpu.memref_slice %arg6[%add3A_299, %dma_start3A_306] : memref<20000x128xf32, #tpu.memory_space<hbm>> -> memref<624x128xf32, #tpu.memory_space<hbm>>
      %dma_start3A_308 = arith.constant 0 : i32
      %dma_start3A_309 = tpu.memref_slice %arg11[%mul3A_5, %dma_start3A_308] : memref<10000x128xf32, #tpu.memory_space<vmem_shared>> -> memref<624x128xf32, #tpu.memory_space<vmem_shared>>
      tpu.enqueue_dma source(%dma_start3A_309 : memref<624x128xf32, #tpu.memory_space<vmem_shared>>) target(%dma_start3A_307 : memref<624x128xf32, #tpu.memory_space<hbm>>) target_semaphore(%run_scoped3A_305 : memref<!tpu.dma_semaphore, #tpu.memory_space<semaphore_mem>>)
      %dma_wait3A_310 = arith.constant 0 : i32
      %dma_wait3A_311 = tpu.memref_slice %arg6[%add3A_299, %dma_wait3A_310] : memref<20000x128xf32, #tpu.memory_space<hbm>> -> memref<624x128xf32, #tpu.memory_space<hbm>>
      %dma_wait3A_312 = arith.constant 0 : i32
      %dma_wait3A_313 = tpu.memref_slice %arg11[%mul3A_5, %dma_wait3A_312] : memref<10000x128xf32, #tpu.memory_space<vmem_shared>> -> memref<624x128xf32, #tpu.memory_space<vmem_shared>>
      tpu.wait_dma2 semaphore(%run_scoped3A_305 : memref<!tpu.dma_semaphore, #tpu.memory_space<semaphore_mem>>) src(%dma_wait3A_313 : memref<624x128xf32, #tpu.memory_space<vmem_shared>>) dst(%dma_wait3A_311 : memref<624x128xf32, #tpu.memory_space<hbm>>)
      tpu.yield
    }) : () -> ()
    %eq3A_300 = arith.constant 15 : i32
    %eq3A_301 = arith.cmpi eq, %arg1, %eq3A_300 : i32
    %convert_element_type3A_302 = arith.extui %eq3A_301 : i1 to i32
    %cond3A_303 = arith.constant 0 : i32
    %cond3A_304 = arith.cmpi ne, %convert_element_type3A_302, %cond3A_303 : i32
    scf.if %cond3A_304 {
      %mul3A_305 = arith.constant 10000 : i32
      %mul3A_306 = arith.muli %arg0, %mul3A_305 : i32
      %add3A_307 = arith.constant 9984 : i32
      %add3A_308 = arith.addi %mul3A_306, %add3A_307 : i32
      "tpu.region"() ({
        %run_scoped3A_309 = tpu.sem_alloc : memref<!tpu.dma_semaphore, #tpu.memory_space<semaphore_mem>>
        %dma_start3A_310 = arith.constant 0 : i32
        %dma_start3A_311 = tpu.memref_slice %arg6[%add3A_308, %dma_start3A_310] : memref<20000x128xf32, #tpu.memory_space<hbm>> -> memref<16x128xf32, #tpu.memory_space<hbm>>
        %dma_start3A_312 = arith.constant 9984 : i32
        %dma_start3A_313 = arith.constant 0 : i32
        %dma_start3A_314 = tpu.memref_slice %arg11[%dma_start3A_312, %dma_start3A_313] : memref<10000x128xf32, #tpu.memory_space<vmem_shared>> -> memref<16x128xf32, #tpu.memory_space<vmem_shared>>
        tpu.enqueue_dma source(%dma_start3A_314 : memref<16x128xf32, #tpu.memory_space<vmem_shared>>) target(%dma_start3A_311 : memref<16x128xf32, #tpu.memory_space<hbm>>) target_semaphore(%run_scoped3A_309 : memref<!tpu.dma_semaphore, #tpu.memory_space<semaphore_mem>>)
        %dma_wait3A_315 = arith.constant 0 : i32
        %dma_wait3A_316 = tpu.memref_slice %arg6[%add3A_308, %dma_wait3A_315] : memref<20000x128xf32, #tpu.memory_space<hbm>> -> memref<16x128xf32, #tpu.memory_space<hbm>>
        %dma_wait3A_317 = arith.constant 9984 : i32
        %dma_wait3A_318 = arith.constant 0 : i32
        %dma_wait3A_319 = tpu.memref_slice %arg11[%dma_wait3A_317, %dma_wait3A_318] : memref<10000x128xf32, #tpu.memory_space<vmem_shared>> -> memref<16x128xf32, #tpu.memory_space<vmem_shared>>
        tpu.wait_dma2 semaphore(%run_scoped3A_309 : memref<!tpu.dma_semaphore, #tpu.memory_space<semaphore_mem>>) src(%dma_wait3A_319 : memref<16x128xf32, #tpu.memory_space<vmem_shared>>) dst(%dma_wait3A_316 : memref<16x128xf32, #tpu.memory_space<hbm>>)
        tpu.yield
      }) : () -> ()
    } else {
    }
    return
  }
}

module attributes {stable_mosaic.version = 14 : i64} {
  func.func @_mm1_body(%arg0: i32, %arg1: i32, %arg2: memref<1000x256xf32, #tpu.memory_space<vmem>>, %arg3: memref<256x128xf32, #tpu.memory_space<vmem>>, %arg4: memref<1x1x128xf32, #tpu.memory_space<vmem>>, %arg5: memref<1000x128xf32, #tpu.memory_space<vmem>>) attributes {dimension_semantics = [#tpu.dimension_semantics<arbitrary>, #tpu.dimension_semantics<arbitrary>], iteration_bounds = array<i64: 10, 2>, scalar_prefetch = 0 : i64, scratch_operands = 0 : i64, tpu.core_type = #tpu.core_type<tc>, window_params = [{transform_indices = @transform_0, window_bounds = array<i64: 1000, 256>}, {transform_indices = @transform_1, window_bounds = array<i64: 256, 128>}, {transform_indices = @transform_2, window_bounds = array<i64: 1, 1, 128>}, {transform_indices = @transform_3, window_bounds = array<i64: 1000, 128>}]} {
    %get3A = arith.constant 0 : index
    %get3A_0 = arith.constant 0 : index
    %get3A_1 = vector.load %arg2[%get3A, %get3A_0] : memref<1000x256xf32, #tpu.memory_space<vmem>>, vector<1000x256xf32>
    %get3A_2 = arith.constant 0 : index
    %get3A_3 = arith.constant 0 : index
    %get3A_4 = vector.load %arg3[%get3A_2, %get3A_3] : memref<256x128xf32, #tpu.memory_space<vmem>>, vector<256x128xf32>
    %dot_general3A = arith.constant dense<0.000000e+00> : vector<1000x128xf32>
    %dot_general3A_5 = tpu.matmul %get3A_1, %get3A_4, %dot_general3A {dimension_numbers = #tpu.dot_dimension_numbers<[1], [0], [0], [1], [0, 0, 1, 1], [], []>, transpose_lhs_hint = false} : vector<1000x256xf32>, vector<256x128xf32>, vector<1000x128xf32> -> vector<1000x128xf32>
    %get3A_6 = arith.constant 0 : index
    %get3A_7 = arith.constant 0 : index
    %get3A_8 = arith.constant 0 : index
    %get3A_9 = vector.load %arg4[%get3A_6, %get3A_7, %get3A_8] : memref<1x1x128xf32, #tpu.memory_space<vmem>>, vector<1x1x128xf32>
    %get3A_10 = vector.shape_cast %get3A_9 : vector<1x1x128xf32> to vector<1x128xf32>
    %add3A = vector.broadcast %get3A_10 : vector<1x128xf32> to vector<1000x128xf32>
    %add3A_11 = arith.addf %dot_general3A_5, %add3A : vector<1000x128xf32>
    %swap3A = arith.constant 0 : index
    %swap3A_12 = arith.constant 0 : index
    %swap3A_13 = vector.load %arg5[%swap3A, %swap3A_12] : memref<1000x128xf32, #tpu.memory_space<vmem>>, vector<1000x128xf32>
    tpu.vector_store %arg5[%swap3A, %swap3A_12], %add3A_11 {strides = array<i32>} : memref<1000x128xf32, #tpu.memory_space<vmem>>, vector<1000x128xf32>,
    return
  }
  func.func @transform_0(%arg0: i32, %arg1: i32) -> (i32, i32) {
    %c0_i32 = arith.constant 0 : i32
    %c0_i32_0 = arith.constant 0 : i32
    return %arg0, %c0_i32 : i32, i32
  }
  func.func @transform_1(%arg0: i32, %arg1: i32) -> (i32, i32) {
    %c0_i32 = arith.constant 0 : i32
    %c0_i32_0 = arith.constant 0 : i32
    return %c0_i32, %arg1 : i32, i32
  }
  func.func @transform_2(%arg0: i32, %arg1: i32) -> (i32, i32, i32) {
    %c0_i32 = arith.constant 0 : i32
    %c0_i32_0 = arith.constant 0 : i32
    %c0_i32_1 = arith.constant 0 : i32
    return %arg1, %c0_i32, %c0_i32_0 : i32, i32, i32
  }
  func.func @transform_3(%arg0: i32, %arg1: i32) -> (i32, i32) {
    %mul3A = arith.constant 10 : i32
    %mul3A_0 = arith.muli %arg1, %mul3A : i32
    %add3A = arith.addi %mul3A_0, %arg0 : i32
    %c0_i32 = arith.constant 0 : i32
    %c0_i32_1 = arith.constant 0 : i32
    return %add3A, %c0_i32 : i32, i32
  }
}

module attributes {stable_mosaic.version = 14 : i64} {
  func.func @_mm2_body(%arg0: i32, %arg1: i32, %arg2: memref<1000x128xf32, #tpu.memory_space<vmem>>, %arg3: memref<1000x128xf32, #tpu.memory_space<vmem>>, %arg4: memref<256x128xf32, #tpu.memory_space<vmem>>, %arg5: memref<1x1x128xf32, #tpu.memory_space<vmem>>, %arg6: memref<1000x128xf32, #tpu.memory_space<vmem>>) attributes {dimension_semantics = [#tpu.dimension_semantics<arbitrary>, #tpu.dimension_semantics<arbitrary>], iteration_bounds = array<i64: 10, 2>, scalar_prefetch = 0 : i64, scratch_operands = 0 : i64, tpu.core_type = #tpu.core_type<tc>, window_params = [{transform_indices = @transform_0, window_bounds = array<i64: 1000, 128>}, {transform_indices = @transform_1, window_bounds = array<i64: 1000, 128>}, {transform_indices = @transform_2, window_bounds = array<i64: 256, 128>}, {transform_indices = @transform_3, window_bounds = array<i64: 1, 1, 128>}, {transform_indices = @transform_4, window_bounds = array<i64: 1000, 128>}]} {
    %get3A = arith.constant 0 : index
    %get3A_0 = arith.constant 0 : index
    %get3A_1 = vector.load %arg2[%get3A, %get3A_0] : memref<1000x128xf32, #tpu.memory_space<vmem>>, vector<1000x128xf32>
    %max3A = arith.constant 0.000000e+00 : f32
    %max3A_2 = vector.broadcast %max3A : f32 to vector<1000x128xf32>
    %max3A_3 = arith.maximumf %get3A_1, %max3A_2 : vector<1000x128xf32>
    %get3A_4 = arith.constant 0 : index
    %get3A_5 = arith.constant 0 : index
    %get3A_6 = vector.load %arg3[%get3A_4, %get3A_5] : memref<1000x128xf32, #tpu.memory_space<vmem>>, vector<1000x128xf32>
    %max3A_7 = arith.constant 0.000000e+00 : f32
    %max3A_8 = vector.broadcast %max3A_7 : f32 to vector<1000x128xf32>
    %max3A_9 = arith.maximumf %get3A_6, %max3A_8 : vector<1000x128xf32>
    %get3A_10 = arith.constant 0 : index
    %get3A_11 = arith.constant 0 : index
    %get3A_12 = vector.load %arg4[%get3A_10, %get3A_11] : memref<256x128xf32, #tpu.memory_space<vmem>>, vector<128x128xf32>
    %dot_general3A = arith.constant dense<0.000000e+00> : vector<1000x128xf32>
    %dot_general3A_13 = tpu.matmul %max3A_3, %get3A_12, %dot_general3A {dimension_numbers = #tpu.dot_dimension_numbers<[1], [0], [0], [1], [0, 0, 1, 1], [], []>, transpose_lhs_hint = false} : vector<1000x128xf32>, vector<128x128xf32>, vector<1000x128xf32> -> vector<1000x128xf32>
    %get3A_14 = arith.constant 128 : index
    %get3A_15 = arith.constant 0 : index
    %get3A_16 = vector.load %arg4[%get3A_14, %get3A_15] : memref<256x128xf32, #tpu.memory_space<vmem>>, vector<128x128xf32>
    %dot_general3A_17 = arith.constant dense<0.000000e+00> : vector<1000x128xf32>
    %dot_general3A_18 = tpu.matmul %max3A_9, %get3A_16, %dot_general3A_17 {dimension_numbers = #tpu.dot_dimension_numbers<[1], [0], [0], [1], [0, 0, 1, 1], [], []>, transpose_lhs_hint = false} : vector<1000x128xf32>, vector<128x128xf32>, vector<1000x128xf32> -> vector<1000x128xf32>
    %add3A = arith.addf %dot_general3A_13, %dot_general3A_18 : vector<1000x128xf32>
    %get3A_19 = arith.constant 0 : index
    %get3A_20 = arith.constant 0 : index
    %get3A_21 = arith.constant 0 : index
    %get3A_22 = vector.load %arg5[%get3A_19, %get3A_20, %get3A_21] : memref<1x1x128xf32, #tpu.memory_space<vmem>>, vector<1x1x128xf32>
    %get3A_23 = vector.shape_cast %get3A_22 : vector<1x1x128xf32> to vector<1x128xf32>
    %add3A_24 = vector.broadcast %get3A_23 : vector<1x128xf32> to vector<1000x128xf32>
    %add3A_25 = arith.addf %add3A, %add3A_24 : vector<1000x128xf32>
    %swap3A = arith.constant 0 : index
    %swap3A_26 = arith.constant 0 : index
    %swap3A_27 = vector.load %arg6[%swap3A, %swap3A_26] : memref<1000x128xf32, #tpu.memory_space<vmem>>, vector<1000x128xf32>
    tpu.vector_store %arg6[%swap3A, %swap3A_26], %add3A_25 {strides = array<i32>} : memref<1000x128xf32, #tpu.memory_space<vmem>>, vector<1000x128xf32>,
    return
  }
  func.func @transform_0(%arg0: i32, %arg1: i32) -> (i32, i32) {
    %c0_i32 = arith.constant 0 : i32
    %c0_i32_0 = arith.constant 0 : i32
    return %arg0, %c0_i32 : i32, i32
  }
  func.func @transform_1(%arg0: i32, %arg1: i32) -> (i32, i32) {
    %add3A = arith.constant 10 : i32
    %add3A_0 = arith.addi %add3A, %arg0 : i32
    %c0_i32 = arith.constant 0 : i32
    %c0_i32_1 = arith.constant 0 : i32
    return %add3A_0, %c0_i32 : i32, i32
  }
  func.func @transform_2(%arg0: i32, %arg1: i32) -> (i32, i32) {
    %c0_i32 = arith.constant 0 : i32
    %c0_i32_0 = arith.constant 0 : i32
    return %c0_i32, %arg1 : i32, i32
  }
  func.func @transform_3(%arg0: i32, %arg1: i32) -> (i32, i32, i32) {
    %c0_i32 = arith.constant 0 : i32
    %c0_i32_0 = arith.constant 0 : i32
    %c0_i32_1 = arith.constant 0 : i32
    return %arg1, %c0_i32, %c0_i32_0 : i32, i32, i32
  }
  func.func @transform_4(%arg0: i32, %arg1: i32) -> (i32, i32) {
    %mul3A = arith.constant 10 : i32
    %mul3A_0 = arith.muli %arg1, %mul3A : i32
    %add3A = arith.addi %mul3A_0, %arg0 : i32
    %c0_i32 = arith.constant 0 : i32
    %c0_i32_1 = arith.constant 0 : i32
    return %add3A, %c0_i32 : i32, i32
  }
}

module attributes {stable_mosaic.version = 14 : i64} {
  func.func @_epilogue_body(%arg0: i32, %arg1: memref<1000x256xf32, #tpu.memory_space<vmem>>, %arg2: memref<1000x128xf32, #tpu.memory_space<vmem>>, %arg3: memref<1000x128xf32, #tpu.memory_space<vmem>>, %arg4: memref<1000x256xf32, #tpu.memory_space<vmem>>) attributes {dimension_semantics = [#tpu.dimension_semantics<arbitrary>], iteration_bounds = array<i64: 10>, scalar_prefetch = 0 : i64, scratch_operands = 0 : i64, tpu.core_type = #tpu.core_type<tc>, window_params = [{transform_indices = @transform_0, window_bounds = array<i64: 1000, 256>}, {transform_indices = @transform_1, window_bounds = array<i64: 1000, 128>}, {transform_indices = @transform_2, window_bounds = array<i64: 1000, 128>}, {transform_indices = @transform_3, window_bounds = array<i64: 1000, 256>}]} {
    %get3A = arith.constant 0 : index
    %get3A_0 = arith.constant 0 : index
    %get3A_1 = vector.load %arg1[%get3A, %get3A_0] : memref<1000x256xf32, #tpu.memory_space<vmem>>, vector<1000x128xf32>
    %get3A_2 = arith.constant 0 : index
    %get3A_3 = arith.constant 0 : index
    %get3A_4 = vector.load %arg2[%get3A_2, %get3A_3] : memref<1000x128xf32, #tpu.memory_space<vmem>>, vector<1000x128xf32>
    %max3A = arith.constant 0.000000e+00 : f32
    %max3A_5 = vector.broadcast %max3A : f32 to vector<1000x128xf32>
    %max3A_6 = arith.maximumf %get3A_4, %max3A_5 : vector<1000x128xf32>
    %add3A = arith.addf %get3A_1, %max3A_6 : vector<1000x128xf32>
    %mul3A = arith.constant 5.000000e-01 : f32
    %mul3A_7 = vector.broadcast %mul3A : f32 to vector<1000x128xf32>
    %mul3A_8 = arith.mulf %add3A, %mul3A_7 : vector<1000x128xf32>
    %swap3A = arith.constant 0 : index
    %swap3A_9 = arith.constant 0 : index
    %swap3A_10 = vector.load %arg4[%swap3A, %swap3A_9] : memref<1000x256xf32, #tpu.memory_space<vmem>>, vector<1000x128xf32>
    tpu.vector_store %arg4[%swap3A, %swap3A_9], %mul3A_8 {strides = array<i32>} : memref<1000x256xf32, #tpu.memory_space<vmem>>, vector<1000x128xf32>,
    %get3A_11 = arith.constant 0 : index
    %get3A_12 = arith.constant 128 : index
    %get3A_13 = vector.load %arg1[%get3A_11, %get3A_12] : memref<1000x256xf32, #tpu.memory_space<vmem>>, vector<1000x128xf32>
    %get3A_14 = arith.constant 0 : index
    %get3A_15 = arith.constant 0 : index
    %get3A_16 = vector.load %arg3[%get3A_14, %get3A_15] : memref<1000x128xf32, #tpu.memory_space<vmem>>, vector<1000x128xf32>
    %max3A_17 = arith.constant 0.000000e+00 : f32
    %max3A_18 = vector.broadcast %max3A_17 : f32 to vector<1000x128xf32>
    %max3A_19 = arith.maximumf %get3A_16, %max3A_18 : vector<1000x128xf32>
    %add3A_20 = arith.addf %get3A_13, %max3A_19 : vector<1000x128xf32>
    %mul3A_21 = arith.constant 5.000000e-01 : f32
    %mul3A_22 = vector.broadcast %mul3A_21 : f32 to vector<1000x128xf32>
    %mul3A_23 = arith.mulf %add3A_20, %mul3A_22 : vector<1000x128xf32>
    %swap3A_24 = arith.constant 0 : index
    %swap3A_25 = arith.constant 128 : index
    %swap3A_26 = vector.load %arg4[%swap3A_24, %swap3A_25] : memref<1000x256xf32, #tpu.memory_space<vmem>>, vector<1000x128xf32>
    tpu.vector_store %arg4[%swap3A_24, %swap3A_25], %mul3A_23 {strides = array<i32>} : memref<1000x256xf32, #tpu.memory_space<vmem>>, vector<1000x128xf32>,
    return
  }
  func.func @transform_0(%arg0: i32) -> (i32, i32) {
    %c0_i32 = arith.constant 0 : i32
    %c0_i32_0 = arith.constant 0 : i32
    return %arg0, %c0_i32 : i32, i32
  }
  func.func @transform_1(%arg0: i32) -> (i32, i32) {
    %c0_i32 = arith.constant 0 : i32
    %c0_i32_0 = arith.constant 0 : i32
    return %arg0, %c0_i32 : i32, i32
  }
  func.func @transform_2(%arg0: i32) -> (i32, i32) {
    %add3A = arith.constant 10 : i32
    %add3A_0 = arith.addi %add3A, %arg0 : i32
    %c0_i32 = arith.constant 0 : i32
    %c0_i32_1 = arith.constant 0 : i32
    return %add3A_0, %c0_i32 : i32, i32
  }
  func.func @transform_3(%arg0: i32) -> (i32, i32) {
    %c0_i32 = arith.constant 0 : i32
    %c0_i32_0 = arith.constant 0 : i32
    return %arg0, %c0_i32 : i32, i32
  }
}

</mosaic_0001>

<sc_bundles>
// kernel: _run.10.cloned.1.call-start
scs
__scs_entry_jumppad:
0x0: {  	(pc) =	sbr.rel $0x88, $3  }
0x1: {  	(tag) =	ssettag $0x0;
	lr =	simm.s32 $0x1  }
0x2: {  	[smem:$0x3F9A] =	sst lr;
	_ =	strace $0xD0000000  }
0x3: {  	_ = 	snop  }
0x4: {  	_ = 	snop  }
0x5: {  	_ = 	snop  }
0x6: {  	_ = 	snop  }
0x7: {  	_ = 	snop  }
__scs_overlays_trampoline_lowered:
0x8: {  	[smem:$0x3FA9] =	sst s0  }
0x9: {  	[smem:$0x3FAA] =	sst s1  }
0xa: {  	[smem:$0x3FAB] =	sst s2  }
0xb: {  	[smem:$0x3FAC] =	sst s3  }
0xc: {  	[smem:$0x3FAD] =	sst s4  }
0xd: {  	[smem:$0x3FAE] =	sst s5  }
0xe: {  	[smem:$0x3FAF] =	sst s6  }
0xf: {  	[smem:$0x3FB0] =	sst s7  }
0x10: {  	[smem:$0x3FB1] =	sst s8  }
0x11: {  	[smem:$0x3FB2] =	sst s9;
	s0 =	simm.s32 @!p0 $0x0  }
0x12: {  	s1 =	sld [smem:$0x3F98];
	s0 =	simm.s32 @p0 $0x1  }
0x13: {  	[smem:$0x3FB3] =	sst s0;
	s0 =	simm.s32 @!p1 $0x0  }
0x14: {  	s2 =	sld [smem:$0x3F97];
	s0 =	simm.s32 @p1 $0x1  }
0x15: {  	[smem:$0x3FB4] =	sst s0;
	s0 =	simm.s32 @!p2 $0x0  }
0x16: {  	s3 =	sld [smem:$0x3FDB];
	s0 =	simm.s32 @p2 $0x1  }
0x17: {  	s4 =	simm.s32 $0x1BF5;
	[smem:$0x3FB6] =	sst s0  }
0x18: {  	s0 =	sld [smem:$0x3F99];
	_ =	swait.ge [sflag:s4], $0x0  }
0x19: {  	s7 =	sld [smem:$0x3F9A]  }
0x1a: {  	s8 =	sadd.s32 $0xFFFFE003, lr  }
0x1b: {  	s9 =	sadd.s32 $0xFFFFFEF7, lr;
	s5 =	simm.s32 $0xFFFFFFFF;
	p2 =	slt.u32 s8, $0xFFFFF086  }
0x1c: {  	p1 =	slt.u32 s9, $0xF7A;
	s5 =	simm.s32 @!p2 $0x0  }
0x1d: {  	s5 =	simm.s32 @p1 $0x1;
	p0 =	seq.s32 s7, s2  }
0x1e: {  	s7 =	smul.u32 @!p0 $0xF7A, s2;
	p2 =	seq.s32 @!p0 s5, $0x0  }
0x1f: {  	s9 =	smul.u32 $0xF7A, s1;
	s8 =	simm.s32 @!p0 $0x1BF5;
	p2 =	por !p2, p0  }
0x20: {  	[sflag:s8] =	ssyncset.s32 @!p0 $0xFFFFF086;
	s6 =	sadd.s32 @!p0 s3, s7;
	s7 =	simm.s32 @!p0 $0x108  }
0x21: {  	s3 =	sadd.s32 s3, s9;
	s6 =	sadd.s32 @!p0 $0x88, s6;
	s7 =	simm.s32 @p2 $0x1082  }
0x22: {  	[simem:s7], [sflag:s8] =	dma.local @!p0 [hbm:s6], $0xF7A  }
0x23: {  	s9 =	sor.u32 $0xD0000000, s2;
	s6 =	simm.s32 $0x108;
	_ =	swait.ge @!p0 [sflag:s8], $0x0  }
0x24: {  	s3 =	sadd.s32 $0x88, s3;
	s6 =	simm.s32 @!p1 $0x1082;
	[sflag:s4] =	ssyncset.s32 $0xFFFFF086  }
0x25: {  	[simem:s6], [sflag:s4] =	dma.local [hbm:s3], $0xF7A  }
0x26: {  	[smem:$0x3F9A] =	sst s1;
	(tag) =	ssettag s2;
	_ =	strace s9  }
0x27: {  	s1 =	sld [smem:$0x3FAA]  }
0x28: {  	s2 =	sld [smem:$0x3FAB]  }
0x29: {  	s4 =	sld [smem:$0x3FAD]  }
0x2a: {  	p0 =	seq.s32 s5, $0x0;
	s5 =	sld [smem:$0x3FAE]  }
0x2b: {  	s6 =	sld [smem:$0x3FAF]  }
0x2c: {  	s7 =	sld [smem:$0x3FB0]  }
0x2d: {  	s3 =	simm.s32 $0x108;
	s8 =	sld [smem:$0x3FB1]  }
0x2e: {  	s3 =	simm.s32 @!p0 $0x1082;
	s9 =	sld [smem:$0x3FB2]  }
0x2f: {  	lr =	sadd.s32 s0, s3;
	s0 =	sld [smem:$0x3FA9]  }
0x30: {  	s3 =	sld [smem:$0x3FAC]  }
0x31: {  	[smem:$0x3FB5] =	sst s10  }
0x32: {  	s10 =	sld [smem:$0x3FB3];
	_ =	sdelay $0x3  }
0x33: {  	p0 =	seq.s32 s10, $0x1;
	s10 =	sld [smem:$0x3FB5];
	_ =	sdelay $0x3  }
0x34: {  	[smem:$0x3FB5] =	sst s10  }
0x35: {  	s10 =	sld [smem:$0x3FB4];
	_ =	sdelay $0x3  }
0x36: {  	p1 =	seq.s32 s10, $0x1;
	s10 =	sld [smem:$0x3FB5];
	_ =	sdelay $0x3  }
0x37: {  	[smem:$0x3FB5] =	sst s10  }
0x38: {  	s10 =	sld [smem:$0x3FB6]  }
0x39: {  	_ = 	snop;
	(pc) =	sbr.ind lr, $3  }
0x3a: {  	_ = 	snop  }
0x3b: {  	_ = 	snop  }
0x3c: {  	p2 =	seq.s32 s10, $0x1;
	s10 =	sld [smem:$0x3FB5]  }
0x3d: {  	_ =	shalt  }
0x3e: {  	_ =	shalt  }
0x3f: {  	_ =	shalt  }
0x40: {  	_ =	shalt  }
0x41: {  	_ =	shalt  }
0x42: {  	_ =	shalt  }
0x43: {  	_ =	shalt  }
0x44: {  	_ =	shalt  }
0x45: {  	_ =	shalt  }
0x46: {  	_ =	shalt  }
0x47: {  	_ =	shalt  }
0x48: {  	_ =	shalt  }
0x49: {  	_ =	shalt  }
0x4a: {  	_ =	shalt  }
0x4b: {  	_ =	shalt  }
0x4c: {  	_ =	shalt  }
0x4d: {  	_ =	shalt  }
0x4e: {  	_ =	shalt  }
0x4f: {  	_ =	shalt  }
0x50: {  	_ =	shalt  }
0x51: {  	_ =	shalt  }
0x52: {  	_ =	shalt  }
0x53: {  	_ =	shalt  }
0x54: {  	_ =	shalt  }
0x55: {  	_ =	shalt  }
0x56: {  	_ =	shalt  }
0x57: {  	_ =	shalt  }
0x58: {  	_ =	shalt  }
0x59: {  	_ =	shalt  }
0x5a: {  	_ =	shalt  }
0x5b: {  	_ =	shalt  }
0x5c: {  	_ =	shalt  }
0x5d: {  	_ =	shalt  }
0x5e: {  	_ =	shalt  }
0x5f: {  	_ =	shalt  }
0x60: {  	_ =	shalt  }
0x61: {  	_ =	shalt  }
0x62: {  	_ =	shalt  }
0x63: {  	_ =	shalt  }
0x64: {  	_ =	shalt  }
0x65: {  	_ =	shalt  }
0x66: {  	_ =	shalt  }
0x67: {  	_ =	shalt  }
0x68: {  	_ =	shalt  }
0x69: {  	_ =	shalt  }
0x6a: {  	_ =	shalt  }
0x6b: {  	_ =	shalt  }
0x6c: {  	_ =	shalt  }
0x6d: {  	_ =	shalt  }
0x6e: {  	_ =	shalt  }
0x6f: {  	_ =	shalt  }
0x70: {  	_ =	shalt  }
0x71: {  	_ =	shalt  }
0x72: {  	_ =	shalt  }
0x73: {  	_ =	shalt  }
0x74: {  	_ =	shalt  }
0x75: {  	_ =	shalt  }
0x76: {  	_ =	shalt  }
0x77: {  	_ =	shalt  }
0x78: {  	_ =	shalt  }
0x79: {  	_ =	shalt  }
0x7a: {  	_ =	shalt  }
0x7b: {  	_ =	shalt  }
0x7c: {  	_ =	shalt  }
0x7d: {  	_ =	shalt  }
0x7e: {  	_ =	shalt  }
0x7f: {  	_ =	shalt  }
0x80: {  	_ =	shalt  }
0x81: {  	_ =	shalt  }
0x82: {  	_ =	shalt  }
0x83: {  	_ =	shalt  }
0x84: {  	_ =	shalt  }
0x85: {  	_ =	shalt  }
0x86: {  	_ =	shalt  }
0x87: {  	_ =	shalt  }
.Lfunc_end0:
.L_simem_size_0:
called_computation.1_lowered:
.L_overlay_start_0:
0x88: {  	s2 =	sld [smem:$0x3FD9]  }
0x89: {  	s3 =	sld [smem:$0x3FFE];
	_ =	sdelay $0x1  }
0x8a: {  	s1 =	srdreg.scid  }
0x8b: {  	s0 =	sand.u32 $0x1, s1  }
0x8c: {  	s17 =	sshll.u32 s0, $0xA;
	s2 =	sadd.s32 s3, s2  }
0x8d: {  	s2 =	sadd.s32 s2, s17  }
0x8e: {  	[smem:$0x3FC1] =	sst s2  }
0x8f: {  	_ = 	snop  }
0x90: {  	s2 =	sld [smem:$0x3FD0];
	(tm) =	ssettm $0x1  }
0x91: {  	s18 =	sld [smem:$0x3FFB];
	_ =	sdelay $0x3  }
0x92: {  	_ =	strace s18  }
0x93: {  	s3 =	sld [smem:$0x3FFC];
	_ =	sdelay $0x3  }
0x94: {  	_ =	strace s3  }
0x95: {  	s3 =	sld [smem:$0x3FFD];
	_ =	sdelay $0x3  }
0x96: {  	_ =	strace s3  }
0x97: {  	_ =	strace $0x8FFFFFFF  }
0x98: {  	s19 =	sld [smem:$0x3FDB];
	_ =	sdelay $0x1  }
0x99: {  	s4 =	simm.s32 $_scs_section_size  }
0x9a: {  	s5 =	simm.s32 $_size__tile_overlayer_lowered;
	s6 =	simm.s32 $_tile_overlayer_lowered  }
0x9b: {  	s22 =	simm.s32 $0x1BFF;
	s21 =	sshll.u32 s6, $0x1;
	s3 =	sadd.s32 s4, s19  }
0x9c: {  	s7 =	simm.s32 $0x0;
	s20 =	sshll.u32 s5, $0x1;
	s5 =	sadd.s32 s21, s3  }
0x9d: {  	[timem:s7], [sflag:s22] =	dma.local [hbm:s5], s20  }
0x9e: {  	_ =	swait.ge [sflag:s22], s20  }
0x9f: {  	s4 =	ssub.s32 $0x0, s20;
	[sflag:s22] =	ssyncset.done $0x0  }
0xa0: {  	[sflag:s22] =	ssyncadd.s32 s4;
	_ =	sdelay $0x1  }
0xa1: {  	s23 =	simm.s32 $0x1B8B  }
0xa2: {  	_ =	swait.ge [sflag:s23], $0x1  }
0xa3: {  	[sflag:s23] =	ssyncset.done $0x0  }
0xa4: {  	s25 =	simm.s32 $0x1B8E;
	s24 =	sld [smem:$0x3FFE];
	[sflag:s23] =	ssyncadd.s32 $0xFFFFFFFF  }
0xa5: {  	s26 =	simm.s32 $execute0_lowered;
	[smem:$0x3FD2] =	sst s25  }
0xa6: {  	s5 =	sshll.u32 s26, $0x1;
	_ =	strace $0x80000049;
	[dreg:$0x1] =	wrdreg $0xFFFFFFFF  }
0xa7: {  	s28 =	simm.s32 $_size_execute0_lowered;
	s3 =	sadd.s32 s3, s5;
	[dreg:$0x0] =	wrdreg $0x0  }
0xa8: {  	s5 =	sshll.u32 s28, $0x1;
	[dreg:$0x2] =	wrdreg s3  }
0xa9: {  	[dreg:$0x3] =	wrdreg s5  }
0xaa: {  	[dreg:$0x4] =	wrdreg $0xC0  }
0xab: {  	_ =	task [dreg:s7], $0x5FFFF  }
0xac: {  	[dreg:$0x1] =	wrdreg $0xFFFFFFFF  }
0xad: {  	[dreg:$0x0] =	wrdreg $0x60  }
0xae: {  	[dreg:$0x2] =	wrdreg s24  }
0xaf: {  	[dreg:$0x3] =	wrdreg s2  }
0xb0: {  	[dreg:$0x4] =	wrdreg $0x84000  }
0xb1: {  	[dreg:$0x5] =	wrdreg $0x9  }
0xb2: {  	_ =	task.clear_ibuf [dreg:s7], $0x6FFFF;
	_ =	strace $0x90000049  }
0xb3: {  	s29 =	simm.s32 $0x9;
	_ =	strace $0x8000004B  }
0xb4: {  	_ =	swait.ge [sflag:s29], $0x1  }
0xb5: {  	[sflag:s29] =	ssyncadd.s32 $0xFFFFFFFF  }
0xb6: {  	_ =	strace $0x9000004B  }
0xb7: {  	_ =	sfence  }
0xb8: {  	s30 =	sld [smem:$0x0];
	_ =	sdelay $0x2  }
0xb9: {  	s31 =	sshll.u32 s1, $0xD;
	s1 =	sshrl.u32 s1, $0x2  }
0xba: {  	s3 =	sand.u32 $0x4000, s31;
	s1 =	sadd.s32 s1, s30  }
0xbb: {  	s0 =	sor.u32 s3, s0;
	s1 =	sshll.u32 s1, $0x11  }
0xbc: {  	s0 =	sor.u32 s1, s0  }
0xbd: {  	s0 =	sadd.s32 $0x8F2B, s0  }
0xbe: {  	[sflag:s0] =	ssyncadd.remote.s32 $0x1  }
0xbf: {  	_ =	sfence.sel $0xFFFF  }
0xc0: {  	[dreg:$0x0] =	wrdreg $0xFFFFFFFF;
	(pc) =	sbr.abs _section_cstart, $3  }
0xc1: {  	[dreg:$0x1] =	wrdreg $0xFFFFFFFF  }
0xc2: {  	_ =	task.clear_ibuf [dreg:s7], $0x2FFFF;
	_ =	strace $0x9FFFFFFF  }
0xc3: {  	(tm) =	ssettm $0x7FFFFFFF  }
tec
execute0_lowered:
.L_overlay_start_1:
0x0: {  	(tag) =	ssettag $0x1  }
0x1: {  	s0 =	rddreg [dreg:$0x0]  }
0x2: {  	s1 =	rddreg [dreg:$0x1]  }
0x3: {  	s3 =	rddreg [dreg:$0x2]  }
0x4: {  	s4 =	simm.s32 $0x0;
	s17 =	stileid.u32;
	s2 =	srdreg.scid  }
0x5: {  	[smem:$0x7FF] =	sst s4;
	s8 =	smul.u32 $0x4E000, s17;
	s5 =	sadd.s32 $0x11000, s0  }
0x6: {  	s6 =	sadd.s32 $0x9000, s0;
	s2 =	sand.u32 $0x1, s2;
	s7 =	sadd.s32 $0x1000, s0  }
0x7: {  	s0 =	sadd.s32 $0x21000, s0;
	s22 =	smul.u32 $0x2700, s17;
	s28 =	sshll.u32 s17, $0xB  }
0x8: {  	p0 =	sne.s32 s17, $0xF;
	s29 =	sadd.s32 $0x138000, s3;
	_ =	strace $0x8000004A  }
0x9: {  	s9 =	ssub.s32 $0x2, s2;
	s12 =	sshll.u32 s2, $0x12;
	s18 =	smul.u32 $0x27100, s2  }
0xa: {  	s15 =	sadd.s32 s6, s28;
	s19 =	sor.u32 $0x10, s28;
	s2 =	smul.u32 $0x138800, s2  }
0xb: {  	s8 =	sshrl.u32 s8, $0x2;
	[dreg:$0x9] =	wrdreg s15;
	s15 =	sadd.s32 s7, s28  }
0xc: {  	s10 =	sshrl.u32 s9, $0x1;
	s20 =	sadd.s32 s6, s19;
	[dreg:$0xa] =	wrdreg s15  }
0xd: {  	s21 =	sadd.s32 s7, s19;
	s8 =	sadd.s32 s8, s3;
	[dreg:$0xb] =	wrdreg s20  }
0xe: {  	s9 =	ssub.s32 s9, s10;
	s10 =	sadd.s32 s22, s18;
	[dreg:$0xc] =	wrdreg s21  }
0xf: {  	s22 =	sor.u32 $0x20, s28;
	s2 =	sshrl.u32 s2, $0x3;
	s11 =	sadd.s32 $0x2800, s8  }
0x10: {  	s15 =	simm.s32 $0xA;
	s23 =	sadd.s32 $0x5000, s8;
	[dreg:$0x4] =	wrdreg s11  }
0x11: {  	s18 =	simm.s32 $0x0;
	s13 =	sadd.s32 $0x7800, s8;
	[dreg:$0x5] =	wrdreg s23  }
0x12: {  	s24 =	sadd.s32 $0xA000, s8;
	s25 =	sadd.s32 $0xC800, s8;
	[dreg:$0x6] =	wrdreg s13  }
0x13: {  	s10 =	sadd.s32 s0, s10;
	s0 =	sadd.s32 s0, s2;
	[dreg:$0x7] =	wrdreg s24  }
0x14: {  	s28 =	sadd.s32 $0x11800, s8;
	s2 =	simm.s32 $0xD;
	[dreg:$0x8] =	wrdreg s25  }
0x15: {  	s11 =	sshll.u32 s17, $0xE;
	[dreg:$0xd] =	wrdreg s10;
	s23 =	sadd.s32 s6, s22  }
0x16: {  	s24 =	sadd.s32 s7, s22;
	s0 =	sadd.s32 $0x27000, s0;
	[dreg:$0x13] =	wrdreg s28  }
0x17: {  	s25 =	smax.u32 s9, $0x1;
	s9 =	simm.s32 $0x800;
	[dreg:$0xe] =	wrdreg s23  }
0x18: {  	s10 =	simm.s32 $0x1;
	s13 =	simm.s32 $0xC;
	[dreg:$0xf] =	wrdreg s24  }
0x19: {  	s17 =	simm.s32 $0xB;
	s14 =	sor.u32 s11, s12;
	[dreg:$0x10] =	wrdreg s0  }
0x1a: {  	[dreg:$0x11] =	wrdreg s25;
	s0 =	simm.s32 $0xC00;
	s26 =	sshrl.u32 s14, $0x3  }
0x1b: {  	s12 =	simm.s32 $0x50;
	s16 =	sadd.s32 s5, s26;
	s26 =	sadd.s32 $0xF000, s8  }
0x1c: {  	v0 =	vimm.f32 $0.0e+00;
	[dreg:$0x12] =	wrdreg s26;
	s30 =	sadd.s32 $0x10, s16;
	s31 =	sadd.s32 $0x20, s16  }
.LBB2_1:
0x1d: {  	s19 =	simm.s32 $0x0;
	s20 =	simm.s32 $0x200  }
.LBB2_2:
0x1e: {  	p1 =	sne.s32 s20, $0x9E00;
	[tilespmem:s19+$0xC70] =	vst v0  }
0x1f: {  	[tilespmem:s19+$0xC00] =	vst v0  }
0x20: {  	[tilespmem:s19+$0xC10] =	vst v0  }
.Ltmp0:
0x21: {  	[tilespmem:s19+$0xC20] =	vst v0;
	(pc) =	sbr.rel @p1 .LBB2_2-.Ltmp0, $4  }
0x22: {  	[tilespmem:s19+$0xC30] =	vst v0  }
0x23: {  	[tilespmem:s19+$0xC40] =	vst v0  }
0x24: {  	[tilespmem:s19+$0xC50] =	vst v0  }
0x25: {  	[tilespmem:s19+$0xC60] =	vst v0;
	s19 =	sshra.s32 s20, $0x2;
	s20 =	sadd.s32 $0x200, s20  }
0x26: {  	[tilespmem:s19+$0xC70] =	vst v0  }
0x27: {  	[tilespmem:s19+$0xC00] =	vst v0  }
0x28: {  	[tilespmem:s19+$0xC10] =	vst v0  }
0x29: {  	[tilespmem:s19+$0xC20] =	vst v0  }
0x2a: {  	[tilespmem:s19+$0xC30] =	vst v0  }
0x2b: {  	[tilespmem:s19+$0xC40] =	vst v0  }
0x2c: {  	[tilespmem:s19+$0xC50] =	vst v0  }
0x2d: {  	[tilespmem:s19+$0xC60] =	vst v0  }
0x2e: {  	[spmem:s8] =	stream.linear.scatter [tilespmem:s0], [sflag:$0xD], $0x2800, $0x38;
	[tilespmem:$0x1BC80] =	vst v63  }
0x2f: {  	_ =	swait.ge [sflag:s2], $0x2800  }
0x30: {  	[sflag:s2] =	ssyncset.done $0x0  }
0x31: {  	s25 =	rddreg [dreg:$0x4];
	[sflag:s2] =	ssyncadd.s32 $0xFFFFD800  }
0x32: {  	[spmem:s25] =	stream.linear.scatter [tilespmem:s0], [sflag:$0xD], $0x2800, $0x38;
	[tilespmem:$0x1BC80] =	vst v63  }
0x33: {  	_ =	swait.ge [sflag:s2], $0x2800  }
0x34: {  	[sflag:s2] =	ssyncset.done $0x0  }
0x35: {  	s26 =	rddreg [dreg:$0x5];
	[sflag:s2] =	ssyncadd.s32 $0xFFFFD800  }
0x36: {  	[spmem:s26] =	stream.linear.scatter [tilespmem:s0], [sflag:$0xD], $0x2800, $0x38;
	[tilespmem:$0x1BC80] =	vst v63  }
0x37: {  	_ =	swait.ge [sflag:s2], $0x2800  }
0x38: {  	[sflag:s2] =	ssyncset.done $0x0  }
0x39: {  	s28 =	rddreg [dreg:$0x6];
	[sflag:s2] =	ssyncadd.s32 $0xFFFFD800  }
0x3a: {  	[spmem:s28] =	stream.linear.scatter [tilespmem:s0], [sflag:$0xD], $0x2800, $0x38;
	[tilespmem:$0x1BC80] =	vst v63  }
0x3b: {  	_ =	swait.ge [sflag:s2], $0x2800  }
0x3c: {  	[sflag:s2] =	ssyncset.done $0x0  }
0x3d: {  	s20 =	rddreg [dreg:$0x7];
	[sflag:s2] =	ssyncadd.s32 $0xFFFFD800  }
0x3e: {  	[spmem:s20] =	stream.linear.scatter [tilespmem:s0], [sflag:$0xD], $0x2800, $0x38;
	[tilespmem:$0x1BC80] =	vst v63  }
0x3f: {  	_ =	swait.ge [sflag:s2], $0x2800  }
0x40: {  	[sflag:s2] =	ssyncset.done $0x0  }
0x41: {  	s21 =	rddreg [dreg:$0x8];
	[sflag:s2] =	ssyncadd.s32 $0xFFFFD800  }
0x42: {  	[spmem:s21] =	stream.linear.scatter [tilespmem:s0], [sflag:$0xD], $0x2800, $0x38;
	[tilespmem:$0x1BC80] =	vst v63  }
0x43: {  	_ =	swait.ge [sflag:s2], $0x2800  }
0x44: {  	[sflag:s2] =	ssyncset.done $0x0  }
0x45: {  	s22 =	rddreg [dreg:$0x12];
	[sflag:s2] =	ssyncadd.s32 $0xFFFFD800  }
0x46: {  	[spmem:s22] =	stream.linear.scatter [tilespmem:s0], [sflag:$0xD], $0x2800, $0x38;
	[tilespmem:$0x1BC80] =	vst v63  }
0x47: {  	_ =	swait.ge [sflag:s2], $0x2800  }
0x48: {  	[sflag:s2] =	ssyncset.done $0x0  }
0x49: {  	s23 =	rddreg [dreg:$0x13];
	[sflag:s2] =	ssyncadd.s32 $0xFFFFD800  }
0x4a: {  	[spmem:s23] =	stream.linear.scatter [tilespmem:s0], [sflag:$0xD], $0x2000, $0x38;
	[tilespmem:$0x1BC80] =	vst v63  }
0x4b: {  	_ =	swait.ge [sflag:s2], $0x2000  }
0x4c: {  	[sflag:s2] =	ssyncset.done $0x0  }
0x4d: {  	s19 =	simm.s32 @!p0 $0xC00;
	[sflag:s2] =	ssyncadd.s32 $0xFFFFE000  }
0x4e: {  	[spmem:s29] =	stream.linear.scatter @!p0 [tilespmem:s19], [sflag:$0xD], $0x800, $0x38;
	[tilespmem:$0x1BC80] =	vst v63  }
0x4f: {  	s19 =	simm.s32 @!p0 $0xD  }
0x50: {  	_ =	swait.ge @!p0 [sflag:s19], $0x800  }
0x51: {  	[sflag:s19] =	ssyncset.done @!p0 $0x0  }
0x52: {  	[sflag:s19] =	ssyncadd.s32 @!p0 $0xFFFFF800  }
0x53: {  	s19 =	simm.s32 $0x0;
	[bflag:$0x0] =	sbarrier.arrive $0xFFFF  }
0x54: {  	[tilespmem:s19], [sflag:$0x1] =	stream.linear.gather [hbm4b:s16+s19], $0x80, $0x38;
	[tilespmem:$0x1BC80] =	vst v63  }
0x55: {  	s21 =	simm.s32 $0x400;
	s20 =	rddreg [dreg:$0x9]  }
0x56: {  	[tilespmem:s21], [sflag:$0x1] =	stream.linear.gather [hbm4b:s20+s19], $0x80, $0x38;
	[tilespmem:$0x1BC80] =	vst v63  }
0x57: {  	s24 =	rddreg [dreg:$0xa]  }
0x58: {  	[tilespmem:s9], [sflag:$0x1] =	stream.linear.gather [hbm4b:s24+s19], $0x80, $0x38;
	[tilespmem:$0x1BC80] =	vst v63  }
0x59: {  	s25 =	simm.s32 $0x80  }
0x5a: {  	[tilespmem:s25], [sflag:$0x2] =	stream.linear.gather [hbm4b:s30+s19], $0x80, $0x38;
	[tilespmem:$0x1BC80] =	vst v63  }
0x5b: {  	s28 =	simm.s32 $0x480;
	s26 =	rddreg [dreg:$0xb]  }
0x5c: {  	[tilespmem:s28], [sflag:$0x2] =	stream.linear.gather [hbm4b:s26+s19], $0x80, $0x38;
	[tilespmem:$0x1BC80] =	vst v63  }
0x5d: {  	s22 =	simm.s32 $0x880;
	s21 =	rddreg [dreg:$0xc]  }
0x5e: {  	[tilespmem:s22], [sflag:$0x2] =	stream.linear.gather [hbm4b:s21+s19], $0x80, $0x38;
	[tilespmem:$0x1BC80] =	vst v63  }
0x5f: {  	s23 =	simm.s32 $0x100  }
0x60: {  	[tilespmem:s23], [sflag:$0x3] =	stream.linear.gather [hbm4b:s31+s19], $0x80, $0x38;
	[tilespmem:$0x1BC80] =	vst v63  }
0x61: {  	s24 =	rddreg [dreg:$0xe];
	s25 =	simm.s32 $0x500  }
0x62: {  	[tilespmem:s25], [sflag:$0x3] =	stream.linear.gather [hbm4b:s24+s19], $0x80, $0x38;
	[tilespmem:$0x1BC80] =	vst v63  }
0x63: {  	s26 =	rddreg [dreg:$0xf];
	s28 =	simm.s32 $0x900  }
0x64: {  	[tilespmem:s28], [sflag:$0x3] =	stream.linear.gather [hbm4b:s26+s19], $0x80, $0x38;
	[tilespmem:$0x1BC80] =	vst v63  }
0x65: {  	_ =	swait.ge [sflag:s10], $0x80  }
0x66: {  	[sflag:s10] =	ssyncset.done $0x0  }
0x67: {  	[sflag:s10] =	ssyncadd.s32 $0xFFFFFF80  }
0x68: {  	_ =	swait.ge [sflag:s10], $0x80  }
0x69: {  	[sflag:s10] =	ssyncset.done $0x0  }
0x6a: {  	[sflag:s10] =	ssyncadd.s32 $0xFFFFFF80  }
0x6b: {  	_ =	swait.ge [sflag:s10], $0x80  }
0x6c: {  	[sflag:s10] =	ssyncset.done $0x0  }
0x6d: {  	s25 =	simm.s32 $0xFF0;
	[sflag:s10] =	ssyncadd.s32 $0xFFFFFF80  }
0x6e: {  	[tilespmem:s0], [sflag:$0x7] =	stream.indirect.gather [hbm4b:s1+s12], $0x80, s19, s12, $0xb8;
	[tilespmem:$0x1BC80] =	vst v63  }
.LBB2_4:
0x6f: {  	p1 =	seq.s32 s19, $0x7C  }
.Ltmp1:
0x70: {  	_ = 	snop;
	(pc) =	sbr.rel @p1 .LBB2_9-.Ltmp1, $2  }
0x71: {  	_ =	sdelay $0x2  }
0x72: {  	s20 =	sadd.s32 $0x1, s19  }
0x73: {  	s22 =	smul.u32 $0xAB, s20;
	_ =	sdelay $0x1  }
0x74: {  	s21 =	sshrl.u32 s22, $0xA  }
0x75: {  	s21 =	sand.u32 $0x3F, s21  }
0x76: {  	s21 =	smul.u32 $0x6, s21;
	_ =	sdelay $0x1  }
0x77: {  	s21 =	ssub.s32 s20, s21  }
0x78: {  	s21 =	sand.u32 $0xFF, s21  }
0x79: {  	s23 =	sadd.s32 $0x1, s21  }
0x7a: {  	_ =	swait.ge [sflag:s23], $0x80  }
0x7b: {  	[sflag:s23] =	ssyncset.done $0x0  }
0x7c: {  	[sflag:s23] =	ssyncadd.s32 $0xFFFFFF80  }
0x7d: {  	p1 =	sgt.u32 s19, $0x1;
	_ =	swait.ge [sflag:s23], $0x80  }
.Ltmp2:
0x7e: {  	[sflag:s23] =	ssyncset.done $0x0;
	(pc) =	sbr.rel @!p1 .LBB2_6-.Ltmp2, $4  }
0x7f: {  	[sflag:s23] =	ssyncadd.s32 $0xFFFFFF80  }
0x80: {  	_ =	swait.ge [sflag:s23], $0x80  }
0x81: {  	[sflag:s23] =	ssyncset.done $0x0  }
0x82: {  	s21 =	sshll.u32 s21, $0x7;
	[sflag:s23] =	ssyncadd.s32 $0xFFFFFF80  }
0x83: {  	s23 =	sadd.s32 $0xFFFFFFFE, s19  }
0x84: {  	s24 =	sand.u32 $0xFF, s23  }
0x85: {  	s22 =	sshrl.u32 s22, $0x9;
	s24 =	smul.u32 $0xAB, s24  }
0x86: {  	s22 =	sand.u32 $0x7F, s22  }
0x87: {  	s22 =	smul.u32 $0x3, s22;
	s24 =	sshrl.u32 s24, $0x9  }
0x88: {  	s24 =	smul.u32 $0x3, s24  }
0x89: {  	s22 =	ssub.s32 s20, s22  }
0x8a: {  	s22 =	sand.u32 $0xFF, s22;
	s23 =	ssub.s32 s23, s24  }
0x8b: {  	p1 =	sgt.u32 s19, $0x79;
	s26 =	smul.u32 $0xA000, s22;
	s23 =	sand.u32 $0xFF, s23  }
.Ltmp3:
0x8c: {  	s23 =	sadd.s32 $0xA, s23;
	(pc) =	sbr.rel @p1 .LBB2_9-.Ltmp3, $4  }
.Ltmp4:
0x8d: {  	_ =	swait.ge [sflag:s23], $0x2800;
	(pc) =	sbr.rel @!p1 .LBB2_8-.Ltmp4, $4  }
0x8e: {  	s24 =	sshrl.u32 s26, $0x2;
	[sflag:s23] =	ssyncset.done $0x0  }
0x8f: {  	s22 =	sadd.s32 $0x7, s22;
	s28 =	sadd.s32 $0xC00, s24;
	[sflag:s23] =	ssyncadd.s32 $0xFFFFD800  }
0x90: {  	[tilespmem:s28], [sflag:s22] =	stream.indirect.gather [hbm4b:s1+s12], $0x80, s21, s12, $0xb8;
	[tilespmem:$0x1BC80] =	vst v63  }
0x91: {  	_ = 	snop  }
.LBB2_6:
0x92: {  	s22 =	smul.u32 $0xA000, s20;
	_ =	sdelay $0x1  }
0x93: {  	s22 =	sshra.s32 s22, $0x2  }
0x94: {  	s23 =	sadd.s32 $0x7, s20;
	s22 =	sadd.s32 $0xC00, s22  }
0x95: {  	[tilespmem:s22], [sflag:s23] =	stream.indirect.gather [hbm4b:s1+s12], $0x80, s21, s12, $0xb8;
	[tilespmem:$0x1BC80] =	vst v63  }
.LBB2_8:
0x96: {  	s21 =	sadd.s32 $0x3, s19  }
0x97: {  	s22 =	smul.u32 $0xAB, s21;
	_ =	sdelay $0x1  }
0x98: {  	s22 =	sshrl.u32 s22, $0xA  }
0x99: {  	s23 =	sshll.u32 s21, $0x7;
	s22 =	sand.u32 $0x3F, s22  }
0x9a: {  	s24 =	sand.u32 $0x7C00, s23;
	s22 =	smul.u32 $0x6, s22  }
0x9b: {  	s23 =	sand.u32 $0x380, s23;
	s26 =	sadd.s32 s14, s24  }
0x9c: {  	s26 =	sor.u32 s23, s26;
	s21 =	ssub.s32 s21, s22  }
0x9d: {  	s28 =	sadd.s32 s11, s24;
	s22 =	sshrl.u32 s26, $0x3;
	s21 =	sand.u32 $0xFF, s21  }
0x9e: {  	s22 =	sadd.s32 s5, s22;
	s26 =	sadd.s32 $0x1, s21;
	s21 =	sshll.u32 s21, $0x7  }
0x9f: {  	[tilespmem:s21], [sflag:s26] =	stream.linear.gather [hbm4b:s22+s4], $0x80, $0x38;
	[tilespmem:$0x1BC80] =	vst v63  }
0xa0: {  	s22 =	sor.u32 s23, s28  }
0xa1: {  	s22 =	sshrl.u32 s22, $0x3  }
0xa2: {  	s24 =	sor.u32 $0x400, s21;
	s28 =	sadd.s32 s6, s22  }
0xa3: {  	[tilespmem:s24], [sflag:s26] =	stream.linear.gather [hbm4b:s28+s4], $0x80, $0x38;
	[tilespmem:$0x1BC80] =	vst v63  }
0xa4: {  	s21 =	sor.u32 $0x800, s21;
	s22 =	sadd.s32 s7, s22  }
0xa5: {  	[tilespmem:s21], [sflag:s26] =	stream.linear.gather [hbm4b:s22+s4], $0x80, $0x38;
	[tilespmem:$0x1BC80] =	vst v63  }
.LBB2_9:
0xa6: {  	s22 =	smul.u32 $0xAB, s19;
	_ =	sdelay $0x1  }
0xa7: {  	s21 =	sshrl.u32 s22, $0xA  }
0xa8: {  	s21 =	sand.u32 $0x3F, s21  }
0xa9: {  	s21 =	smul.u32 $0x6, s21;
	_ =	sdelay $0x1  }
0xaa: {  	s23 =	simm.s32 $0x0;
	s26 =	simm.s32 $0x1;
	s21 =	ssub.s32 s19, s21  }
0xab: {  	s24 =	simm.s32 $0x2;
	v1 =	vmov s23;
	v2 =	vmov s26;
	s22 =	sshrl.u32 s22, $0x9;
	s21 =	sand.u32 $0xFF, s21  }
0xac: {  	v3 =	vmov s24;
	s26 =	simm.s32 $0x3;
	v1 =	vand.u32 $0x78, v1;
	v2 =	vand.u32 $0x79, v2;
	s22 =	sand.u32 $0x7F, s22;
	s21 =	sshll.u32 s21, $0x7  }
0xad: {  	s24 =	simm.s32 $0x4;
	v3 =	vand.u32 $0x7A, v3;
	v5 =	vmov s26;
	s22 =	smul.u32 $0x3, s22;
	v4 =	vmov s21  }
0xae: {  	v6 =	vmov s24;
	v5 =	vand.u32 $0x7B, v5;
	v1 =	vor.u32 v4, v1  }
0xaf: {  	s26 =	simm.s32 $0x5;
	v6 =	vand.u32 $0x7C, v6;
	s22 =	ssub.s32 s19, s22;
	v2 =	vor.u32 v4, v2;
	v1 =	vbroadcast v1, $0x0  }
0xb0: {  	v7 =	vmov s26;
	s22 =	sand.u32 $0xFF, s22;
	v3 =	vor.u32 v4, v3;
	v2 =	vbroadcast v2, $0x0  }
0xb1: {  	s26 =	simm.s32 $0x6;
	v7 =	vand.u32 $0x7D, v7;
	s19 =	smulhi.u32 $0xAAAAAAAB, s19;
	s24 =	sadd.s32 $0x7, s22;
	v5 =	vor.u32 v4, v5;
	v3 =	vbroadcast v3, $0x0  }
0xb2: {  	v8 =	vmov s26;
	_ =	swait.ge [sflag:s24], $0x2800;
	v6 =	vor.u32 v4, v6;
	v5 =	vbroadcast v5, $0x0  }
0xb3: {  	v8 =	vand.u32 $0x7E, v8;
	s19 =	sshrl.u32 s19, $0x1;
	[sflag:s24] =	ssyncset.done $0x0;
	v7 =	vor.u32 v4, v7;
	v6 =	vbroadcast v6, $0x0  }
0xb4: {  	s26 =	simm.s32 $0x7;
	s19 =	smul.u32 $0xFFFE2000, s19;
	[sflag:s24] =	ssyncadd.s32 $0xFFFFD800;
	v12 =	vbroadcast v7, $0x0;
	v7 =	vor.u32 v4, v8  }
0xb5: {  	v8 =	vmov s26;
	v13 =	vbroadcast v7, $0x0;
	v10 =	vld.idx.msk [tilespmem:v1+s9+$0x0], $0xffff  }
0xb6: {  	s19 =	sshra.s32 s19, $0x2;
	v1 =	vand.u32 $0x7F, v8;
	v9 =	vld.idx.msk [tilespmem:v2+s9+$0x0], $0xffff  }
0xb7: {  	v7 =	vld.idx.msk [tilespmem:v3+s9+$0x0], $0xffff;
	v2 =	vor.u32 v4, v1;
	v1 =	vmov s19  }
0xb8: {  	v11 =	vld.idx.msk [tilespmem:v5+s9+$0x0], $0xffff;
	v2 =	vbroadcast v2, $0x0  }
0xb9: {  	v8 =	vld.idx.msk [tilespmem:v6+s9+$0x0], $0xffff  }
0xba: {  	v6 =	vld.idx.msk [tilespmem:v12+s9+$0x0], $0xffff  }
0xbb: {  	v5 =	vld.idx.msk [tilespmem:v13+s9+$0x0], $0xffff  }
0xbc: {  	s24 =	simm.s32 $0x8;
	v12 =	vld.idx.msk [tilespmem:v1+s25+$0xFFFFFF90 ss:$0x1], $0xffff  }
0xbd: {  	v3 =	vmov s24;
	v14 =	vld.idx.msk [tilespmem:v1+s25+$0xFFFFFC90 ss:$0x1], $0xffff  }
0xbe: {  	v3 =	vand.u32 $0x78, v3;
	v13 =	vld.idx.msk [tilespmem:v2+s9+$0x0], $0xffff  }
0xbf: {  	v2 =	vor.u32 v4, v3;
	v3 =	vld.idx.msk [tilespmem:v1+s25+$0xFFFFFC10 ss:$0x1], $0xffff  }
0xc0: {  	v16 =	vld.idx.msk [tilespmem:v1+s25+$0xFFFFFD90 ss:$0x1], $0xffff;
	v2 =	vbroadcast v2, $0x0  }
0xc1: {  	v15 =	vld.idx.msk [tilespmem:v1+s25+$0xFFFFFD10 ss:$0x1], $0xffff  }
0xc2: {  	v18 =	vld.idx.msk [tilespmem:v1+s25+$0xFFFFFE90 ss:$0x1], $0xffff;
	v14 =	vmul.f32 v14, v9  }
0xc3: {  	v17 =	vld.idx.msk [tilespmem:v1+s25+$0xFFFFFE10 ss:$0x1], $0xffff;
	v12 =	vmul.f32 v12, v13  }
0xc4: {  	v19 =	vld.idx.msk [tilespmem:v1+s25+$0xFFFFFF10 ss:$0x1], $0xffff;
	v3 =	vmul.f32 v3, v10;
	[tilespmem:v1+s25+$0xFFFFFC90 ss:$0x1] =	vst.idx.msk $0xffff, v14  }
0xc5: {  	s26 =	simm.s32 $0x9;
	v14 =	vmul.f32 v16, v11;
	v16 =	vld.idx.msk [tilespmem:v1+s25+$0xFFFFFCA0 ss:$0x1], $0xffff;
	[tilespmem:v1+s25+$0xFFFFFF90 ss:$0x1] =	vst.idx.msk $0xffff, v12  }
0xc6: {  	v20 =	vmov s26;
	v2 =	vld.idx.msk [tilespmem:v2+s9+$0x0], $0xffff;
	[tilespmem:v1+s25+$0xFFFFFC10 ss:$0x1] =	vst.idx.msk $0xffff, v3;
	v3 =	vmul.f32 v15, v7  }
0xc7: {  	v12 =	vand.u32 $0x79, v20;
	[tilespmem:v1+s25+$0xFFFFFD90 ss:$0x1] =	vst.idx.msk $0xffff, v14;
	v14 =	vmul.f32 v18, v6;
	v15 =	vld.idx.msk [tilespmem:v1+s25+$0xFFFFFFA0 ss:$0x1], $0xffff  }
0xc8: {  	v12 =	vor.u32 v4, v12;
	v20 =	vld.idx.msk [tilespmem:v1+s25+$0xFFFFFC20 ss:$0x1], $0xffff;
	[tilespmem:v1+s25+$0xFFFFFD10 ss:$0x1] =	vst.idx.msk $0xffff, v3;
	v3 =	vmul.f32 v17, v8  }
0xc9: {  	v18 =	vld.idx.msk [tilespmem:v1+s25+$0xFFFFFDA0 ss:$0x1], $0xffff;
	v12 =	vbroadcast v12, $0x0;
	[tilespmem:v1+s25+$0xFFFFFE90 ss:$0x1] =	vst.idx.msk $0xffff, v14  }
0xca: {  	v17 =	vld.idx.msk [tilespmem:v1+s25+$0xFFFFFD20 ss:$0x1], $0xffff;
	[tilespmem:v1+s25+$0xFFFFFE10 ss:$0x1] =	vst.idx.msk $0xffff, v3;
	v3 =	vmul.f32 v19, v5  }
0xcb: {  	v14 =	vld.idx.msk [tilespmem:v1+s25+$0xFFFFFEA0 ss:$0x1], $0xffff;
	v16 =	vmul.f32 v16, v9  }
0xcc: {  	v19 =	vld.idx.msk [tilespmem:v1+s25+$0xFFFFFE20 ss:$0x1], $0xffff;
	[tilespmem:v1+s25+$0xFFFFFF10 ss:$0x1] =	vst.idx.msk $0xffff, v3;
	v15 =	vmul.f32 v15, v13  }
0xcd: {  	v20 =	vmul.f32 v20, v10;
	[tilespmem:v1+s25+$0xFFFFFCA0 ss:$0x1] =	vst.idx.msk $0xffff, v16;
	v21 =	vld.idx.msk [tilespmem:v1+s25+$0xFFFFFF20 ss:$0x1], $0xffff  }
0xce: {  	s23 =	simm.s32 $0xA;
	v16 =	vmul.f32 v18, v11;
	v18 =	vld.idx.msk [tilespmem:v1+s25+$0xFFFFFCB0 ss:$0x1], $0xffff;
	[tilespmem:v1+s25+$0xFFFFFFA0 ss:$0x1] =	vst.idx.msk $0xffff, v15  }
0xcf: {  	v3 =	vld.idx.msk [tilespmem:v12+s9+$0x0], $0xffff;
	v12 =	vmov s23;
	[tilespmem:v1+s25+$0xFFFFFC20 ss:$0x1] =	vst.idx.msk $0xffff, v20;
	v15 =	vmul.f32 v17, v7  }
0xd0: {  	[tilespmem:v1+s25+$0xFFFFFDA0 ss:$0x1] =	vst.idx.msk $0xffff, v16;
	v14 =	vmul.f32 v14, v6;
	v12 =	vand.u32 $0x7A, v12;
	v17 =	vld.idx.msk [tilespmem:v1+s25+$0xFFFFFFB0 ss:$0x1], $0xffff  }
0xd1: {  	v20 =	vld.idx.msk [tilespmem:v1+s25+$0xFFFFFC30 ss:$0x1], $0xffff;
	v12 =	vor.u32 v4, v12;
	[tilespmem:v1+s25+$0xFFFFFD20 ss:$0x1] =	vst.idx.msk $0xffff, v15;
	v15 =	vmul.f32 v19, v8  }
0xd2: {  	v16 =	vld.idx.msk [tilespmem:v1+s25+$0xFFFFFDB0 ss:$0x1], $0xffff;
	[tilespmem:v1+s25+$0xFFFFFEA0 ss:$0x1] =	vst.idx.msk $0xffff, v14;
	v12 =	vbroadcast v12, $0x0  }
0xd3: {  	v19 =	vld.idx.msk [tilespmem:v1+s25+$0xFFFFFD30 ss:$0x1], $0xffff;
	[tilespmem:v1+s25+$0xFFFFFE20 ss:$0x1] =	vst.idx.msk $0xffff, v15;
	v15 =	vmul.f32 v21, v5  }
0xd4: {  	v14 =	vld.idx.msk [tilespmem:v1+s25+$0xFFFFFEB0 ss:$0x1], $0xffff;
	v18 =	vmul.f32 v18, v9  }
0xd5: {  	v21 =	vld.idx.msk [tilespmem:v1+s25+$0xFFFFFE30 ss:$0x1], $0xffff;
	[tilespmem:v1+s25+$0xFFFFFF20 ss:$0x1] =	vst.idx.msk $0xffff, v15;
	v15 =	vmul.f32 v17, v13  }
0xd6: {  	v17 =	vmul.f32 v20, v10;
	[tilespmem:v1+s25+$0xFFFFFCB0 ss:$0x1] =	vst.idx.msk $0xffff, v18;
	v20 =	vld.idx.msk [tilespmem:v1+s25+$0xFFFFFF30 ss:$0x1], $0xffff  }
0xd7: {  	s24 =	simm.s32 $0xB;
	v16 =	vmul.f32 v16, v11;
	v18 =	vld.idx.msk [tilespmem:v1+s25+$0xFFFFFCC0 ss:$0x1], $0xffff;
	[tilespmem:v1+s25+$0xFFFFFFB0 ss:$0x1] =	vst.idx.msk $0xffff, v15  }
0xd8: {  	v22 =	vmov s24;
	[tilespmem:v1+s25+$0xFFFFFC30 ss:$0x1] =	vst.idx.msk $0xffff, v17;
	v17 =	vmul.f32 v19, v7;
	v12 =	vld.idx.msk [tilespmem:v12+s9+$0x0], $0xffff  }
0xd9: {  	v15 =	vand.u32 $0x7B, v22;
	[tilespmem:v1+s25+$0xFFFFFDB0 ss:$0x1] =	vst.idx.msk $0xffff, v16;
	v14 =	vmul.f32 v14, v6;
	v19 =	vld.idx.msk [tilespmem:v1+s25+$0xFFFFFFC0 ss:$0x1], $0xffff  }
0xda: {  	v15 =	vor.u32 v4, v15;
	v22 =	vld.idx.msk [tilespmem:v1+s25+$0xFFFFFC40 ss:$0x1], $0xffff;
	[tilespmem:v1+s25+$0xFFFFFD30 ss:$0x1] =	vst.idx.msk $0xffff, v17;
	v17 =	vmul.f32 v21, v8  }
0xdb: {  	v16 =	vld.idx.msk [tilespmem:v1+s25+$0xFFFFFDC0 ss:$0x1], $0xffff;
	v15 =	vbroadcast v15, $0x0;
	[tilespmem:v1+s25+$0xFFFFFEB0 ss:$0x1] =	vst.idx.msk $0xffff, v14  }
0xdc: {  	v21 =	vld.idx.msk [tilespmem:v1+s25+$0xFFFFFD40 ss:$0x1], $0xffff;
	[tilespmem:v1+s25+$0xFFFFFE30 ss:$0x1] =	vst.idx.msk $0xffff, v17;
	v17 =	vmul.f32 v20, v5  }
0xdd: {  	v23 =	vld.idx.msk [tilespmem:v1+s25+$0xFFFFFEC0 ss:$0x1], $0xffff;
	v18 =	vmul.f32 v18, v9  }
0xde: {  	v20 =	vld.idx.msk [tilespmem:v1+s25+$0xFFFFFE40 ss:$0x1], $0xffff;
	[tilespmem:v1+s25+$0xFFFFFF30 ss:$0x1] =	vst.idx.msk $0xffff, v17;
	v17 =	vmul.f32 v19, v13  }
0xdf: {  	v19 =	vmul.f32 v22, v10;
	[tilespmem:v1+s25+$0xFFFFFCC0 ss:$0x1] =	vst.idx.msk $0xffff, v18;
	v22 =	vld.idx.msk [tilespmem:v1+s25+$0xFFFFFF40 ss:$0x1], $0xffff  }
0xe0: {  	s26 =	simm.s32 $0xC;
	v16 =	vmul.f32 v16, v11;
	v18 =	vld.idx.msk [tilespmem:v1+s25+$0xFFFFFCD0 ss:$0x1], $0xffff;
	[tilespmem:v1+s25+$0xFFFFFFC0 ss:$0x1] =	vst.idx.msk $0xffff, v17  }
0xe1: {  	v14 =	vld.idx.msk [tilespmem:v15+s9+$0x0], $0xffff;
	v15 =	vmov s26;
	[tilespmem:v1+s25+$0xFFFFFC40 ss:$0x1] =	vst.idx.msk $0xffff, v19;
	v17 =	vmul.f32 v21, v7  }
0xe2: {  	[tilespmem:v1+s25+$0xFFFFFDC0 ss:$0x1] =	vst.idx.msk $0xffff, v16;
	v16 =	vmul.f32 v23, v6;
	v15 =	vand.u32 $0x7C, v15;
	v19 =	vld.idx.msk [tilespmem:v1+s25+$0xFFFFFFD0 ss:$0x1], $0xffff  }
0xe3: {  	v21 =	vld.idx.msk [tilespmem:v1+s25+$0xFFFFFC50 ss:$0x1], $0xffff;
	v15 =	vor.u32 v4, v15;
	[tilespmem:v1+s25+$0xFFFFFD40 ss:$0x1] =	vst.idx.msk $0xffff, v17;
	v17 =	vmul.f32 v20, v8  }
0xe4: {  	v23 =	vld.idx.msk [tilespmem:v1+s25+$0xFFFFFDD0 ss:$0x1], $0xffff;
	[tilespmem:v1+s25+$0xFFFFFEC0 ss:$0x1] =	vst.idx.msk $0xffff, v16;
	v15 =	vbroadcast v15, $0x0  }
0xe5: {  	v20 =	vld.idx.msk [tilespmem:v1+s25+$0xFFFFFD50 ss:$0x1], $0xffff;
	[tilespmem:v1+s25+$0xFFFFFE40 ss:$0x1] =	vst.idx.msk $0xffff, v17;
	v17 =	vmul.f32 v22, v5  }
0xe6: {  	v16 =	vld.idx.msk [tilespmem:v1+s25+$0xFFFFFED0 ss:$0x1], $0xffff;
	v18 =	vmul.f32 v18, v9  }
0xe7: {  	v22 =	vld.idx.msk [tilespmem:v1+s25+$0xFFFFFE50 ss:$0x1], $0xffff;
	[tilespmem:v1+s25+$0xFFFFFF40 ss:$0x1] =	vst.idx.msk $0xffff, v17;
	v17 =	vmul.f32 v19, v13  }
0xe8: {  	s23 =	simm.s32 $0xD;
	v19 =	vmul.f32 v21, v10;
	[tilespmem:v1+s25+$0xFFFFFCD0 ss:$0x1] =	vst.idx.msk $0xffff, v18;
	v21 =	vld.idx.msk [tilespmem:v1+s25+$0xFFFFFF50 ss:$0x1], $0xffff  }
0xe9: {  	v24 =	vmov s23;
	v18 =	vmul.f32 v23, v11;
	v23 =	vld.idx.msk [tilespmem:v1+s25+$0xFFFFFCE0 ss:$0x1], $0xffff;
	[tilespmem:v1+s25+$0xFFFFFFD0 ss:$0x1] =	vst.idx.msk $0xffff, v17  }
0xea: {  	v17 =	vand.u32 $0x7D, v24;
	[tilespmem:v1+s25+$0xFFFFFC50 ss:$0x1] =	vst.idx.msk $0xffff, v19;
	v19 =	vmul.f32 v20, v7;
	v15 =	vld.idx.msk [tilespmem:v15+s9+$0x0], $0xffff  }
0xeb: {  	[tilespmem:v1+s25+$0xFFFFFDD0 ss:$0x1] =	vst.idx.msk $0xffff, v18;
	v16 =	vmul.f32 v16, v6;
	v20 =	vld.idx.msk [tilespmem:v1+s25+$0xFFFFFFE0 ss:$0x1], $0xffff;
	v17 =	vor.u32 v4, v17  }
0xec: {  	v24 =	vld.idx.msk [tilespmem:v1+s25+$0xFFFFFC60 ss:$0x1], $0xffff;
	v17 =	vbroadcast v17, $0x0;
	[tilespmem:v1+s25+$0xFFFFFD50 ss:$0x1] =	vst.idx.msk $0xffff, v19;
	v19 =	vmul.f32 v22, v8  }
0xed: {  	v18 =	vld.idx.msk [tilespmem:v1+s25+$0xFFFFFDE0 ss:$0x1], $0xffff;
	[tilespmem:v1+s25+$0xFFFFFED0 ss:$0x1] =	vst.idx.msk $0xffff, v16  }
0xee: {  	v22 =	vld.idx.msk [tilespmem:v1+s25+$0xFFFFFD60 ss:$0x1], $0xffff;
	[tilespmem:v1+s25+$0xFFFFFE50 ss:$0x1] =	vst.idx.msk $0xffff, v19;
	v19 =	vmul.f32 v21, v5  }
0xef: {  	v25 =	vld.idx.msk [tilespmem:v1+s25+$0xFFFFFEE0 ss:$0x1], $0xffff;
	v23 =	vmul.f32 v23, v9  }
0xf0: {  	v21 =	vld.idx.msk [tilespmem:v1+s25+$0xFFFFFE60 ss:$0x1], $0xffff;
	[tilespmem:v1+s25+$0xFFFFFF50 ss:$0x1] =	vst.idx.msk $0xffff, v19;
	v19 =	vmul.f32 v20, v13  }
0xf1: {  	s24 =	simm.s32 $0xE;
	v20 =	vmul.f32 v24, v10;
	[tilespmem:v1+s25+$0xFFFFFCE0 ss:$0x1] =	vst.idx.msk $0xffff, v23;
	v24 =	vld.idx.msk [tilespmem:v1+s25+$0xFFFFFF60 ss:$0x1], $0xffff  }
0xf2: {  	v18 =	vmul.f32 v18, v11;
	v16 =	vld.idx.msk [tilespmem:v17+s9+$0x0], $0xffff;
	v17 =	vmov s24;
	[tilespmem:v1+s25+$0xFFFFFFE0 ss:$0x1] =	vst.idx.msk $0xffff, v19  }
0xf3: {  	v23 =	vld.idx.msk [tilespmem:v1+s25+$0xFFFFFCF0 ss:$0x1], $0xffff;
	[tilespmem:v1+s25+$0xFFFFFC60 ss:$0x1] =	vst.idx.msk $0xffff, v20;
	v19 =	vmul.f32 v22, v7;
	v17 =	vand.u32 $0x7E, v17  }
0xf4: {  	[tilespmem:v1+s25+$0xFFFFFDE0 ss:$0x1] =	vst.idx.msk $0xffff, v18;
	v18 =	vmul.f32 v25, v6;
	v26 =	vld.idx.msk [tilespmem:v1+s25+$0xFFFFFFF0 ss:$0x1], $0xffff;
	v17 =	vor.u32 v4, v17  }
0xf5: {  	v27 =	vld.idx.msk [tilespmem:v1+s25+$0xFFFFFC70 ss:$0x1], $0xffff;
	[tilespmem:v1+s25+$0xFFFFFD60 ss:$0x1] =	vst.idx.msk $0xffff, v19;
	v19 =	vmul.f32 v21, v8;
	v17 =	vbroadcast v17, $0x0  }
0xf6: {  	v21 =	vld.idx.msk [tilespmem:v1+s25+$0xFFFFFDF0 ss:$0x1], $0xffff;
	[tilespmem:v1+s25+$0xFFFFFEE0 ss:$0x1] =	vst.idx.msk $0xffff, v18  }
0xf7: {  	v22 =	vld.idx.msk [tilespmem:v1+s25+$0xFFFFFD70 ss:$0x1], $0xffff;
	[tilespmem:v1+s25+$0xFFFFFE60 ss:$0x1] =	vst.idx.msk $0xffff, v19;
	v19 =	vmul.f32 v24, v5  }
0xf8: {  	s26 =	smul.u32 $0xA000, s22;
	v18 =	vld.idx.msk [tilespmem:v1+s25+$0xFFFFFEF0 ss:$0x1], $0xffff  }
0xf9: {  	v20 =	vld.idx.msk [tilespmem:v1+s25+$0xFFFFFE70 ss:$0x1], $0xffff;
	[tilespmem:v1+s25+$0xFFFFFF60 ss:$0x1] =	vst.idx.msk $0xffff, v19;
	v25 =	vmul.f32 v26, v13  }
0xfa: {  	s28 =	simm.s32 $0xF;
	s19 =	sshrl.u32 s26, $0x2;
	s26 =	simm.s32 $0x10;
	v24 =	vmul.f32 v27, v10;
	v19 =	vld.idx.msk [tilespmem:v1+s25+$0xFFFFFF70 ss:$0x1], $0xffff  }
0xfb: {  	s23 =	sadd.s32 $0xC00, s19;
	s19 =	smov.u32 s25;
	s24 =	smov.u32 s25;
	v23 =	vmul.f32 v23, v9;
	[tilespmem:v1+s25+$0xFFFFFFF0 ss:$0x1] =	vst.idx.msk $0xffff, v25;
	v17 =	vld.idx.msk [tilespmem:v17+s9+$0x0], $0xffff  }
.LBB2_10:
0xfc: {  	p1 =	slt.u32 s26, $0x48;
	v25 =	vmov s28;
	[tilespmem:v1+s24+$0xFFFFFC70 ss:$0x1] =	vst.idx.msk $0xffff, v24;
	v22 =	vmul.f32 v22, v7;
	v24 =	vld.idx.msk [tilespmem:v1+s24+$0x0 ss:$0x1], $0xffff  }
0xfd: {  	v21 =	vmul.f32 v21, v11;
	v25 =	vand.u32 $0x7F, v25;
	v26 =	vld.idx.msk [tilespmem:v1+s24+$0xFFFFFC80 ss:$0x1], $0xffff;
	[tilespmem:v1+s24+$0xFFFFFCF0 ss:$0x1] =	vst.idx.msk $0xffff, v23  }
0xfe: {  	v20 =	vmul.f32 v20, v8;
	v23 =	vor.u32 v4, v25;
	v25 =	vld.idx.msk [tilespmem:v1+s24+$0xFFFFFD00 ss:$0x1], $0xffff;
	[tilespmem:v1+s24+$0xFFFFFD70 ss:$0x1] =	vst.idx.msk $0xffff, v22  }
0xff: {  	v18 =	vmul.f32 v18, v6;
	v22 =	vbroadcast v23, $0x0;
	v23 =	vld.idx.msk [tilespmem:v1+s24+$0xFFFFFD80 ss:$0x1], $0xffff;
	[tilespmem:v1+s24+$0xFFFFFDF0 ss:$0x1] =	vst.idx.msk $0xffff, v21  }
0x100: {  	v19 =	vmul.f32 v19, v5;
	v21 =	vld.idx.msk [tilespmem:v1+s24+$0xFFFFFE00 ss:$0x1], $0xffff;
	[tilespmem:v1+s24+$0xFFFFFE70 ss:$0x1] =	vst.idx.msk $0xffff, v20  }
0x101: {  	v20 =	vld.idx.msk [tilespmem:v1+s24+$0xFFFFFE80 ss:$0x1], $0xffff;
	[tilespmem:v1+s24+$0xFFFFFEF0 ss:$0x1] =	vst.idx.msk $0xffff, v18  }
0x102: {  	v13 =	vmul.f32 v24, v13;
	v18 =	vld.idx.msk [tilespmem:v1+s24+$0xFFFFFF00 ss:$0x1], $0xffff;
	[tilespmem:v1+s24+$0xFFFFFF70 ss:$0x1] =	vst.idx.msk $0xffff, v19  }
0x103: {  	v19 =	vmul.f32 v26, v10;
	s24 =	sadd.s32 $0x400, s24;
	v10 =	vmov v2;
	v24 =	vld.idx.msk [tilespmem:v1+s19+$0xFFFFFF80 ss:$0x1], $0xffff  }
0x104: {  	v2 =	vmov s26;
	v25 =	vmul.f32 v25, v9;
	v9 =	vmov v3;
	v26 =	vld.idx.msk [tilespmem:v1+s24+$0xFFFFFF90 ss:$0x1], $0xffff;
	[tilespmem:v1+s19+$0x0 ss:$0x1] =	vst.idx.msk $0xffff, v13  }
0x105: {  	v2 =	vand.u32 $0x78, v2;
	v3 =	vmul.f32 v23, v7;
	v7 =	vmov v12;
	v13 =	vld.idx.msk [tilespmem:v22+s9+$0x0], $0xffff;
	[tilespmem:v1+s19+$0xFFFFFC80 ss:$0x1] =	vst.idx.msk $0xffff, v19  }
0x106: {  	v2 =	vor.u32 v4, v2;
	v19 =	vmul.f32 v21, v11;
	v12 =	vld.idx.msk [tilespmem:v1+s24+$0xFFFFFC10 ss:$0x1], $0xffff;
	[tilespmem:v1+s19+$0xFFFFFD00 ss:$0x1] =	vst.idx.msk $0xffff, v25  }
0x107: {  	v2 =	vbroadcast v2, $0x0;
	v11 =	vmov v14;
	v21 =	vld.idx.msk [tilespmem:v1+s24+$0xFFFFFC90 ss:$0x1], $0xffff;
	[tilespmem:v1+s19+$0xFFFFFD80 ss:$0x1] =	vst.idx.msk $0xffff, v3;
	v3 =	vmul.f32 v20, v8  }
0x108: {  	v18 =	vmul.f32 v18, v6;
	v8 =	vmov v15;
	v6 =	vmov v16;
	v14 =	vld.idx.msk [tilespmem:v1+s24+$0xFFFFFD10 ss:$0x1], $0xffff;
	[tilespmem:v1+s19+$0xFFFFFE00 ss:$0x1] =	vst.idx.msk $0xffff, v19  }
0x109: {  	v15 =	vld.idx.msk [tilespmem:v1+s24+$0xFFFFFD90 ss:$0x1], $0xffff;
	[tilespmem:v1+s19+$0xFFFFFE80 ss:$0x1] =	vst.idx.msk $0xffff, v3;
	v3 =	vmul.f32 v24, v5;
	v5 =	vmov v17  }
0x10a: {  	v16 =	vld.idx.msk [tilespmem:v1+s24+$0xFFFFFE10 ss:$0x1], $0xffff;
	[tilespmem:v1+s19+$0xFFFFFF00 ss:$0x1] =	vst.idx.msk $0xffff, v18  }
0x10b: {  	v18 =	vmul.f32 v26, v13;
	v17 =	vld.idx.msk [tilespmem:v1+s24+$0xFFFFFE90 ss:$0x1], $0xffff;
	[tilespmem:v1+s19+$0xFFFFFF80 ss:$0x1] =	vst.idx.msk $0xffff, v3;
	s19 =	smov.u32 s24  }
0x10c: {  	s28 =	sadd.s32 $0x1, s26;
	v3 =	vmul.f32 v12, v10;
	v12 =	vld.idx.msk [tilespmem:v1+s24+$0xFFFFFF10 ss:$0x1], $0xffff  }
0x10d: {  	v19 =	vmov s28;
	v20 =	vmul.f32 v21, v9;
	v2 =	vld.idx.msk [tilespmem:v2+s9+$0x0], $0xffff;
	[tilespmem:v1+s24+$0xFFFFFF90 ss:$0x1] =	vst.idx.msk $0xffff, v18  }
0x10e: {  	v18 =	vand.u32 $0x79, v19;
	[tilespmem:v1+s24+$0xFFFFFC10 ss:$0x1] =	vst.idx.msk $0xffff, v3;
	v3 =	vmul.f32 v14, v7;
	v14 =	vld.idx.msk [tilespmem:v1+s24+$0xFFFFFFA0 ss:$0x1], $0xffff  }
0x10f: {  	v18 =	vor.u32 v4, v18;
	v15 =	vmul.f32 v15, v11;
	v19 =	vld.idx.msk [tilespmem:v1+s24+$0xFFFFFC20 ss:$0x1], $0xffff;
	[tilespmem:v1+s24+$0xFFFFFC90 ss:$0x1] =	vst.idx.msk $0xffff, v20  }
0x110: {  	v18 =	vbroadcast v18, $0x0;
	v20 =	vld.idx.msk [tilespmem:v1+s24+$0xFFFFFCA0 ss:$0x1], $0xffff;
	[tilespmem:v1+s24+$0xFFFFFD10 ss:$0x1] =	vst.idx.msk $0xffff, v3;
	v3 =	vmul.f32 v16, v8  }
0x111: {  	v16 =	vld.idx.msk [tilespmem:v1+s24+$0xFFFFFD20 ss:$0x1], $0xffff;
	[tilespmem:v1+s24+$0xFFFFFD90 ss:$0x1] =	vst.idx.msk $0xffff, v15;
	v15 =	vmul.f32 v17, v6  }
0x112: {  	v17 =	vld.idx.msk [tilespmem:v1+s24+$0xFFFFFDA0 ss:$0x1], $0xffff;
	[tilespmem:v1+s24+$0xFFFFFE10 ss:$0x1] =	vst.idx.msk $0xffff, v3;
	v3 =	vmul.f32 v12, v5  }
0x113: {  	v12 =	vld.idx.msk [tilespmem:v1+s24+$0xFFFFFE20 ss:$0x1], $0xffff;
	[tilespmem:v1+s24+$0xFFFFFE90 ss:$0x1] =	vst.idx.msk $0xffff, v15  }
0x114: {  	v14 =	vmul.f32 v14, v13;
	v15 =	vld.idx.msk [tilespmem:v1+s24+$0xFFFFFEA0 ss:$0x1], $0xffff;
	[tilespmem:v1+s24+$0xFFFFFF10 ss:$0x1] =	vst.idx.msk $0xffff, v3  }
0x115: {  	s28 =	sadd.s32 $0x2, s26;
	v19 =	vmul.f32 v19, v10;
	v21 =	vld.idx.msk [tilespmem:v1+s24+$0xFFFFFF20 ss:$0x1], $0xffff  }
0x116: {  	v20 =	vmul.f32 v20, v9;
	v3 =	vld.idx.msk [tilespmem:v18+s9+$0x0], $0xffff;
	v18 =	vmov s28;
	[tilespmem:v1+s24+$0xFFFFFFA0 ss:$0x1] =	vst.idx.msk $0xffff, v14  }
0x117: {  	v16 =	vmul.f32 v16, v7;
	v14 =	vand.u32 $0x7A, v18;
	[tilespmem:v1+s24+$0xFFFFFC20 ss:$0x1] =	vst.idx.msk $0xffff, v19;
	v18 =	vld.idx.msk [tilespmem:v1+s24+$0xFFFFFFB0 ss:$0x1], $0xffff  }
0x118: {  	v17 =	vmul.f32 v17, v11;
	v14 =	vor.u32 v4, v14;
	v19 =	vld.idx.msk [tilespmem:v1+s24+$0xFFFFFC30 ss:$0x1], $0xffff;
	[tilespmem:v1+s24+$0xFFFFFCA0 ss:$0x1] =	vst.idx.msk $0xffff, v20  }
0x119: {  	v12 =	vmul.f32 v12, v8;
	v14 =	vbroadcast v14, $0x0;
	v20 =	vld.idx.msk [tilespmem:v1+s24+$0xFFFFFCB0 ss:$0x1], $0xffff;
	[tilespmem:v1+s24+$0xFFFFFD20 ss:$0x1] =	vst.idx.msk $0xffff, v16  }
0x11a: {  	v15 =	vmul.f32 v15, v6;
	v16 =	vld.idx.msk [tilespmem:v1+s24+$0xFFFFFD30 ss:$0x1], $0xffff;
	[tilespmem:v1+s24+$0xFFFFFDA0 ss:$0x1] =	vst.idx.msk $0xffff, v17  }
0x11b: {  	v17 =	vld.idx.msk [tilespmem:v1+s24+$0xFFFFFDB0 ss:$0x1], $0xffff;
	[tilespmem:v1+s24+$0xFFFFFE20 ss:$0x1] =	vst.idx.msk $0xffff, v12;
	v12 =	vmul.f32 v21, v5  }
0x11c: {  	v21 =	vld.idx.msk [tilespmem:v1+s24+$0xFFFFFE30 ss:$0x1], $0xffff;
	[tilespmem:v1+s24+$0xFFFFFEA0 ss:$0x1] =	vst.idx.msk $0xffff, v15  }
0x11d: {  	v18 =	vmul.f32 v18, v13;
	v15 =	vld.idx.msk [tilespmem:v1+s24+$0xFFFFFEB0 ss:$0x1], $0xffff;
	[tilespmem:v1+s24+$0xFFFFFF20 ss:$0x1] =	vst.idx.msk $0xffff, v12  }
0x11e: {  	s28 =	sadd.s32 $0x3, s26;
	v19 =	vmul.f32 v19, v10;
	v22 =	vld.idx.msk [tilespmem:v1+s24+$0xFFFFFF30 ss:$0x1], $0xffff  }
0x11f: {  	v20 =	vmul.f32 v20, v9;
	v12 =	vld.idx.msk [tilespmem:v14+s9+$0x0], $0xffff;
	v14 =	vmov s28;
	[tilespmem:v1+s24+$0xFFFFFFB0 ss:$0x1] =	vst.idx.msk $0xffff, v18  }
0x120: {  	v16 =	vmul.f32 v16, v7;
	v14 =	vand.u32 $0x7B, v14;
	[tilespmem:v1+s24+$0xFFFFFC30 ss:$0x1] =	vst.idx.msk $0xffff, v19;
	v18 =	vld.idx.msk [tilespmem:v1+s24+$0xFFFFFFC0 ss:$0x1], $0xffff  }
0x121: {  	v17 =	vmul.f32 v17, v11;
	v14 =	vor.u32 v4, v14;
	v19 =	vld.idx.msk [tilespmem:v1+s24+$0xFFFFFC40 ss:$0x1], $0xffff;
	[tilespmem:v1+s24+$0xFFFFFCB0 ss:$0x1] =	vst.idx.msk $0xffff, v20  }
0x122: {  	v14 =	vbroadcast v14, $0x0;
	v20 =	vld.idx.msk [tilespmem:v1+s24+$0xFFFFFCC0 ss:$0x1], $0xffff;
	[tilespmem:v1+s24+$0xFFFFFD30 ss:$0x1] =	vst.idx.msk $0xffff, v16;
	v16 =	vmul.f32 v21, v8  }
0x123: {  	v15 =	vmul.f32 v15, v6;
	v21 =	vld.idx.msk [tilespmem:v1+s24+$0xFFFFFD40 ss:$0x1], $0xffff;
	[tilespmem:v1+s24+$0xFFFFFDB0 ss:$0x1] =	vst.idx.msk $0xffff, v17  }
0x124: {  	v17 =	vld.idx.msk [tilespmem:v1+s24+$0xFFFFFDC0 ss:$0x1], $0xffff;
	[tilespmem:v1+s24+$0xFFFFFE30 ss:$0x1] =	vst.idx.msk $0xffff, v16;
	v16 =	vmul.f32 v22, v5  }
0x125: {  	v22 =	vld.idx.msk [tilespmem:v1+s24+$0xFFFFFE40 ss:$0x1], $0xffff;
	[tilespmem:v1+s24+$0xFFFFFEB0 ss:$0x1] =	vst.idx.msk $0xffff, v15  }
0x126: {  	v15 =	vld.idx.msk [tilespmem:v1+s24+$0xFFFFFEC0 ss:$0x1], $0xffff;
	[tilespmem:v1+s24+$0xFFFFFF30 ss:$0x1] =	vst.idx.msk $0xffff, v16;
	v16 =	vmul.f32 v18, v13  }
0x127: {  	s28 =	sadd.s32 $0x4, s26;
	v18 =	vmul.f32 v19, v10;
	v19 =	vld.idx.msk [tilespmem:v1+s24+$0xFFFFFF40 ss:$0x1], $0xffff  }
0x128: {  	v23 =	vmov s28;
	v20 =	vmul.f32 v20, v9;
	v14 =	vld.idx.msk [tilespmem:v14+s9+$0x0], $0xffff;
	[tilespmem:v1+s24+$0xFFFFFFC0 ss:$0x1] =	vst.idx.msk $0xffff, v16  }
0x129: {  	v16 =	vand.u32 $0x7C, v23;
	[tilespmem:v1+s24+$0xFFFFFC40 ss:$0x1] =	vst.idx.msk $0xffff, v18;
	v18 =	vmul.f32 v21, v7;
	v21 =	vld.idx.msk [tilespmem:v1+s24+$0xFFFFFFD0 ss:$0x1], $0xffff  }
0x12a: {  	v16 =	vor.u32 v4, v16;
	v17 =	vmul.f32 v17, v11;
	v23 =	vld.idx.msk [tilespmem:v1+s24+$0xFFFFFC50 ss:$0x1], $0xffff;
	[tilespmem:v1+s24+$0xFFFFFCC0 ss:$0x1] =	vst.idx.msk $0xffff, v20  }
0x12b: {  	v16 =	vbroadcast v16, $0x0;
	v20 =	vld.idx.msk [tilespmem:v1+s24+$0xFFFFFCD0 ss:$0x1], $0xffff;
	[tilespmem:v1+s24+$0xFFFFFD40 ss:$0x1] =	vst.idx.msk $0xffff, v18;
	v18 =	vmul.f32 v22, v8  }
0x12c: {  	v15 =	vmul.f32 v15, v6;
	v22 =	vld.idx.msk [tilespmem:v1+s24+$0xFFFFFD50 ss:$0x1], $0xffff;
	[tilespmem:v1+s24+$0xFFFFFDC0 ss:$0x1] =	vst.idx.msk $0xffff, v17  }
0x12d: {  	v17 =	vld.idx.msk [tilespmem:v1+s24+$0xFFFFFDD0 ss:$0x1], $0xffff;
	[tilespmem:v1+s24+$0xFFFFFE40 ss:$0x1] =	vst.idx.msk $0xffff, v18;
	v18 =	vmul.f32 v19, v5  }
0x12e: {  	v19 =	vld.idx.msk [tilespmem:v1+s24+$0xFFFFFE50 ss:$0x1], $0xffff;
	[tilespmem:v1+s24+$0xFFFFFEC0 ss:$0x1] =	vst.idx.msk $0xffff, v15  }
0x12f: {  	v24 =	vld.idx.msk [tilespmem:v1+s24+$0xFFFFFED0 ss:$0x1], $0xffff;
	[tilespmem:v1+s24+$0xFFFFFF40 ss:$0x1] =	vst.idx.msk $0xffff, v18;
	v18 =	vmul.f32 v21, v13  }
0x130: {  	s28 =	sadd.s32 $0x5, s26;
	v21 =	vmul.f32 v23, v10;
	v23 =	vld.idx.msk [tilespmem:v1+s24+$0xFFFFFF50 ss:$0x1], $0xffff  }
0x131: {  	v20 =	vmul.f32 v20, v9;
	v15 =	vld.idx.msk [tilespmem:v16+s9+$0x0], $0xffff;
	v16 =	vmov s28;
	[tilespmem:v1+s24+$0xFFFFFFD0 ss:$0x1] =	vst.idx.msk $0xffff, v18  }
0x132: {  	v18 =	vmul.f32 v22, v7;
	v16 =	vand.u32 $0x7D, v16;
	[tilespmem:v1+s24+$0xFFFFFC50 ss:$0x1] =	vst.idx.msk $0xffff, v21;
	v21 =	vld.idx.msk [tilespmem:v1+s24+$0xFFFFFFE0 ss:$0x1], $0xffff  }
0x133: {  	v17 =	vmul.f32 v17, v11;
	v16 =	vor.u32 v4, v16;
	v22 =	vld.idx.msk [tilespmem:v1+s24+$0xFFFFFC60 ss:$0x1], $0xffff;
	[tilespmem:v1+s24+$0xFFFFFCD0 ss:$0x1] =	vst.idx.msk $0xffff, v20  }
0x134: {  	v16 =	vbroadcast v16, $0x0;
	v20 =	vld.idx.msk [tilespmem:v1+s24+$0xFFFFFCE0 ss:$0x1], $0xffff;
	[tilespmem:v1+s24+$0xFFFFFD50 ss:$0x1] =	vst.idx.msk $0xffff, v18;
	v18 =	vmul.f32 v19, v8  }
0x135: {  	v19 =	vld.idx.msk [tilespmem:v1+s24+$0xFFFFFD60 ss:$0x1], $0xffff;
	[tilespmem:v1+s24+$0xFFFFFDD0 ss:$0x1] =	vst.idx.msk $0xffff, v17;
	v17 =	vmul.f32 v24, v6  }
0x136: {  	v24 =	vld.idx.msk [tilespmem:v1+s24+$0xFFFFFDE0 ss:$0x1], $0xffff;
	[tilespmem:v1+s24+$0xFFFFFE50 ss:$0x1] =	vst.idx.msk $0xffff, v18;
	v18 =	vmul.f32 v23, v5  }
0x137: {  	v23 =	vld.idx.msk [tilespmem:v1+s24+$0xFFFFFE60 ss:$0x1], $0xffff;
	[tilespmem:v1+s24+$0xFFFFFED0 ss:$0x1] =	vst.idx.msk $0xffff, v17  }
0x138: {  	v17 =	vld.idx.msk [tilespmem:v1+s24+$0xFFFFFEE0 ss:$0x1], $0xffff;
	[tilespmem:v1+s24+$0xFFFFFF50 ss:$0x1] =	vst.idx.msk $0xffff, v18;
	v18 =	vmul.f32 v21, v13  }
0x139: {  	s28 =	sadd.s32 $0x6, s26;
	v21 =	vmul.f32 v22, v10;
	v25 =	vld.idx.msk [tilespmem:v1+s24+$0xFFFFFF60 ss:$0x1], $0xffff  }
0x13a: {  	v22 =	vmov s28;
	v20 =	vmul.f32 v20, v9;
	v16 =	vld.idx.msk [tilespmem:v16+s9+$0x0], $0xffff;
	[tilespmem:v1+s24+$0xFFFFFFE0 ss:$0x1] =	vst.idx.msk $0xffff, v18  }
0x13b: {  	v18 =	vand.u32 $0x7E, v22;
	v19 =	vmul.f32 v19, v7;
	[tilespmem:v1+s24+$0xFFFFFC60 ss:$0x1] =	vst.idx.msk $0xffff, v21;
	v26 =	vld.idx.msk [tilespmem:v1+s24+$0xFFFFFFF0 ss:$0x1], $0xffff  }
0x13c: {  	v18 =	vor.u32 v4, v18;
	v27 =	vld.idx.msk [tilespmem:v1+s24+$0xFFFFFC70 ss:$0x1], $0xffff;
	[tilespmem:v1+s24+$0xFFFFFCE0 ss:$0x1] =	vst.idx.msk $0xffff, v20;
	v20 =	vmul.f32 v24, v11  }
0x13d: {  	v28 =	vbroadcast v18, $0x0;
	v18 =	vmul.f32 v23, v8;
	v29 =	vld.idx.msk [tilespmem:v1+s24+$0xFFFFFCF0 ss:$0x1], $0xffff;
	[tilespmem:v1+s24+$0xFFFFFD60 ss:$0x1] =	vst.idx.msk $0xffff, v19  }
0x13e: {  	v17 =	vmul.f32 v17, v6;
	v22 =	vld.idx.msk [tilespmem:v1+s24+$0xFFFFFD70 ss:$0x1], $0xffff;
	[tilespmem:v1+s24+$0xFFFFFDE0 ss:$0x1] =	vst.idx.msk $0xffff, v20  }
.Ltmp5:
0x13f: {  	v19 =	vmul.f32 v25, v5;
	v21 =	vld.idx.msk [tilespmem:v1+s24+$0xFFFFFDF0 ss:$0x1], $0xffff;
	[tilespmem:v1+s24+$0xFFFFFE60 ss:$0x1] =	vst.idx.msk $0xffff, v18;
	(pc) =	sbr.rel @p1 .LBB2_10-.Ltmp5, $4  }
0x140: {  	v20 =	vld.idx.msk [tilespmem:v1+s24+$0xFFFFFE70 ss:$0x1], $0xffff;
	[tilespmem:v1+s24+$0xFFFFFEE0 ss:$0x1] =	vst.idx.msk $0xffff, v17  }
0x141: {  	v25 =	vmul.f32 v26, v13;
	v18 =	vld.idx.msk [tilespmem:v1+s24+$0xFFFFFEF0 ss:$0x1], $0xffff;
	[tilespmem:v1+s24+$0xFFFFFF60 ss:$0x1] =	vst.idx.msk $0xffff, v19  }
0x142: {  	v24 =	vmul.f32 v27, v10;
	v19 =	vld.idx.msk [tilespmem:v1+s24+$0xFFFFFF70 ss:$0x1], $0xffff  }
0x143: {  	s28 =	sadd.s32 $0x7, s26;
	s26 =	sadd.s32 $0x8, s26;
	v23 =	vmul.f32 v29, v9;
	v17 =	vld.idx.msk [tilespmem:v28+s9+$0x0], $0xffff;
	[tilespmem:v1+s24+$0xFFFFFFF0 ss:$0x1] =	vst.idx.msk $0xffff, v25  }
0x144: {  	_ =	sdelay $0x3  }
0x145: {  	[tilespmem:v1+s24+$0xFFFFFC70 ss:$0x1] =	vst.idx.msk $0xffff, v24;
	v35 =	vld.idx.msk [tilespmem:v1+s24+$0x0 ss:$0x1], $0xffff  }
0x146: {  	v25 =	vmov s28;
	v22 =	vmul.f32 v22, v7;
	s28 =	sadd.s32 $0x400, s24;
	v26 =	vld.idx.msk [tilespmem:v1+s24+$0xFFFFFC80 ss:$0x1], $0xffff  }
0x147: {  	v21 =	vmul.f32 v21, v11;
	[tilespmem:v1+s24+$0xFFFFFCF0 ss:$0x1] =	vst.idx.msk $0xffff, v23;
	v38 =	vld.idx.msk [tilespmem:v1+s28+$0xFFFFFC10 ss:$0x1], $0xffff  }
0x148: {  	v20 =	vmul.f32 v20, v8;
	v40 =	vld.idx.msk [tilespmem:v1+s28+$0xFFFFFC90 ss:$0x1], $0xffff;
	[tilespmem:v1+s24+$0xFFFFFD70 ss:$0x1] =	vst.idx.msk $0xffff, v22  }
0x149: {  	v42 =	vld.idx.msk [tilespmem:v1+s28+$0xFFFFFD10 ss:$0x1], $0xffff;
	[tilespmem:v1+s24+$0xFFFFFDF0 ss:$0x1] =	vst.idx.msk $0xffff, v21;
	v18 =	vmul.f32 v18, v6  }
0x14a: {  	v46 =	vld.idx.msk [tilespmem:v1+s28+$0xFFFFFE10 ss:$0x1], $0xffff;
	[tilespmem:v1+s24+$0xFFFFFE70 ss:$0x1] =	vst.idx.msk $0xffff, v20;
	v19 =	vmul.f32 v19, v5  }
0x14b: {  	v48 =	vld.idx.msk [tilespmem:v1+s28+$0xFFFFFE90 ss:$0x1], $0xffff;
	[tilespmem:v1+s24+$0xFFFFFEF0 ss:$0x1] =	vst.idx.msk $0xffff, v18;
	v13 =	vmul.f32 v35, v13  }
0x14c: {  	v50 =	vld.idx.msk [tilespmem:v1+s28+$0xFFFFFF10 ss:$0x1], $0xffff;
	[tilespmem:v1+s24+$0xFFFFFF70 ss:$0x1] =	vst.idx.msk $0xffff, v19;
	v10 =	vmul.f32 v26, v10  }
0x14d: {  	v25 =	vand.u32 $0x7F, v25;
	v23 =	vld.idx.msk [tilespmem:v1+s24+$0xFFFFFD00 ss:$0x1], $0xffff;
	v49 =	vmul.f32 v38, v2;
	[tilespmem:v1+s19+$0x0 ss:$0x1] =	vst.idx.msk $0xffff, v13  }
0x14e: {  	v4 =	vor.u32 v4, v25;
	v22 =	vld.idx.msk [tilespmem:v1+s24+$0xFFFFFD80 ss:$0x1], $0xffff;
	v51 =	vmul.f32 v42, v12;
	[tilespmem:v1+s19+$0xFFFFFC80 ss:$0x1] =	vst.idx.msk $0xffff, v10  }
0x14f: {  	v4 =	vbroadcast v4, $0x0;
	v21 =	vld.idx.msk [tilespmem:v1+s24+$0xFFFFFE00 ss:$0x1], $0xffff;
	v53 =	vmul.f32 v46, v15;
	[tilespmem:v1+s28+$0xFFFFFC10 ss:$0x1] =	vst.idx.msk $0xffff, v49  }
0x150: {  	v36 =	vld.idx.msk [tilespmem:v1+s28+$0xFFFFFF90 ss:$0x1], $0xffff;
	v55 =	vmul.f32 v48, v16;
	[tilespmem:v1+s28+$0xFFFFFD10 ss:$0x1] =	vst.idx.msk $0xffff, v51  }
0x151: {  	v44 =	vld.idx.msk [tilespmem:v1+s28+$0xFFFFFD90 ss:$0x1], $0xffff;
	v57 =	vmul.f32 v50, v17;
	[tilespmem:v1+s28+$0xFFFFFE10 ss:$0x1] =	vst.idx.msk $0xffff, v53  }
0x152: {  	v20 =	vld.idx.msk [tilespmem:v1+s24+$0xFFFFFE80 ss:$0x1], $0xffff;
	v9 =	vmul.f32 v23, v9;
	[tilespmem:v1+s28+$0xFFFFFE90 ss:$0x1] =	vst.idx.msk $0xffff, v55  }
0x153: {  	v18 =	vld.idx.msk [tilespmem:v1+s24+$0xFFFFFF00 ss:$0x1], $0xffff;
	v37 =	vmul.f32 v22, v7;
	[tilespmem:v1+s28+$0xFFFFFF10 ss:$0x1] =	vst.idx.msk $0xffff, v57  }
0x154: {  	v19 =	vld.idx.msk [tilespmem:v1+s19+$0xFFFFFF80 ss:$0x1], $0xffff;
	v39 =	vmul.f32 v21, v11;
	v11 =	vmul.f32 v40, v3;
	[tilespmem:v1+s19+$0xFFFFFD00 ss:$0x1] =	vst.idx.msk $0xffff, v9  }
0x155: {  	v4 =	vld.idx.msk [tilespmem:v4+s9+$0x0], $0xffff;
	[tilespmem:v1+s19+$0xFFFFFD80 ss:$0x1] =	vst.idx.msk $0xffff, v37  }
0x156: {  	v52 =	vld.idx.msk [tilespmem:v1+s28+$0xFFFFFC20 ss:$0x1], $0xffff;
	v9 =	vmul.f32 v44, v14;
	[tilespmem:v1+s28+$0xFFFFFC90 ss:$0x1] =	vst.idx.msk $0xffff, v11  }
0x157: {  	v41 =	vmul.f32 v20, v8;
	[tilespmem:v1+s19+$0xFFFFFE00 ss:$0x1] =	vst.idx.msk $0xffff, v39;
	v11 =	vld.idx.msk [tilespmem:v1+s28+$0xFFFFFCA0 ss:$0x1], $0xffff  }
0x158: {  	v54 =	vld.idx.msk [tilespmem:v1+s28+$0xFFFFFD20 ss:$0x1], $0xffff;
	v43 =	vmul.f32 v18, v6;
	[tilespmem:v1+s28+$0xFFFFFD90 ss:$0x1] =	vst.idx.msk $0xffff, v9  }
0x159: {  	[tilespmem:v1+s19+$0xFFFFFE80 ss:$0x1] =	vst.idx.msk $0xffff, v41;
	v45 =	vmul.f32 v19, v5;
	v56 =	vld.idx.msk [tilespmem:v1+s28+$0xFFFFFDA0 ss:$0x1], $0xffff  }
0x15a: {  	v58 =	vld.idx.msk [tilespmem:v1+s28+$0xFFFFFE20 ss:$0x1], $0xffff;
	[tilespmem:v1+s19+$0xFFFFFF00 ss:$0x1] =	vst.idx.msk $0xffff, v43;
	v47 =	vmul.f32 v36, v4  }
0x15b: {  	v9 =	vld.idx.msk [tilespmem:v1+s28+$0xFFFFFEA0 ss:$0x1], $0xffff;
	[tilespmem:v1+s19+$0xFFFFFF80 ss:$0x1] =	vst.idx.msk $0xffff, v45;
	v59 =	vmul.f32 v52, v2  }
0x15c: {  	v60 =	vld.idx.msk [tilespmem:v1+s28+$0xFFFFFF20 ss:$0x1], $0xffff;
	[tilespmem:v1+s28+$0xFFFFFF90 ss:$0x1] =	vst.idx.msk $0xffff, v47;
	v11 =	vmul.f32 v11, v3  }
0x15d: {  	v61 =	vmul.f32 v54, v12;
	[tilespmem:v1+s28+$0xFFFFFC20 ss:$0x1] =	vst.idx.msk $0xffff, v59;
	v6 =	vld.idx.msk [tilespmem:v1+s28+$0xFFFFFFA0 ss:$0x1], $0xffff  }
0x15e: {  	v62 =	vld.idx.msk [tilespmem:v1+s28+$0xFFFFFC30 ss:$0x1], $0xffff;
	v63 =	vmul.f32 v56, v14;
	[tilespmem:v1+s28+$0xFFFFFCA0 ss:$0x1] =	vst.idx.msk $0xffff, v11  }
0x15f: {  	v19 =	vmul.f32 v58, v15;
	[tilespmem:v1+s28+$0xFFFFFD20 ss:$0x1] =	vst.idx.msk $0xffff, v61;
	v18 =	vld.idx.msk [tilespmem:v1+s28+$0xFFFFFCB0 ss:$0x1], $0xffff  }
0x160: {  	v9 =	vmul.f32 v9, v16;
	v20 =	vld.idx.msk [tilespmem:v1+s28+$0xFFFFFD30 ss:$0x1], $0xffff;
	[tilespmem:v1+s28+$0xFFFFFDA0 ss:$0x1] =	vst.idx.msk $0xffff, v63  }
0x161: {  	v21 =	vmul.f32 v60, v17;
	[tilespmem:v1+s28+$0xFFFFFE20 ss:$0x1] =	vst.idx.msk $0xffff, v19;
	v11 =	vld.idx.msk [tilespmem:v1+s28+$0xFFFFFDB0 ss:$0x1], $0xffff  }
0x162: {  	v22 =	vld.idx.msk [tilespmem:v1+s28+$0xFFFFFE30 ss:$0x1], $0xffff;
	[tilespmem:v1+s28+$0xFFFFFEA0 ss:$0x1] =	vst.idx.msk $0xffff, v9;
	v6 =	vmul.f32 v6, v4  }
0x163: {  	[tilespmem:v1+s28+$0xFFFFFF20 ss:$0x1] =	vst.idx.msk $0xffff, v21;
	v9 =	vld.idx.msk [tilespmem:v1+s28+$0xFFFFFEB0 ss:$0x1], $0xffff;
	v23 =	vmul.f32 v62, v2  }
0x164: {  	v24 =	vld.idx.msk [tilespmem:v1+s28+$0xFFFFFF30 ss:$0x1], $0xffff;
	[tilespmem:v1+s28+$0xFFFFFFA0 ss:$0x1] =	vst.idx.msk $0xffff, v6;
	v13 =	vmul.f32 v18, v3  }
0x165: {  	v25 =	vmul.f32 v20, v12;
	[tilespmem:v1+s28+$0xFFFFFC30 ss:$0x1] =	vst.idx.msk $0xffff, v23;
	v6 =	vld.idx.msk [tilespmem:v1+s28+$0xFFFFFFB0 ss:$0x1], $0xffff  }
0x166: {  	v26 =	vld.idx.msk [tilespmem:v1+s28+$0xFFFFFC40 ss:$0x1], $0xffff;
	v11 =	vmul.f32 v11, v14;
	[tilespmem:v1+s28+$0xFFFFFCB0 ss:$0x1] =	vst.idx.msk $0xffff, v13  }
0x167: {  	v27 =	vmul.f32 v22, v15;
	[tilespmem:v1+s28+$0xFFFFFD30 ss:$0x1] =	vst.idx.msk $0xffff, v25;
	v13 =	vld.idx.msk [tilespmem:v1+s28+$0xFFFFFCC0 ss:$0x1], $0xffff  }
0x168: {  	v9 =	vmul.f32 v9, v16;
	v28 =	vld.idx.msk [tilespmem:v1+s28+$0xFFFFFD40 ss:$0x1], $0xffff;
	[tilespmem:v1+s28+$0xFFFFFDB0 ss:$0x1] =	vst.idx.msk $0xffff, v11  }
0x169: {  	v29 =	vmul.f32 v24, v17;
	[tilespmem:v1+s28+$0xFFFFFE30 ss:$0x1] =	vst.idx.msk $0xffff, v27;
	v11 =	vld.idx.msk [tilespmem:v1+s28+$0xFFFFFDC0 ss:$0x1], $0xffff  }
0x16a: {  	v30 =	vld.idx.msk [tilespmem:v1+s28+$0xFFFFFE40 ss:$0x1], $0xffff;
	[tilespmem:v1+s28+$0xFFFFFEB0 ss:$0x1] =	vst.idx.msk $0xffff, v9;
	v6 =	vmul.f32 v6, v4  }
0x16b: {  	[tilespmem:v1+s28+$0xFFFFFF30 ss:$0x1] =	vst.idx.msk $0xffff, v29;
	v9 =	vld.idx.msk [tilespmem:v1+s28+$0xFFFFFEC0 ss:$0x1], $0xffff;
	v31 =	vmul.f32 v26, v2  }
0x16c: {  	v32 =	vld.idx.msk [tilespmem:v1+s28+$0xFFFFFF40 ss:$0x1], $0xffff;
	[tilespmem:v1+s28+$0xFFFFFFB0 ss:$0x1] =	vst.idx.msk $0xffff, v6;
	v13 =	vmul.f32 v13, v3  }
0x16d: {  	v33 =	vmul.f32 v28, v12;
	[tilespmem:v1+s28+$0xFFFFFC40 ss:$0x1] =	vst.idx.msk $0xffff, v31;
	v6 =	vld.idx.msk [tilespmem:v1+s28+$0xFFFFFFC0 ss:$0x1], $0xffff  }
0x16e: {  	v34 =	vld.idx.msk [tilespmem:v1+s28+$0xFFFFFC50 ss:$0x1], $0xffff;
	v11 =	vmul.f32 v11, v14;
	[tilespmem:v1+s28+$0xFFFFFCC0 ss:$0x1] =	vst.idx.msk $0xffff, v13  }
0x16f: {  	v35 =	vmul.f32 v30, v15;
	[tilespmem:v1+s28+$0xFFFFFD40 ss:$0x1] =	vst.idx.msk $0xffff, v33;
	v13 =	vld.idx.msk [tilespmem:v1+s28+$0xFFFFFCD0 ss:$0x1], $0xffff  }
0x170: {  	v9 =	vmul.f32 v9, v16;
	v36 =	vld.idx.msk [tilespmem:v1+s28+$0xFFFFFD50 ss:$0x1], $0xffff;
	[tilespmem:v1+s28+$0xFFFFFDC0 ss:$0x1] =	vst.idx.msk $0xffff, v11  }
0x171: {  	v37 =	vmul.f32 v32, v17;
	[tilespmem:v1+s28+$0xFFFFFE40 ss:$0x1] =	vst.idx.msk $0xffff, v35;
	v11 =	vld.idx.msk [tilespmem:v1+s28+$0xFFFFFDD0 ss:$0x1], $0xffff  }
0x172: {  	v38 =	vld.idx.msk [tilespmem:v1+s28+$0xFFFFFE50 ss:$0x1], $0xffff;
	[tilespmem:v1+s28+$0xFFFFFEC0 ss:$0x1] =	vst.idx.msk $0xffff, v9;
	v6 =	vmul.f32 v6, v4  }
0x173: {  	[tilespmem:v1+s28+$0xFFFFFF40 ss:$0x1] =	vst.idx.msk $0xffff, v37;
	v9 =	vld.idx.msk [tilespmem:v1+s28+$0xFFFFFED0 ss:$0x1], $0xffff;
	v39 =	vmul.f32 v34, v2  }
0x174: {  	v40 =	vld.idx.msk [tilespmem:v1+s28+$0xFFFFFF50 ss:$0x1], $0xffff;
	[tilespmem:v1+s28+$0xFFFFFFC0 ss:$0x1] =	vst.idx.msk $0xffff, v6;
	v13 =	vmul.f32 v13, v3  }
0x175: {  	v41 =	vmul.f32 v36, v12;
	[tilespmem:v1+s28+$0xFFFFFC50 ss:$0x1] =	vst.idx.msk $0xffff, v39;
	v6 =	vld.idx.msk [tilespmem:v1+s28+$0xFFFFFFD0 ss:$0x1], $0xffff  }
0x176: {  	v42 =	vld.idx.msk [tilespmem:v1+s28+$0xFFFFFC60 ss:$0x1], $0xffff;
	v11 =	vmul.f32 v11, v14;
	[tilespmem:v1+s28+$0xFFFFFCD0 ss:$0x1] =	vst.idx.msk $0xffff, v13  }
0x177: {  	v43 =	vmul.f32 v38, v15;
	[tilespmem:v1+s28+$0xFFFFFD50 ss:$0x1] =	vst.idx.msk $0xffff, v41;
	v13 =	vld.idx.msk [tilespmem:v1+s28+$0xFFFFFCE0 ss:$0x1], $0xffff  }
0x178: {  	v9 =	vmul.f32 v9, v16;
	v44 =	vld.idx.msk [tilespmem:v1+s28+$0xFFFFFD60 ss:$0x1], $0xffff;
	[tilespmem:v1+s28+$0xFFFFFDD0 ss:$0x1] =	vst.idx.msk $0xffff, v11  }
0x179: {  	v45 =	vmul.f32 v40, v17;
	[tilespmem:v1+s28+$0xFFFFFE50 ss:$0x1] =	vst.idx.msk $0xffff, v43;
	v11 =	vld.idx.msk [tilespmem:v1+s28+$0xFFFFFDE0 ss:$0x1], $0xffff  }
0x17a: {  	v46 =	vld.idx.msk [tilespmem:v1+s28+$0xFFFFFE60 ss:$0x1], $0xffff;
	[tilespmem:v1+s28+$0xFFFFFED0 ss:$0x1] =	vst.idx.msk $0xffff, v9;
	v6 =	vmul.f32 v6, v4  }
0x17b: {  	[tilespmem:v1+s28+$0xFFFFFF50 ss:$0x1] =	vst.idx.msk $0xffff, v45;
	v9 =	vld.idx.msk [tilespmem:v1+s28+$0xFFFFFEE0 ss:$0x1], $0xffff;
	v47 =	vmul.f32 v42, v2  }
0x17c: {  	v48 =	vld.idx.msk [tilespmem:v1+s28+$0xFFFFFF60 ss:$0x1], $0xffff;
	[tilespmem:v1+s28+$0xFFFFFFD0 ss:$0x1] =	vst.idx.msk $0xffff, v6;
	v13 =	vmul.f32 v13, v3  }
0x17d: {  	v49 =	vmul.f32 v44, v12;
	[tilespmem:v1+s28+$0xFFFFFC60 ss:$0x1] =	vst.idx.msk $0xffff, v47;
	v6 =	vld.idx.msk [tilespmem:v1+s28+$0xFFFFFFE0 ss:$0x1], $0xffff  }
0x17e: {  	v50 =	vld.idx.msk [tilespmem:v1+s28+$0xFFFFFC70 ss:$0x1], $0xffff;
	v11 =	vmul.f32 v11, v14;
	[tilespmem:v1+s28+$0xFFFFFCE0 ss:$0x1] =	vst.idx.msk $0xffff, v13  }
0x17f: {  	v51 =	vmul.f32 v46, v15;
	[tilespmem:v1+s28+$0xFFFFFD60 ss:$0x1] =	vst.idx.msk $0xffff, v49;
	v13 =	vld.idx.msk [tilespmem:v1+s28+$0xFFFFFCF0 ss:$0x1], $0xffff  }
0x180: {  	v9 =	vmul.f32 v9, v16;
	v52 =	vld.idx.msk [tilespmem:v1+s28+$0xFFFFFD70 ss:$0x1], $0xffff;
	[tilespmem:v1+s28+$0xFFFFFDE0 ss:$0x1] =	vst.idx.msk $0xffff, v11  }
0x181: {  	v53 =	vmul.f32 v48, v17;
	[tilespmem:v1+s28+$0xFFFFFE60 ss:$0x1] =	vst.idx.msk $0xffff, v51;
	v11 =	vld.idx.msk [tilespmem:v1+s28+$0xFFFFFDF0 ss:$0x1], $0xffff  }
0x182: {  	v54 =	vld.idx.msk [tilespmem:v1+s28+$0xFFFFFE70 ss:$0x1], $0xffff;
	[tilespmem:v1+s28+$0xFFFFFEE0 ss:$0x1] =	vst.idx.msk $0xffff, v9;
	v6 =	vmul.f32 v6, v4  }
0x183: {  	[tilespmem:v1+s28+$0xFFFFFF60 ss:$0x1] =	vst.idx.msk $0xffff, v53;
	v9 =	vld.idx.msk [tilespmem:v1+s28+$0xFFFFFEF0 ss:$0x1], $0xffff;
	v55 =	vmul.f32 v50, v2  }
0x184: {  	v56 =	vld.idx.msk [tilespmem:v1+s28+$0xFFFFFF70 ss:$0x1], $0xffff;
	[tilespmem:v1+s28+$0xFFFFFFE0 ss:$0x1] =	vst.idx.msk $0xffff, v6;
	v13 =	vmul.f32 v13, v3  }
0x185: {  	v57 =	vmul.f32 v52, v12;
	[tilespmem:v1+s28+$0xFFFFFC70 ss:$0x1] =	vst.idx.msk $0xffff, v55;
	v6 =	vld.idx.msk [tilespmem:v1+s28+$0xFFFFFFF0 ss:$0x1], $0xffff  }
0x186: {  	v58 =	vld.idx.msk [tilespmem:v1+s28+$0xFFFFFC80 ss:$0x1], $0xffff;
	v11 =	vmul.f32 v11, v14;
	[tilespmem:v1+s28+$0xFFFFFCF0 ss:$0x1] =	vst.idx.msk $0xffff, v13  }
0x187: {  	v59 =	vmul.f32 v54, v15;
	[tilespmem:v1+s28+$0xFFFFFD70 ss:$0x1] =	vst.idx.msk $0xffff, v57;
	v13 =	vld.idx.msk [tilespmem:v1+s28+$0xFFFFFD00 ss:$0x1], $0xffff  }
0x188: {  	v9 =	vmul.f32 v9, v16;
	v60 =	vld.idx.msk [tilespmem:v1+s28+$0xFFFFFD80 ss:$0x1], $0xffff;
	[tilespmem:v1+s28+$0xFFFFFDF0 ss:$0x1] =	vst.idx.msk $0xffff, v11  }
0x189: {  	v61 =	vmul.f32 v56, v17;
	[tilespmem:v1+s28+$0xFFFFFE70 ss:$0x1] =	vst.idx.msk $0xffff, v59;
	v11 =	vld.idx.msk [tilespmem:v1+s28+$0xFFFFFE00 ss:$0x1], $0xffff  }
0x18a: {  	v62 =	vld.idx.msk [tilespmem:v1+s28+$0xFFFFFE80 ss:$0x1], $0xffff;
	[tilespmem:v1+s28+$0xFFFFFEF0 ss:$0x1] =	vst.idx.msk $0xffff, v9;
	v6 =	vmul.f32 v6, v4  }
0x18b: {  	[tilespmem:v1+s28+$0xFFFFFF70 ss:$0x1] =	vst.idx.msk $0xffff, v61;
	v63 =	vld.idx.msk [tilespmem:v1+s28+$0xFFFFFF00 ss:$0x1], $0xffff;
	v2 =	vmul.f32 v58, v2  }
0x18c: {  	v5 =	vld.idx.msk [tilespmem:v1+s28+$0xFFFFFF80 ss:$0x1], $0xffff;
	[tilespmem:v1+s28+$0xFFFFFFF0 ss:$0x1] =	vst.idx.msk $0xffff, v6;
	v3 =	vmul.f32 v13, v3  }
0x18d: {  	[tilespmem:v1+s28+$0xFFFFFC80 ss:$0x1] =	vst.idx.msk $0xffff, v2;
	v2 =	vmul.f32 v60, v12;
	v6 =	vld.idx.msk [tilespmem:v1+s28+$0x0 ss:$0x1], $0xffff  }
0x18e: {  	[tilespmem:v1+s28+$0xFFFFFD00 ss:$0x1] =	vst.idx.msk $0xffff, v3;
	v3 =	vmul.f32 v11, v14  }
0x18f: {  	[tilespmem:v1+s28+$0xFFFFFD80 ss:$0x1] =	vst.idx.msk $0xffff, v2;
	v2 =	vmul.f32 v62, v15  }
0x190: {  	p1 =	sne.s32 s20, $0x7D;
	[tilespmem:v1+s28+$0xFFFFFE00 ss:$0x1] =	vst.idx.msk $0xffff, v3;
	v3 =	vmul.f32 v63, v16  }
.Ltmp6:
0x191: {  	[tilespmem:v1+s28+$0xFFFFFE80 ss:$0x1] =	vst.idx.msk $0xffff, v2;
	v2 =	vmul.f32 v5, v17;
	(pc) =	sbr.rel @p1 .LBB2_4-.Ltmp6, $4  }
0x192: {  	v4 =	vmul.f32 v6, v4;
	[tilespmem:v1+s28+$0xFFFFFF00 ss:$0x1] =	vst.idx.msk $0xffff, v3  }
0x193: {  	s26 =	sadd.s32 $0x400, s21;
	[tilespmem:v1+s28+$0xFFFFFF80 ss:$0x1] =	vst.idx.msk $0xffff, v2  }
0x194: {  	s25 =	sadd.s32 $0x2800, s25;
	s19 =	smov.u32 s20;
	[tilespmem:v1+s28+$0x0 ss:$0x1] =	vst.idx.msk $0xffff, v4;
	s28 =	sadd.s32 $0xA, s22  }
0x195: {  	[spmem:s3] =	stream.indirect.scatter.add.f32 [tilespmem:s23], [sflag:s28], $0x80, s26, s12, $0xb8;
	[tilespmem:$0x1BC80] =	vst v63  }
0x196: {  	_ =	swait.ge [sflag:s13], $0x2800  }
0x197: {  	[sflag:s13] =	ssyncset.done $0x0  }
0x198: {  	[sflag:s13] =	ssyncadd.s32 $0xFFFFD800  }
0x199: {  	_ =	swait.ge [sflag:s15], $0x2800  }
0x19a: {  	[sflag:s15] =	ssyncset.done $0x0  }
0x19b: {  	[sflag:s15] =	ssyncadd.s32 $0xFFFFD800  }
0x19c: {  	_ =	swait.ge [sflag:s17], $0x2800  }
0x19d: {  	[sflag:s17] =	ssyncset.done $0x0  }
0x19e: {  	s19 =	stileid.u32;
	[sflag:s17] =	ssyncadd.s32 $0xFFFFD800  }
0x19f: {  	s19 =	sshll.u32 s19, $0x6;
	[bflag:$0x0] =	sbarrier.arrive $0xFFFF  }
0x1a0: {  	s20 =	sshrl.u32 s8, $0x3;
	s19 =	sor.u32 $0x1C0D, s19;
	s21 =	rddreg [dreg:$0xd]  }
0x1a1: {  	[hbm:s21], [sflag:s19] =	dma.local [spmem:s20], $0x2700  }
0x1a2: {  	_ =	swait.ge [sflag:s2], $0x2700  }
0x1a3: {  	[sflag:s2] =	ssyncset.done $0x0  }
0x1a4: {  	s20 =	sshrl.u32 @!p0 s29, $0x3;
	s21 =	rddreg [dreg:$0x10];
	[sflag:s2] =	ssyncadd.s32 $0xFFFFD900  }
0x1a5: {  	[hbm:s21], [sflag:s19] =	dma.local @!p0 [spmem:s20], $0x100  }
0x1a6: {  	s19 =	simm.s32 @!p0 $0xD  }
0x1a7: {  	_ =	swait.ge @!p0 [sflag:s19], $0x100  }
0x1a8: {  	s18 =	sadd.s32 $0x1, s18;
	s28 =	rddreg [dreg:$0x11]  }
0x1a9: {  	p1 =	sne.s32 s18, s28  }
.Ltmp7:
0x1aa: {  	_ = 	snop;
	(pc) =	sbr.rel @p1 .LBB2_1-.Ltmp7, $3  }
0x1ab: {  	_ =	sdelay $0x1  }
0x1ac: {  	[sflag:s19] =	ssyncset.done @!p0 $0x0  }
0x1ad: {  	[sflag:s19] =	ssyncadd.s32 @!p0 $0xFFFFFF00  }
0x1ae: {  	_ =	sfence.sel $0x180000  }
0x1af: {  	[bflag:$0x0] =	sbarrier.arrive $0xFFFF  }
0x1b0: {  	_ =	strace $0x9000004A  }
0x1b1: {  	s0 =	stileid.u32;
	[bflag:$0x2] =	sbarrier.arrive $0xFFFF  }
0x1b2: {  	p0 =	sne.s32 s0, $0x0;
	s0 =	rddreg [dreg:$0x3]  }
0x1b3: {  	s0 =	sadd.s32 @!p0 $0x100000, s0  }
0x1b4: {  	[sflag:s0] =	ssyncadd.tile.s32 @!p0 $0x1;
	_ =	shalt  }
.Lfunc_end2:
_tile_overlayer_lowered:
.L_overlay_start_2:
0x1b5: {  	(tag) =	ssettag $0x2  }
0x1b6: {  	s0 =	rddreg [dreg:$0x0];
	s2 =	stileid.u32  }
0x1b7: {  	s1 =	rddreg [dreg:$0x1];
	p0 =	sne.s32 s2, $0x0  }
0x1b8: {  	s3 =	rddreg [dreg:$0x2];
	[bflag:$0x3] =	sbarrier.arrive $0xFFFF;
	s2 =	simm.s32 @!p0 $0x1C0D  }
0x1b9: {  	[timem:s3], [sflag:s2] =	dma.local @!p0 [hbm:s0], s1  }
0x1ba: {  	s0 =	simm.s32 @!p0 $0xD  }
0x1bb: {  	_ =	swait.ge @!p0 [sflag:s0], s1  }
0x1bc: {  	s1 =	ssub.s32 @!p0 $0x0, s1;
	[sflag:s0] =	ssyncset.done @!p0 $0x0  }
0x1bd: {  	[sflag:s0] =	ssyncadd.s32 @!p0 s1  }
0x1be: {  	[bflag:$0x3] =	sbarrier.arrive $0xFFFF  }
0x1bf: {  	_ =	shalt  }

// kernel: _run.7.cloned.1.call-start
scs
__scs_entry_jumppad:
0x0: {  	(pc) =	sbr.rel $0x88, $3  }
0x1: {  	(tag) =	ssettag $0x0;
	lr =	simm.s32 $0x1  }
0x2: {  	[smem:$0x3F9A] =	sst lr;
	_ =	strace $0xD0000000  }
0x3: {  	_ = 	snop  }
0x4: {  	_ = 	snop  }
0x5: {  	_ = 	snop  }
0x6: {  	_ = 	snop  }
0x7: {  	_ = 	snop  }
__scs_overlays_trampoline_lowered:
0x8: {  	[smem:$0x3FA9] =	sst s0  }
0x9: {  	[smem:$0x3FAA] =	sst s1  }
0xa: {  	[smem:$0x3FAB] =	sst s2  }
0xb: {  	[smem:$0x3FAC] =	sst s3  }
0xc: {  	[smem:$0x3FAD] =	sst s4  }
0xd: {  	[smem:$0x3FAE] =	sst s5  }
0xe: {  	[smem:$0x3FAF] =	sst s6  }
0xf: {  	[smem:$0x3FB0] =	sst s7  }
0x10: {  	[smem:$0x3FB1] =	sst s8  }
0x11: {  	[smem:$0x3FB2] =	sst s9;
	s0 =	simm.s32 @!p0 $0x0  }
0x12: {  	s1 =	sld [smem:$0x3F98];
	s0 =	simm.s32 @p0 $0x1  }
0x13: {  	[smem:$0x3FB3] =	sst s0;
	s0 =	simm.s32 @!p1 $0x0  }
0x14: {  	s2 =	sld [smem:$0x3F97];
	s0 =	simm.s32 @p1 $0x1  }
0x15: {  	[smem:$0x3FB4] =	sst s0;
	s0 =	simm.s32 @!p2 $0x0  }
0x16: {  	s3 =	sld [smem:$0x3FDB];
	s0 =	simm.s32 @p2 $0x1  }
0x17: {  	s4 =	simm.s32 $0x1BF5;
	[smem:$0x3FB6] =	sst s0  }
0x18: {  	s0 =	sld [smem:$0x3F99];
	_ =	swait.ge [sflag:s4], $0x0  }
0x19: {  	s7 =	sld [smem:$0x3F9A]  }
0x1a: {  	s8 =	sadd.s32 $0xFFFFE003, lr  }
0x1b: {  	s9 =	sadd.s32 $0xFFFFFEF7, lr;
	s5 =	simm.s32 $0xFFFFFFFF;
	p2 =	slt.u32 s8, $0xFFFFF086  }
0x1c: {  	p1 =	slt.u32 s9, $0xF7A;
	s5 =	simm.s32 @!p2 $0x0  }
0x1d: {  	s5 =	simm.s32 @p1 $0x1;
	p0 =	seq.s32 s7, s2  }
0x1e: {  	s7 =	smul.u32 @!p0 $0xF7A, s2;
	p2 =	seq.s32 @!p0 s5, $0x0  }
0x1f: {  	s9 =	smul.u32 $0xF7A, s1;
	s8 =	simm.s32 @!p0 $0x1BF5;
	p2 =	por !p2, p0  }
0x20: {  	[sflag:s8] =	ssyncset.s32 @!p0 $0xFFFFF086;
	s6 =	sadd.s32 @!p0 s3, s7;
	s7 =	simm.s32 @!p0 $0x108  }
0x21: {  	s3 =	sadd.s32 s3, s9;
	s6 =	sadd.s32 @!p0 $0x88, s6;
	s7 =	simm.s32 @p2 $0x1082  }
0x22: {  	[simem:s7], [sflag:s8] =	dma.local @!p0 [hbm:s6], $0xF7A  }
0x23: {  	s9 =	sor.u32 $0xD0000000, s2;
	s6 =	simm.s32 $0x108;
	_ =	swait.ge @!p0 [sflag:s8], $0x0  }
0x24: {  	s3 =	sadd.s32 $0x88, s3;
	s6 =	simm.s32 @!p1 $0x1082;
	[sflag:s4] =	ssyncset.s32 $0xFFFFF086  }
0x25: {  	[simem:s6], [sflag:s4] =	dma.local [hbm:s3], $0xF7A  }
0x26: {  	[smem:$0x3F9A] =	sst s1;
	(tag) =	ssettag s2;
	_ =	strace s9  }
0x27: {  	s1 =	sld [smem:$0x3FAA]  }
0x28: {  	s2 =	sld [smem:$0x3FAB]  }
0x29: {  	s4 =	sld [smem:$0x3FAD]  }
0x2a: {  	p0 =	seq.s32 s5, $0x0;
	s5 =	sld [smem:$0x3FAE]  }
0x2b: {  	s6 =	sld [smem:$0x3FAF]  }
0x2c: {  	s7 =	sld [smem:$0x3FB0]  }
0x2d: {  	s3 =	simm.s32 $0x108;
	s8 =	sld [smem:$0x3FB1]  }
0x2e: {  	s3 =	simm.s32 @!p0 $0x1082;
	s9 =	sld [smem:$0x3FB2]  }
0x2f: {  	lr =	sadd.s32 s0, s3;
	s0 =	sld [smem:$0x3FA9]  }
0x30: {  	s3 =	sld [smem:$0x3FAC]  }
0x31: {  	[smem:$0x3FB5] =	sst s10  }
0x32: {  	s10 =	sld [smem:$0x3FB3];
	_ =	sdelay $0x3  }
0x33: {  	p0 =	seq.s32 s10, $0x1;
	s10 =	sld [smem:$0x3FB5];
	_ =	sdelay $0x3  }
0x34: {  	[smem:$0x3FB5] =	sst s10  }
0x35: {  	s10 =	sld [smem:$0x3FB4];
	_ =	sdelay $0x3  }
0x36: {  	p1 =	seq.s32 s10, $0x1;
	s10 =	sld [smem:$0x3FB5];
	_ =	sdelay $0x3  }
0x37: {  	[smem:$0x3FB5] =	sst s10  }
0x38: {  	s10 =	sld [smem:$0x3FB6]  }
0x39: {  	_ = 	snop;
	(pc) =	sbr.ind lr, $3  }
0x3a: {  	_ = 	snop  }
0x3b: {  	_ = 	snop  }
0x3c: {  	p2 =	seq.s32 s10, $0x1;
	s10 =	sld [smem:$0x3FB5]  }
0x3d: {  	_ =	shalt  }
0x3e: {  	_ =	shalt  }
0x3f: {  	_ =	shalt  }
0x40: {  	_ =	shalt  }
0x41: {  	_ =	shalt  }
0x42: {  	_ =	shalt  }
0x43: {  	_ =	shalt  }
0x44: {  	_ =	shalt  }
0x45: {  	_ =	shalt  }
0x46: {  	_ =	shalt  }
0x47: {  	_ =	shalt  }
0x48: {  	_ =	shalt  }
0x49: {  	_ =	shalt  }
0x4a: {  	_ =	shalt  }
0x4b: {  	_ =	shalt  }
0x4c: {  	_ =	shalt  }
0x4d: {  	_ =	shalt  }
0x4e: {  	_ =	shalt  }
0x4f: {  	_ =	shalt  }
0x50: {  	_ =	shalt  }
0x51: {  	_ =	shalt  }
0x52: {  	_ =	shalt  }
0x53: {  	_ =	shalt  }
0x54: {  	_ =	shalt  }
0x55: {  	_ =	shalt  }
0x56: {  	_ =	shalt  }
0x57: {  	_ =	shalt  }
0x58: {  	_ =	shalt  }
0x59: {  	_ =	shalt  }
0x5a: {  	_ =	shalt  }
0x5b: {  	_ =	shalt  }
0x5c: {  	_ =	shalt  }
0x5d: {  	_ =	shalt  }
0x5e: {  	_ =	shalt  }
0x5f: {  	_ =	shalt  }
0x60: {  	_ =	shalt  }
0x61: {  	_ =	shalt  }
0x62: {  	_ =	shalt  }
0x63: {  	_ =	shalt  }
0x64: {  	_ =	shalt  }
0x65: {  	_ =	shalt  }
0x66: {  	_ =	shalt  }
0x67: {  	_ =	shalt  }
0x68: {  	_ =	shalt  }
0x69: {  	_ =	shalt  }
0x6a: {  	_ =	shalt  }
0x6b: {  	_ =	shalt  }
0x6c: {  	_ =	shalt  }
0x6d: {  	_ =	shalt  }
0x6e: {  	_ =	shalt  }
0x6f: {  	_ =	shalt  }
0x70: {  	_ =	shalt  }
0x71: {  	_ =	shalt  }
0x72: {  	_ =	shalt  }
0x73: {  	_ =	shalt  }
0x74: {  	_ =	shalt  }
0x75: {  	_ =	shalt  }
0x76: {  	_ =	shalt  }
0x77: {  	_ =	shalt  }
0x78: {  	_ =	shalt  }
0x79: {  	_ =	shalt  }
0x7a: {  	_ =	shalt  }
0x7b: {  	_ =	shalt  }
0x7c: {  	_ =	shalt  }
0x7d: {  	_ =	shalt  }
0x7e: {  	_ =	shalt  }
0x7f: {  	_ =	shalt  }
0x80: {  	_ =	shalt  }
0x81: {  	_ =	shalt  }
0x82: {  	_ =	shalt  }
0x83: {  	_ =	shalt  }
0x84: {  	_ =	shalt  }
0x85: {  	_ =	shalt  }
0x86: {  	_ =	shalt  }
0x87: {  	_ =	shalt  }
.Lfunc_end0:
.L_simem_size_0:
called_computation_lowered:
.L_overlay_start_0:
0x88: {  	s2 =	sld [smem:$0x3FD9]  }
0x89: {  	s3 =	sld [smem:$0x3FFE];
	_ =	sdelay $0x1  }
0x8a: {  	s1 =	srdreg.scid  }
0x8b: {  	s0 =	sand.u32 $0x1, s1  }
0x8c: {  	s17 =	sshll.u32 s0, $0xA;
	s2 =	sadd.s32 s3, s2  }
0x8d: {  	s2 =	sadd.s32 s2, s17  }
0x8e: {  	[smem:$0x3FC1] =	sst s2  }
0x8f: {  	_ = 	snop  }
0x90: {  	s2 =	sld [smem:$0x3FD0];
	(tm) =	ssettm $0x1  }
0x91: {  	s18 =	sld [smem:$0x3FFB];
	_ =	sdelay $0x3  }
0x92: {  	_ =	strace s18  }
0x93: {  	s3 =	sld [smem:$0x3FFC];
	_ =	sdelay $0x3  }
0x94: {  	_ =	strace s3  }
0x95: {  	s3 =	sld [smem:$0x3FFD];
	_ =	sdelay $0x3  }
0x96: {  	_ =	strace s3  }
0x97: {  	_ =	strace $0x8FFFFFFF  }
0x98: {  	s19 =	sld [smem:$0x3FDB];
	_ =	sdelay $0x1  }
0x99: {  	s4 =	simm.s32 $_scs_section_size  }
0x9a: {  	s5 =	simm.s32 $_size__tile_overlayer_lowered;
	s6 =	simm.s32 $_tile_overlayer_lowered  }
0x9b: {  	s22 =	simm.s32 $0x1BFF;
	s21 =	sshll.u32 s6, $0x1;
	s3 =	sadd.s32 s4, s19  }
0x9c: {  	s7 =	simm.s32 $0x0;
	s20 =	sshll.u32 s5, $0x1;
	s5 =	sadd.s32 s21, s3  }
0x9d: {  	[timem:s7], [sflag:s22] =	dma.local [hbm:s5], s20  }
0x9e: {  	_ =	swait.ge [sflag:s22], s20  }
0x9f: {  	s4 =	ssub.s32 $0x0, s20;
	[sflag:s22] =	ssyncset.done $0x0  }
0xa0: {  	[sflag:s22] =	ssyncadd.s32 s4;
	_ =	sdelay $0x1  }
0xa1: {  	s23 =	simm.s32 $0x1B8B  }
0xa2: {  	_ =	swait.ge [sflag:s23], $0x1  }
0xa3: {  	[sflag:s23] =	ssyncset.done $0x0  }
0xa4: {  	s25 =	simm.s32 $0x1B8E;
	s24 =	sld [smem:$0x3FFE];
	[sflag:s23] =	ssyncadd.s32 $0xFFFFFFFF  }
0xa5: {  	s26 =	simm.s32 $execute0_lowered;
	[smem:$0x3FD2] =	sst s25  }
0xa6: {  	s5 =	sshll.u32 s26, $0x1;
	_ =	strace $0x80000046;
	[dreg:$0x1] =	wrdreg $0xFFFFFFFF  }
0xa7: {  	s28 =	simm.s32 $_size_execute0_lowered;
	s3 =	sadd.s32 s3, s5;
	[dreg:$0x0] =	wrdreg $0x0  }
0xa8: {  	s5 =	sshll.u32 s28, $0x1;
	[dreg:$0x2] =	wrdreg s3  }
0xa9: {  	[dreg:$0x3] =	wrdreg s5  }
0xaa: {  	[dreg:$0x4] =	wrdreg $0xC0  }
0xab: {  	_ =	task [dreg:s7], $0x5FFFF  }
0xac: {  	[dreg:$0x1] =	wrdreg $0xFFFFFFFF  }
0xad: {  	[dreg:$0x0] =	wrdreg $0x60  }
0xae: {  	[dreg:$0x2] =	wrdreg s24  }
0xaf: {  	[dreg:$0x3] =	wrdreg s2  }
0xb0: {  	[dreg:$0x4] =	wrdreg $0x84000  }
0xb1: {  	[dreg:$0x5] =	wrdreg $0x9  }
0xb2: {  	_ =	task.clear_ibuf [dreg:s7], $0x6FFFF;
	_ =	strace $0x90000046  }
0xb3: {  	s29 =	simm.s32 $0x9;
	_ =	strace $0x80000048  }
0xb4: {  	_ =	swait.ge [sflag:s29], $0x1  }
0xb5: {  	[sflag:s29] =	ssyncadd.s32 $0xFFFFFFFF  }
0xb6: {  	_ =	strace $0x90000048  }
0xb7: {  	_ =	sfence  }
0xb8: {  	s30 =	sld [smem:$0x0];
	_ =	sdelay $0x2  }
0xb9: {  	s31 =	sshll.u32 s1, $0xD;
	s1 =	sshrl.u32 s1, $0x2  }
0xba: {  	s3 =	sand.u32 $0x4000, s31;
	s1 =	sadd.s32 s1, s30  }
0xbb: {  	s0 =	sor.u32 s3, s0;
	s1 =	sshll.u32 s1, $0x11  }
0xbc: {  	s0 =	sor.u32 s1, s0  }
0xbd: {  	s0 =	sadd.s32 $0x8F2B, s0  }
0xbe: {  	[sflag:s0] =	ssyncadd.remote.s32 $0x1  }
0xbf: {  	_ =	sfence.sel $0xFFFF  }
0xc0: {  	[dreg:$0x0] =	wrdreg $0xFFFFFFFF;
	(pc) =	sbr.abs _section_cstart, $3  }
0xc1: {  	[dreg:$0x1] =	wrdreg $0xFFFFFFFF  }
0xc2: {  	_ =	task.clear_ibuf [dreg:s7], $0x2FFFF;
	_ =	strace $0x9FFFFFFF  }
0xc3: {  	(tm) =	ssettm $0x7FFFFFFF  }
tec
execute0_lowered:
.L_overlay_start_1:
0x0: {  	(tag) =	ssettag $0x1  }
0x1: {  	s0 =	rddreg [dreg:$0x0]  }
0x2: {  	s1 =	rddreg [dreg:$0x1]  }
0x3: {  	s3 =	rddreg [dreg:$0x2]  }
0x4: {  	s4 =	simm.s32 $0x0;
	s17 =	stileid.u32;
	s2 =	srdreg.scid  }
0x5: {  	[smem:$0x7FF] =	sst s4;
	s8 =	smul.u32 $0x4E000, s17;
	s5 =	sadd.s32 $0x11000, s0  }
0x6: {  	s6 =	sadd.s32 $0x9000, s0;
	s2 =	sand.u32 $0x1, s2;
	s7 =	sadd.s32 $0x1000, s0  }
0x7: {  	s0 =	sadd.s32 $0x21000, s0;
	s22 =	smul.u32 $0x2700, s17;
	s28 =	sshll.u32 s17, $0xB  }
0x8: {  	p0 =	sne.s32 s17, $0xF;
	s29 =	sadd.s32 $0x138000, s3;
	_ =	strace $0x80000047  }
0x9: {  	s9 =	ssub.s32 $0x2, s2;
	s12 =	sshll.u32 s2, $0x12;
	s18 =	smul.u32 $0x27100, s2  }
0xa: {  	s15 =	sadd.s32 s6, s28;
	s19 =	sor.u32 $0x10, s28;
	s2 =	smul.u32 $0x138800, s2  }
0xb: {  	s8 =	sshrl.u32 s8, $0x2;
	[dreg:$0x9] =	wrdreg s15;
	s15 =	sadd.s32 s7, s28  }
0xc: {  	s10 =	sshrl.u32 s9, $0x1;
	s20 =	sadd.s32 s6, s19;
	[dreg:$0xa] =	wrdreg s15  }
0xd: {  	s21 =	sadd.s32 s7, s19;
	s8 =	sadd.s32 s8, s3;
	[dreg:$0xb] =	wrdreg s20  }
0xe: {  	s9 =	ssub.s32 s9, s10;
	s10 =	sadd.s32 s22, s18;
	[dreg:$0xc] =	wrdreg s21  }
0xf: {  	s22 =	sor.u32 $0x20, s28;
	s2 =	sshrl.u32 s2, $0x3;
	s11 =	sadd.s32 $0x2800, s8  }
0x10: {  	s15 =	simm.s32 $0xA;
	s23 =	sadd.s32 $0x5000, s8;
	[dreg:$0x4] =	wrdreg s11  }
0x11: {  	s18 =	simm.s32 $0x0;
	s13 =	sadd.s32 $0x7800, s8;
	[dreg:$0x5] =	wrdreg s23  }
0x12: {  	s24 =	sadd.s32 $0xA000, s8;
	s25 =	sadd.s32 $0xC800, s8;
	[dreg:$0x6] =	wrdreg s13  }
0x13: {  	s10 =	sadd.s32 s0, s10;
	s0 =	sadd.s32 s0, s2;
	[dreg:$0x7] =	wrdreg s24  }
0x14: {  	s28 =	sadd.s32 $0x11800, s8;
	s2 =	simm.s32 $0xD;
	[dreg:$0x8] =	wrdreg s25  }
0x15: {  	s11 =	sshll.u32 s17, $0xE;
	[dreg:$0xd] =	wrdreg s10;
	s23 =	sadd.s32 s6, s22  }
0x16: {  	s24 =	sadd.s32 s7, s22;
	s0 =	sadd.s32 $0x27000, s0;
	[dreg:$0x13] =	wrdreg s28  }
0x17: {  	s25 =	smax.u32 s9, $0x1;
	s9 =	simm.s32 $0x800;
	[dreg:$0xe] =	wrdreg s23  }
0x18: {  	s10 =	simm.s32 $0x1;
	s13 =	simm.s32 $0xC;
	[dreg:$0xf] =	wrdreg s24  }
0x19: {  	s17 =	simm.s32 $0xB;
	s14 =	sor.u32 s11, s12;
	[dreg:$0x10] =	wrdreg s0  }
0x1a: {  	[dreg:$0x11] =	wrdreg s25;
	s0 =	simm.s32 $0xC00;
	s26 =	sshrl.u32 s14, $0x3  }
0x1b: {  	s12 =	simm.s32 $0x50;
	s16 =	sadd.s32 s5, s26;
	s26 =	sadd.s32 $0xF000, s8  }
0x1c: {  	v0 =	vimm.f32 $0.0e+00;
	[dreg:$0x12] =	wrdreg s26;
	s30 =	sadd.s32 $0x10, s16;
	s31 =	sadd.s32 $0x20, s16  }
.LBB2_1:
0x1d: {  	s19 =	simm.s32 $0x0;
	s20 =	simm.s32 $0x200  }
.LBB2_2:
0x1e: {  	p1 =	sne.s32 s20, $0x9E00;
	[tilespmem:s19+$0xC70] =	vst v0  }
0x1f: {  	[tilespmem:s19+$0xC00] =	vst v0  }
0x20: {  	[tilespmem:s19+$0xC10] =	vst v0  }
.Ltmp0:
0x21: {  	[tilespmem:s19+$0xC20] =	vst v0;
	(pc) =	sbr.rel @p1 .LBB2_2-.Ltmp0, $4  }
0x22: {  	[tilespmem:s19+$0xC30] =	vst v0  }
0x23: {  	[tilespmem:s19+$0xC40] =	vst v0  }
0x24: {  	[tilespmem:s19+$0xC50] =	vst v0  }
0x25: {  	[tilespmem:s19+$0xC60] =	vst v0;
	s19 =	sshra.s32 s20, $0x2;
	s20 =	sadd.s32 $0x200, s20  }
0x26: {  	[tilespmem:s19+$0xC70] =	vst v0  }
0x27: {  	[tilespmem:s19+$0xC00] =	vst v0  }
0x28: {  	[tilespmem:s19+$0xC10] =	vst v0  }
0x29: {  	[tilespmem:s19+$0xC20] =	vst v0  }
0x2a: {  	[tilespmem:s19+$0xC30] =	vst v0  }
0x2b: {  	[tilespmem:s19+$0xC40] =	vst v0  }
0x2c: {  	[tilespmem:s19+$0xC50] =	vst v0  }
0x2d: {  	[tilespmem:s19+$0xC60] =	vst v0  }
0x2e: {  	[spmem:s8] =	stream.linear.scatter [tilespmem:s0], [sflag:$0xD], $0x2800, $0x38;
	[tilespmem:$0x1BC80] =	vst v63  }
0x2f: {  	_ =	swait.ge [sflag:s2], $0x2800  }
0x30: {  	[sflag:s2] =	ssyncset.done $0x0  }
0x31: {  	s25 =	rddreg [dreg:$0x4];
	[sflag:s2] =	ssyncadd.s32 $0xFFFFD800  }
0x32: {  	[spmem:s25] =	stream.linear.scatter [tilespmem:s0], [sflag:$0xD], $0x2800, $0x38;
	[tilespmem:$0x1BC80] =	vst v63  }
0x33: {  	_ =	swait.ge [sflag:s2], $0x2800  }
0x34: {  	[sflag:s2] =	ssyncset.done $0x0  }
0x35: {  	s26 =	rddreg [dreg:$0x5];
	[sflag:s2] =	ssyncadd.s32 $0xFFFFD800  }
0x36: {  	[spmem:s26] =	stream.linear.scatter [tilespmem:s0], [sflag:$0xD], $0x2800, $0x38;
	[tilespmem:$0x1BC80] =	vst v63  }
0x37: {  	_ =	swait.ge [sflag:s2], $0x2800  }
0x38: {  	[sflag:s2] =	ssyncset.done $0x0  }
0x39: {  	s28 =	rddreg [dreg:$0x6];
	[sflag:s2] =	ssyncadd.s32 $0xFFFFD800  }
0x3a: {  	[spmem:s28] =	stream.linear.scatter [tilespmem:s0], [sflag:$0xD], $0x2800, $0x38;
	[tilespmem:$0x1BC80] =	vst v63  }
0x3b: {  	_ =	swait.ge [sflag:s2], $0x2800  }
0x3c: {  	[sflag:s2] =	ssyncset.done $0x0  }
0x3d: {  	s20 =	rddreg [dreg:$0x7];
	[sflag:s2] =	ssyncadd.s32 $0xFFFFD800  }
0x3e: {  	[spmem:s20] =	stream.linear.scatter [tilespmem:s0], [sflag:$0xD], $0x2800, $0x38;
	[tilespmem:$0x1BC80] =	vst v63  }
0x3f: {  	_ =	swait.ge [sflag:s2], $0x2800  }
0x40: {  	[sflag:s2] =	ssyncset.done $0x0  }
0x41: {  	s21 =	rddreg [dreg:$0x8];
	[sflag:s2] =	ssyncadd.s32 $0xFFFFD800  }
0x42: {  	[spmem:s21] =	stream.linear.scatter [tilespmem:s0], [sflag:$0xD], $0x2800, $0x38;
	[tilespmem:$0x1BC80] =	vst v63  }
0x43: {  	_ =	swait.ge [sflag:s2], $0x2800  }
0x44: {  	[sflag:s2] =	ssyncset.done $0x0  }
0x45: {  	s22 =	rddreg [dreg:$0x12];
	[sflag:s2] =	ssyncadd.s32 $0xFFFFD800  }
0x46: {  	[spmem:s22] =	stream.linear.scatter [tilespmem:s0], [sflag:$0xD], $0x2800, $0x38;
	[tilespmem:$0x1BC80] =	vst v63  }
0x47: {  	_ =	swait.ge [sflag:s2], $0x2800  }
0x48: {  	[sflag:s2] =	ssyncset.done $0x0  }
0x49: {  	s23 =	rddreg [dreg:$0x13];
	[sflag:s2] =	ssyncadd.s32 $0xFFFFD800  }
0x4a: {  	[spmem:s23] =	stream.linear.scatter [tilespmem:s0], [sflag:$0xD], $0x2000, $0x38;
	[tilespmem:$0x1BC80] =	vst v63  }
0x4b: {  	_ =	swait.ge [sflag:s2], $0x2000  }
0x4c: {  	[sflag:s2] =	ssyncset.done $0x0  }
0x4d: {  	s19 =	simm.s32 @!p0 $0xC00;
	[sflag:s2] =	ssyncadd.s32 $0xFFFFE000  }
0x4e: {  	[spmem:s29] =	stream.linear.scatter @!p0 [tilespmem:s19], [sflag:$0xD], $0x800, $0x38;
	[tilespmem:$0x1BC80] =	vst v63  }
0x4f: {  	s19 =	simm.s32 @!p0 $0xD  }
0x50: {  	_ =	swait.ge @!p0 [sflag:s19], $0x800  }
0x51: {  	[sflag:s19] =	ssyncset.done @!p0 $0x0  }
0x52: {  	[sflag:s19] =	ssyncadd.s32 @!p0 $0xFFFFF800  }
0x53: {  	s19 =	simm.s32 $0x0;
	[bflag:$0x0] =	sbarrier.arrive $0xFFFF  }
0x54: {  	[tilespmem:s19], [sflag:$0x1] =	stream.linear.gather [hbm4b:s16+s19], $0x80, $0x38;
	[tilespmem:$0x1BC80] =	vst v63  }
0x55: {  	s21 =	simm.s32 $0x400;
	s20 =	rddreg [dreg:$0x9]  }
0x56: {  	[tilespmem:s21], [sflag:$0x1] =	stream.linear.gather [hbm4b:s20+s19], $0x80, $0x38;
	[tilespmem:$0x1BC80] =	vst v63  }
0x57: {  	s24 =	rddreg [dreg:$0xa]  }
0x58: {  	[tilespmem:s9], [sflag:$0x1] =	stream.linear.gather [hbm4b:s24+s19], $0x80, $0x38;
	[tilespmem:$0x1BC80] =	vst v63  }
0x59: {  	s25 =	simm.s32 $0x80  }
0x5a: {  	[tilespmem:s25], [sflag:$0x2] =	stream.linear.gather [hbm4b:s30+s19], $0x80, $0x38;
	[tilespmem:$0x1BC80] =	vst v63  }
0x5b: {  	s28 =	simm.s32 $0x480;
	s26 =	rddreg [dreg:$0xb]  }
0x5c: {  	[tilespmem:s28], [sflag:$0x2] =	stream.linear.gather [hbm4b:s26+s19], $0x80, $0x38;
	[tilespmem:$0x1BC80] =	vst v63  }
0x5d: {  	s22 =	simm.s32 $0x880;
	s21 =	rddreg [dreg:$0xc]  }
0x5e: {  	[tilespmem:s22], [sflag:$0x2] =	stream.linear.gather [hbm4b:s21+s19], $0x80, $0x38;
	[tilespmem:$0x1BC80] =	vst v63  }
0x5f: {  	s23 =	simm.s32 $0x100  }
0x60: {  	[tilespmem:s23], [sflag:$0x3] =	stream.linear.gather [hbm4b:s31+s19], $0x80, $0x38;
	[tilespmem:$0x1BC80] =	vst v63  }
0x61: {  	s24 =	rddreg [dreg:$0xe];
	s25 =	simm.s32 $0x500  }
0x62: {  	[tilespmem:s25], [sflag:$0x3] =	stream.linear.gather [hbm4b:s24+s19], $0x80, $0x38;
	[tilespmem:$0x1BC80] =	vst v63  }
0x63: {  	s26 =	rddreg [dreg:$0xf];
	s28 =	simm.s32 $0x900  }
0x64: {  	[tilespmem:s28], [sflag:$0x3] =	stream.linear.gather [hbm4b:s26+s19], $0x80, $0x38;
	[tilespmem:$0x1BC80] =	vst v63  }
0x65: {  	_ =	swait.ge [sflag:s10], $0x80  }
0x66: {  	[sflag:s10] =	ssyncset.done $0x0  }
0x67: {  	[sflag:s10] =	ssyncadd.s32 $0xFFFFFF80  }
0x68: {  	_ =	swait.ge [sflag:s10], $0x80  }
0x69: {  	[sflag:s10] =	ssyncset.done $0x0  }
0x6a: {  	[sflag:s10] =	ssyncadd.s32 $0xFFFFFF80  }
0x6b: {  	_ =	swait.ge [sflag:s10], $0x80  }
0x6c: {  	[sflag:s10] =	ssyncset.done $0x0  }
0x6d: {  	s25 =	simm.s32 $0xFF0;
	[sflag:s10] =	ssyncadd.s32 $0xFFFFFF80  }
0x6e: {  	[tilespmem:s0], [sflag:$0x7] =	stream.indirect.gather [hbm4b:s1+s12], $0x80, s19, s12, $0xb8;
	[tilespmem:$0x1BC80] =	vst v63  }
.LBB2_4:
0x6f: {  	p1 =	seq.s32 s19, $0x7C  }
.Ltmp1:
0x70: {  	_ = 	snop;
	(pc) =	sbr.rel @p1 .LBB2_9-.Ltmp1, $2  }
0x71: {  	_ =	sdelay $0x2  }
0x72: {  	s20 =	sadd.s32 $0x1, s19  }
0x73: {  	s22 =	smul.u32 $0xAB, s20;
	_ =	sdelay $0x1  }
0x74: {  	s21 =	sshrl.u32 s22, $0xA  }
0x75: {  	s21 =	sand.u32 $0x3F, s21  }
0x76: {  	s21 =	smul.u32 $0x6, s21;
	_ =	sdelay $0x1  }
0x77: {  	s21 =	ssub.s32 s20, s21  }
0x78: {  	s21 =	sand.u32 $0xFF, s21  }
0x79: {  	s23 =	sadd.s32 $0x1, s21  }
0x7a: {  	_ =	swait.ge [sflag:s23], $0x80  }
0x7b: {  	[sflag:s23] =	ssyncset.done $0x0  }
0x7c: {  	[sflag:s23] =	ssyncadd.s32 $0xFFFFFF80  }
0x7d: {  	p1 =	sgt.u32 s19, $0x1;
	_ =	swait.ge [sflag:s23], $0x80  }
.Ltmp2:
0x7e: {  	[sflag:s23] =	ssyncset.done $0x0;
	(pc) =	sbr.rel @!p1 .LBB2_6-.Ltmp2, $4  }
0x7f: {  	[sflag:s23] =	ssyncadd.s32 $0xFFFFFF80  }
0x80: {  	_ =	swait.ge [sflag:s23], $0x80  }
0x81: {  	[sflag:s23] =	ssyncset.done $0x0  }
0x82: {  	s21 =	sshll.u32 s21, $0x7;
	[sflag:s23] =	ssyncadd.s32 $0xFFFFFF80  }
0x83: {  	s23 =	sadd.s32 $0xFFFFFFFE, s19  }
0x84: {  	s24 =	sand.u32 $0xFF, s23  }
0x85: {  	s22 =	sshrl.u32 s22, $0x9;
	s24 =	smul.u32 $0xAB, s24  }
0x86: {  	s22 =	sand.u32 $0x7F, s22  }
0x87: {  	s22 =	smul.u32 $0x3, s22;
	s24 =	sshrl.u32 s24, $0x9  }
0x88: {  	s24 =	smul.u32 $0x3, s24  }
0x89: {  	s22 =	ssub.s32 s20, s22  }
0x8a: {  	s22 =	sand.u32 $0xFF, s22;
	s23 =	ssub.s32 s23, s24  }
0x8b: {  	p1 =	sgt.u32 s19, $0x79;
	s26 =	smul.u32 $0xA000, s22;
	s23 =	sand.u32 $0xFF, s23  }
.Ltmp3:
0x8c: {  	s23 =	sadd.s32 $0xA, s23;
	(pc) =	sbr.rel @p1 .LBB2_9-.Ltmp3, $4  }
.Ltmp4:
0x8d: {  	_ =	swait.ge [sflag:s23], $0x2800;
	(pc) =	sbr.rel @!p1 .LBB2_8-.Ltmp4, $4  }
0x8e: {  	s24 =	sshrl.u32 s26, $0x2;
	[sflag:s23] =	ssyncset.done $0x0  }
0x8f: {  	s22 =	sadd.s32 $0x7, s22;
	s28 =	sadd.s32 $0xC00, s24;
	[sflag:s23] =	ssyncadd.s32 $0xFFFFD800  }
0x90: {  	[tilespmem:s28], [sflag:s22] =	stream.indirect.gather [hbm4b:s1+s12], $0x80, s21, s12, $0xb8;
	[tilespmem:$0x1BC80] =	vst v63  }
0x91: {  	_ = 	snop  }
.LBB2_6:
0x92: {  	s22 =	smul.u32 $0xA000, s20;
	_ =	sdelay $0x1  }
0x93: {  	s22 =	sshra.s32 s22, $0x2  }
0x94: {  	s23 =	sadd.s32 $0x7, s20;
	s22 =	sadd.s32 $0xC00, s22  }
0x95: {  	[tilespmem:s22], [sflag:s23] =	stream.indirect.gather [hbm4b:s1+s12], $0x80, s21, s12, $0xb8;
	[tilespmem:$0x1BC80] =	vst v63  }
.LBB2_8:
0x96: {  	s21 =	sadd.s32 $0x3, s19  }
0x97: {  	s22 =	smul.u32 $0xAB, s21;
	_ =	sdelay $0x1  }
0x98: {  	s22 =	sshrl.u32 s22, $0xA  }
0x99: {  	s23 =	sshll.u32 s21, $0x7;
	s22 =	sand.u32 $0x3F, s22  }
0x9a: {  	s24 =	sand.u32 $0x7C00, s23;
	s22 =	smul.u32 $0x6, s22  }
0x9b: {  	s23 =	sand.u32 $0x380, s23;
	s26 =	sadd.s32 s14, s24  }
0x9c: {  	s26 =	sor.u32 s23, s26;
	s21 =	ssub.s32 s21, s22  }
0x9d: {  	s28 =	sadd.s32 s11, s24;
	s22 =	sshrl.u32 s26, $0x3;
	s21 =	sand.u32 $0xFF, s21  }
0x9e: {  	s22 =	sadd.s32 s5, s22;
	s26 =	sadd.s32 $0x1, s21;
	s21 =	sshll.u32 s21, $0x7  }
0x9f: {  	[tilespmem:s21], [sflag:s26] =	stream.linear.gather [hbm4b:s22+s4], $0x80, $0x38;
	[tilespmem:$0x1BC80] =	vst v63  }
0xa0: {  	s22 =	sor.u32 s23, s28  }
0xa1: {  	s22 =	sshrl.u32 s22, $0x3  }
0xa2: {  	s24 =	sor.u32 $0x400, s21;
	s28 =	sadd.s32 s6, s22  }
0xa3: {  	[tilespmem:s24], [sflag:s26] =	stream.linear.gather [hbm4b:s28+s4], $0x80, $0x38;
	[tilespmem:$0x1BC80] =	vst v63  }
0xa4: {  	s21 =	sor.u32 $0x800, s21;
	s22 =	sadd.s32 s7, s22  }
0xa5: {  	[tilespmem:s21], [sflag:s26] =	stream.linear.gather [hbm4b:s22+s4], $0x80, $0x38;
	[tilespmem:$0x1BC80] =	vst v63  }
.LBB2_9:
0xa6: {  	s22 =	smul.u32 $0xAB, s19;
	_ =	sdelay $0x1  }
0xa7: {  	s21 =	sshrl.u32 s22, $0xA  }
0xa8: {  	s21 =	sand.u32 $0x3F, s21  }
0xa9: {  	s21 =	smul.u32 $0x6, s21;
	_ =	sdelay $0x1  }
0xaa: {  	s23 =	simm.s32 $0x0;
	s26 =	simm.s32 $0x1;
	s21 =	ssub.s32 s19, s21  }
0xab: {  	s24 =	simm.s32 $0x2;
	v1 =	vmov s23;
	v2 =	vmov s26;
	s22 =	sshrl.u32 s22, $0x9;
	s21 =	sand.u32 $0xFF, s21  }
0xac: {  	v3 =	vmov s24;
	s26 =	simm.s32 $0x3;
	v1 =	vand.u32 $0x78, v1;
	v2 =	vand.u32 $0x79, v2;
	s22 =	sand.u32 $0x7F, s22;
	s21 =	sshll.u32 s21, $0x7  }
0xad: {  	s24 =	simm.s32 $0x4;
	v3 =	vand.u32 $0x7A, v3;
	v5 =	vmov s26;
	s22 =	smul.u32 $0x3, s22;
	v4 =	vmov s21  }
0xae: {  	v6 =	vmov s24;
	v5 =	vand.u32 $0x7B, v5;
	v1 =	vor.u32 v4, v1  }
0xaf: {  	s26 =	simm.s32 $0x5;
	v6 =	vand.u32 $0x7C, v6;
	s22 =	ssub.s32 s19, s22;
	v2 =	vor.u32 v4, v2;
	v1 =	vbroadcast v1, $0x0  }
0xb0: {  	v7 =	vmov s26;
	s22 =	sand.u32 $0xFF, s22;
	v3 =	vor.u32 v4, v3;
	v2 =	vbroadcast v2, $0x0  }
0xb1: {  	s26 =	simm.s32 $0x6;
	v7 =	vand.u32 $0x7D, v7;
	s19 =	smulhi.u32 $0xAAAAAAAB, s19;
	s24 =	sadd.s32 $0x7, s22;
	v5 =	vor.u32 v4, v5;
	v3 =	vbroadcast v3, $0x0  }
0xb2: {  	v8 =	vmov s26;
	_ =	swait.ge [sflag:s24], $0x2800;
	v6 =	vor.u32 v4, v6;
	v5 =	vbroadcast v5, $0x0  }
0xb3: {  	v8 =	vand.u32 $0x7E, v8;
	s19 =	sshrl.u32 s19, $0x1;
	[sflag:s24] =	ssyncset.done $0x0;
	v7 =	vor.u32 v4, v7;
	v6 =	vbroadcast v6, $0x0  }
0xb4: {  	s26 =	simm.s32 $0x7;
	s19 =	smul.u32 $0xFFFE2000, s19;
	[sflag:s24] =	ssyncadd.s32 $0xFFFFD800;
	v12 =	vbroadcast v7, $0x0;
	v7 =	vor.u32 v4, v8  }
0xb5: {  	v8 =	vmov s26;
	v13 =	vbroadcast v7, $0x0;
	v10 =	vld.idx.msk [tilespmem:v1+s9+$0x0], $0xffff  }
0xb6: {  	s19 =	sshra.s32 s19, $0x2;
	v1 =	vand.u32 $0x7F, v8;
	v9 =	vld.idx.msk [tilespmem:v2+s9+$0x0], $0xffff  }
0xb7: {  	v7 =	vld.idx.msk [tilespmem:v3+s9+$0x0], $0xffff;
	v2 =	vor.u32 v4, v1;
	v1 =	vmov s19  }
0xb8: {  	v11 =	vld.idx.msk [tilespmem:v5+s9+$0x0], $0xffff;
	v2 =	vbroadcast v2, $0x0  }
0xb9: {  	v8 =	vld.idx.msk [tilespmem:v6+s9+$0x0], $0xffff  }
0xba: {  	v6 =	vld.idx.msk [tilespmem:v12+s9+$0x0], $0xffff  }
0xbb: {  	v5 =	vld.idx.msk [tilespmem:v13+s9+$0x0], $0xffff  }
0xbc: {  	s24 =	simm.s32 $0x8;
	v12 =	vld.idx.msk [tilespmem:v1+s25+$0xFFFFFF90 ss:$0x1], $0xffff  }
0xbd: {  	v3 =	vmov s24;
	v14 =	vld.idx.msk [tilespmem:v1+s25+$0xFFFFFC90 ss:$0x1], $0xffff  }
0xbe: {  	v3 =	vand.u32 $0x78, v3;
	v13 =	vld.idx.msk [tilespmem:v2+s9+$0x0], $0xffff  }
0xbf: {  	v2 =	vor.u32 v4, v3;
	v3 =	vld.idx.msk [tilespmem:v1+s25+$0xFFFFFC10 ss:$0x1], $0xffff  }
0xc0: {  	v16 =	vld.idx.msk [tilespmem:v1+s25+$0xFFFFFD90 ss:$0x1], $0xffff;
	v2 =	vbroadcast v2, $0x0  }
0xc1: {  	v15 =	vld.idx.msk [tilespmem:v1+s25+$0xFFFFFD10 ss:$0x1], $0xffff  }
0xc2: {  	v18 =	vld.idx.msk [tilespmem:v1+s25+$0xFFFFFE90 ss:$0x1], $0xffff;
	v14 =	vmul.f32 v14, v9  }
0xc3: {  	v17 =	vld.idx.msk [tilespmem:v1+s25+$0xFFFFFE10 ss:$0x1], $0xffff;
	v12 =	vmul.f32 v12, v13  }
0xc4: {  	v19 =	vld.idx.msk [tilespmem:v1+s25+$0xFFFFFF10 ss:$0x1], $0xffff;
	v3 =	vmul.f32 v3, v10;
	[tilespmem:v1+s25+$0xFFFFFC90 ss:$0x1] =	vst.idx.msk $0xffff, v14  }
0xc5: {  	s26 =	simm.s32 $0x9;
	v14 =	vmul.f32 v16, v11;
	v16 =	vld.idx.msk [tilespmem:v1+s25+$0xFFFFFCA0 ss:$0x1], $0xffff;
	[tilespmem:v1+s25+$0xFFFFFF90 ss:$0x1] =	vst.idx.msk $0xffff, v12  }
0xc6: {  	v20 =	vmov s26;
	v2 =	vld.idx.msk [tilespmem:v2+s9+$0x0], $0xffff;
	[tilespmem:v1+s25+$0xFFFFFC10 ss:$0x1] =	vst.idx.msk $0xffff, v3;
	v3 =	vmul.f32 v15, v7  }
0xc7: {  	v12 =	vand.u32 $0x79, v20;
	[tilespmem:v1+s25+$0xFFFFFD90 ss:$0x1] =	vst.idx.msk $0xffff, v14;
	v14 =	vmul.f32 v18, v6;
	v15 =	vld.idx.msk [tilespmem:v1+s25+$0xFFFFFFA0 ss:$0x1], $0xffff  }
0xc8: {  	v12 =	vor.u32 v4, v12;
	v20 =	vld.idx.msk [tilespmem:v1+s25+$0xFFFFFC20 ss:$0x1], $0xffff;
	[tilespmem:v1+s25+$0xFFFFFD10 ss:$0x1] =	vst.idx.msk $0xffff, v3;
	v3 =	vmul.f32 v17, v8  }
0xc9: {  	v18 =	vld.idx.msk [tilespmem:v1+s25+$0xFFFFFDA0 ss:$0x1], $0xffff;
	v12 =	vbroadcast v12, $0x0;
	[tilespmem:v1+s25+$0xFFFFFE90 ss:$0x1] =	vst.idx.msk $0xffff, v14  }
0xca: {  	v17 =	vld.idx.msk [tilespmem:v1+s25+$0xFFFFFD20 ss:$0x1], $0xffff;
	[tilespmem:v1+s25+$0xFFFFFE10 ss:$0x1] =	vst.idx.msk $0xffff, v3;
	v3 =	vmul.f32 v19, v5  }
0xcb: {  	v14 =	vld.idx.msk [tilespmem:v1+s25+$0xFFFFFEA0 ss:$0x1], $0xffff;
	v16 =	vmul.f32 v16, v9  }
0xcc: {  	v19 =	vld.idx.msk [tilespmem:v1+s25+$0xFFFFFE20 ss:$0x1], $0xffff;
	[tilespmem:v1+s25+$0xFFFFFF10 ss:$0x1] =	vst.idx.msk $0xffff, v3;
	v15 =	vmul.f32 v15, v13  }
0xcd: {  	v20 =	vmul.f32 v20, v10;
	[tilespmem:v1+s25+$0xFFFFFCA0 ss:$0x1] =	vst.idx.msk $0xffff, v16;
	v21 =	vld.idx.msk [tilespmem:v1+s25+$0xFFFFFF20 ss:$0x1], $0xffff  }
0xce: {  	s23 =	simm.s32 $0xA;
	v16 =	vmul.f32 v18, v11;
	v18 =	vld.idx.msk [tilespmem:v1+s25+$0xFFFFFCB0 ss:$0x1], $0xffff;
	[tilespmem:v1+s25+$0xFFFFFFA0 ss:$0x1] =	vst.idx.msk $0xffff, v15  }
0xcf: {  	v3 =	vld.idx.msk [tilespmem:v12+s9+$0x0], $0xffff;
	v12 =	vmov s23;
	[tilespmem:v1+s25+$0xFFFFFC20 ss:$0x1] =	vst.idx.msk $0xffff, v20;
	v15 =	vmul.f32 v17, v7  }
0xd0: {  	[tilespmem:v1+s25+$0xFFFFFDA0 ss:$0x1] =	vst.idx.msk $0xffff, v16;
	v14 =	vmul.f32 v14, v6;
	v12 =	vand.u32 $0x7A, v12;
	v17 =	vld.idx.msk [tilespmem:v1+s25+$0xFFFFFFB0 ss:$0x1], $0xffff  }
0xd1: {  	v20 =	vld.idx.msk [tilespmem:v1+s25+$0xFFFFFC30 ss:$0x1], $0xffff;
	v12 =	vor.u32 v4, v12;
	[tilespmem:v1+s25+$0xFFFFFD20 ss:$0x1] =	vst.idx.msk $0xffff, v15;
	v15 =	vmul.f32 v19, v8  }
0xd2: {  	v16 =	vld.idx.msk [tilespmem:v1+s25+$0xFFFFFDB0 ss:$0x1], $0xffff;
	[tilespmem:v1+s25+$0xFFFFFEA0 ss:$0x1] =	vst.idx.msk $0xffff, v14;
	v12 =	vbroadcast v12, $0x0  }
0xd3: {  	v19 =	vld.idx.msk [tilespmem:v1+s25+$0xFFFFFD30 ss:$0x1], $0xffff;
	[tilespmem:v1+s25+$0xFFFFFE20 ss:$0x1] =	vst.idx.msk $0xffff, v15;
	v15 =	vmul.f32 v21, v5  }
0xd4: {  	v14 =	vld.idx.msk [tilespmem:v1+s25+$0xFFFFFEB0 ss:$0x1], $0xffff;
	v18 =	vmul.f32 v18, v9  }
0xd5: {  	v21 =	vld.idx.msk [tilespmem:v1+s25+$0xFFFFFE30 ss:$0x1], $0xffff;
	[tilespmem:v1+s25+$0xFFFFFF20 ss:$0x1] =	vst.idx.msk $0xffff, v15;
	v15 =	vmul.f32 v17, v13  }
0xd6: {  	v17 =	vmul.f32 v20, v10;
	[tilespmem:v1+s25+$0xFFFFFCB0 ss:$0x1] =	vst.idx.msk $0xffff, v18;
	v20 =	vld.idx.msk [tilespmem:v1+s25+$0xFFFFFF30 ss:$0x1], $0xffff  }
0xd7: {  	s24 =	simm.s32 $0xB;
	v16 =	vmul.f32 v16, v11;
	v18 =	vld.idx.msk [tilespmem:v1+s25+$0xFFFFFCC0 ss:$0x1], $0xffff;
	[tilespmem:v1+s25+$0xFFFFFFB0 ss:$0x1] =	vst.idx.msk $0xffff, v15  }
0xd8: {  	v22 =	vmov s24;
	[tilespmem:v1+s25+$0xFFFFFC30 ss:$0x1] =	vst.idx.msk $0xffff, v17;
	v17 =	vmul.f32 v19, v7;
	v12 =	vld.idx.msk [tilespmem:v12+s9+$0x0], $0xffff  }
0xd9: {  	v15 =	vand.u32 $0x7B, v22;
	[tilespmem:v1+s25+$0xFFFFFDB0 ss:$0x1] =	vst.idx.msk $0xffff, v16;
	v14 =	vmul.f32 v14, v6;
	v19 =	vld.idx.msk [tilespmem:v1+s25+$0xFFFFFFC0 ss:$0x1], $0xffff  }
0xda: {  	v15 =	vor.u32 v4, v15;
	v22 =	vld.idx.msk [tilespmem:v1+s25+$0xFFFFFC40 ss:$0x1], $0xffff;
	[tilespmem:v1+s25+$0xFFFFFD30 ss:$0x1] =	vst.idx.msk $0xffff, v17;
	v17 =	vmul.f32 v21, v8  }
0xdb: {  	v16 =	vld.idx.msk [tilespmem:v1+s25+$0xFFFFFDC0 ss:$0x1], $0xffff;
	v15 =	vbroadcast v15, $0x0;
	[tilespmem:v1+s25+$0xFFFFFEB0 ss:$0x1] =	vst.idx.msk $0xffff, v14  }
0xdc: {  	v21 =	vld.idx.msk [tilespmem:v1+s25+$0xFFFFFD40 ss:$0x1], $0xffff;
	[tilespmem:v1+s25+$0xFFFFFE30 ss:$0x1] =	vst.idx.msk $0xffff, v17;
	v17 =	vmul.f32 v20, v5  }
0xdd: {  	v23 =	vld.idx.msk [tilespmem:v1+s25+$0xFFFFFEC0 ss:$0x1], $0xffff;
	v18 =	vmul.f32 v18, v9  }
0xde: {  	v20 =	vld.idx.msk [tilespmem:v1+s25+$0xFFFFFE40 ss:$0x1], $0xffff;
	[tilespmem:v1+s25+$0xFFFFFF30 ss:$0x1] =	vst.idx.msk $0xffff, v17;
	v17 =	vmul.f32 v19, v13  }
0xdf: {  	v19 =	vmul.f32 v22, v10;
	[tilespmem:v1+s25+$0xFFFFFCC0 ss:$0x1] =	vst.idx.msk $0xffff, v18;
	v22 =	vld.idx.msk [tilespmem:v1+s25+$0xFFFFFF40 ss:$0x1], $0xffff  }
0xe0: {  	s26 =	simm.s32 $0xC;
	v16 =	vmul.f32 v16, v11;
	v18 =	vld.idx.msk [tilespmem:v1+s25+$0xFFFFFCD0 ss:$0x1], $0xffff;
	[tilespmem:v1+s25+$0xFFFFFFC0 ss:$0x1] =	vst.idx.msk $0xffff, v17  }
0xe1: {  	v14 =	vld.idx.msk [tilespmem:v15+s9+$0x0], $0xffff;
	v15 =	vmov s26;
	[tilespmem:v1+s25+$0xFFFFFC40 ss:$0x1] =	vst.idx.msk $0xffff, v19;
	v17 =	vmul.f32 v21, v7  }
0xe2: {  	[tilespmem:v1+s25+$0xFFFFFDC0 ss:$0x1] =	vst.idx.msk $0xffff, v16;
	v16 =	vmul.f32 v23, v6;
	v15 =	vand.u32 $0x7C, v15;
	v19 =	vld.idx.msk [tilespmem:v1+s25+$0xFFFFFFD0 ss:$0x1], $0xffff  }
0xe3: {  	v21 =	vld.idx.msk [tilespmem:v1+s25+$0xFFFFFC50 ss:$0x1], $0xffff;
	v15 =	vor.u32 v4, v15;
	[tilespmem:v1+s25+$0xFFFFFD40 ss:$0x1] =	vst.idx.msk $0xffff, v17;
	v17 =	vmul.f32 v20, v8  }
0xe4: {  	v23 =	vld.idx.msk [tilespmem:v1+s25+$0xFFFFFDD0 ss:$0x1], $0xffff;
	[tilespmem:v1+s25+$0xFFFFFEC0 ss:$0x1] =	vst.idx.msk $0xffff, v16;
	v15 =	vbroadcast v15, $0x0  }
0xe5: {  	v20 =	vld.idx.msk [tilespmem:v1+s25+$0xFFFFFD50 ss:$0x1], $0xffff;
	[tilespmem:v1+s25+$0xFFFFFE40 ss:$0x1] =	vst.idx.msk $0xffff, v17;
	v17 =	vmul.f32 v22, v5  }
0xe6: {  	v16 =	vld.idx.msk [tilespmem:v1+s25+$0xFFFFFED0 ss:$0x1], $0xffff;
	v18 =	vmul.f32 v18, v9  }
0xe7: {  	v22 =	vld.idx.msk [tilespmem:v1+s25+$0xFFFFFE50 ss:$0x1], $0xffff;
	[tilespmem:v1+s25+$0xFFFFFF40 ss:$0x1] =	vst.idx.msk $0xffff, v17;
	v17 =	vmul.f32 v19, v13  }
0xe8: {  	s23 =	simm.s32 $0xD;
	v19 =	vmul.f32 v21, v10;
	[tilespmem:v1+s25+$0xFFFFFCD0 ss:$0x1] =	vst.idx.msk $0xffff, v18;
	v21 =	vld.idx.msk [tilespmem:v1+s25+$0xFFFFFF50 ss:$0x1], $0xffff  }
0xe9: {  	v24 =	vmov s23;
	v18 =	vmul.f32 v23, v11;
	v23 =	vld.idx.msk [tilespmem:v1+s25+$0xFFFFFCE0 ss:$0x1], $0xffff;
	[tilespmem:v1+s25+$0xFFFFFFD0 ss:$0x1] =	vst.idx.msk $0xffff, v17  }
0xea: {  	v17 =	vand.u32 $0x7D, v24;
	[tilespmem:v1+s25+$0xFFFFFC50 ss:$0x1] =	vst.idx.msk $0xffff, v19;
	v19 =	vmul.f32 v20, v7;
	v15 =	vld.idx.msk [tilespmem:v15+s9+$0x0], $0xffff  }
0xeb: {  	[tilespmem:v1+s25+$0xFFFFFDD0 ss:$0x1] =	vst.idx.msk $0xffff, v18;
	v16 =	vmul.f32 v16, v6;
	v20 =	vld.idx.msk [tilespmem:v1+s25+$0xFFFFFFE0 ss:$0x1], $0xffff;
	v17 =	vor.u32 v4, v17  }
0xec: {  	v24 =	vld.idx.msk [tilespmem:v1+s25+$0xFFFFFC60 ss:$0x1], $0xffff;
	v17 =	vbroadcast v17, $0x0;
	[tilespmem:v1+s25+$0xFFFFFD50 ss:$0x1] =	vst.idx.msk $0xffff, v19;
	v19 =	vmul.f32 v22, v8  }
0xed: {  	v18 =	vld.idx.msk [tilespmem:v1+s25+$0xFFFFFDE0 ss:$0x1], $0xffff;
	[tilespmem:v1+s25+$0xFFFFFED0 ss:$0x1] =	vst.idx.msk $0xffff, v16  }
0xee: {  	v22 =	vld.idx.msk [tilespmem:v1+s25+$0xFFFFFD60 ss:$0x1], $0xffff;
	[tilespmem:v1+s25+$0xFFFFFE50 ss:$0x1] =	vst.idx.msk $0xffff, v19;
	v19 =	vmul.f32 v21, v5  }
0xef: {  	v25 =	vld.idx.msk [tilespmem:v1+s25+$0xFFFFFEE0 ss:$0x1], $0xffff;
	v23 =	vmul.f32 v23, v9  }
0xf0: {  	v21 =	vld.idx.msk [tilespmem:v1+s25+$0xFFFFFE60 ss:$0x1], $0xffff;
	[tilespmem:v1+s25+$0xFFFFFF50 ss:$0x1] =	vst.idx.msk $0xffff, v19;
	v19 =	vmul.f32 v20, v13  }
0xf1: {  	s24 =	simm.s32 $0xE;
	v20 =	vmul.f32 v24, v10;
	[tilespmem:v1+s25+$0xFFFFFCE0 ss:$0x1] =	vst.idx.msk $0xffff, v23;
	v24 =	vld.idx.msk [tilespmem:v1+s25+$0xFFFFFF60 ss:$0x1], $0xffff  }
0xf2: {  	v18 =	vmul.f32 v18, v11;
	v16 =	vld.idx.msk [tilespmem:v17+s9+$0x0], $0xffff;
	v17 =	vmov s24;
	[tilespmem:v1+s25+$0xFFFFFFE0 ss:$0x1] =	vst.idx.msk $0xffff, v19  }
0xf3: {  	v23 =	vld.idx.msk [tilespmem:v1+s25+$0xFFFFFCF0 ss:$0x1], $0xffff;
	[tilespmem:v1+s25+$0xFFFFFC60 ss:$0x1] =	vst.idx.msk $0xffff, v20;
	v19 =	vmul.f32 v22, v7;
	v17 =	vand.u32 $0x7E, v17  }
0xf4: {  	[tilespmem:v1+s25+$0xFFFFFDE0 ss:$0x1] =	vst.idx.msk $0xffff, v18;
	v18 =	vmul.f32 v25, v6;
	v26 =	vld.idx.msk [tilespmem:v1+s25+$0xFFFFFFF0 ss:$0x1], $0xffff;
	v17 =	vor.u32 v4, v17  }
0xf5: {  	v27 =	vld.idx.msk [tilespmem:v1+s25+$0xFFFFFC70 ss:$0x1], $0xffff;
	[tilespmem:v1+s25+$0xFFFFFD60 ss:$0x1] =	vst.idx.msk $0xffff, v19;
	v19 =	vmul.f32 v21, v8;
	v17 =	vbroadcast v17, $0x0  }
0xf6: {  	v21 =	vld.idx.msk [tilespmem:v1+s25+$0xFFFFFDF0 ss:$0x1], $0xffff;
	[tilespmem:v1+s25+$0xFFFFFEE0 ss:$0x1] =	vst.idx.msk $0xffff, v18  }
0xf7: {  	v22 =	vld.idx.msk [tilespmem:v1+s25+$0xFFFFFD70 ss:$0x1], $0xffff;
	[tilespmem:v1+s25+$0xFFFFFE60 ss:$0x1] =	vst.idx.msk $0xffff, v19;
	v19 =	vmul.f32 v24, v5  }
0xf8: {  	s26 =	smul.u32 $0xA000, s22;
	v18 =	vld.idx.msk [tilespmem:v1+s25+$0xFFFFFEF0 ss:$0x1], $0xffff  }
0xf9: {  	v20 =	vld.idx.msk [tilespmem:v1+s25+$0xFFFFFE70 ss:$0x1], $0xffff;
	[tilespmem:v1+s25+$0xFFFFFF60 ss:$0x1] =	vst.idx.msk $0xffff, v19;
	v25 =	vmul.f32 v26, v13  }
0xfa: {  	s28 =	simm.s32 $0xF;
	s19 =	sshrl.u32 s26, $0x2;
	s26 =	simm.s32 $0x10;
	v24 =	vmul.f32 v27, v10;
	v19 =	vld.idx.msk [tilespmem:v1+s25+$0xFFFFFF70 ss:$0x1], $0xffff  }
0xfb: {  	s23 =	sadd.s32 $0xC00, s19;
	s19 =	smov.u32 s25;
	s24 =	smov.u32 s25;
	v23 =	vmul.f32 v23, v9;
	[tilespmem:v1+s25+$0xFFFFFFF0 ss:$0x1] =	vst.idx.msk $0xffff, v25;
	v17 =	vld.idx.msk [tilespmem:v17+s9+$0x0], $0xffff  }
.LBB2_10:
0xfc: {  	p1 =	slt.u32 s26, $0x48;
	v25 =	vmov s28;
	[tilespmem:v1+s24+$0xFFFFFC70 ss:$0x1] =	vst.idx.msk $0xffff, v24;
	v22 =	vmul.f32 v22, v7;
	v24 =	vld.idx.msk [tilespmem:v1+s24+$0x0 ss:$0x1], $0xffff  }
0xfd: {  	v21 =	vmul.f32 v21, v11;
	v25 =	vand.u32 $0x7F, v25;
	v26 =	vld.idx.msk [tilespmem:v1+s24+$0xFFFFFC80 ss:$0x1], $0xffff;
	[tilespmem:v1+s24+$0xFFFFFCF0 ss:$0x1] =	vst.idx.msk $0xffff, v23  }
0xfe: {  	v20 =	vmul.f32 v20, v8;
	v23 =	vor.u32 v4, v25;
	v25 =	vld.idx.msk [tilespmem:v1+s24+$0xFFFFFD00 ss:$0x1], $0xffff;
	[tilespmem:v1+s24+$0xFFFFFD70 ss:$0x1] =	vst.idx.msk $0xffff, v22  }
0xff: {  	v18 =	vmul.f32 v18, v6;
	v22 =	vbroadcast v23, $0x0;
	v23 =	vld.idx.msk [tilespmem:v1+s24+$0xFFFFFD80 ss:$0x1], $0xffff;
	[tilespmem:v1+s24+$0xFFFFFDF0 ss:$0x1] =	vst.idx.msk $0xffff, v21  }
0x100: {  	v19 =	vmul.f32 v19, v5;
	v21 =	vld.idx.msk [tilespmem:v1+s24+$0xFFFFFE00 ss:$0x1], $0xffff;
	[tilespmem:v1+s24+$0xFFFFFE70 ss:$0x1] =	vst.idx.msk $0xffff, v20  }
0x101: {  	v20 =	vld.idx.msk [tilespmem:v1+s24+$0xFFFFFE80 ss:$0x1], $0xffff;
	[tilespmem:v1+s24+$0xFFFFFEF0 ss:$0x1] =	vst.idx.msk $0xffff, v18  }
0x102: {  	v13 =	vmul.f32 v24, v13;
	v18 =	vld.idx.msk [tilespmem:v1+s24+$0xFFFFFF00 ss:$0x1], $0xffff;
	[tilespmem:v1+s24+$0xFFFFFF70 ss:$0x1] =	vst.idx.msk $0xffff, v19  }
0x103: {  	v19 =	vmul.f32 v26, v10;
	s24 =	sadd.s32 $0x400, s24;
	v10 =	vmov v2;
	v24 =	vld.idx.msk [tilespmem:v1+s19+$0xFFFFFF80 ss:$0x1], $0xffff  }
0x104: {  	v2 =	vmov s26;
	v25 =	vmul.f32 v25, v9;
	v9 =	vmov v3;
	v26 =	vld.idx.msk [tilespmem:v1+s24+$0xFFFFFF90 ss:$0x1], $0xffff;
	[tilespmem:v1+s19+$0x0 ss:$0x1] =	vst.idx.msk $0xffff, v13  }
0x105: {  	v2 =	vand.u32 $0x78, v2;
	v3 =	vmul.f32 v23, v7;
	v7 =	vmov v12;
	v13 =	vld.idx.msk [tilespmem:v22+s9+$0x0], $0xffff;
	[tilespmem:v1+s19+$0xFFFFFC80 ss:$0x1] =	vst.idx.msk $0xffff, v19  }
0x106: {  	v2 =	vor.u32 v4, v2;
	v19 =	vmul.f32 v21, v11;
	v12 =	vld.idx.msk [tilespmem:v1+s24+$0xFFFFFC10 ss:$0x1], $0xffff;
	[tilespmem:v1+s19+$0xFFFFFD00 ss:$0x1] =	vst.idx.msk $0xffff, v25  }
0x107: {  	v2 =	vbroadcast v2, $0x0;
	v11 =	vmov v14;
	v21 =	vld.idx.msk [tilespmem:v1+s24+$0xFFFFFC90 ss:$0x1], $0xffff;
	[tilespmem:v1+s19+$0xFFFFFD80 ss:$0x1] =	vst.idx.msk $0xffff, v3;
	v3 =	vmul.f32 v20, v8  }
0x108: {  	v18 =	vmul.f32 v18, v6;
	v8 =	vmov v15;
	v6 =	vmov v16;
	v14 =	vld.idx.msk [tilespmem:v1+s24+$0xFFFFFD10 ss:$0x1], $0xffff;
	[tilespmem:v1+s19+$0xFFFFFE00 ss:$0x1] =	vst.idx.msk $0xffff, v19  }
0x109: {  	v15 =	vld.idx.msk [tilespmem:v1+s24+$0xFFFFFD90 ss:$0x1], $0xffff;
	[tilespmem:v1+s19+$0xFFFFFE80 ss:$0x1] =	vst.idx.msk $0xffff, v3;
	v3 =	vmul.f32 v24, v5;
	v5 =	vmov v17  }
0x10a: {  	v16 =	vld.idx.msk [tilespmem:v1+s24+$0xFFFFFE10 ss:$0x1], $0xffff;
	[tilespmem:v1+s19+$0xFFFFFF00 ss:$0x1] =	vst.idx.msk $0xffff, v18  }
0x10b: {  	v18 =	vmul.f32 v26, v13;
	v17 =	vld.idx.msk [tilespmem:v1+s24+$0xFFFFFE90 ss:$0x1], $0xffff;
	[tilespmem:v1+s19+$0xFFFFFF80 ss:$0x1] =	vst.idx.msk $0xffff, v3;
	s19 =	smov.u32 s24  }
0x10c: {  	s28 =	sadd.s32 $0x1, s26;
	v3 =	vmul.f32 v12, v10;
	v12 =	vld.idx.msk [tilespmem:v1+s24+$0xFFFFFF10 ss:$0x1], $0xffff  }
0x10d: {  	v19 =	vmov s28;
	v20 =	vmul.f32 v21, v9;
	v2 =	vld.idx.msk [tilespmem:v2+s9+$0x0], $0xffff;
	[tilespmem:v1+s24+$0xFFFFFF90 ss:$0x1] =	vst.idx.msk $0xffff, v18  }
0x10e: {  	v18 =	vand.u32 $0x79, v19;
	[tilespmem:v1+s24+$0xFFFFFC10 ss:$0x1] =	vst.idx.msk $0xffff, v3;
	v3 =	vmul.f32 v14, v7;
	v14 =	vld.idx.msk [tilespmem:v1+s24+$0xFFFFFFA0 ss:$0x1], $0xffff  }
0x10f: {  	v18 =	vor.u32 v4, v18;
	v15 =	vmul.f32 v15, v11;
	v19 =	vld.idx.msk [tilespmem:v1+s24+$0xFFFFFC20 ss:$0x1], $0xffff;
	[tilespmem:v1+s24+$0xFFFFFC90 ss:$0x1] =	vst.idx.msk $0xffff, v20  }
0x110: {  	v18 =	vbroadcast v18, $0x0;
	v20 =	vld.idx.msk [tilespmem:v1+s24+$0xFFFFFCA0 ss:$0x1], $0xffff;
	[tilespmem:v1+s24+$0xFFFFFD10 ss:$0x1] =	vst.idx.msk $0xffff, v3;
	v3 =	vmul.f32 v16, v8  }
0x111: {  	v16 =	vld.idx.msk [tilespmem:v1+s24+$0xFFFFFD20 ss:$0x1], $0xffff;
	[tilespmem:v1+s24+$0xFFFFFD90 ss:$0x1] =	vst.idx.msk $0xffff, v15;
	v15 =	vmul.f32 v17, v6  }
0x112: {  	v17 =	vld.idx.msk [tilespmem:v1+s24+$0xFFFFFDA0 ss:$0x1], $0xffff;
	[tilespmem:v1+s24+$0xFFFFFE10 ss:$0x1] =	vst.idx.msk $0xffff, v3;
	v3 =	vmul.f32 v12, v5  }
0x113: {  	v12 =	vld.idx.msk [tilespmem:v1+s24+$0xFFFFFE20 ss:$0x1], $0xffff;
	[tilespmem:v1+s24+$0xFFFFFE90 ss:$0x1] =	vst.idx.msk $0xffff, v15  }
0x114: {  	v14 =	vmul.f32 v14, v13;
	v15 =	vld.idx.msk [tilespmem:v1+s24+$0xFFFFFEA0 ss:$0x1], $0xffff;
	[tilespmem:v1+s24+$0xFFFFFF10 ss:$0x1] =	vst.idx.msk $0xffff, v3  }
0x115: {  	s28 =	sadd.s32 $0x2, s26;
	v19 =	vmul.f32 v19, v10;
	v21 =	vld.idx.msk [tilespmem:v1+s24+$0xFFFFFF20 ss:$0x1], $0xffff  }
0x116: {  	v20 =	vmul.f32 v20, v9;
	v3 =	vld.idx.msk [tilespmem:v18+s9+$0x0], $0xffff;
	v18 =	vmov s28;
	[tilespmem:v1+s24+$0xFFFFFFA0 ss:$0x1] =	vst.idx.msk $0xffff, v14  }
0x117: {  	v16 =	vmul.f32 v16, v7;
	v14 =	vand.u32 $0x7A, v18;
	[tilespmem:v1+s24+$0xFFFFFC20 ss:$0x1] =	vst.idx.msk $0xffff, v19;
	v18 =	vld.idx.msk [tilespmem:v1+s24+$0xFFFFFFB0 ss:$0x1], $0xffff  }
0x118: {  	v17 =	vmul.f32 v17, v11;
	v14 =	vor.u32 v4, v14;
	v19 =	vld.idx.msk [tilespmem:v1+s24+$0xFFFFFC30 ss:$0x1], $0xffff;
	[tilespmem:v1+s24+$0xFFFFFCA0 ss:$0x1] =	vst.idx.msk $0xffff, v20  }
0x119: {  	v12 =	vmul.f32 v12, v8;
	v14 =	vbroadcast v14, $0x0;
	v20 =	vld.idx.msk [tilespmem:v1+s24+$0xFFFFFCB0 ss:$0x1], $0xffff;
	[tilespmem:v1+s24+$0xFFFFFD20 ss:$0x1] =	vst.idx.msk $0xffff, v16  }
0x11a: {  	v15 =	vmul.f32 v15, v6;
	v16 =	vld.idx.msk [tilespmem:v1+s24+$0xFFFFFD30 ss:$0x1], $0xffff;
	[tilespmem:v1+s24+$0xFFFFFDA0 ss:$0x1] =	vst.idx.msk $0xffff, v17  }
0x11b: {  	v17 =	vld.idx.msk [tilespmem:v1+s24+$0xFFFFFDB0 ss:$0x1], $0xffff;
	[tilespmem:v1+s24+$0xFFFFFE20 ss:$0x1] =	vst.idx.msk $0xffff, v12;
	v12 =	vmul.f32 v21, v5  }
0x11c: {  	v21 =	vld.idx.msk [tilespmem:v1+s24+$0xFFFFFE30 ss:$0x1], $0xffff;
	[tilespmem:v1+s24+$0xFFFFFEA0 ss:$0x1] =	vst.idx.msk $0xffff, v15  }
0x11d: {  	v18 =	vmul.f32 v18, v13;
	v15 =	vld.idx.msk [tilespmem:v1+s24+$0xFFFFFEB0 ss:$0x1], $0xffff;
	[tilespmem:v1+s24+$0xFFFFFF20 ss:$0x1] =	vst.idx.msk $0xffff, v12  }
0x11e: {  	s28 =	sadd.s32 $0x3, s26;
	v19 =	vmul.f32 v19, v10;
	v22 =	vld.idx.msk [tilespmem:v1+s24+$0xFFFFFF30 ss:$0x1], $0xffff  }
0x11f: {  	v20 =	vmul.f32 v20, v9;
	v12 =	vld.idx.msk [tilespmem:v14+s9+$0x0], $0xffff;
	v14 =	vmov s28;
	[tilespmem:v1+s24+$0xFFFFFFB0 ss:$0x1] =	vst.idx.msk $0xffff, v18  }
0x120: {  	v16 =	vmul.f32 v16, v7;
	v14 =	vand.u32 $0x7B, v14;
	[tilespmem:v1+s24+$0xFFFFFC30 ss:$0x1] =	vst.idx.msk $0xffff, v19;
	v18 =	vld.idx.msk [tilespmem:v1+s24+$0xFFFFFFC0 ss:$0x1], $0xffff  }
0x121: {  	v17 =	vmul.f32 v17, v11;
	v14 =	vor.u32 v4, v14;
	v19 =	vld.idx.msk [tilespmem:v1+s24+$0xFFFFFC40 ss:$0x1], $0xffff;
	[tilespmem:v1+s24+$0xFFFFFCB0 ss:$0x1] =	vst.idx.msk $0xffff, v20  }
0x122: {  	v14 =	vbroadcast v14, $0x0;
	v20 =	vld.idx.msk [tilespmem:v1+s24+$0xFFFFFCC0 ss:$0x1], $0xffff;
	[tilespmem:v1+s24+$0xFFFFFD30 ss:$0x1] =	vst.idx.msk $0xffff, v16;
	v16 =	vmul.f32 v21, v8  }
0x123: {  	v15 =	vmul.f32 v15, v6;
	v21 =	vld.idx.msk [tilespmem:v1+s24+$0xFFFFFD40 ss:$0x1], $0xffff;
	[tilespmem:v1+s24+$0xFFFFFDB0 ss:$0x1] =	vst.idx.msk $0xffff, v17  }
0x124: {  	v17 =	vld.idx.msk [tilespmem:v1+s24+$0xFFFFFDC0 ss:$0x1], $0xffff;
	[tilespmem:v1+s24+$0xFFFFFE30 ss:$0x1] =	vst.idx.msk $0xffff, v16;
	v16 =	vmul.f32 v22, v5  }
0x125: {  	v22 =	vld.idx.msk [tilespmem:v1+s24+$0xFFFFFE40 ss:$0x1], $0xffff;
	[tilespmem:v1+s24+$0xFFFFFEB0 ss:$0x1] =	vst.idx.msk $0xffff, v15  }
0x126: {  	v15 =	vld.idx.msk [tilespmem:v1+s24+$0xFFFFFEC0 ss:$0x1], $0xffff;
	[tilespmem:v1+s24+$0xFFFFFF30 ss:$0x1] =	vst.idx.msk $0xffff, v16;
	v16 =	vmul.f32 v18, v13  }
0x127: {  	s28 =	sadd.s32 $0x4, s26;
	v18 =	vmul.f32 v19, v10;
	v19 =	vld.idx.msk [tilespmem:v1+s24+$0xFFFFFF40 ss:$0x1], $0xffff  }
0x128: {  	v23 =	vmov s28;
	v20 =	vmul.f32 v20, v9;
	v14 =	vld.idx.msk [tilespmem:v14+s9+$0x0], $0xffff;
	[tilespmem:v1+s24+$0xFFFFFFC0 ss:$0x1] =	vst.idx.msk $0xffff, v16  }
0x129: {  	v16 =	vand.u32 $0x7C, v23;
	[tilespmem:v1+s24+$0xFFFFFC40 ss:$0x1] =	vst.idx.msk $0xffff, v18;
	v18 =	vmul.f32 v21, v7;
	v21 =	vld.idx.msk [tilespmem:v1+s24+$0xFFFFFFD0 ss:$0x1], $0xffff  }
0x12a: {  	v16 =	vor.u32 v4, v16;
	v17 =	vmul.f32 v17, v11;
	v23 =	vld.idx.msk [tilespmem:v1+s24+$0xFFFFFC50 ss:$0x1], $0xffff;
	[tilespmem:v1+s24+$0xFFFFFCC0 ss:$0x1] =	vst.idx.msk $0xffff, v20  }
0x12b: {  	v16 =	vbroadcast v16, $0x0;
	v20 =	vld.idx.msk [tilespmem:v1+s24+$0xFFFFFCD0 ss:$0x1], $0xffff;
	[tilespmem:v1+s24+$0xFFFFFD40 ss:$0x1] =	vst.idx.msk $0xffff, v18;
	v18 =	vmul.f32 v22, v8  }
0x12c: {  	v15 =	vmul.f32 v15, v6;
	v22 =	vld.idx.msk [tilespmem:v1+s24+$0xFFFFFD50 ss:$0x1], $0xffff;
	[tilespmem:v1+s24+$0xFFFFFDC0 ss:$0x1] =	vst.idx.msk $0xffff, v17  }
0x12d: {  	v17 =	vld.idx.msk [tilespmem:v1+s24+$0xFFFFFDD0 ss:$0x1], $0xffff;
	[tilespmem:v1+s24+$0xFFFFFE40 ss:$0x1] =	vst.idx.msk $0xffff, v18;
	v18 =	vmul.f32 v19, v5  }
0x12e: {  	v19 =	vld.idx.msk [tilespmem:v1+s24+$0xFFFFFE50 ss:$0x1], $0xffff;
	[tilespmem:v1+s24+$0xFFFFFEC0 ss:$0x1] =	vst.idx.msk $0xffff, v15  }
0x12f: {  	v24 =	vld.idx.msk [tilespmem:v1+s24+$0xFFFFFED0 ss:$0x1], $0xffff;
	[tilespmem:v1+s24+$0xFFFFFF40 ss:$0x1] =	vst.idx.msk $0xffff, v18;
	v18 =	vmul.f32 v21, v13  }
0x130: {  	s28 =	sadd.s32 $0x5, s26;
	v21 =	vmul.f32 v23, v10;
	v23 =	vld.idx.msk [tilespmem:v1+s24+$0xFFFFFF50 ss:$0x1], $0xffff  }
0x131: {  	v20 =	vmul.f32 v20, v9;
	v15 =	vld.idx.msk [tilespmem:v16+s9+$0x0], $0xffff;
	v16 =	vmov s28;
	[tilespmem:v1+s24+$0xFFFFFFD0 ss:$0x1] =	vst.idx.msk $0xffff, v18  }
0x132: {  	v18 =	vmul.f32 v22, v7;
	v16 =	vand.u32 $0x7D, v16;
	[tilespmem:v1+s24+$0xFFFFFC50 ss:$0x1] =	vst.idx.msk $0xffff, v21;
	v21 =	vld.idx.msk [tilespmem:v1+s24+$0xFFFFFFE0 ss:$0x1], $0xffff  }
0x133: {  	v17 =	vmul.f32 v17, v11;
	v16 =	vor.u32 v4, v16;
	v22 =	vld.idx.msk [tilespmem:v1+s24+$0xFFFFFC60 ss:$0x1], $0xffff;
	[tilespmem:v1+s24+$0xFFFFFCD0 ss:$0x1] =	vst.idx.msk $0xffff, v20  }
0x134: {  	v16 =	vbroadcast v16, $0x0;
	v20 =	vld.idx.msk [tilespmem:v1+s24+$0xFFFFFCE0 ss:$0x1], $0xffff;
	[tilespmem:v1+s24+$0xFFFFFD50 ss:$0x1] =	vst.idx.msk $0xffff, v18;
	v18 =	vmul.f32 v19, v8  }
0x135: {  	v19 =	vld.idx.msk [tilespmem:v1+s24+$0xFFFFFD60 ss:$0x1], $0xffff;
	[tilespmem:v1+s24+$0xFFFFFDD0 ss:$0x1] =	vst.idx.msk $0xffff, v17;
	v17 =	vmul.f32 v24, v6  }
0x136: {  	v24 =	vld.idx.msk [tilespmem:v1+s24+$0xFFFFFDE0 ss:$0x1], $0xffff;
	[tilespmem:v1+s24+$0xFFFFFE50 ss:$0x1] =	vst.idx.msk $0xffff, v18;
	v18 =	vmul.f32 v23, v5  }
0x137: {  	v23 =	vld.idx.msk [tilespmem:v1+s24+$0xFFFFFE60 ss:$0x1], $0xffff;
	[tilespmem:v1+s24+$0xFFFFFED0 ss:$0x1] =	vst.idx.msk $0xffff, v17  }
0x138: {  	v17 =	vld.idx.msk [tilespmem:v1+s24+$0xFFFFFEE0 ss:$0x1], $0xffff;
	[tilespmem:v1+s24+$0xFFFFFF50 ss:$0x1] =	vst.idx.msk $0xffff, v18;
	v18 =	vmul.f32 v21, v13  }
0x139: {  	s28 =	sadd.s32 $0x6, s26;
	v21 =	vmul.f32 v22, v10;
	v25 =	vld.idx.msk [tilespmem:v1+s24+$0xFFFFFF60 ss:$0x1], $0xffff  }
0x13a: {  	v22 =	vmov s28;
	v20 =	vmul.f32 v20, v9;
	v16 =	vld.idx.msk [tilespmem:v16+s9+$0x0], $0xffff;
	[tilespmem:v1+s24+$0xFFFFFFE0 ss:$0x1] =	vst.idx.msk $0xffff, v18  }
0x13b: {  	v18 =	vand.u32 $0x7E, v22;
	v19 =	vmul.f32 v19, v7;
	[tilespmem:v1+s24+$0xFFFFFC60 ss:$0x1] =	vst.idx.msk $0xffff, v21;
	v26 =	vld.idx.msk [tilespmem:v1+s24+$0xFFFFFFF0 ss:$0x1], $0xffff  }
0x13c: {  	v18 =	vor.u32 v4, v18;
	v27 =	vld.idx.msk [tilespmem:v1+s24+$0xFFFFFC70 ss:$0x1], $0xffff;
	[tilespmem:v1+s24+$0xFFFFFCE0 ss:$0x1] =	vst.idx.msk $0xffff, v20;
	v20 =	vmul.f32 v24, v11  }
0x13d: {  	v28 =	vbroadcast v18, $0x0;
	v18 =	vmul.f32 v23, v8;
	v29 =	vld.idx.msk [tilespmem:v1+s24+$0xFFFFFCF0 ss:$0x1], $0xffff;
	[tilespmem:v1+s24+$0xFFFFFD60 ss:$0x1] =	vst.idx.msk $0xffff, v19  }
0x13e: {  	v17 =	vmul.f32 v17, v6;
	v22 =	vld.idx.msk [tilespmem:v1+s24+$0xFFFFFD70 ss:$0x1], $0xffff;
	[tilespmem:v1+s24+$0xFFFFFDE0 ss:$0x1] =	vst.idx.msk $0xffff, v20  }
.Ltmp5:
0x13f: {  	v19 =	vmul.f32 v25, v5;
	v21 =	vld.idx.msk [tilespmem:v1+s24+$0xFFFFFDF0 ss:$0x1], $0xffff;
	[tilespmem:v1+s24+$0xFFFFFE60 ss:$0x1] =	vst.idx.msk $0xffff, v18;
	(pc) =	sbr.rel @p1 .LBB2_10-.Ltmp5, $4  }
0x140: {  	v20 =	vld.idx.msk [tilespmem:v1+s24+$0xFFFFFE70 ss:$0x1], $0xffff;
	[tilespmem:v1+s24+$0xFFFFFEE0 ss:$0x1] =	vst.idx.msk $0xffff, v17  }
0x141: {  	v25 =	vmul.f32 v26, v13;
	v18 =	vld.idx.msk [tilespmem:v1+s24+$0xFFFFFEF0 ss:$0x1], $0xffff;
	[tilespmem:v1+s24+$0xFFFFFF60 ss:$0x1] =	vst.idx.msk $0xffff, v19  }
0x142: {  	v24 =	vmul.f32 v27, v10;
	v19 =	vld.idx.msk [tilespmem:v1+s24+$0xFFFFFF70 ss:$0x1], $0xffff  }
0x143: {  	s28 =	sadd.s32 $0x7, s26;
	s26 =	sadd.s32 $0x8, s26;
	v23 =	vmul.f32 v29, v9;
	v17 =	vld.idx.msk [tilespmem:v28+s9+$0x0], $0xffff;
	[tilespmem:v1+s24+$0xFFFFFFF0 ss:$0x1] =	vst.idx.msk $0xffff, v25  }
0x144: {  	_ =	sdelay $0x3  }
0x145: {  	[tilespmem:v1+s24+$0xFFFFFC70 ss:$0x1] =	vst.idx.msk $0xffff, v24;
	v35 =	vld.idx.msk [tilespmem:v1+s24+$0x0 ss:$0x1], $0xffff  }
0x146: {  	v25 =	vmov s28;
	v22 =	vmul.f32 v22, v7;
	s28 =	sadd.s32 $0x400, s24;
	v26 =	vld.idx.msk [tilespmem:v1+s24+$0xFFFFFC80 ss:$0x1], $0xffff  }
0x147: {  	v21 =	vmul.f32 v21, v11;
	[tilespmem:v1+s24+$0xFFFFFCF0 ss:$0x1] =	vst.idx.msk $0xffff, v23;
	v38 =	vld.idx.msk [tilespmem:v1+s28+$0xFFFFFC10 ss:$0x1], $0xffff  }
0x148: {  	v20 =	vmul.f32 v20, v8;
	v40 =	vld.idx.msk [tilespmem:v1+s28+$0xFFFFFC90 ss:$0x1], $0xffff;
	[tilespmem:v1+s24+$0xFFFFFD70 ss:$0x1] =	vst.idx.msk $0xffff, v22  }
0x149: {  	v42 =	vld.idx.msk [tilespmem:v1+s28+$0xFFFFFD10 ss:$0x1], $0xffff;
	[tilespmem:v1+s24+$0xFFFFFDF0 ss:$0x1] =	vst.idx.msk $0xffff, v21;
	v18 =	vmul.f32 v18, v6  }
0x14a: {  	v46 =	vld.idx.msk [tilespmem:v1+s28+$0xFFFFFE10 ss:$0x1], $0xffff;
	[tilespmem:v1+s24+$0xFFFFFE70 ss:$0x1] =	vst.idx.msk $0xffff, v20;
	v19 =	vmul.f32 v19, v5  }
0x14b: {  	v48 =	vld.idx.msk [tilespmem:v1+s28+$0xFFFFFE90 ss:$0x1], $0xffff;
	[tilespmem:v1+s24+$0xFFFFFEF0 ss:$0x1] =	vst.idx.msk $0xffff, v18;
	v13 =	vmul.f32 v35, v13  }
0x14c: {  	v50 =	vld.idx.msk [tilespmem:v1+s28+$0xFFFFFF10 ss:$0x1], $0xffff;
	[tilespmem:v1+s24+$0xFFFFFF70 ss:$0x1] =	vst.idx.msk $0xffff, v19;
	v10 =	vmul.f32 v26, v10  }
0x14d: {  	v25 =	vand.u32 $0x7F, v25;
	v23 =	vld.idx.msk [tilespmem:v1+s24+$0xFFFFFD00 ss:$0x1], $0xffff;
	v49 =	vmul.f32 v38, v2;
	[tilespmem:v1+s19+$0x0 ss:$0x1] =	vst.idx.msk $0xffff, v13  }
0x14e: {  	v4 =	vor.u32 v4, v25;
	v22 =	vld.idx.msk [tilespmem:v1+s24+$0xFFFFFD80 ss:$0x1], $0xffff;
	v51 =	vmul.f32 v42, v12;
	[tilespmem:v1+s19+$0xFFFFFC80 ss:$0x1] =	vst.idx.msk $0xffff, v10  }
0x14f: {  	v4 =	vbroadcast v4, $0x0;
	v21 =	vld.idx.msk [tilespmem:v1+s24+$0xFFFFFE00 ss:$0x1], $0xffff;
	v53 =	vmul.f32 v46, v15;
	[tilespmem:v1+s28+$0xFFFFFC10 ss:$0x1] =	vst.idx.msk $0xffff, v49  }
0x150: {  	v36 =	vld.idx.msk [tilespmem:v1+s28+$0xFFFFFF90 ss:$0x1], $0xffff;
	v55 =	vmul.f32 v48, v16;
	[tilespmem:v1+s28+$0xFFFFFD10 ss:$0x1] =	vst.idx.msk $0xffff, v51  }
0x151: {  	v44 =	vld.idx.msk [tilespmem:v1+s28+$0xFFFFFD90 ss:$0x1], $0xffff;
	v57 =	vmul.f32 v50, v17;
	[tilespmem:v1+s28+$0xFFFFFE10 ss:$0x1] =	vst.idx.msk $0xffff, v53  }
0x152: {  	v20 =	vld.idx.msk [tilespmem:v1+s24+$0xFFFFFE80 ss:$0x1], $0xffff;
	v9 =	vmul.f32 v23, v9;
	[tilespmem:v1+s28+$0xFFFFFE90 ss:$0x1] =	vst.idx.msk $0xffff, v55  }
0x153: {  	v18 =	vld.idx.msk [tilespmem:v1+s24+$0xFFFFFF00 ss:$0x1], $0xffff;
	v37 =	vmul.f32 v22, v7;
	[tilespmem:v1+s28+$0xFFFFFF10 ss:$0x1] =	vst.idx.msk $0xffff, v57  }
0x154: {  	v19 =	vld.idx.msk [tilespmem:v1+s19+$0xFFFFFF80 ss:$0x1], $0xffff;
	v39 =	vmul.f32 v21, v11;
	v11 =	vmul.f32 v40, v3;
	[tilespmem:v1+s19+$0xFFFFFD00 ss:$0x1] =	vst.idx.msk $0xffff, v9  }
0x155: {  	v4 =	vld.idx.msk [tilespmem:v4+s9+$0x0], $0xffff;
	[tilespmem:v1+s19+$0xFFFFFD80 ss:$0x1] =	vst.idx.msk $0xffff, v37  }
0x156: {  	v52 =	vld.idx.msk [tilespmem:v1+s28+$0xFFFFFC20 ss:$0x1], $0xffff;
	v9 =	vmul.f32 v44, v14;
	[tilespmem:v1+s28+$0xFFFFFC90 ss:$0x1] =	vst.idx.msk $0xffff, v11  }
0x157: {  	v41 =	vmul.f32 v20, v8;
	[tilespmem:v1+s19+$0xFFFFFE00 ss:$0x1] =	vst.idx.msk $0xffff, v39;
	v11 =	vld.idx.msk [tilespmem:v1+s28+$0xFFFFFCA0 ss:$0x1], $0xffff  }
0x158: {  	v54 =	vld.idx.msk [tilespmem:v1+s28+$0xFFFFFD20 ss:$0x1], $0xffff;
	v43 =	vmul.f32 v18, v6;
	[tilespmem:v1+s28+$0xFFFFFD90 ss:$0x1] =	vst.idx.msk $0xffff, v9  }
0x159: {  	[tilespmem:v1+s19+$0xFFFFFE80 ss:$0x1] =	vst.idx.msk $0xffff, v41;
	v45 =	vmul.f32 v19, v5;
	v56 =	vld.idx.msk [tilespmem:v1+s28+$0xFFFFFDA0 ss:$0x1], $0xffff  }
0x15a: {  	v58 =	vld.idx.msk [tilespmem:v1+s28+$0xFFFFFE20 ss:$0x1], $0xffff;
	[tilespmem:v1+s19+$0xFFFFFF00 ss:$0x1] =	vst.idx.msk $0xffff, v43;
	v47 =	vmul.f32 v36, v4  }
0x15b: {  	v9 =	vld.idx.msk [tilespmem:v1+s28+$0xFFFFFEA0 ss:$0x1], $0xffff;
	[tilespmem:v1+s19+$0xFFFFFF80 ss:$0x1] =	vst.idx.msk $0xffff, v45;
	v59 =	vmul.f32 v52, v2  }
0x15c: {  	v60 =	vld.idx.msk [tilespmem:v1+s28+$0xFFFFFF20 ss:$0x1], $0xffff;
	[tilespmem:v1+s28+$0xFFFFFF90 ss:$0x1] =	vst.idx.msk $0xffff, v47;
	v11 =	vmul.f32 v11, v3  }
0x15d: {  	v61 =	vmul.f32 v54, v12;
	[tilespmem:v1+s28+$0xFFFFFC20 ss:$0x1] =	vst.idx.msk $0xffff, v59;
	v6 =	vld.idx.msk [tilespmem:v1+s28+$0xFFFFFFA0 ss:$0x1], $0xffff  }
0x15e: {  	v62 =	vld.idx.msk [tilespmem:v1+s28+$0xFFFFFC30 ss:$0x1], $0xffff;
	v63 =	vmul.f32 v56, v14;
	[tilespmem:v1+s28+$0xFFFFFCA0 ss:$0x1] =	vst.idx.msk $0xffff, v11  }
0x15f: {  	v19 =	vmul.f32 v58, v15;
	[tilespmem:v1+s28+$0xFFFFFD20 ss:$0x1] =	vst.idx.msk $0xffff, v61;
	v18 =	vld.idx.msk [tilespmem:v1+s28+$0xFFFFFCB0 ss:$0x1], $0xffff  }
0x160: {  	v9 =	vmul.f32 v9, v16;
	v20 =	vld.idx.msk [tilespmem:v1+s28+$0xFFFFFD30 ss:$0x1], $0xffff;
	[tilespmem:v1+s28+$0xFFFFFDA0 ss:$0x1] =	vst.idx.msk $0xffff, v63  }
0x161: {  	v21 =	vmul.f32 v60, v17;
	[tilespmem:v1+s28+$0xFFFFFE20 ss:$0x1] =	vst.idx.msk $0xffff, v19;
	v11 =	vld.idx.msk [tilespmem:v1+s28+$0xFFFFFDB0 ss:$0x1], $0xffff  }
0x162: {  	v22 =	vld.idx.msk [tilespmem:v1+s28+$0xFFFFFE30 ss:$0x1], $0xffff;
	[tilespmem:v1+s28+$0xFFFFFEA0 ss:$0x1] =	vst.idx.msk $0xffff, v9;
	v6 =	vmul.f32 v6, v4  }
0x163: {  	[tilespmem:v1+s28+$0xFFFFFF20 ss:$0x1] =	vst.idx.msk $0xffff, v21;
	v9 =	vld.idx.msk [tilespmem:v1+s28+$0xFFFFFEB0 ss:$0x1], $0xffff;
	v23 =	vmul.f32 v62, v2  }
0x164: {  	v24 =	vld.idx.msk [tilespmem:v1+s28+$0xFFFFFF30 ss:$0x1], $0xffff;
	[tilespmem:v1+s28+$0xFFFFFFA0 ss:$0x1] =	vst.idx.msk $0xffff, v6;
	v13 =	vmul.f32 v18, v3  }
0x165: {  	v25 =	vmul.f32 v20, v12;
	[tilespmem:v1+s28+$0xFFFFFC30 ss:$0x1] =	vst.idx.msk $0xffff, v23;
	v6 =	vld.idx.msk [tilespmem:v1+s28+$0xFFFFFFB0 ss:$0x1], $0xffff  }
0x166: {  	v26 =	vld.idx.msk [tilespmem:v1+s28+$0xFFFFFC40 ss:$0x1], $0xffff;
	v11 =	vmul.f32 v11, v14;
	[tilespmem:v1+s28+$0xFFFFFCB0 ss:$0x1] =	vst.idx.msk $0xffff, v13  }
0x167: {  	v27 =	vmul.f32 v22, v15;
	[tilespmem:v1+s28+$0xFFFFFD30 ss:$0x1] =	vst.idx.msk $0xffff, v25;
	v13 =	vld.idx.msk [tilespmem:v1+s28+$0xFFFFFCC0 ss:$0x1], $0xffff  }
0x168: {  	v9 =	vmul.f32 v9, v16;
	v28 =	vld.idx.msk [tilespmem:v1+s28+$0xFFFFFD40 ss:$0x1], $0xffff;
	[tilespmem:v1+s28+$0xFFFFFDB0 ss:$0x1] =	vst.idx.msk $0xffff, v11  }
0x169: {  	v29 =	vmul.f32 v24, v17;
	[tilespmem:v1+s28+$0xFFFFFE30 ss:$0x1] =	vst.idx.msk $0xffff, v27;
	v11 =	vld.idx.msk [tilespmem:v1+s28+$0xFFFFFDC0 ss:$0x1], $0xffff  }
0x16a: {  	v30 =	vld.idx.msk [tilespmem:v1+s28+$0xFFFFFE40 ss:$0x1], $0xffff;
	[tilespmem:v1+s28+$0xFFFFFEB0 ss:$0x1] =	vst.idx.msk $0xffff, v9;
	v6 =	vmul.f32 v6, v4  }
0x16b: {  	[tilespmem:v1+s28+$0xFFFFFF30 ss:$0x1] =	vst.idx.msk $0xffff, v29;
	v9 =	vld.idx.msk [tilespmem:v1+s28+$0xFFFFFEC0 ss:$0x1], $0xffff;
	v31 =	vmul.f32 v26, v2  }
0x16c: {  	v32 =	vld.idx.msk [tilespmem:v1+s28+$0xFFFFFF40 ss:$0x1], $0xffff;
	[tilespmem:v1+s28+$0xFFFFFFB0 ss:$0x1] =	vst.idx.msk $0xffff, v6;
	v13 =	vmul.f32 v13, v3  }
0x16d: {  	v33 =	vmul.f32 v28, v12;
	[tilespmem:v1+s28+$0xFFFFFC40 ss:$0x1] =	vst.idx.msk $0xffff, v31;
	v6 =	vld.idx.msk [tilespmem:v1+s28+$0xFFFFFFC0 ss:$0x1], $0xffff  }
0x16e: {  	v34 =	vld.idx.msk [tilespmem:v1+s28+$0xFFFFFC50 ss:$0x1], $0xffff;
	v11 =	vmul.f32 v11, v14;
	[tilespmem:v1+s28+$0xFFFFFCC0 ss:$0x1] =	vst.idx.msk $0xffff, v13  }
0x16f: {  	v35 =	vmul.f32 v30, v15;
	[tilespmem:v1+s28+$0xFFFFFD40 ss:$0x1] =	vst.idx.msk $0xffff, v33;
	v13 =	vld.idx.msk [tilespmem:v1+s28+$0xFFFFFCD0 ss:$0x1], $0xffff  }
0x170: {  	v9 =	vmul.f32 v9, v16;
	v36 =	vld.idx.msk [tilespmem:v1+s28+$0xFFFFFD50 ss:$0x1], $0xffff;
	[tilespmem:v1+s28+$0xFFFFFDC0 ss:$0x1] =	vst.idx.msk $0xffff, v11  }
0x171: {  	v37 =	vmul.f32 v32, v17;
	[tilespmem:v1+s28+$0xFFFFFE40 ss:$0x1] =	vst.idx.msk $0xffff, v35;
	v11 =	vld.idx.msk [tilespmem:v1+s28+$0xFFFFFDD0 ss:$0x1], $0xffff  }
0x172: {  	v38 =	vld.idx.msk [tilespmem:v1+s28+$0xFFFFFE50 ss:$0x1], $0xffff;
	[tilespmem:v1+s28+$0xFFFFFEC0 ss:$0x1] =	vst.idx.msk $0xffff, v9;
	v6 =	vmul.f32 v6, v4  }
0x173: {  	[tilespmem:v1+s28+$0xFFFFFF40 ss:$0x1] =	vst.idx.msk $0xffff, v37;
	v9 =	vld.idx.msk [tilespmem:v1+s28+$0xFFFFFED0 ss:$0x1], $0xffff;
	v39 =	vmul.f32 v34, v2  }
0x174: {  	v40 =	vld.idx.msk [tilespmem:v1+s28+$0xFFFFFF50 ss:$0x1], $0xffff;
	[tilespmem:v1+s28+$0xFFFFFFC0 ss:$0x1] =	vst.idx.msk $0xffff, v6;
	v13 =	vmul.f32 v13, v3  }
0x175: {  	v41 =	vmul.f32 v36, v12;
	[tilespmem:v1+s28+$0xFFFFFC50 ss:$0x1] =	vst.idx.msk $0xffff, v39;
	v6 =	vld.idx.msk [tilespmem:v1+s28+$0xFFFFFFD0 ss:$0x1], $0xffff  }
0x176: {  	v42 =	vld.idx.msk [tilespmem:v1+s28+$0xFFFFFC60 ss:$0x1], $0xffff;
	v11 =	vmul.f32 v11, v14;
	[tilespmem:v1+s28+$0xFFFFFCD0 ss:$0x1] =	vst.idx.msk $0xffff, v13  }
0x177: {  	v43 =	vmul.f32 v38, v15;
	[tilespmem:v1+s28+$0xFFFFFD50 ss:$0x1] =	vst.idx.msk $0xffff, v41;
	v13 =	vld.idx.msk [tilespmem:v1+s28+$0xFFFFFCE0 ss:$0x1], $0xffff  }
0x178: {  	v9 =	vmul.f32 v9, v16;
	v44 =	vld.idx.msk [tilespmem:v1+s28+$0xFFFFFD60 ss:$0x1], $0xffff;
	[tilespmem:v1+s28+$0xFFFFFDD0 ss:$0x1] =	vst.idx.msk $0xffff, v11  }
0x179: {  	v45 =	vmul.f32 v40, v17;
	[tilespmem:v1+s28+$0xFFFFFE50 ss:$0x1] =	vst.idx.msk $0xffff, v43;
	v11 =	vld.idx.msk [tilespmem:v1+s28+$0xFFFFFDE0 ss:$0x1], $0xffff  }
0x17a: {  	v46 =	vld.idx.msk [tilespmem:v1+s28+$0xFFFFFE60 ss:$0x1], $0xffff;
	[tilespmem:v1+s28+$0xFFFFFED0 ss:$0x1] =	vst.idx.msk $0xffff, v9;
	v6 =	vmul.f32 v6, v4  }
0x17b: {  	[tilespmem:v1+s28+$0xFFFFFF50 ss:$0x1] =	vst.idx.msk $0xffff, v45;
	v9 =	vld.idx.msk [tilespmem:v1+s28+$0xFFFFFEE0 ss:$0x1], $0xffff;
	v47 =	vmul.f32 v42, v2  }
0x17c: {  	v48 =	vld.idx.msk [tilespmem:v1+s28+$0xFFFFFF60 ss:$0x1], $0xffff;
	[tilespmem:v1+s28+$0xFFFFFFD0 ss:$0x1] =	vst.idx.msk $0xffff, v6;
	v13 =	vmul.f32 v13, v3  }
0x17d: {  	v49 =	vmul.f32 v44, v12;
	[tilespmem:v1+s28+$0xFFFFFC60 ss:$0x1] =	vst.idx.msk $0xffff, v47;
	v6 =	vld.idx.msk [tilespmem:v1+s28+$0xFFFFFFE0 ss:$0x1], $0xffff  }
0x17e: {  	v50 =	vld.idx.msk [tilespmem:v1+s28+$0xFFFFFC70 ss:$0x1], $0xffff;
	v11 =	vmul.f32 v11, v14;
	[tilespmem:v1+s28+$0xFFFFFCE0 ss:$0x1] =	vst.idx.msk $0xffff, v13  }
0x17f: {  	v51 =	vmul.f32 v46, v15;
	[tilespmem:v1+s28+$0xFFFFFD60 ss:$0x1] =	vst.idx.msk $0xffff, v49;
	v13 =	vld.idx.msk [tilespmem:v1+s28+$0xFFFFFCF0 ss:$0x1], $0xffff  }
0x180: {  	v9 =	vmul.f32 v9, v16;
	v52 =	vld.idx.msk [tilespmem:v1+s28+$0xFFFFFD70 ss:$0x1], $0xffff;
	[tilespmem:v1+s28+$0xFFFFFDE0 ss:$0x1] =	vst.idx.msk $0xffff, v11  }
0x181: {  	v53 =	vmul.f32 v48, v17;
	[tilespmem:v1+s28+$0xFFFFFE60 ss:$0x1] =	vst.idx.msk $0xffff, v51;
	v11 =	vld.idx.msk [tilespmem:v1+s28+$0xFFFFFDF0 ss:$0x1], $0xffff  }
0x182: {  	v54 =	vld.idx.msk [tilespmem:v1+s28+$0xFFFFFE70 ss:$0x1], $0xffff;
	[tilespmem:v1+s28+$0xFFFFFEE0 ss:$0x1] =	vst.idx.msk $0xffff, v9;
	v6 =	vmul.f32 v6, v4  }
0x183: {  	[tilespmem:v1+s28+$0xFFFFFF60 ss:$0x1] =	vst.idx.msk $0xffff, v53;
	v9 =	vld.idx.msk [tilespmem:v1+s28+$0xFFFFFEF0 ss:$0x1], $0xffff;
	v55 =	vmul.f32 v50, v2  }
0x184: {  	v56 =	vld.idx.msk [tilespmem:v1+s28+$0xFFFFFF70 ss:$0x1], $0xffff;
	[tilespmem:v1+s28+$0xFFFFFFE0 ss:$0x1] =	vst.idx.msk $0xffff, v6;
	v13 =	vmul.f32 v13, v3  }
0x185: {  	v57 =	vmul.f32 v52, v12;
	[tilespmem:v1+s28+$0xFFFFFC70 ss:$0x1] =	vst.idx.msk $0xffff, v55;
	v6 =	vld.idx.msk [tilespmem:v1+s28+$0xFFFFFFF0 ss:$0x1], $0xffff  }
0x186: {  	v58 =	vld.idx.msk [tilespmem:v1+s28+$0xFFFFFC80 ss:$0x1], $0xffff;
	v11 =	vmul.f32 v11, v14;
	[tilespmem:v1+s28+$0xFFFFFCF0 ss:$0x1] =	vst.idx.msk $0xffff, v13  }
0x187: {  	v59 =	vmul.f32 v54, v15;
	[tilespmem:v1+s28+$0xFFFFFD70 ss:$0x1] =	vst.idx.msk $0xffff, v57;
	v13 =	vld.idx.msk [tilespmem:v1+s28+$0xFFFFFD00 ss:$0x1], $0xffff  }
0x188: {  	v9 =	vmul.f32 v9, v16;
	v60 =	vld.idx.msk [tilespmem:v1+s28+$0xFFFFFD80 ss:$0x1], $0xffff;
	[tilespmem:v1+s28+$0xFFFFFDF0 ss:$0x1] =	vst.idx.msk $0xffff, v11  }
0x189: {  	v61 =	vmul.f32 v56, v17;
	[tilespmem:v1+s28+$0xFFFFFE70 ss:$0x1] =	vst.idx.msk $0xffff, v59;
	v11 =	vld.idx.msk [tilespmem:v1+s28+$0xFFFFFE00 ss:$0x1], $0xffff  }
0x18a: {  	v62 =	vld.idx.msk [tilespmem:v1+s28+$0xFFFFFE80 ss:$0x1], $0xffff;
	[tilespmem:v1+s28+$0xFFFFFEF0 ss:$0x1] =	vst.idx.msk $0xffff, v9;
	v6 =	vmul.f32 v6, v4  }
0x18b: {  	[tilespmem:v1+s28+$0xFFFFFF70 ss:$0x1] =	vst.idx.msk $0xffff, v61;
	v63 =	vld.idx.msk [tilespmem:v1+s28+$0xFFFFFF00 ss:$0x1], $0xffff;
	v2 =	vmul.f32 v58, v2  }
0x18c: {  	v5 =	vld.idx.msk [tilespmem:v1+s28+$0xFFFFFF80 ss:$0x1], $0xffff;
	[tilespmem:v1+s28+$0xFFFFFFF0 ss:$0x1] =	vst.idx.msk $0xffff, v6;
	v3 =	vmul.f32 v13, v3  }
0x18d: {  	[tilespmem:v1+s28+$0xFFFFFC80 ss:$0x1] =	vst.idx.msk $0xffff, v2;
	v2 =	vmul.f32 v60, v12;
	v6 =	vld.idx.msk [tilespmem:v1+s28+$0x0 ss:$0x1], $0xffff  }
0x18e: {  	[tilespmem:v1+s28+$0xFFFFFD00 ss:$0x1] =	vst.idx.msk $0xffff, v3;
	v3 =	vmul.f32 v11, v14  }
0x18f: {  	[tilespmem:v1+s28+$0xFFFFFD80 ss:$0x1] =	vst.idx.msk $0xffff, v2;
	v2 =	vmul.f32 v62, v15  }
0x190: {  	p1 =	sne.s32 s20, $0x7D;
	[tilespmem:v1+s28+$0xFFFFFE00 ss:$0x1] =	vst.idx.msk $0xffff, v3;
	v3 =	vmul.f32 v63, v16  }
.Ltmp6:
0x191: {  	[tilespmem:v1+s28+$0xFFFFFE80 ss:$0x1] =	vst.idx.msk $0xffff, v2;
	v2 =	vmul.f32 v5, v17;
	(pc) =	sbr.rel @p1 .LBB2_4-.Ltmp6, $4  }
0x192: {  	v4 =	vmul.f32 v6, v4;
	[tilespmem:v1+s28+$0xFFFFFF00 ss:$0x1] =	vst.idx.msk $0xffff, v3  }
0x193: {  	s26 =	sadd.s32 $0x400, s21;
	[tilespmem:v1+s28+$0xFFFFFF80 ss:$0x1] =	vst.idx.msk $0xffff, v2  }
0x194: {  	s25 =	sadd.s32 $0x2800, s25;
	s19 =	smov.u32 s20;
	[tilespmem:v1+s28+$0x0 ss:$0x1] =	vst.idx.msk $0xffff, v4;
	s28 =	sadd.s32 $0xA, s22  }
0x195: {  	[spmem:s3] =	stream.indirect.scatter.add.f32 [tilespmem:s23], [sflag:s28], $0x80, s26, s12, $0xb8;
	[tilespmem:$0x1BC80] =	vst v63  }
0x196: {  	_ =	swait.ge [sflag:s13], $0x2800  }
0x197: {  	[sflag:s13] =	ssyncset.done $0x0  }
0x198: {  	[sflag:s13] =	ssyncadd.s32 $0xFFFFD800  }
0x199: {  	_ =	swait.ge [sflag:s15], $0x2800  }
0x19a: {  	[sflag:s15] =	ssyncset.done $0x0  }
0x19b: {  	[sflag:s15] =	ssyncadd.s32 $0xFFFFD800  }
0x19c: {  	_ =	swait.ge [sflag:s17], $0x2800  }
0x19d: {  	[sflag:s17] =	ssyncset.done $0x0  }
0x19e: {  	s19 =	stileid.u32;
	[sflag:s17] =	ssyncadd.s32 $0xFFFFD800  }
0x19f: {  	s19 =	sshll.u32 s19, $0x6;
	[bflag:$0x0] =	sbarrier.arrive $0xFFFF  }
0x1a0: {  	s20 =	sshrl.u32 s8, $0x3;
	s19 =	sor.u32 $0x1C0D, s19;
	s21 =	rddreg [dreg:$0xd]  }
0x1a1: {  	[hbm:s21], [sflag:s19] =	dma.local [spmem:s20], $0x2700  }
0x1a2: {  	_ =	swait.ge [sflag:s2], $0x2700  }
0x1a3: {  	[sflag:s2] =	ssyncset.done $0x0  }
0x1a4: {  	s20 =	sshrl.u32 @!p0 s29, $0x3;
	s21 =	rddreg [dreg:$0x10];
	[sflag:s2] =	ssyncadd.s32 $0xFFFFD900  }
0x1a5: {  	[hbm:s21], [sflag:s19] =	dma.local @!p0 [spmem:s20], $0x100  }
0x1a6: {  	s19 =	simm.s32 @!p0 $0xD  }
0x1a7: {  	_ =	swait.ge @!p0 [sflag:s19], $0x100  }
0x1a8: {  	s18 =	sadd.s32 $0x1, s18;
	s28 =	rddreg [dreg:$0x11]  }
0x1a9: {  	p1 =	sne.s32 s18, s28  }
.Ltmp7:
0x1aa: {  	_ = 	snop;
	(pc) =	sbr.rel @p1 .LBB2_1-.Ltmp7, $3  }
0x1ab: {  	_ =	sdelay $0x1  }
0x1ac: {  	[sflag:s19] =	ssyncset.done @!p0 $0x0  }
0x1ad: {  	[sflag:s19] =	ssyncadd.s32 @!p0 $0xFFFFFF00  }
0x1ae: {  	_ =	sfence.sel $0x180000  }
0x1af: {  	[bflag:$0x0] =	sbarrier.arrive $0xFFFF  }
0x1b0: {  	_ =	strace $0x90000047  }
0x1b1: {  	s0 =	stileid.u32;
	[bflag:$0x2] =	sbarrier.arrive $0xFFFF  }
0x1b2: {  	p0 =	sne.s32 s0, $0x0;
	s0 =	rddreg [dreg:$0x3]  }
0x1b3: {  	s0 =	sadd.s32 @!p0 $0x100000, s0  }
0x1b4: {  	[sflag:s0] =	ssyncadd.tile.s32 @!p0 $0x1;
	_ =	shalt  }
.Lfunc_end2:
_tile_overlayer_lowered:
.L_overlay_start_2:
0x1b5: {  	(tag) =	ssettag $0x2  }
0x1b6: {  	s0 =	rddreg [dreg:$0x0];
	s2 =	stileid.u32  }
0x1b7: {  	s1 =	rddreg [dreg:$0x1];
	p0 =	sne.s32 s2, $0x0  }
0x1b8: {  	s3 =	rddreg [dreg:$0x2];
	[bflag:$0x3] =	sbarrier.arrive $0xFFFF;
	s2 =	simm.s32 @!p0 $0x1C0D  }
0x1b9: {  	[timem:s3], [sflag:s2] =	dma.local @!p0 [hbm:s0], s1  }
0x1ba: {  	s0 =	simm.s32 @!p0 $0xD  }
0x1bb: {  	_ =	swait.ge @!p0 [sflag:s0], s1  }
0x1bc: {  	s1 =	ssub.s32 @!p0 $0x0, s1;
	[sflag:s0] =	ssyncset.done @!p0 $0x0  }
0x1bd: {  	[sflag:s0] =	ssyncadd.s32 @!p0 s1  }
0x1be: {  	[bflag:$0x3] =	sbarrier.arrive $0xFFFF  }
0x1bf: {  	_ =	shalt  }

</sc_bundles>
